<compile_context>
chip_gen: v7x
topology: tpu7x:2x2x1
jax: 0.10.2.dev20260603
libtpu: 0.0.44.dev20260713+nightly
codegen_flags: <defaults>
</compile_context>

<pallas_src>
import functools

import jax
import jax.numpy as jnp
from jax import lax
from jax.experimental import pallas as pl
from jax.experimental.pallas import tpu as pltpu
from jax.experimental.pallas import tpu_sc as plsc

_N = 50000
_E = 800000
_D = 128
_H = 64
_HH = 32
_MAX_RECURSION = 10
_TAU = 0.005

_BN = 2000
_NB = _N // _BN

_NC = 2
_NS = 16
_CH = 128
_EPT = _E // _NS
_NCHUNK = _EPT // _CH
_CHT = _EPT - _NCHUNK * _CH
_NPTA = 3128
_NPTB = _N - (_NS - 1) * _NPTA


def _dot_t(a, b):
    return lax.dot_general(a, b, (((1,), (1,)), ((), ())),
                           preferred_element_type=jnp.float32)


_NBUF = 3
_ROUNDS = _NCHUNK // _NBUF

_SETW = 8


def _edge_agg(h_flat, row, col, zeros):
    mesh = plsc.VectorSubcoreMesh(core_axis_name="c", subcore_axis_name="s",
                                  num_cores=_NC, num_subcores=_NS)
    scratch = []
    for _ in range(_NBUF):
        scratch += [
            pltpu.VMEM((_CH,), jnp.int32),
            pltpu.VMEM((_CH,), jnp.int32),
            pltpu.VMEM((_CH,), jnp.int32),
            pltpu.VMEM((_CH, _HH), jnp.float32),
            pltpu.VMEM((_CH, _HH), jnp.float32),
            pltpu.SemaphoreType.DMA,
            pltpu.SemaphoreType.DMA,
            pltpu.SemaphoreType.DMA,
        ]
    scratch += [
        pltpu.VMEM((_CHT,), jnp.int32),
        pltpu.VMEM((_CHT,), jnp.int32),
        pltpu.VMEM((_CHT,), jnp.int32),
    ]
    scratch.append(pltpu.VMEM_SHARED((_N, _HH), jnp.float32))

    @functools.partial(
        pl.kernel,
        mesh=mesh,
        compiler_params=pltpu.CompilerParams(use_tc_tiling_on_sc=False),
        out_type=jax.ShapeDtypeStruct((_NC * _N, _HH), jnp.float32),
        scratch_types=scratch,
    )
    def body(h_hbm, row_hbm, col_hbm, z_hbm, out_hbm, *sc):
        sets = [sc[i * _SETW:(i + 1) * _SETW] for i in range(_NBUF)]
        trow_s, trow_g, tcol_g = sc[_NBUF * _SETW:_NBUF * _SETW + 3]
        acc = sc[-1]
        c = lax.axis_index("c")
        s = lax.axis_index("s")
        off = c * _N
        base_n = s * _NPTA

        def issue_idx(st, i):
            base = s * _EPT + i * _CH
            pltpu.async_copy(row_hbm.at[pl.ds(base, _CH)], st[0], st[5])
            pltpu.async_copy(col_hbm.at[pl.ds(base, _CH)], st[2], st[5])

        for b in range(_NBUF):
            issue_idx(sets[b], b)

        @pl.when(s < _NS - 1)
        def _():
            pltpu.sync_copy(z_hbm, acc.at[pl.ds(base_n, _NPTA)])

        @pl.when(s == _NS - 1)
        def _():
            pltpu.sync_copy(z_hbm.at[pl.ds(0, _NPTB)],
                            acc.at[pl.ds(base_n, _NPTB)])

        plsc.subcore_barrier()

        def round_body(g, carry):
            for b in range(_NBUF):
                st = sets[b]
                pltpu.make_async_copy(row_hbm.at[pl.ds(0, _CH)], st[0],
                                      st[5]).wait()
                pltpu.make_async_copy(col_hbm.at[pl.ds(0, _CH)], st[2],
                                      st[5]).wait()

                @pl.when(g > 0)
                def _():
                    pltpu.make_async_copy(st[3], acc.at[st[1]], st[7]).wait()

                for k in range(_CH // 16):
                    sl = pl.ds(k * 16, 16)
                    st[1][sl] = st[0][sl] + off
                    st[2][sl] = st[2][sl] + off
                pltpu.async_copy(h_hbm.at[st[1]], st[3], st[6])
                pltpu.async_copy(h_hbm.at[st[2]], st[4], st[6])

            for b in range(_NBUF):
                st = sets[b]
                pltpu.make_async_copy(h_hbm.at[st[1]], st[3], st[6]).wait()
                pltpu.make_async_copy(h_hbm.at[st[2]], st[4], st[6]).wait()

                for k in range(_CH // 16):
                    sl = pl.ds(k * 16, 16)
                    st[1][sl] = st[0][sl]

                @plsc.parallel_loop(0, _CH, unroll=4)
                def _(j):
                    for k in range(_HH // 16):
                        sl = pl.ds(k * 16, 16)
                        st[3][j, sl] = jnp.abs(st[3][j, sl] - st[4][j, sl])

                pltpu.async_copy(st[3], acc.at[st[1]], st[7], add=True)

                @pl.when(g < _ROUNDS - 1)
                def _():
                    issue_idx(st, (g + 1) * _NBUF + b)
            return carry

        lax.fori_loop(0, _ROUNDS, round_body, 0)

        for b in range(_NBUF):
            st = sets[b]
            pltpu.make_async_copy(st[3], acc.at[st[1]], st[7]).wait()

        st = sets[0]
        tbase = s * _EPT + _NCHUNK * _CH
        pltpu.sync_copy(row_hbm.at[pl.ds(tbase, _CHT)], trow_s)
        pltpu.sync_copy(col_hbm.at[pl.ds(tbase, _CHT)], tcol_g)
        for k in range(_CHT // 16):
            sl = pl.ds(k * 16, 16)
            trow_g[sl] = trow_s[sl] + off
            tcol_g[sl] = tcol_g[sl] + off
        cp_r = pltpu.async_copy(h_hbm.at[trow_g], st[3].at[pl.ds(0, _CHT)],
                                st[6])
        cp_c = pltpu.async_copy(h_hbm.at[tcol_g], st[4].at[pl.ds(0, _CHT)],
                                st[6])
        cp_r.wait()
        cp_c.wait()

        @plsc.parallel_loop(0, _CHT, unroll=4)
        def _(j):
            for k in range(_HH // 16):
                sl = pl.ds(k * 16, 16)
                st[3][j, sl] = jnp.abs(st[3][j, sl] - st[4][j, sl])

        for k in range(_CHT // 16):
            sl = pl.ds(k * 16, 16)
            trow_g[sl] = trow_s[sl]
        pltpu.sync_copy(st[3].at[pl.ds(0, _CHT)], acc.at[trow_g], add=True)

        plsc.subcore_barrier()

        @pl.when(s < _NS - 1)
        def _():
            pltpu.sync_copy(acc.at[pl.ds(base_n, _NPTA)],
                            out_hbm.at[pl.ds(off + base_n, _NPTA)])

        @pl.when(s == _NS - 1)
        def _():
            pltpu.sync_copy(acc.at[pl.ds(base_n, _NPTB)],
                            out_hbm.at[pl.ds(off + base_n, _NPTB)])

    return body(h_flat, row, col, zeros)


def _in_proj(x, w_in, b_in):
    def kern(x_ref, w_ref, b_ref, h_ref, hs_ref):
        h = jnp.maximum(_dot_t(x_ref[...], w_ref[...]) + b_ref[...], 0.0)
        h_ref[...] = h
        hs_ref[0] = h[:, :_HH]
        hs_ref[1] = h[:, _HH:]

    return pl.pallas_call(
        kern,
        grid=(_NB,),
        in_specs=[
            pl.BlockSpec((_BN, _D), lambda i: (i, 0)),
            pl.BlockSpec((_H, _D), lambda i: (0, 0)),
            pl.BlockSpec((1, _H), lambda i: (0, 0)),
        ],
        out_specs=[
            pl.BlockSpec((_BN, _H), lambda i: (i, 0)),
            pl.BlockSpec((_NC, _BN, _HH), lambda i: (0, i, 0)),
        ],
        out_shape=[
            jax.ShapeDtypeStruct((_N, _H), jnp.float32),
            jax.ShapeDtypeStruct((_NC, _N, _HH), jnp.float32),
        ],
    )(x, w_in, b_in)


def _layer(h, agg, w_l, b_l, w_tau, b_tau, w_ih, w_hh, b_ih, b_hh,
           last, w_out=None, b_out=None):
    def kern(h_ref, a_ref, wl_ref, bl_ref, wt_ref, bt_ref,
             wih_ref, whh_ref, bih_ref, bhh_ref, *rest):
        hb = h_ref[...]
        ab = jnp.concatenate([a_ref[0], a_ref[1]], axis=1)
        cat = jnp.concatenate([hb, ab], axis=1)
        h2 = jnp.maximum(_dot_t(cat, wl_ref[...]) + bl_ref[...], 0.0)
        tl = _dot_t(h2, wt_ref[...])[:, :1] + bt_ref[...]
        tau = jax.nn.softplus(tl)
        n_upd = jnp.minimum(jnp.floor(1.0 / tau).astype(jnp.int32),
                            _MAX_RECURSION)
        mask = (n_upd > 0) & (tau < _TAU)

        gi = _dot_t(ab, wih_ref[...]) + bih_ref[...]
        gh = _dot_t(h2, whh_ref[...]) + bhh_ref[...]
        r = jax.nn.sigmoid(gi[:, :_H] + gh[:, :_H])
        z = jax.nn.sigmoid(gi[:, _H:2 * _H] + gh[:, _H:2 * _H])
        n = jnp.tanh(gi[:, 2 * _H:] + r * gh[:, 2 * _H:])
        h_upd = (1.0 - z) * n + z * h2
        h_out = jnp.where(mask, h_upd, h2)

        if last:
            wo_ref, bo_ref, out_ref, tau_ref = rest
            out_ref[...] = _dot_t(h_out, wo_ref[...]) + bo_ref[...]
            tau_ref[...] = tau
        else:
            out_ref, hs_ref = rest
            out_ref[...] = h_out
            hs_ref[0] = h_out[:, :_HH]
            hs_ref[1] = h_out[:, _HH:]

    full = lambda shape: pl.BlockSpec(shape, lambda i: tuple(0 for _ in shape))
    in_specs = [
        pl.BlockSpec((_BN, _H), lambda i: (i, 0)),
        pl.BlockSpec((_NC, _BN, _HH), lambda i: (0, i, 0)),
        full((_H, _D)),
        full((1, _H)),
        full((8, _H)),
        full((1, 1)),
        full((3 * _H, _H)),
        full((3 * _H, _H)),
        full((1, 3 * _H)),
        full((1, 3 * _H)),
    ]
    args = [h, agg, w_l, b_l, w_tau, b_tau, w_ih, w_hh, b_ih, b_hh]
    if last:
        in_specs += [full((_H, _H)), full((1, _H))]
        args += [w_out, b_out]
        out_specs = [
            pl.BlockSpec((_BN, _H), lambda i: (i, 0)),
            pl.BlockSpec((_BN, 1), lambda i: (i, 0)),
        ]
        out_shape = [
            jax.ShapeDtypeStruct((_N, _H), jnp.float32),
            jax.ShapeDtypeStruct((_N, 1), jnp.float32),
        ]
    else:
        out_specs = [
            pl.BlockSpec((_BN, _H), lambda i: (i, 0)),
            pl.BlockSpec((_NC, _BN, _HH), lambda i: (0, i, 0)),
        ]
        out_shape = [
            jax.ShapeDtypeStruct((_N, _H), jnp.float32),
            jax.ShapeDtypeStruct((_NC, _N, _HH), jnp.float32),
        ]

    return pl.pallas_call(
        kern,
        grid=(_NB,),
        in_specs=in_specs,
        out_specs=out_specs,
        out_shape=out_shape,
    )(*args)


def kernel(x, edge_index, W_in, b_in, W_d0, b_d0, W_d1, b_d1, W_tau, b_tau,
           W_ih, W_hh, b_ih, b_hh, W_out, b_out):
    row = edge_index[0]
    col = edge_index[1]
    zeros = jnp.zeros((_NPTA, _HH), jnp.float32)

    h, hsplit = _in_proj(x, W_in, b_in.reshape(1, _H))

    b_tau2 = b_tau.reshape(1, 1)
    bih = b_ih.reshape(1, 3 * _H)
    bhh = b_hh.reshape(1, 3 * _H)
    w_tau_p = jnp.zeros((8, _H), jnp.float32).at[0].set(W_tau[0])

    agg = _edge_agg(hsplit.reshape(_NC * _N, _HH), row, col, zeros)
    agg = agg.reshape(_NC, _N, _HH)
    h, hsplit = _layer(h, agg, W_d0, b_d0.reshape(1, _H), w_tau_p, b_tau2,
                       W_ih, W_hh, bih, bhh, last=False)

    agg = _edge_agg(hsplit.reshape(_NC * _N, _HH), row, col, zeros)
    agg = agg.reshape(_NC, _N, _HH)
    out, tau = _layer(h, agg, W_d1, b_d1.reshape(1, _H), w_tau_p, b_tau2,
                      W_ih, W_hh, bih, bhh, last=True,
                      w_out=W_out, b_out=b_out.reshape(1, _H))
    return out, tau.reshape(_N)

# --- scband reference (transcript-rebuilt; emitter-appended) ---
"""Pipeline reference for scband-utdgraph-net-noise-6176162972384 (READ-ONLY COPY).

The authoritative reference and input builder live on the scoring server;
editing this copy changes nothing except your own understanding.
"""

import jax, jax.numpy as jnp
import numpy as np

N = 50000
E = 800000
D = 128
H = 64
O = 64
MAX_RECURSION = 10
TAU_THRESHOLD = 0.005


def setup_inputs(seed: int = 0):
    key = jax.random.key(seed)
    ks = jax.random.split(key, 12)

    def w(k, shape, fan_in):
        return (jax.random.normal(k, shape, dtype=jnp.float32) / np.sqrt(fan_in)).astype(jnp.float32)

    inp = {}
    inp["x"] = jax.random.normal(ks[0], (N, D), dtype=jnp.float32)
    inp["edge_index"] = jax.random.randint(ks[1], (2, E), 0, N, dtype=jnp.int32)
    inp["W_in"] = w(ks[2], (H, D), D)
    inp["b_in"] = jnp.zeros((H,), jnp.float32)
    inp["W_d0"] = w(ks[3], (H, 2 * H), 2 * H)
    inp["b_d0"] = jnp.zeros((H,), jnp.float32)
    inp["W_d1"] = w(ks[4], (H, 2 * H), 2 * H)
    inp["b_d1"] = jnp.zeros((H,), jnp.float32)
    inp["W_tau"] = w(ks[5], (1, H), H)
    inp["b_tau"] = jnp.zeros((1,), jnp.float32)
    inp["W_ih"] = w(ks[6], (3 * H, H), H)
    inp["W_hh"] = w(ks[7], (3 * H, H), H)
    inp["b_ih"] = jnp.zeros((3 * H,), jnp.float32)
    inp["b_hh"] = jnp.zeros((3 * H,), jnp.float32)
    inp["W_out"] = w(ks[8], (O, H), H)
    inp["b_out"] = jnp.zeros((O,), jnp.float32)
    return inp


def _gru_cell(xv, hv, W_ih, W_hh, b_ih, b_hh):
    # PyTorch nn.GRUCell semantics
    gi = xv @ W_ih.T + b_ih
    gh = hv @ W_hh.T + b_hh
    i_r, i_z, i_n = jnp.split(gi, 3, axis=-1)
    h_r, h_z, h_n = jnp.split(gh, 3, axis=-1)
    r = jax.nn.sigmoid(i_r + h_r)
    z = jax.nn.sigmoid(i_z + h_z)
    n = jnp.tanh(i_n + r * h_n)
    return (1.0 - z) * n + z * hv


def reference(x, edge_index, W_in, b_in, W_d0, b_d0, W_d1, b_d1, W_tau, b_tau, W_ih, W_hh, b_ih, b_hh, W_out, b_out):
    row = edge_index[0]
    col = edge_index[1]
    h = jax.nn.relu(x @ W_in.T + b_in)
    tau = None
    for (W_l, b_l) in ((W_d0, b_d0), (W_d1, b_d1)):
        # compute_d1: gather both endpoints, absolute difference message
        diff = jnp.abs(h[row] - h[col])
        # scatter_add_ over dim 0 keyed by row
        diff_agg = jax.ops.segment_sum(diff, row, num_segments=h.shape[0])
        h = jax.nn.relu(jnp.concatenate([h, diff_agg], axis=-1) @ W_l.T + b_l)
        tau = jax.nn.softplus(h @ W_tau.T + b_tau)[:, 0]
        n_updates = jnp.minimum(jnp.floor(1.0 / tau).astype(jnp.int32), MAX_RECURSION)
        # In the original per-node Python loop, every one of the n_updates
        # iterations recomputes gru(diff_agg[i], h[i]) with UNCHANGED args
        # (h is never overwritten inside the loop, only h_new), so the final
        # value equals a single GRU application wherever the condition holds.
        mask = (n_updates > 0) & (tau < TAU_THRESHOLD)
        h_upd = _gru_cell(diff_agg, h, W_ih, W_hh, b_ih, b_hh)
        h = jnp.where(mask[:, None], h_upd, h)
    return (h @ W_out.T + b_out, tau)

if __name__ == "__main__":
    import jax
    _d = setup_inputs()
    print(jax.jit(kernel)(*tuple(_d.values())))

</pallas_src>

<mosaic_0001>
#map = affine_map<(d0, d1) -> (0, 0)>
#map1 = affine_map<(d0, d1) -> (0)>
module attributes {stable_mosaic.version = 14 : i64} {
  func.func @body(%arg0: i32, %arg1: i32, %arg2: memref<100000x32xf32, #tpu.memory_space<hbm>>, %arg3: memref<800000xi32, #tpu.memory_space<hbm>>, %arg4: memref<800000xi32, #tpu.memory_space<hbm>>, %arg5: memref<3128x32xf32, #tpu.memory_space<hbm>>, %arg6: memref<100000x32xf32, #tpu.memory_space<hbm>>, %arg7: memref<128xi32, #tpu.memory_space<vmem>>, %arg8: memref<128xi32, #tpu.memory_space<vmem>>, %arg9: memref<128xi32, #tpu.memory_space<vmem>>, %arg10: memref<128x32xf32, #tpu.memory_space<vmem>>, %arg11: memref<128x32xf32, #tpu.memory_space<vmem>>, %arg12: memref<!tpu.dma_semaphore, #tpu.memory_space<semaphore_mem>>, %arg13: memref<!tpu.dma_semaphore, #tpu.memory_space<semaphore_mem>>, %arg14: memref<!tpu.dma_semaphore, #tpu.memory_space<semaphore_mem>>, %arg15: memref<128xi32, #tpu.memory_space<vmem>>, %arg16: memref<128xi32, #tpu.memory_space<vmem>>, %arg17: memref<128xi32, #tpu.memory_space<vmem>>, %arg18: memref<128x32xf32, #tpu.memory_space<vmem>>, %arg19: memref<128x32xf32, #tpu.memory_space<vmem>>, %arg20: memref<!tpu.dma_semaphore, #tpu.memory_space<semaphore_mem>>, %arg21: memref<!tpu.dma_semaphore, #tpu.memory_space<semaphore_mem>>, %arg22: memref<!tpu.dma_semaphore, #tpu.memory_space<semaphore_mem>>, %arg23: memref<128xi32, #tpu.memory_space<vmem>>, %arg24: memref<128xi32, #tpu.memory_space<vmem>>, %arg25: memref<128xi32, #tpu.memory_space<vmem>>, %arg26: memref<128x32xf32, #tpu.memory_space<vmem>>, %arg27: memref<128x32xf32, #tpu.memory_space<vmem>>, %arg28: memref<!tpu.dma_semaphore, #tpu.memory_space<semaphore_mem>>, %arg29: memref<!tpu.dma_semaphore, #tpu.memory_space<semaphore_mem>>, %arg30: memref<!tpu.dma_semaphore, #tpu.memory_space<semaphore_mem>>, %arg31: memref<80xi32, #tpu.memory_space<vmem>>, %arg32: memref<80xi32, #tpu.memory_space<vmem>>, %arg33: memref<80xi32, #tpu.memory_space<vmem>>, %arg34: memref<50000x32xf32, #tpu.memory_space<vmem_shared>>) attributes {dimension_semantics = [#tpu.dimension_semantics<core_parallel>, #tpu.dimension_semantics<subcore_parallel>], iteration_bounds = array<i64: 2, 16>, scalar_prefetch = 0 : i64, scratch_operands = 28 : i64, tpu.core_type = #tpu.core_type<sc_vector_subcore>, window_params = [{transform_indices = #map}, {transform_indices = #map1}, {transform_indices = #map1}, {transform_indices = #map}, {transform_indices = #map}]} {
    %mul3A = arith.constant 50000 : i32
    %mul3A_0 = arith.muli %arg0, %mul3A : i32
    %mul3A_1 = arith.constant 3128 : i32
    %mul3A_2 = arith.muli %arg1, %mul3A_1 : i32
    %mul3A_3 = arith.constant 50000 : i32
    %mul3A_4 = arith.muli %arg1, %mul3A_3 : i32
    %add3A = arith.constant 0 : i32
    %add3A_5 = arith.addi %mul3A_4, %add3A : i32
    %dma_start3A = tpu.memref_slice %arg3[%add3A_5] : memref<800000xi32, #tpu.memory_space<hbm>> -> memref<128xi32, #tpu.memory_space<hbm>>
    %dma_start3A_6 = tpu.memref_slice %arg3[%add3A_5] : memref<800000xi32, #tpu.memory_space<hbm>> -> memref<128xi32, #tpu.memory_space<hbm>>
    tpu.enqueue_dma source(%dma_start3A_6 : memref<128xi32, #tpu.memory_space<hbm>>) target(%arg7 : memref<128xi32, #tpu.memory_space<vmem>>) target_semaphore(%arg12 : memref<!tpu.dma_semaphore, #tpu.memory_space<semaphore_mem>>)
    %dma_start3A_7 = tpu.memref_slice %arg4[%add3A_5] : memref<800000xi32, #tpu.memory_space<hbm>> -> memref<128xi32, #tpu.memory_space<hbm>>
    %dma_start3A_8 = tpu.memref_slice %arg4[%add3A_5] : memref<800000xi32, #tpu.memory_space<hbm>> -> memref<128xi32, #tpu.memory_space<hbm>>
    tpu.enqueue_dma source(%dma_start3A_8 : memref<128xi32, #tpu.memory_space<hbm>>) target(%arg9 : memref<128xi32, #tpu.memory_space<vmem>>) target_semaphore(%arg12 : memref<!tpu.dma_semaphore, #tpu.memory_space<semaphore_mem>>)
    %mul3A_9 = arith.constant 50000 : i32
    %mul3A_10 = arith.muli %arg1, %mul3A_9 : i32
    %add3A_11 = arith.constant 128 : i32
    %add3A_12 = arith.addi %mul3A_10, %add3A_11 : i32
    %dma_start3A_13 = tpu.memref_slice %arg3[%add3A_12] : memref<800000xi32, #tpu.memory_space<hbm>> -> memref<128xi32, #tpu.memory_space<hbm>>
    %dma_start3A_14 = tpu.memref_slice %arg3[%add3A_12] : memref<800000xi32, #tpu.memory_space<hbm>> -> memref<128xi32, #tpu.memory_space<hbm>>
    tpu.enqueue_dma source(%dma_start3A_14 : memref<128xi32, #tpu.memory_space<hbm>>) target(%arg15 : memref<128xi32, #tpu.memory_space<vmem>>) target_semaphore(%arg20 : memref<!tpu.dma_semaphore, #tpu.memory_space<semaphore_mem>>)
    %dma_start3A_15 = tpu.memref_slice %arg4[%add3A_12] : memref<800000xi32, #tpu.memory_space<hbm>> -> memref<128xi32, #tpu.memory_space<hbm>>
    %dma_start3A_16 = tpu.memref_slice %arg4[%add3A_12] : memref<800000xi32, #tpu.memory_space<hbm>> -> memref<128xi32, #tpu.memory_space<hbm>>
    tpu.enqueue_dma source(%dma_start3A_16 : memref<128xi32, #tpu.memory_space<hbm>>) target(%arg17 : memref<128xi32, #tpu.memory_space<vmem>>) target_semaphore(%arg20 : memref<!tpu.dma_semaphore, #tpu.memory_space<semaphore_mem>>)
    %mul3A_17 = arith.constant 50000 : i32
    %mul3A_18 = arith.muli %arg1, %mul3A_17 : i32
    %add3A_19 = arith.constant 256 : i32
    %add3A_20 = arith.addi %mul3A_18, %add3A_19 : i32
    %dma_start3A_21 = tpu.memref_slice %arg3[%add3A_20] : memref<800000xi32, #tpu.memory_space<hbm>> -> memref<128xi32, #tpu.memory_space<hbm>>
    %dma_start3A_22 = tpu.memref_slice %arg3[%add3A_20] : memref<800000xi32, #tpu.memory_space<hbm>> -> memref<128xi32, #tpu.memory_space<hbm>>
    tpu.enqueue_dma source(%dma_start3A_22 : memref<128xi32, #tpu.memory_space<hbm>>) target(%arg23 : memref<128xi32, #tpu.memory_space<vmem>>) target_semaphore(%arg28 : memref<!tpu.dma_semaphore, #tpu.memory_space<semaphore_mem>>)
    %dma_start3A_23 = tpu.memref_slice %arg4[%add3A_20] : memref<800000xi32, #tpu.memory_space<hbm>> -> memref<128xi32, #tpu.memory_space<hbm>>
    %dma_start3A_24 = tpu.memref_slice %arg4[%add3A_20] : memref<800000xi32, #tpu.memory_space<hbm>> -> memref<128xi32, #tpu.memory_space<hbm>>
    tpu.enqueue_dma source(%dma_start3A_24 : memref<128xi32, #tpu.memory_space<hbm>>) target(%arg25 : memref<128xi32, #tpu.memory_space<vmem>>) target_semaphore(%arg28 : memref<!tpu.dma_semaphore, #tpu.memory_space<semaphore_mem>>)
    %lt3A = arith.constant 15 : i32
    %lt3A_25 = arith.cmpi slt, %arg1, %lt3A : i32
    %convert_element_type3A = arith.extui %lt3A_25 : i1 to i32
    %cond3A = arith.constant 0 : i32
    %cond3A_26 = arith.cmpi ne, %convert_element_type3A, %cond3A : i32
    scf.if %cond3A_26 {
      "tpu.region"() ({
        %run_scoped3A = tpu.sem_alloc : memref<!tpu.dma_semaphore, #tpu.memory_space<semaphore_mem>>
        %dma_start3A_208 = arith.constant 0 : i32
        %dma_start3A_209 = tpu.memref_slice %arg34[%mul3A_2, %dma_start3A_208] : memref<50000x32xf32, #tpu.memory_space<vmem_shared>> -> memref<3128x32xf32, #tpu.memory_space<vmem_shared>>
        tpu.enqueue_dma source(%arg5 : memref<3128x32xf32, #tpu.memory_space<hbm>>) target(%dma_start3A_209 : memref<3128x32xf32, #tpu.memory_space<vmem_shared>>) target_semaphore(%run_scoped3A : memref<!tpu.dma_semaphore, #tpu.memory_space<semaphore_mem>>)
        %dma_wait3A_210 = arith.constant 0 : i32
        %dma_wait3A_211 = tpu.memref_slice %arg34[%mul3A_2, %dma_wait3A_210] : memref<50000x32xf32, #tpu.memory_space<vmem_shared>> -> memref<3128x32xf32, #tpu.memory_space<vmem_shared>>
        tpu.wait_dma2 semaphore(%run_scoped3A : memref<!tpu.dma_semaphore, #tpu.memory_space<semaphore_mem>>) src(%arg5 : memref<3128x32xf32, #tpu.memory_space<hbm>>) dst(%dma_wait3A_211 : memref<3128x32xf32, #tpu.memory_space<vmem_shared>>)
        tpu.yield
      }) : () -> ()
    } else {
    }
    %eq3A = arith.constant 15 : i32
    %eq3A_27 = arith.cmpi eq, %arg1, %eq3A : i32
    %convert_element_type3A_28 = arith.extui %eq3A_27 : i1 to i32
    %cond3A_29 = arith.constant 0 : i32
    %cond3A_30 = arith.cmpi ne, %convert_element_type3A_28, %cond3A_29 : i32
    scf.if %cond3A_30 {
      "tpu.region"() ({
        %run_scoped3A = tpu.sem_alloc : memref<!tpu.dma_semaphore, #tpu.memory_space<semaphore_mem>>
        %dma_start3A_208 = arith.constant 0 : i32
        %dma_start3A_209 = tpu.memref_slice %arg34[%mul3A_2, %dma_start3A_208] : memref<50000x32xf32, #tpu.memory_space<vmem_shared>> -> memref<3080x32xf32, #tpu.memory_space<vmem_shared>>
        %dma_start3A_210 = arith.constant 0 : i32
        %dma_start3A_211 = arith.constant 0 : i32
        %dma_start3A_212 = tpu.memref_slice %arg5[%dma_start3A_210, %dma_start3A_211] : memref<3128x32xf32, #tpu.memory_space<hbm>> -> memref<3080x32xf32, #tpu.memory_space<hbm>>
        tpu.enqueue_dma source(%dma_start3A_212 : memref<3080x32xf32, #tpu.memory_space<hbm>>) target(%dma_start3A_209 : memref<3080x32xf32, #tpu.memory_space<vmem_shared>>) target_semaphore(%run_scoped3A : memref<!tpu.dma_semaphore, #tpu.memory_space<semaphore_mem>>)
        %dma_wait3A_213 = arith.constant 0 : i32
        %dma_wait3A_214 = tpu.memref_slice %arg34[%mul3A_2, %dma_wait3A_213] : memref<50000x32xf32, #tpu.memory_space<vmem_shared>> -> memref<3080x32xf32, #tpu.memory_space<vmem_shared>>
        %dma_wait3A_215 = arith.constant 0 : i32
        %dma_wait3A_216 = arith.constant 0 : i32
        %dma_wait3A_217 = tpu.memref_slice %arg5[%dma_wait3A_215, %dma_wait3A_216] : memref<3128x32xf32, #tpu.memory_space<hbm>> -> memref<3080x32xf32, #tpu.memory_space<hbm>>
        tpu.wait_dma2 semaphore(%run_scoped3A : memref<!tpu.dma_semaphore, #tpu.memory_space<semaphore_mem>>) src(%dma_wait3A_217 : memref<3080x32xf32, #tpu.memory_space<hbm>>) dst(%dma_wait3A_214 : memref<3080x32xf32, #tpu.memory_space<vmem_shared>>)
        tpu.yield
      }) : () -> ()
    } else {
    }
    %barrier3A = arith.constant 0 : index
    tpu.barrier barrier_id(%barrier3A)
    %scan3A = arith.constant 0 : i32
    %scan3A_31 = arith.constant 0 : i32
    %scan3A_32 = arith.constant 130 : i32
    %scan3A_33 = arith.addi %scan3A_31, %scan3A_32 : i32
    %scan3A_34 = arith.constant 1 : i32
    scf.for %scan3A_208 = %scan3A_31 to %scan3A_33 step %scan3A_34  : i32 {
      %dma_wait3A_209 = arith.constant 0 : i32
      %dma_wait3A_210 = tpu.memref_slice %arg3[%dma_wait3A_209] : memref<800000xi32, #tpu.memory_space<hbm>> -> memref<128xi32, #tpu.memory_space<hbm>>
      %dma_wait3A_211 = arith.constant 0 : i32
      %dma_wait3A_212 = tpu.memref_slice %arg3[%dma_wait3A_211] : memref<800000xi32, #tpu.memory_space<hbm>> -> memref<128xi32, #tpu.memory_space<hbm>>
      tpu.wait_dma2 semaphore(%arg12 : memref<!tpu.dma_semaphore, #tpu.memory_space<semaphore_mem>>) src(%dma_wait3A_212 : memref<128xi32, #tpu.memory_space<hbm>>) dst(%arg7 : memref<128xi32, #tpu.memory_space<vmem>>)
      %dma_wait3A_213 = arith.constant 0 : i32
      %dma_wait3A_214 = tpu.memref_slice %arg4[%dma_wait3A_213] : memref<800000xi32, #tpu.memory_space<hbm>> -> memref<128xi32, #tpu.memory_space<hbm>>
      %dma_wait3A_215 = arith.constant 0 : i32
      %dma_wait3A_216 = tpu.memref_slice %arg4[%dma_wait3A_215] : memref<800000xi32, #tpu.memory_space<hbm>> -> memref<128xi32, #tpu.memory_space<hbm>>
      tpu.wait_dma2 semaphore(%arg12 : memref<!tpu.dma_semaphore, #tpu.memory_space<semaphore_mem>>) src(%dma_wait3A_216 : memref<128xi32, #tpu.memory_space<hbm>>) dst(%arg9 : memref<128xi32, #tpu.memory_space<vmem>>)
      %gt3A = arith.constant 0 : i32
      %gt3A_217 = arith.cmpi sgt, %scan3A_208, %gt3A : i32
      %convert_element_type3A_218 = arith.extui %gt3A_217 : i1 to i32
      %cond3A_219 = arith.constant 0 : i32
      %cond3A_220 = arith.cmpi ne, %convert_element_type3A_218, %cond3A_219 : i32
      scf.if %cond3A_220 {
        %dma_wait3A_916 = arith.constant 0 : i32
        %dma_wait3A_917 = arith.constant 0 : i32
        %dma_wait3A_918 = tpu.memref_slice %arg34[%dma_wait3A_916, %dma_wait3A_917] : memref<50000x32xf32, #tpu.memory_space<vmem_shared>> -> memref<50000x32xf32, #tpu.memory_space<vmem_shared>>
        tpu.wait_indirect_dma semaphore(%arg14 : memref<!tpu.dma_semaphore, #tpu.memory_space<semaphore_mem>>) src(%arg10 : memref<128x32xf32, #tpu.memory_space<vmem>>) dst(%dma_wait3A_918 : memref<50000x32xf32, #tpu.memory_space<vmem_shared>>)
      } else {
      }
      %get3A_221 = arith.constant 0 : index
      %get3A_222 = tpu.vector_load %arg7[%get3A_221] {strides = array<i32>} : memref<128xi32, #tpu.memory_space<vmem>>, vector<16xi32>,
      %get3A_223 = vector.shape_cast %get3A_222 : vector<16xi32> to vector<16xi32>
      %add3A_224 = vector.broadcast %mul3A_0 : i32 to vector<16xi32>
      %add3A_225 = arith.addi %get3A_223, %add3A_224 : vector<16xi32>
      %swap3A_226 = arith.constant 0 : index
      %swap3A_227 = tpu.vector_load %arg8[%swap3A_226] {strides = array<i32>} : memref<128xi32, #tpu.memory_space<vmem>>, vector<16xi32>,
      %swap3A_228 = vector.shape_cast %swap3A_227 : vector<16xi32> to vector<16xi32>
      %swap3A_229 = vector.shape_cast %add3A_225 : vector<16xi32> to vector<16xi32>
      tpu.vector_store %arg8[%swap3A_226], %swap3A_229 {strides = array<i32>} : memref<128xi32, #tpu.memory_space<vmem>>, vector<16xi32>,
      %get3A_230 = arith.constant 0 : index
      %get3A_231 = tpu.vector_load %arg9[%get3A_230] {strides = array<i32>} : memref<128xi32, #tpu.memory_space<vmem>>, vector<16xi32>,
      %get3A_232 = vector.shape_cast %get3A_231 : vector<16xi32> to vector<16xi32>
      %add3A_233 = vector.broadcast %mul3A_0 : i32 to vector<16xi32>
      %add3A_234 = arith.addi %get3A_232, %add3A_233 : vector<16xi32>
      %swap3A_235 = arith.constant 0 : index
      %swap3A_236 = tpu.vector_load %arg9[%swap3A_235] {strides = array<i32>} : memref<128xi32, #tpu.memory_space<vmem>>, vector<16xi32>,
      %swap3A_237 = vector.shape_cast %swap3A_236 : vector<16xi32> to vector<16xi32>
      %swap3A_238 = vector.shape_cast %add3A_234 : vector<16xi32> to vector<16xi32>
      tpu.vector_store %arg9[%swap3A_235], %swap3A_238 {strides = array<i32>} : memref<128xi32, #tpu.memory_space<vmem>>, vector<16xi32>,
      %get3A_239 = arith.constant 16 : index
      %get3A_240 = tpu.vector_load %arg7[%get3A_239] {strides = array<i32>} : memref<128xi32, #tpu.memory_space<vmem>>, vector<16xi32>,
      %get3A_241 = vector.shape_cast %get3A_240 : vector<16xi32> to vector<16xi32>
      %add3A_242 = vector.broadcast %mul3A_0 : i32 to vector<16xi32>
      %add3A_243 = arith.addi %get3A_241, %add3A_242 : vector<16xi32>
      %swap3A_244 = arith.constant 16 : index
      %swap3A_245 = tpu.vector_load %arg8[%swap3A_244] {strides = array<i32>} : memref<128xi32, #tpu.memory_space<vmem>>, vector<16xi32>,
      %swap3A_246 = vector.shape_cast %swap3A_245 : vector<16xi32> to vector<16xi32>
      %swap3A_247 = vector.shape_cast %add3A_243 : vector<16xi32> to vector<16xi32>
      tpu.vector_store %arg8[%swap3A_244], %swap3A_247 {strides = array<i32>} : memref<128xi32, #tpu.memory_space<vmem>>, vector<16xi32>,
      %get3A_248 = arith.constant 16 : index
      %get3A_249 = tpu.vector_load %arg9[%get3A_248] {strides = array<i32>} : memref<128xi32, #tpu.memory_space<vmem>>, vector<16xi32>,
      %get3A_250 = vector.shape_cast %get3A_249 : vector<16xi32> to vector<16xi32>
      %add3A_251 = vector.broadcast %mul3A_0 : i32 to vector<16xi32>
      %add3A_252 = arith.addi %get3A_250, %add3A_251 : vector<16xi32>
      %swap3A_253 = arith.constant 16 : index
      %swap3A_254 = tpu.vector_load %arg9[%swap3A_253] {strides = array<i32>} : memref<128xi32, #tpu.memory_space<vmem>>, vector<16xi32>,
      %swap3A_255 = vector.shape_cast %swap3A_254 : vector<16xi32> to vector<16xi32>
      %swap3A_256 = vector.shape_cast %add3A_252 : vector<16xi32> to vector<16xi32>
      tpu.vector_store %arg9[%swap3A_253], %swap3A_256 {strides = array<i32>} : memref<128xi32, #tpu.memory_space<vmem>>, vector<16xi32>,
      %get3A_257 = arith.constant 32 : index
      %get3A_258 = tpu.vector_load %arg7[%get3A_257] {strides = array<i32>} : memref<128xi32, #tpu.memory_space<vmem>>, vector<16xi32>,
      %get3A_259 = vector.shape_cast %get3A_258 : vector<16xi32> to vector<16xi32>
      %add3A_260 = vector.broadcast %mul3A_0 : i32 to vector<16xi32>
      %add3A_261 = arith.addi %get3A_259, %add3A_260 : vector<16xi32>
      %swap3A_262 = arith.constant 32 : index
      %swap3A_263 = tpu.vector_load %arg8[%swap3A_262] {strides = array<i32>} : memref<128xi32, #tpu.memory_space<vmem>>, vector<16xi32>,
      %swap3A_264 = vector.shape_cast %swap3A_263 : vector<16xi32> to vector<16xi32>
      %swap3A_265 = vector.shape_cast %add3A_261 : vector<16xi32> to vector<16xi32>
      tpu.vector_store %arg8[%swap3A_262], %swap3A_265 {strides = array<i32>} : memref<128xi32, #tpu.memory_space<vmem>>, vector<16xi32>,
      %get3A_266 = arith.constant 32 : index
      %get3A_267 = tpu.vector_load %arg9[%get3A_266] {strides = array<i32>} : memref<128xi32, #tpu.memory_space<vmem>>, vector<16xi32>,
      %get3A_268 = vector.shape_cast %get3A_267 : vector<16xi32> to vector<16xi32>
      %add3A_269 = vector.broadcast %mul3A_0 : i32 to vector<16xi32>
      %add3A_270 = arith.addi %get3A_268, %add3A_269 : vector<16xi32>
      %swap3A_271 = arith.constant 32 : index
      %swap3A_272 = tpu.vector_load %arg9[%swap3A_271] {strides = array<i32>} : memref<128xi32, #tpu.memory_space<vmem>>, vector<16xi32>,
      %swap3A_273 = vector.shape_cast %swap3A_272 : vector<16xi32> to vector<16xi32>
      %swap3A_274 = vector.shape_cast %add3A_270 : vector<16xi32> to vector<16xi32>
      tpu.vector_store %arg9[%swap3A_271], %swap3A_274 {strides = array<i32>} : memref<128xi32, #tpu.memory_space<vmem>>, vector<16xi32>,
      %get3A_275 = arith.constant 48 : index
      %get3A_276 = tpu.vector_load %arg7[%get3A_275] {strides = array<i32>} : memref<128xi32, #tpu.memory_space<vmem>>, vector<16xi32>,
      %get3A_277 = vector.shape_cast %get3A_276 : vector<16xi32> to vector<16xi32>
      %add3A_278 = vector.broadcast %mul3A_0 : i32 to vector<16xi32>
      %add3A_279 = arith.addi %get3A_277, %add3A_278 : vector<16xi32>
      %swap3A_280 = arith.constant 48 : index
      %swap3A_281 = tpu.vector_load %arg8[%swap3A_280] {strides = array<i32>} : memref<128xi32, #tpu.memory_space<vmem>>, vector<16xi32>,
      %swap3A_282 = vector.shape_cast %swap3A_281 : vector<16xi32> to vector<16xi32>
      %swap3A_283 = vector.shape_cast %add3A_279 : vector<16xi32> to vector<16xi32>
      tpu.vector_store %arg8[%swap3A_280], %swap3A_283 {strides = array<i32>} : memref<128xi32, #tpu.memory_space<vmem>>, vector<16xi32>,
      %get3A_284 = arith.constant 48 : index
      %get3A_285 = tpu.vector_load %arg9[%get3A_284] {strides = array<i32>} : memref<128xi32, #tpu.memory_space<vmem>>, vector<16xi32>,
      %get3A_286 = vector.shape_cast %get3A_285 : vector<16xi32> to vector<16xi32>
      %add3A_287 = vector.broadcast %mul3A_0 : i32 to vector<16xi32>
      %add3A_288 = arith.addi %get3A_286, %add3A_287 : vector<16xi32>
      %swap3A_289 = arith.constant 48 : index
      %swap3A_290 = tpu.vector_load %arg9[%swap3A_289] {strides = array<i32>} : memref<128xi32, #tpu.memory_space<vmem>>, vector<16xi32>,
      %swap3A_291 = vector.shape_cast %swap3A_290 : vector<16xi32> to vector<16xi32>
      %swap3A_292 = vector.shape_cast %add3A_288 : vector<16xi32> to vector<16xi32>
      tpu.vector_store %arg9[%swap3A_289], %swap3A_292 {strides = array<i32>} : memref<128xi32, #tpu.memory_space<vmem>>, vector<16xi32>,
      %get3A_293 = arith.constant 64 : index
      %get3A_294 = tpu.vector_load %arg7[%get3A_293] {strides = array<i32>} : memref<128xi32, #tpu.memory_space<vmem>>, vector<16xi32>,
      %get3A_295 = vector.shape_cast %get3A_294 : vector<16xi32> to vector<16xi32>
      %add3A_296 = vector.broadcast %mul3A_0 : i32 to vector<16xi32>
      %add3A_297 = arith.addi %get3A_295, %add3A_296 : vector<16xi32>
      %swap3A_298 = arith.constant 64 : index
      %swap3A_299 = tpu.vector_load %arg8[%swap3A_298] {strides = array<i32>} : memref<128xi32, #tpu.memory_space<vmem>>, vector<16xi32>,
      %swap3A_300 = vector.shape_cast %swap3A_299 : vector<16xi32> to vector<16xi32>
      %swap3A_301 = vector.shape_cast %add3A_297 : vector<16xi32> to vector<16xi32>
      tpu.vector_store %arg8[%swap3A_298], %swap3A_301 {strides = array<i32>} : memref<128xi32, #tpu.memory_space<vmem>>, vector<16xi32>,
      %get3A_302 = arith.constant 64 : index
      %get3A_303 = tpu.vector_load %arg9[%get3A_302] {strides = array<i32>} : memref<128xi32, #tpu.memory_space<vmem>>, vector<16xi32>,
      %get3A_304 = vector.shape_cast %get3A_303 : vector<16xi32> to vector<16xi32>
      %add3A_305 = vector.broadcast %mul3A_0 : i32 to vector<16xi32>
      %add3A_306 = arith.addi %get3A_304, %add3A_305 : vector<16xi32>
      %swap3A_307 = arith.constant 64 : index
      %swap3A_308 = tpu.vector_load %arg9[%swap3A_307] {strides = array<i32>} : memref<128xi32, #tpu.memory_space<vmem>>, vector<16xi32>,
      %swap3A_309 = vector.shape_cast %swap3A_308 : vector<16xi32> to vector<16xi32>
      %swap3A_310 = vector.shape_cast %add3A_306 : vector<16xi32> to vector<16xi32>
      tpu.vector_store %arg9[%swap3A_307], %swap3A_310 {strides = array<i32>} : memref<128xi32, #tpu.memory_space<vmem>>, vector<16xi32>,
      %get3A_311 = arith.constant 80 : index
      %get3A_312 = tpu.vector_load %arg7[%get3A_311] {strides = array<i32>} : memref<128xi32, #tpu.memory_space<vmem>>, vector<16xi32>,
      %get3A_313 = vector.shape_cast %get3A_312 : vector<16xi32> to vector<16xi32>
      %add3A_314 = vector.broadcast %mul3A_0 : i32 to vector<16xi32>
      %add3A_315 = arith.addi %get3A_313, %add3A_314 : vector<16xi32>
      %swap3A_316 = arith.constant 80 : index
      %swap3A_317 = tpu.vector_load %arg8[%swap3A_316] {strides = array<i32>} : memref<128xi32, #tpu.memory_space<vmem>>, vector<16xi32>,
      %swap3A_318 = vector.shape_cast %swap3A_317 : vector<16xi32> to vector<16xi32>
      %swap3A_319 = vector.shape_cast %add3A_315 : vector<16xi32> to vector<16xi32>
      tpu.vector_store %arg8[%swap3A_316], %swap3A_319 {strides = array<i32>} : memref<128xi32, #tpu.memory_space<vmem>>, vector<16xi32>,
      %get3A_320 = arith.constant 80 : index
      %get3A_321 = tpu.vector_load %arg9[%get3A_320] {strides = array<i32>} : memref<128xi32, #tpu.memory_space<vmem>>, vector<16xi32>,
      %get3A_322 = vector.shape_cast %get3A_321 : vector<16xi32> to vector<16xi32>
      %add3A_323 = vector.broadcast %mul3A_0 : i32 to vector<16xi32>
      %add3A_324 = arith.addi %get3A_322, %add3A_323 : vector<16xi32>
      %swap3A_325 = arith.constant 80 : index
      %swap3A_326 = tpu.vector_load %arg9[%swap3A_325] {strides = array<i32>} : memref<128xi32, #tpu.memory_space<vmem>>, vector<16xi32>,
      %swap3A_327 = vector.shape_cast %swap3A_326 : vector<16xi32> to vector<16xi32>
      %swap3A_328 = vector.shape_cast %add3A_324 : vector<16xi32> to vector<16xi32>
      tpu.vector_store %arg9[%swap3A_325], %swap3A_328 {strides = array<i32>} : memref<128xi32, #tpu.memory_space<vmem>>, vector<16xi32>,
      %get3A_329 = arith.constant 96 : index
      %get3A_330 = tpu.vector_load %arg7[%get3A_329] {strides = array<i32>} : memref<128xi32, #tpu.memory_space<vmem>>, vector<16xi32>,
      %get3A_331 = vector.shape_cast %get3A_330 : vector<16xi32> to vector<16xi32>
      %add3A_332 = vector.broadcast %mul3A_0 : i32 to vector<16xi32>
      %add3A_333 = arith.addi %get3A_331, %add3A_332 : vector<16xi32>
      %swap3A_334 = arith.constant 96 : index
      %swap3A_335 = tpu.vector_load %arg8[%swap3A_334] {strides = array<i32>} : memref<128xi32, #tpu.memory_space<vmem>>, vector<16xi32>,
      %swap3A_336 = vector.shape_cast %swap3A_335 : vector<16xi32> to vector<16xi32>
      %swap3A_337 = vector.shape_cast %add3A_333 : vector<16xi32> to vector<16xi32>
      tpu.vector_store %arg8[%swap3A_334], %swap3A_337 {strides = array<i32>} : memref<128xi32, #tpu.memory_space<vmem>>, vector<16xi32>,
      %get3A_338 = arith.constant 96 : index
      %get3A_339 = tpu.vector_load %arg9[%get3A_338] {strides = array<i32>} : memref<128xi32, #tpu.memory_space<vmem>>, vector<16xi32>,
      %get3A_340 = vector.shape_cast %get3A_339 : vector<16xi32> to vector<16xi32>
      %add3A_341 = vector.broadcast %mul3A_0 : i32 to vector<16xi32>
      %add3A_342 = arith.addi %get3A_340, %add3A_341 : vector<16xi32>
      %swap3A_343 = arith.constant 96 : index
      %swap3A_344 = tpu.vector_load %arg9[%swap3A_343] {strides = array<i32>} : memref<128xi32, #tpu.memory_space<vmem>>, vector<16xi32>,
      %swap3A_345 = vector.shape_cast %swap3A_344 : vector<16xi32> to vector<16xi32>
      %swap3A_346 = vector.shape_cast %add3A_342 : vector<16xi32> to vector<16xi32>
      tpu.vector_store %arg9[%swap3A_343], %swap3A_346 {strides = array<i32>} : memref<128xi32, #tpu.memory_space<vmem>>, vector<16xi32>,
      %get3A_347 = arith.constant 112 : index
      %get3A_348 = tpu.vector_load %arg7[%get3A_347] {strides = array<i32>} : memref<128xi32, #tpu.memory_space<vmem>>, vector<16xi32>,
      %get3A_349 = vector.shape_cast %get3A_348 : vector<16xi32> to vector<16xi32>
      %add3A_350 = vector.broadcast %mul3A_0 : i32 to vector<16xi32>
      %add3A_351 = arith.addi %get3A_349, %add3A_350 : vector<16xi32>
      %swap3A_352 = arith.constant 112 : index
      %swap3A_353 = tpu.vector_load %arg8[%swap3A_352] {strides = array<i32>} : memref<128xi32, #tpu.memory_space<vmem>>, vector<16xi32>,
      %swap3A_354 = vector.shape_cast %swap3A_353 : vector<16xi32> to vector<16xi32>
      %swap3A_355 = vector.shape_cast %add3A_351 : vector<16xi32> to vector<16xi32>
      tpu.vector_store %arg8[%swap3A_352], %swap3A_355 {strides = array<i32>} : memref<128xi32, #tpu.memory_space<vmem>>, vector<16xi32>,
      %get3A_356 = arith.constant 112 : index
      %get3A_357 = tpu.vector_load %arg9[%get3A_356] {strides = array<i32>} : memref<128xi32, #tpu.memory_space<vmem>>, vector<16xi32>,
      %get3A_358 = vector.shape_cast %get3A_357 : vector<16xi32> to vector<16xi32>
      %add3A_359 = vector.broadcast %mul3A_0 : i32 to vector<16xi32>
      %add3A_360 = arith.addi %get3A_358, %add3A_359 : vector<16xi32>
      %swap3A_361 = arith.constant 112 : index
      %swap3A_362 = tpu.vector_load %arg9[%swap3A_361] {strides = array<i32>} : memref<128xi32, #tpu.memory_space<vmem>>, vector<16xi32>,
      %swap3A_363 = vector.shape_cast %swap3A_362 : vector<16xi32> to vector<16xi32>
      %swap3A_364 = vector.shape_cast %add3A_360 : vector<16xi32> to vector<16xi32>
      tpu.vector_store %arg9[%swap3A_361], %swap3A_364 {strides = array<i32>} : memref<128xi32, #tpu.memory_space<vmem>>, vector<16xi32>,
      %dma_start3A_365 = arith.constant 0 : i32
      %dma_start3A_366 = arith.constant 0 : i32
      %dma_start3A_367 = tpu.memref_slice %arg2[%dma_start3A_365, %dma_start3A_366] : memref<100000x32xf32, #tpu.memory_space<hbm>> -> memref<100000x32xf32, #tpu.memory_space<hbm>>
      tpu.enqueue_indirect_dma source(%dma_start3A_367 : memref<100000x32xf32, #tpu.memory_space<hbm>>) target(%arg10 : memref<128x32xf32, #tpu.memory_space<vmem>>) offsets(%arg8 : memref<128xi32, #tpu.memory_space<vmem>>) semaphore(%arg13 : memref<!tpu.dma_semaphore, #tpu.memory_space<semaphore_mem>>)
      %dma_start3A_368 = arith.constant 0 : i32
      %dma_start3A_369 = arith.constant 0 : i32
      %dma_start3A_370 = tpu.memref_slice %arg2[%dma_start3A_368, %dma_start3A_369] : memref<100000x32xf32, #tpu.memory_space<hbm>> -> memref<100000x32xf32, #tpu.memory_space<hbm>>
      tpu.enqueue_indirect_dma source(%dma_start3A_370 : memref<100000x32xf32, #tpu.memory_space<hbm>>) target(%arg11 : memref<128x32xf32, #tpu.memory_space<vmem>>) offsets(%arg9 : memref<128xi32, #tpu.memory_space<vmem>>) semaphore(%arg13 : memref<!tpu.dma_semaphore, #tpu.memory_space<semaphore_mem>>)
      %dma_wait3A_371 = arith.constant 0 : i32
      %dma_wait3A_372 = tpu.memref_slice %arg3[%dma_wait3A_371] : memref<800000xi32, #tpu.memory_space<hbm>> -> memref<128xi32, #tpu.memory_space<hbm>>
      %dma_wait3A_373 = arith.constant 0 : i32
      %dma_wait3A_374 = tpu.memref_slice %arg3[%dma_wait3A_373] : memref<800000xi32, #tpu.memory_space<hbm>> -> memref<128xi32, #tpu.memory_space<hbm>>
      tpu.wait_dma2 semaphore(%arg20 : memref<!tpu.dma_semaphore, #tpu.memory_space<semaphore_mem>>) src(%dma_wait3A_374 : memref<128xi32, #tpu.memory_space<hbm>>) dst(%arg15 : memref<128xi32, #tpu.memory_space<vmem>>)
      %dma_wait3A_375 = arith.constant 0 : i32
      %dma_wait3A_376 = tpu.memref_slice %arg4[%dma_wait3A_375] : memref<800000xi32, #tpu.memory_space<hbm>> -> memref<128xi32, #tpu.memory_space<hbm>>
      %dma_wait3A_377 = arith.constant 0 : i32
      %dma_wait3A_378 = tpu.memref_slice %arg4[%dma_wait3A_377] : memref<800000xi32, #tpu.memory_space<hbm>> -> memref<128xi32, #tpu.memory_space<hbm>>
      tpu.wait_dma2 semaphore(%arg20 : memref<!tpu.dma_semaphore, #tpu.memory_space<semaphore_mem>>) src(%dma_wait3A_378 : memref<128xi32, #tpu.memory_space<hbm>>) dst(%arg17 : memref<128xi32, #tpu.memory_space<vmem>>)
      %gt3A_379 = arith.constant 0 : i32
      %gt3A_380 = arith.cmpi sgt, %scan3A_208, %gt3A_379 : i32
      %convert_element_type3A_381 = arith.extui %gt3A_380 : i1 to i32
      %cond3A_382 = arith.constant 0 : i32
      %cond3A_383 = arith.cmpi ne, %convert_element_type3A_381, %cond3A_382 : i32
      scf.if %cond3A_383 {
        %dma_wait3A_916 = arith.constant 0 : i32
        %dma_wait3A_917 = arith.constant 0 : i32
        %dma_wait3A_918 = tpu.memref_slice %arg34[%dma_wait3A_916, %dma_wait3A_917] : memref<50000x32xf32, #tpu.memory_space<vmem_shared>> -> memref<50000x32xf32, #tpu.memory_space<vmem_shared>>
        tpu.wait_indirect_dma semaphore(%arg22 : memref<!tpu.dma_semaphore, #tpu.memory_space<semaphore_mem>>) src(%arg18 : memref<128x32xf32, #tpu.memory_space<vmem>>) dst(%dma_wait3A_918 : memref<50000x32xf32, #tpu.memory_space<vmem_shared>>)
      } else {
      }
      %get3A_384 = arith.constant 0 : index
      %get3A_385 = tpu.vector_load %arg15[%get3A_384] {strides = array<i32>} : memref<128xi32, #tpu.memory_space<vmem>>, vector<16xi32>,
      %get3A_386 = vector.shape_cast %get3A_385 : vector<16xi32> to vector<16xi32>
      %add3A_387 = vector.broadcast %mul3A_0 : i32 to vector<16xi32>
      %add3A_388 = arith.addi %get3A_386, %add3A_387 : vector<16xi32>
      %swap3A_389 = arith.constant 0 : index
      %swap3A_390 = tpu.vector_load %arg16[%swap3A_389] {strides = array<i32>} : memref<128xi32, #tpu.memory_space<vmem>>, vector<16xi32>,
      %swap3A_391 = vector.shape_cast %swap3A_390 : vector<16xi32> to vector<16xi32>
      %swap3A_392 = vector.shape_cast %add3A_388 : vector<16xi32> to vector<16xi32>
      tpu.vector_store %arg16[%swap3A_389], %swap3A_392 {strides = array<i32>} : memref<128xi32, #tpu.memory_space<vmem>>, vector<16xi32>,
      %get3A_393 = arith.constant 0 : index
      %get3A_394 = tpu.vector_load %arg17[%get3A_393] {strides = array<i32>} : memref<128xi32, #tpu.memory_space<vmem>>, vector<16xi32>,
      %get3A_395 = vector.shape_cast %get3A_394 : vector<16xi32> to vector<16xi32>
      %add3A_396 = vector.broadcast %mul3A_0 : i32 to vector<16xi32>
      %add3A_397 = arith.addi %get3A_395, %add3A_396 : vector<16xi32>
      %swap3A_398 = arith.constant 0 : index
      %swap3A_399 = tpu.vector_load %arg17[%swap3A_398] {strides = array<i32>} : memref<128xi32, #tpu.memory_space<vmem>>, vector<16xi32>,
      %swap3A_400 = vector.shape_cast %swap3A_399 : vector<16xi32> to vector<16xi32>
      %swap3A_401 = vector.shape_cast %add3A_397 : vector<16xi32> to vector<16xi32>
      tpu.vector_store %arg17[%swap3A_398], %swap3A_401 {strides = array<i32>} : memref<128xi32, #tpu.memory_space<vmem>>, vector<16xi32>,
      %get3A_402 = arith.constant 16 : index
      %get3A_403 = tpu.vector_load %arg15[%get3A_402] {strides = array<i32>} : memref<128xi32, #tpu.memory_space<vmem>>, vector<16xi32>,
      %get3A_404 = vector.shape_cast %get3A_403 : vector<16xi32> to vector<16xi32>
      %add3A_405 = vector.broadcast %mul3A_0 : i32 to vector<16xi32>
      %add3A_406 = arith.addi %get3A_404, %add3A_405 : vector<16xi32>
      %swap3A_407 = arith.constant 16 : index
      %swap3A_408 = tpu.vector_load %arg16[%swap3A_407] {strides = array<i32>} : memref<128xi32, #tpu.memory_space<vmem>>, vector<16xi32>,
      %swap3A_409 = vector.shape_cast %swap3A_408 : vector<16xi32> to vector<16xi32>
      %swap3A_410 = vector.shape_cast %add3A_406 : vector<16xi32> to vector<16xi32>
      tpu.vector_store %arg16[%swap3A_407], %swap3A_410 {strides = array<i32>} : memref<128xi32, #tpu.memory_space<vmem>>, vector<16xi32>,
      %get3A_411 = arith.constant 16 : index
      %get3A_412 = tpu.vector_load %arg17[%get3A_411] {strides = array<i32>} : memref<128xi32, #tpu.memory_space<vmem>>, vector<16xi32>,
      %get3A_413 = vector.shape_cast %get3A_412 : vector<16xi32> to vector<16xi32>
      %add3A_414 = vector.broadcast %mul3A_0 : i32 to vector<16xi32>
      %add3A_415 = arith.addi %get3A_413, %add3A_414 : vector<16xi32>
      %swap3A_416 = arith.constant 16 : index
      %swap3A_417 = tpu.vector_load %arg17[%swap3A_416] {strides = array<i32>} : memref<128xi32, #tpu.memory_space<vmem>>, vector<16xi32>,
      %swap3A_418 = vector.shape_cast %swap3A_417 : vector<16xi32> to vector<16xi32>
      %swap3A_419 = vector.shape_cast %add3A_415 : vector<16xi32> to vector<16xi32>
      tpu.vector_store %arg17[%swap3A_416], %swap3A_419 {strides = array<i32>} : memref<128xi32, #tpu.memory_space<vmem>>, vector<16xi32>,
      %get3A_420 = arith.constant 32 : index
      %get3A_421 = tpu.vector_load %arg15[%get3A_420] {strides = array<i32>} : memref<128xi32, #tpu.memory_space<vmem>>, vector<16xi32>,
      %get3A_422 = vector.shape_cast %get3A_421 : vector<16xi32> to vector<16xi32>
      %add3A_423 = vector.broadcast %mul3A_0 : i32 to vector<16xi32>
      %add3A_424 = arith.addi %get3A_422, %add3A_423 : vector<16xi32>
      %swap3A_425 = arith.constant 32 : index
      %swap3A_426 = tpu.vector_load %arg16[%swap3A_425] {strides = array<i32>} : memref<128xi32, #tpu.memory_space<vmem>>, vector<16xi32>,
      %swap3A_427 = vector.shape_cast %swap3A_426 : vector<16xi32> to vector<16xi32>
      %swap3A_428 = vector.shape_cast %add3A_424 : vector<16xi32> to vector<16xi32>
      tpu.vector_store %arg16[%swap3A_425], %swap3A_428 {strides = array<i32>} : memref<128xi32, #tpu.memory_space<vmem>>, vector<16xi32>,
      %get3A_429 = arith.constant 32 : index
      %get3A_430 = tpu.vector_load %arg17[%get3A_429] {strides = array<i32>} : memref<128xi32, #tpu.memory_space<vmem>>, vector<16xi32>,
      %get3A_431 = vector.shape_cast %get3A_430 : vector<16xi32> to vector<16xi32>
      %add3A_432 = vector.broadcast %mul3A_0 : i32 to vector<16xi32>
      %add3A_433 = arith.addi %get3A_431, %add3A_432 : vector<16xi32>
      %swap3A_434 = arith.constant 32 : index
      %swap3A_435 = tpu.vector_load %arg17[%swap3A_434] {strides = array<i32>} : memref<128xi32, #tpu.memory_space<vmem>>, vector<16xi32>,
      %swap3A_436 = vector.shape_cast %swap3A_435 : vector<16xi32> to vector<16xi32>
      %swap3A_437 = vector.shape_cast %add3A_433 : vector<16xi32> to vector<16xi32>
      tpu.vector_store %arg17[%swap3A_434], %swap3A_437 {strides = array<i32>} : memref<128xi32, #tpu.memory_space<vmem>>, vector<16xi32>,
      %get3A_438 = arith.constant 48 : index
      %get3A_439 = tpu.vector_load %arg15[%get3A_438] {strides = array<i32>} : memref<128xi32, #tpu.memory_space<vmem>>, vector<16xi32>,
      %get3A_440 = vector.shape_cast %get3A_439 : vector<16xi32> to vector<16xi32>
      %add3A_441 = vector.broadcast %mul3A_0 : i32 to vector<16xi32>
      %add3A_442 = arith.addi %get3A_440, %add3A_441 : vector<16xi32>
      %swap3A_443 = arith.constant 48 : index
      %swap3A_444 = tpu.vector_load %arg16[%swap3A_443] {strides = array<i32>} : memref<128xi32, #tpu.memory_space<vmem>>, vector<16xi32>,
      %swap3A_445 = vector.shape_cast %swap3A_444 : vector<16xi32> to vector<16xi32>
      %swap3A_446 = vector.shape_cast %add3A_442 : vector<16xi32> to vector<16xi32>
      tpu.vector_store %arg16[%swap3A_443], %swap3A_446 {strides = array<i32>} : memref<128xi32, #tpu.memory_space<vmem>>, vector<16xi32>,
      %get3A_447 = arith.constant 48 : index
      %get3A_448 = tpu.vector_load %arg17[%get3A_447] {strides = array<i32>} : memref<128xi32, #tpu.memory_space<vmem>>, vector<16xi32>,
      %get3A_449 = vector.shape_cast %get3A_448 : vector<16xi32> to vector<16xi32>
      %add3A_450 = vector.broadcast %mul3A_0 : i32 to vector<16xi32>
      %add3A_451 = arith.addi %get3A_449, %add3A_450 : vector<16xi32>
      %swap3A_452 = arith.constant 48 : index
      %swap3A_453 = tpu.vector_load %arg17[%swap3A_452] {strides = array<i32>} : memref<128xi32, #tpu.memory_space<vmem>>, vector<16xi32>,
      %swap3A_454 = vector.shape_cast %swap3A_453 : vector<16xi32> to vector<16xi32>
      %swap3A_455 = vector.shape_cast %add3A_451 : vector<16xi32> to vector<16xi32>
      tpu.vector_store %arg17[%swap3A_452], %swap3A_455 {strides = array<i32>} : memref<128xi32, #tpu.memory_space<vmem>>, vector<16xi32>,
      %get3A_456 = arith.constant 64 : index
      %get3A_457 = tpu.vector_load %arg15[%get3A_456] {strides = array<i32>} : memref<128xi32, #tpu.memory_space<vmem>>, vector<16xi32>,
      %get3A_458 = vector.shape_cast %get3A_457 : vector<16xi32> to vector<16xi32>
      %add3A_459 = vector.broadcast %mul3A_0 : i32 to vector<16xi32>
      %add3A_460 = arith.addi %get3A_458, %add3A_459 : vector<16xi32>
      %swap3A_461 = arith.constant 64 : index
      %swap3A_462 = tpu.vector_load %arg16[%swap3A_461] {strides = array<i32>} : memref<128xi32, #tpu.memory_space<vmem>>, vector<16xi32>,
      %swap3A_463 = vector.shape_cast %swap3A_462 : vector<16xi32> to vector<16xi32>
      %swap3A_464 = vector.shape_cast %add3A_460 : vector<16xi32> to vector<16xi32>
      tpu.vector_store %arg16[%swap3A_461], %swap3A_464 {strides = array<i32>} : memref<128xi32, #tpu.memory_space<vmem>>, vector<16xi32>,
      %get3A_465 = arith.constant 64 : index
      %get3A_466 = tpu.vector_load %arg17[%get3A_465] {strides = array<i32>} : memref<128xi32, #tpu.memory_space<vmem>>, vector<16xi32>,
      %get3A_467 = vector.shape_cast %get3A_466 : vector<16xi32> to vector<16xi32>
      %add3A_468 = vector.broadcast %mul3A_0 : i32 to vector<16xi32>
      %add3A_469 = arith.addi %get3A_467, %add3A_468 : vector<16xi32>
      %swap3A_470 = arith.constant 64 : index
      %swap3A_471 = tpu.vector_load %arg17[%swap3A_470] {strides = array<i32>} : memref<128xi32, #tpu.memory_space<vmem>>, vector<16xi32>,
      %swap3A_472 = vector.shape_cast %swap3A_471 : vector<16xi32> to vector<16xi32>
      %swap3A_473 = vector.shape_cast %add3A_469 : vector<16xi32> to vector<16xi32>
      tpu.vector_store %arg17[%swap3A_470], %swap3A_473 {strides = array<i32>} : memref<128xi32, #tpu.memory_space<vmem>>, vector<16xi32>,
      %get3A_474 = arith.constant 80 : index
      %get3A_475 = tpu.vector_load %arg15[%get3A_474] {strides = array<i32>} : memref<128xi32, #tpu.memory_space<vmem>>, vector<16xi32>,
      %get3A_476 = vector.shape_cast %get3A_475 : vector<16xi32> to vector<16xi32>
      %add3A_477 = vector.broadcast %mul3A_0 : i32 to vector<16xi32>
      %add3A_478 = arith.addi %get3A_476, %add3A_477 : vector<16xi32>
      %swap3A_479 = arith.constant 80 : index
      %swap3A_480 = tpu.vector_load %arg16[%swap3A_479] {strides = array<i32>} : memref<128xi32, #tpu.memory_space<vmem>>, vector<16xi32>,
      %swap3A_481 = vector.shape_cast %swap3A_480 : vector<16xi32> to vector<16xi32>
      %swap3A_482 = vector.shape_cast %add3A_478 : vector<16xi32> to vector<16xi32>
      tpu.vector_store %arg16[%swap3A_479], %swap3A_482 {strides = array<i32>} : memref<128xi32, #tpu.memory_space<vmem>>, vector<16xi32>,
      %get3A_483 = arith.constant 80 : index
      %get3A_484 = tpu.vector_load %arg17[%get3A_483] {strides = array<i32>} : memref<128xi32, #tpu.memory_space<vmem>>, vector<16xi32>,
      %get3A_485 = vector.shape_cast %get3A_484 : vector<16xi32> to vector<16xi32>
      %add3A_486 = vector.broadcast %mul3A_0 : i32 to vector<16xi32>
      %add3A_487 = arith.addi %get3A_485, %add3A_486 : vector<16xi32>
      %swap3A_488 = arith.constant 80 : index
      %swap3A_489 = tpu.vector_load %arg17[%swap3A_488] {strides = array<i32>} : memref<128xi32, #tpu.memory_space<vmem>>, vector<16xi32>,
      %swap3A_490 = vector.shape_cast %swap3A_489 : vector<16xi32> to vector<16xi32>
      %swap3A_491 = vector.shape_cast %add3A_487 : vector<16xi32> to vector<16xi32>
      tpu.vector_store %arg17[%swap3A_488], %swap3A_491 {strides = array<i32>} : memref<128xi32, #tpu.memory_space<vmem>>, vector<16xi32>,
      %get3A_492 = arith.constant 96 : index
      %get3A_493 = tpu.vector_load %arg15[%get3A_492] {strides = array<i32>} : memref<128xi32, #tpu.memory_space<vmem>>, vector<16xi32>,
      %get3A_494 = vector.shape_cast %get3A_493 : vector<16xi32> to vector<16xi32>
      %add3A_495 = vector.broadcast %mul3A_0 : i32 to vector<16xi32>
      %add3A_496 = arith.addi %get3A_494, %add3A_495 : vector<16xi32>
      %swap3A_497 = arith.constant 96 : index
      %swap3A_498 = tpu.vector_load %arg16[%swap3A_497] {strides = array<i32>} : memref<128xi32, #tpu.memory_space<vmem>>, vector<16xi32>,
      %swap3A_499 = vector.shape_cast %swap3A_498 : vector<16xi32> to vector<16xi32>
      %swap3A_500 = vector.shape_cast %add3A_496 : vector<16xi32> to vector<16xi32>
      tpu.vector_store %arg16[%swap3A_497], %swap3A_500 {strides = array<i32>} : memref<128xi32, #tpu.memory_space<vmem>>, vector<16xi32>,
      %get3A_501 = arith.constant 96 : index
      %get3A_502 = tpu.vector_load %arg17[%get3A_501] {strides = array<i32>} : memref<128xi32, #tpu.memory_space<vmem>>, vector<16xi32>,
      %get3A_503 = vector.shape_cast %get3A_502 : vector<16xi32> to vector<16xi32>
      %add3A_504 = vector.broadcast %mul3A_0 : i32 to vector<16xi32>
      %add3A_505 = arith.addi %get3A_503, %add3A_504 : vector<16xi32>
      %swap3A_506 = arith.constant 96 : index
      %swap3A_507 = tpu.vector_load %arg17[%swap3A_506] {strides = array<i32>} : memref<128xi32, #tpu.memory_space<vmem>>, vector<16xi32>,
      %swap3A_508 = vector.shape_cast %swap3A_507 : vector<16xi32> to vector<16xi32>
      %swap3A_509 = vector.shape_cast %add3A_505 : vector<16xi32> to vector<16xi32>
      tpu.vector_store %arg17[%swap3A_506], %swap3A_509 {strides = array<i32>} : memref<128xi32, #tpu.memory_space<vmem>>, vector<16xi32>,
      %get3A_510 = arith.constant 112 : index
      %get3A_511 = tpu.vector_load %arg15[%get3A_510] {strides = array<i32>} : memref<128xi32, #tpu.memory_space<vmem>>, vector<16xi32>,
      %get3A_512 = vector.shape_cast %get3A_511 : vector<16xi32> to vector<16xi32>
      %add3A_513 = vector.broadcast %mul3A_0 : i32 to vector<16xi32>
      %add3A_514 = arith.addi %get3A_512, %add3A_513 : vector<16xi32>
      %swap3A_515 = arith.constant 112 : index
      %swap3A_516 = tpu.vector_load %arg16[%swap3A_515] {strides = array<i32>} : memref<128xi32, #tpu.memory_space<vmem>>, vector<16xi32>,
      %swap3A_517 = vector.shape_cast %swap3A_516 : vector<16xi32> to vector<16xi32>
      %swap3A_518 = vector.shape_cast %add3A_514 : vector<16xi32> to vector<16xi32>
      tpu.vector_store %arg16[%swap3A_515], %swap3A_518 {strides = array<i32>} : memref<128xi32, #tpu.memory_space<vmem>>, vector<16xi32>,
      %get3A_519 = arith.constant 112 : index
      %get3A_520 = tpu.vector_load %arg17[%get3A_519] {strides = array<i32>} : memref<128xi32, #tpu.memory_space<vmem>>, vector<16xi32>,
      %get3A_521 = vector.shape_cast %get3A_520 : vector<16xi32> to vector<16xi32>
      %add3A_522 = vector.broadcast %mul3A_0 : i32 to vector<16xi32>
      %add3A_523 = arith.addi %get3A_521, %add3A_522 : vector<16xi32>
      %swap3A_524 = arith.constant 112 : index
      %swap3A_525 = tpu.vector_load %arg17[%swap3A_524] {strides = array<i32>} : memref<128xi32, #tpu.memory_space<vmem>>, vector<16xi32>,
      %swap3A_526 = vector.shape_cast %swap3A_525 : vector<16xi32> to vector<16xi32>
      %swap3A_527 = vector.shape_cast %add3A_523 : vector<16xi32> to vector<16xi32>
      tpu.vector_store %arg17[%swap3A_524], %swap3A_527 {strides = array<i32>} : memref<128xi32, #tpu.memory_space<vmem>>, vector<16xi32>,
      %dma_start3A_528 = arith.constant 0 : i32
      %dma_start3A_529 = arith.constant 0 : i32
      %dma_start3A_530 = tpu.memref_slice %arg2[%dma_start3A_528, %dma_start3A_529] : memref<100000x32xf32, #tpu.memory_space<hbm>> -> memref<100000x32xf32, #tpu.memory_space<hbm>>
      tpu.enqueue_indirect_dma source(%dma_start3A_530 : memref<100000x32xf32, #tpu.memory_space<hbm>>) target(%arg18 : memref<128x32xf32, #tpu.memory_space<vmem>>) offsets(%arg16 : memref<128xi32, #tpu.memory_space<vmem>>) semaphore(%arg21 : memref<!tpu.dma_semaphore, #tpu.memory_space<semaphore_mem>>)
      %dma_start3A_531 = arith.constant 0 : i32
      %dma_start3A_532 = arith.constant 0 : i32
      %dma_start3A_533 = tpu.memref_slice %arg2[%dma_start3A_531, %dma_start3A_532] : memref<100000x32xf32, #tpu.memory_space<hbm>> -> memref<100000x32xf32, #tpu.memory_space<hbm>>
      tpu.enqueue_indirect_dma source(%dma_start3A_533 : memref<100000x32xf32, #tpu.memory_space<hbm>>) target(%arg19 : memref<128x32xf32, #tpu.memory_space<vmem>>) offsets(%arg17 : memref<128xi32, #tpu.memory_space<vmem>>) semaphore(%arg21 : memref<!tpu.dma_semaphore, #tpu.memory_space<semaphore_mem>>)
      %dma_wait3A_534 = arith.constant 0 : i32
      %dma_wait3A_535 = tpu.memref_slice %arg3[%dma_wait3A_534] : memref<800000xi32, #tpu.memory_space<hbm>> -> memref<128xi32, #tpu.memory_space<hbm>>
      %dma_wait3A_536 = arith.constant 0 : i32
      %dma_wait3A_537 = tpu.memref_slice %arg3[%dma_wait3A_536] : memref<800000xi32, #tpu.memory_space<hbm>> -> memref<128xi32, #tpu.memory_space<hbm>>
      tpu.wait_dma2 semaphore(%arg28 : memref<!tpu.dma_semaphore, #tpu.memory_space<semaphore_mem>>) src(%dma_wait3A_537 : memref<128xi32, #tpu.memory_space<hbm>>) dst(%arg23 : memref<128xi32, #tpu.memory_space<vmem>>)
      %dma_wait3A_538 = arith.constant 0 : i32
      %dma_wait3A_539 = tpu.memref_slice %arg4[%dma_wait3A_538] : memref<800000xi32, #tpu.memory_space<hbm>> -> memref<128xi32, #tpu.memory_space<hbm>>
      %dma_wait3A_540 = arith.constant 0 : i32
      %dma_wait3A_541 = tpu.memref_slice %arg4[%dma_wait3A_540] : memref<800000xi32, #tpu.memory_space<hbm>> -> memref<128xi32, #tpu.memory_space<hbm>>
      tpu.wait_dma2 semaphore(%arg28 : memref<!tpu.dma_semaphore, #tpu.memory_space<semaphore_mem>>) src(%dma_wait3A_541 : memref<128xi32, #tpu.memory_space<hbm>>) dst(%arg25 : memref<128xi32, #tpu.memory_space<vmem>>)
      %gt3A_542 = arith.constant 0 : i32
      %gt3A_543 = arith.cmpi sgt, %scan3A_208, %gt3A_542 : i32
      %convert_element_type3A_544 = arith.extui %gt3A_543 : i1 to i32
      %cond3A_545 = arith.constant 0 : i32
      %cond3A_546 = arith.cmpi ne, %convert_element_type3A_544, %cond3A_545 : i32
      scf.if %cond3A_546 {
        %dma_wait3A_916 = arith.constant 0 : i32
        %dma_wait3A_917 = arith.constant 0 : i32
        %dma_wait3A_918 = tpu.memref_slice %arg34[%dma_wait3A_916, %dma_wait3A_917] : memref<50000x32xf32, #tpu.memory_space<vmem_shared>> -> memref<50000x32xf32, #tpu.memory_space<vmem_shared>>
        tpu.wait_indirect_dma semaphore(%arg30 : memref<!tpu.dma_semaphore, #tpu.memory_space<semaphore_mem>>) src(%arg26 : memref<128x32xf32, #tpu.memory_space<vmem>>) dst(%dma_wait3A_918 : memref<50000x32xf32, #tpu.memory_space<vmem_shared>>)
      } else {
      }
      %get3A_547 = arith.constant 0 : index
      %get3A_548 = tpu.vector_load %arg23[%get3A_547] {strides = array<i32>} : memref<128xi32, #tpu.memory_space<vmem>>, vector<16xi32>,
      %get3A_549 = vector.shape_cast %get3A_548 : vector<16xi32> to vector<16xi32>
      %add3A_550 = vector.broadcast %mul3A_0 : i32 to vector<16xi32>
      %add3A_551 = arith.addi %get3A_549, %add3A_550 : vector<16xi32>
      %swap3A_552 = arith.constant 0 : index
      %swap3A_553 = tpu.vector_load %arg24[%swap3A_552] {strides = array<i32>} : memref<128xi32, #tpu.memory_space<vmem>>, vector<16xi32>,
      %swap3A_554 = vector.shape_cast %swap3A_553 : vector<16xi32> to vector<16xi32>
      %swap3A_555 = vector.shape_cast %add3A_551 : vector<16xi32> to vector<16xi32>
      tpu.vector_store %arg24[%swap3A_552], %swap3A_555 {strides = array<i32>} : memref<128xi32, #tpu.memory_space<vmem>>, vector<16xi32>,
      %get3A_556 = arith.constant 0 : index
      %get3A_557 = tpu.vector_load %arg25[%get3A_556] {strides = array<i32>} : memref<128xi32, #tpu.memory_space<vmem>>, vector<16xi32>,
      %get3A_558 = vector.shape_cast %get3A_557 : vector<16xi32> to vector<16xi32>
      %add3A_559 = vector.broadcast %mul3A_0 : i32 to vector<16xi32>
      %add3A_560 = arith.addi %get3A_558, %add3A_559 : vector<16xi32>
      %swap3A_561 = arith.constant 0 : index
      %swap3A_562 = tpu.vector_load %arg25[%swap3A_561] {strides = array<i32>} : memref<128xi32, #tpu.memory_space<vmem>>, vector<16xi32>,
      %swap3A_563 = vector.shape_cast %swap3A_562 : vector<16xi32> to vector<16xi32>
      %swap3A_564 = vector.shape_cast %add3A_560 : vector<16xi32> to vector<16xi32>
      tpu.vector_store %arg25[%swap3A_561], %swap3A_564 {strides = array<i32>} : memref<128xi32, #tpu.memory_space<vmem>>, vector<16xi32>,
      %get3A_565 = arith.constant 16 : index
      %get3A_566 = tpu.vector_load %arg23[%get3A_565] {strides = array<i32>} : memref<128xi32, #tpu.memory_space<vmem>>, vector<16xi32>,
      %get3A_567 = vector.shape_cast %get3A_566 : vector<16xi32> to vector<16xi32>
      %add3A_568 = vector.broadcast %mul3A_0 : i32 to vector<16xi32>
      %add3A_569 = arith.addi %get3A_567, %add3A_568 : vector<16xi32>
      %swap3A_570 = arith.constant 16 : index
      %swap3A_571 = tpu.vector_load %arg24[%swap3A_570] {strides = array<i32>} : memref<128xi32, #tpu.memory_space<vmem>>, vector<16xi32>,
      %swap3A_572 = vector.shape_cast %swap3A_571 : vector<16xi32> to vector<16xi32>
      %swap3A_573 = vector.shape_cast %add3A_569 : vector<16xi32> to vector<16xi32>
      tpu.vector_store %arg24[%swap3A_570], %swap3A_573 {strides = array<i32>} : memref<128xi32, #tpu.memory_space<vmem>>, vector<16xi32>,
      %get3A_574 = arith.constant 16 : index
      %get3A_575 = tpu.vector_load %arg25[%get3A_574] {strides = array<i32>} : memref<128xi32, #tpu.memory_space<vmem>>, vector<16xi32>,
      %get3A_576 = vector.shape_cast %get3A_575 : vector<16xi32> to vector<16xi32>
      %add3A_577 = vector.broadcast %mul3A_0 : i32 to vector<16xi32>
      %add3A_578 = arith.addi %get3A_576, %add3A_577 : vector<16xi32>
      %swap3A_579 = arith.constant 16 : index
      %swap3A_580 = tpu.vector_load %arg25[%swap3A_579] {strides = array<i32>} : memref<128xi32, #tpu.memory_space<vmem>>, vector<16xi32>,
      %swap3A_581 = vector.shape_cast %swap3A_580 : vector<16xi32> to vector<16xi32>
      %swap3A_582 = vector.shape_cast %add3A_578 : vector<16xi32> to vector<16xi32>
      tpu.vector_store %arg25[%swap3A_579], %swap3A_582 {strides = array<i32>} : memref<128xi32, #tpu.memory_space<vmem>>, vector<16xi32>,
      %get3A_583 = arith.constant 32 : index
      %get3A_584 = tpu.vector_load %arg23[%get3A_583] {strides = array<i32>} : memref<128xi32, #tpu.memory_space<vmem>>, vector<16xi32>,
      %get3A_585 = vector.shape_cast %get3A_584 : vector<16xi32> to vector<16xi32>
      %add3A_586 = vector.broadcast %mul3A_0 : i32 to vector<16xi32>
      %add3A_587 = arith.addi %get3A_585, %add3A_586 : vector<16xi32>
      %swap3A_588 = arith.constant 32 : index
      %swap3A_589 = tpu.vector_load %arg24[%swap3A_588] {strides = array<i32>} : memref<128xi32, #tpu.memory_space<vmem>>, vector<16xi32>,
      %swap3A_590 = vector.shape_cast %swap3A_589 : vector<16xi32> to vector<16xi32>
      %swap3A_591 = vector.shape_cast %add3A_587 : vector<16xi32> to vector<16xi32>
      tpu.vector_store %arg24[%swap3A_588], %swap3A_591 {strides = array<i32>} : memref<128xi32, #tpu.memory_space<vmem>>, vector<16xi32>,
      %get3A_592 = arith.constant 32 : index
      %get3A_593 = tpu.vector_load %arg25[%get3A_592] {strides = array<i32>} : memref<128xi32, #tpu.memory_space<vmem>>, vector<16xi32>,
      %get3A_594 = vector.shape_cast %get3A_593 : vector<16xi32> to vector<16xi32>
      %add3A_595 = vector.broadcast %mul3A_0 : i32 to vector<16xi32>
      %add3A_596 = arith.addi %get3A_594, %add3A_595 : vector<16xi32>
      %swap3A_597 = arith.constant 32 : index
      %swap3A_598 = tpu.vector_load %arg25[%swap3A_597] {strides = array<i32>} : memref<128xi32, #tpu.memory_space<vmem>>, vector<16xi32>,
      %swap3A_599 = vector.shape_cast %swap3A_598 : vector<16xi32> to vector<16xi32>
      %swap3A_600 = vector.shape_cast %add3A_596 : vector<16xi32> to vector<16xi32>
      tpu.vector_store %arg25[%swap3A_597], %swap3A_600 {strides = array<i32>} : memref<128xi32, #tpu.memory_space<vmem>>, vector<16xi32>,
      %get3A_601 = arith.constant 48 : index
      %get3A_602 = tpu.vector_load %arg23[%get3A_601] {strides = array<i32>} : memref<128xi32, #tpu.memory_space<vmem>>, vector<16xi32>,
      %get3A_603 = vector.shape_cast %get3A_602 : vector<16xi32> to vector<16xi32>
      %add3A_604 = vector.broadcast %mul3A_0 : i32 to vector<16xi32>
      %add3A_605 = arith.addi %get3A_603, %add3A_604 : vector<16xi32>
      %swap3A_606 = arith.constant 48 : index
      %swap3A_607 = tpu.vector_load %arg24[%swap3A_606] {strides = array<i32>} : memref<128xi32, #tpu.memory_space<vmem>>, vector<16xi32>,
      %swap3A_608 = vector.shape_cast %swap3A_607 : vector<16xi32> to vector<16xi32>
      %swap3A_609 = vector.shape_cast %add3A_605 : vector<16xi32> to vector<16xi32>
      tpu.vector_store %arg24[%swap3A_606], %swap3A_609 {strides = array<i32>} : memref<128xi32, #tpu.memory_space<vmem>>, vector<16xi32>,
      %get3A_610 = arith.constant 48 : index
      %get3A_611 = tpu.vector_load %arg25[%get3A_610] {strides = array<i32>} : memref<128xi32, #tpu.memory_space<vmem>>, vector<16xi32>,
      %get3A_612 = vector.shape_cast %get3A_611 : vector<16xi32> to vector<16xi32>
      %add3A_613 = vector.broadcast %mul3A_0 : i32 to vector<16xi32>
      %add3A_614 = arith.addi %get3A_612, %add3A_613 : vector<16xi32>
      %swap3A_615 = arith.constant 48 : index
      %swap3A_616 = tpu.vector_load %arg25[%swap3A_615] {strides = array<i32>} : memref<128xi32, #tpu.memory_space<vmem>>, vector<16xi32>,
      %swap3A_617 = vector.shape_cast %swap3A_616 : vector<16xi32> to vector<16xi32>
      %swap3A_618 = vector.shape_cast %add3A_614 : vector<16xi32> to vector<16xi32>
      tpu.vector_store %arg25[%swap3A_615], %swap3A_618 {strides = array<i32>} : memref<128xi32, #tpu.memory_space<vmem>>, vector<16xi32>,
      %get3A_619 = arith.constant 64 : index
      %get3A_620 = tpu.vector_load %arg23[%get3A_619] {strides = array<i32>} : memref<128xi32, #tpu.memory_space<vmem>>, vector<16xi32>,
      %get3A_621 = vector.shape_cast %get3A_620 : vector<16xi32> to vector<16xi32>
      %add3A_622 = vector.broadcast %mul3A_0 : i32 to vector<16xi32>
      %add3A_623 = arith.addi %get3A_621, %add3A_622 : vector<16xi32>
      %swap3A_624 = arith.constant 64 : index
      %swap3A_625 = tpu.vector_load %arg24[%swap3A_624] {strides = array<i32>} : memref<128xi32, #tpu.memory_space<vmem>>, vector<16xi32>,
      %swap3A_626 = vector.shape_cast %swap3A_625 : vector<16xi32> to vector<16xi32>
      %swap3A_627 = vector.shape_cast %add3A_623 : vector<16xi32> to vector<16xi32>
      tpu.vector_store %arg24[%swap3A_624], %swap3A_627 {strides = array<i32>} : memref<128xi32, #tpu.memory_space<vmem>>, vector<16xi32>,
      %get3A_628 = arith.constant 64 : index
      %get3A_629 = tpu.vector_load %arg25[%get3A_628] {strides = array<i32>} : memref<128xi32, #tpu.memory_space<vmem>>, vector<16xi32>,
      %get3A_630 = vector.shape_cast %get3A_629 : vector<16xi32> to vector<16xi32>
      %add3A_631 = vector.broadcast %mul3A_0 : i32 to vector<16xi32>
      %add3A_632 = arith.addi %get3A_630, %add3A_631 : vector<16xi32>
      %swap3A_633 = arith.constant 64 : index
      %swap3A_634 = tpu.vector_load %arg25[%swap3A_633] {strides = array<i32>} : memref<128xi32, #tpu.memory_space<vmem>>, vector<16xi32>,
      %swap3A_635 = vector.shape_cast %swap3A_634 : vector<16xi32> to vector<16xi32>
      %swap3A_636 = vector.shape_cast %add3A_632 : vector<16xi32> to vector<16xi32>
      tpu.vector_store %arg25[%swap3A_633], %swap3A_636 {strides = array<i32>} : memref<128xi32, #tpu.memory_space<vmem>>, vector<16xi32>,
      %get3A_637 = arith.constant 80 : index
      %get3A_638 = tpu.vector_load %arg23[%get3A_637] {strides = array<i32>} : memref<128xi32, #tpu.memory_space<vmem>>, vector<16xi32>,
      %get3A_639 = vector.shape_cast %get3A_638 : vector<16xi32> to vector<16xi32>
      %add3A_640 = vector.broadcast %mul3A_0 : i32 to vector<16xi32>
      %add3A_641 = arith.addi %get3A_639, %add3A_640 : vector<16xi32>
      %swap3A_642 = arith.constant 80 : index
      %swap3A_643 = tpu.vector_load %arg24[%swap3A_642] {strides = array<i32>} : memref<128xi32, #tpu.memory_space<vmem>>, vector<16xi32>,
      %swap3A_644 = vector.shape_cast %swap3A_643 : vector<16xi32> to vector<16xi32>
      %swap3A_645 = vector.shape_cast %add3A_641 : vector<16xi32> to vector<16xi32>
      tpu.vector_store %arg24[%swap3A_642], %swap3A_645 {strides = array<i32>} : memref<128xi32, #tpu.memory_space<vmem>>, vector<16xi32>,
      %get3A_646 = arith.constant 80 : index
      %get3A_647 = tpu.vector_load %arg25[%get3A_646] {strides = array<i32>} : memref<128xi32, #tpu.memory_space<vmem>>, vector<16xi32>,
      %get3A_648 = vector.shape_cast %get3A_647 : vector<16xi32> to vector<16xi32>
      %add3A_649 = vector.broadcast %mul3A_0 : i32 to vector<16xi32>
      %add3A_650 = arith.addi %get3A_648, %add3A_649 : vector<16xi32>
      %swap3A_651 = arith.constant 80 : index
      %swap3A_652 = tpu.vector_load %arg25[%swap3A_651] {strides = array<i32>} : memref<128xi32, #tpu.memory_space<vmem>>, vector<16xi32>,
      %swap3A_653 = vector.shape_cast %swap3A_652 : vector<16xi32> to vector<16xi32>
      %swap3A_654 = vector.shape_cast %add3A_650 : vector<16xi32> to vector<16xi32>
      tpu.vector_store %arg25[%swap3A_651], %swap3A_654 {strides = array<i32>} : memref<128xi32, #tpu.memory_space<vmem>>, vector<16xi32>,
      %get3A_655 = arith.constant 96 : index
      %get3A_656 = tpu.vector_load %arg23[%get3A_655] {strides = array<i32>} : memref<128xi32, #tpu.memory_space<vmem>>, vector<16xi32>,
      %get3A_657 = vector.shape_cast %get3A_656 : vector<16xi32> to vector<16xi32>
      %add3A_658 = vector.broadcast %mul3A_0 : i32 to vector<16xi32>
      %add3A_659 = arith.addi %get3A_657, %add3A_658 : vector<16xi32>
      %swap3A_660 = arith.constant 96 : index
      %swap3A_661 = tpu.vector_load %arg24[%swap3A_660] {strides = array<i32>} : memref<128xi32, #tpu.memory_space<vmem>>, vector<16xi32>,
      %swap3A_662 = vector.shape_cast %swap3A_661 : vector<16xi32> to vector<16xi32>
      %swap3A_663 = vector.shape_cast %add3A_659 : vector<16xi32> to vector<16xi32>
      tpu.vector_store %arg24[%swap3A_660], %swap3A_663 {strides = array<i32>} : memref<128xi32, #tpu.memory_space<vmem>>, vector<16xi32>,
      %get3A_664 = arith.constant 96 : index
      %get3A_665 = tpu.vector_load %arg25[%get3A_664] {strides = array<i32>} : memref<128xi32, #tpu.memory_space<vmem>>, vector<16xi32>,
      %get3A_666 = vector.shape_cast %get3A_665 : vector<16xi32> to vector<16xi32>
      %add3A_667 = vector.broadcast %mul3A_0 : i32 to vector<16xi32>
      %add3A_668 = arith.addi %get3A_666, %add3A_667 : vector<16xi32>
      %swap3A_669 = arith.constant 96 : index
      %swap3A_670 = tpu.vector_load %arg25[%swap3A_669] {strides = array<i32>} : memref<128xi32, #tpu.memory_space<vmem>>, vector<16xi32>,
      %swap3A_671 = vector.shape_cast %swap3A_670 : vector<16xi32> to vector<16xi32>
      %swap3A_672 = vector.shape_cast %add3A_668 : vector<16xi32> to vector<16xi32>
      tpu.vector_store %arg25[%swap3A_669], %swap3A_672 {strides = array<i32>} : memref<128xi32, #tpu.memory_space<vmem>>, vector<16xi32>,
      %get3A_673 = arith.constant 112 : index
      %get3A_674 = tpu.vector_load %arg23[%get3A_673] {strides = array<i32>} : memref<128xi32, #tpu.memory_space<vmem>>, vector<16xi32>,
      %get3A_675 = vector.shape_cast %get3A_674 : vector<16xi32> to vector<16xi32>
      %add3A_676 = vector.broadcast %mul3A_0 : i32 to vector<16xi32>
      %add3A_677 = arith.addi %get3A_675, %add3A_676 : vector<16xi32>
      %swap3A_678 = arith.constant 112 : index
      %swap3A_679 = tpu.vector_load %arg24[%swap3A_678] {strides = array<i32>} : memref<128xi32, #tpu.memory_space<vmem>>, vector<16xi32>,
      %swap3A_680 = vector.shape_cast %swap3A_679 : vector<16xi32> to vector<16xi32>
      %swap3A_681 = vector.shape_cast %add3A_677 : vector<16xi32> to vector<16xi32>
      tpu.vector_store %arg24[%swap3A_678], %swap3A_681 {strides = array<i32>} : memref<128xi32, #tpu.memory_space<vmem>>, vector<16xi32>,
      %get3A_682 = arith.constant 112 : index
      %get3A_683 = tpu.vector_load %arg25[%get3A_682] {strides = array<i32>} : memref<128xi32, #tpu.memory_space<vmem>>, vector<16xi32>,
      %get3A_684 = vector.shape_cast %get3A_683 : vector<16xi32> to vector<16xi32>
      %add3A_685 = vector.broadcast %mul3A_0 : i32 to vector<16xi32>
      %add3A_686 = arith.addi %get3A_684, %add3A_685 : vector<16xi32>
      %swap3A_687 = arith.constant 112 : index
      %swap3A_688 = tpu.vector_load %arg25[%swap3A_687] {strides = array<i32>} : memref<128xi32, #tpu.memory_space<vmem>>, vector<16xi32>,
      %swap3A_689 = vector.shape_cast %swap3A_688 : vector<16xi32> to vector<16xi32>
      %swap3A_690 = vector.shape_cast %add3A_686 : vector<16xi32> to vector<16xi32>
      tpu.vector_store %arg25[%swap3A_687], %swap3A_690 {strides = array<i32>} : memref<128xi32, #tpu.memory_space<vmem>>, vector<16xi32>,
      %dma_start3A_691 = arith.constant 0 : i32
      %dma_start3A_692 = arith.constant 0 : i32
      %dma_start3A_693 = tpu.memref_slice %arg2[%dma_start3A_691, %dma_start3A_692] : memref<100000x32xf32, #tpu.memory_space<hbm>> -> memref<100000x32xf32, #tpu.memory_space<hbm>>
      tpu.enqueue_indirect_dma source(%dma_start3A_693 : memref<100000x32xf32, #tpu.memory_space<hbm>>) target(%arg26 : memref<128x32xf32, #tpu.memory_space<vmem>>) offsets(%arg24 : memref<128xi32, #tpu.memory_space<vmem>>) semaphore(%arg29 : memref<!tpu.dma_semaphore, #tpu.memory_space<semaphore_mem>>)
      %dma_start3A_694 = arith.constant 0 : i32
      %dma_start3A_695 = arith.constant 0 : i32
      %dma_start3A_696 = tpu.memref_slice %arg2[%dma_start3A_694, %dma_start3A_695] : memref<100000x32xf32, #tpu.memory_space<hbm>> -> memref<100000x32xf32, #tpu.memory_space<hbm>>
      tpu.enqueue_indirect_dma source(%dma_start3A_696 : memref<100000x32xf32, #tpu.memory_space<hbm>>) target(%arg27 : memref<128x32xf32, #tpu.memory_space<vmem>>) offsets(%arg25 : memref<128xi32, #tpu.memory_space<vmem>>) semaphore(%arg29 : memref<!tpu.dma_semaphore, #tpu.memory_space<semaphore_mem>>)
      %dma_wait3A_697 = arith.constant 0 : i32
      %dma_wait3A_698 = arith.constant 0 : i32
      %dma_wait3A_699 = tpu.memref_slice %arg2[%dma_wait3A_697, %dma_wait3A_698] : memref<100000x32xf32, #tpu.memory_space<hbm>> -> memref<100000x32xf32, #tpu.memory_space<hbm>>
      tpu.wait_indirect_dma semaphore(%arg13 : memref<!tpu.dma_semaphore, #tpu.memory_space<semaphore_mem>>) src(%dma_wait3A_699 : memref<100000x32xf32, #tpu.memory_space<hbm>>) dst(%arg10 : memref<128x32xf32, #tpu.memory_space<vmem>>)
      %dma_wait3A_700 = arith.constant 0 : i32
      %dma_wait3A_701 = arith.constant 0 : i32
      %dma_wait3A_702 = tpu.memref_slice %arg2[%dma_wait3A_700, %dma_wait3A_701] : memref<100000x32xf32, #tpu.memory_space<hbm>> -> memref<100000x32xf32, #tpu.memory_space<hbm>>
      tpu.wait_indirect_dma semaphore(%arg13 : memref<!tpu.dma_semaphore, #tpu.memory_space<semaphore_mem>>) src(%dma_wait3A_702 : memref<100000x32xf32, #tpu.memory_space<hbm>>) dst(%arg11 : memref<128x32xf32, #tpu.memory_space<vmem>>)
      %get3A_703 = arith.constant 0 : index
      %get3A_704 = tpu.vector_load %arg7[%get3A_703] {strides = array<i32>} : memref<128xi32, #tpu.memory_space<vmem>>, vector<16xi32>,
      %get3A_705 = vector.shape_cast %get3A_704 : vector<16xi32> to vector<16xi32>
      %swap3A_706 = arith.constant 0 : index
      %swap3A_707 = tpu.vector_load %arg8[%swap3A_706] {strides = array<i32>} : memref<128xi32, #tpu.memory_space<vmem>>, vector<16xi32>,
      %swap3A_708 = vector.shape_cast %swap3A_707 : vector<16xi32> to vector<16xi32>
      %swap3A_709 = vector.shape_cast %get3A_705 : vector<16xi32> to vector<16xi32>
      tpu.vector_store %arg8[%swap3A_706], %swap3A_709 {strides = array<i32>} : memref<128xi32, #tpu.memory_space<vmem>>, vector<16xi32>,
      %get3A_710 = arith.constant 16 : index
      %get3A_711 = tpu.vector_load %arg7[%get3A_710] {strides = array<i32>} : memref<128xi32, #tpu.memory_space<vmem>>, vector<16xi32>,
      %get3A_712 = vector.shape_cast %get3A_711 : vector<16xi32> to vector<16xi32>
      %swap3A_713 = arith.constant 16 : index
      %swap3A_714 = tpu.vector_load %arg8[%swap3A_713] {strides = array<i32>} : memref<128xi32, #tpu.memory_space<vmem>>, vector<16xi32>,
      %swap3A_715 = vector.shape_cast %swap3A_714 : vector<16xi32> to vector<16xi32>
      %swap3A_716 = vector.shape_cast %get3A_712 : vector<16xi32> to vector<16xi32>
      tpu.vector_store %arg8[%swap3A_713], %swap3A_716 {strides = array<i32>} : memref<128xi32, #tpu.memory_space<vmem>>, vector<16xi32>,
      %get3A_717 = arith.constant 32 : index
      %get3A_718 = tpu.vector_load %arg7[%get3A_717] {strides = array<i32>} : memref<128xi32, #tpu.memory_space<vmem>>, vector<16xi32>,
      %get3A_719 = vector.shape_cast %get3A_718 : vector<16xi32> to vector<16xi32>
      %swap3A_720 = arith.constant 32 : index
      %swap3A_721 = tpu.vector_load %arg8[%swap3A_720] {strides = array<i32>} : memref<128xi32, #tpu.memory_space<vmem>>, vector<16xi32>,
      %swap3A_722 = vector.shape_cast %swap3A_721 : vector<16xi32> to vector<16xi32>
      %swap3A_723 = vector.shape_cast %get3A_719 : vector<16xi32> to vector<16xi32>
      tpu.vector_store %arg8[%swap3A_720], %swap3A_723 {strides = array<i32>} : memref<128xi32, #tpu.memory_space<vmem>>, vector<16xi32>,
      %get3A_724 = arith.constant 48 : index
      %get3A_725 = tpu.vector_load %arg7[%get3A_724] {strides = array<i32>} : memref<128xi32, #tpu.memory_space<vmem>>, vector<16xi32>,
      %get3A_726 = vector.shape_cast %get3A_725 : vector<16xi32> to vector<16xi32>
      %swap3A_727 = arith.constant 48 : index
      %swap3A_728 = tpu.vector_load %arg8[%swap3A_727] {strides = array<i32>} : memref<128xi32, #tpu.memory_space<vmem>>, vector<16xi32>,
      %swap3A_729 = vector.shape_cast %swap3A_728 : vector<16xi32> to vector<16xi32>
      %swap3A_730 = vector.shape_cast %get3A_726 : vector<16xi32> to vector<16xi32>
      tpu.vector_store %arg8[%swap3A_727], %swap3A_730 {strides = array<i32>} : memref<128xi32, #tpu.memory_space<vmem>>, vector<16xi32>,
      %get3A_731 = arith.constant 64 : index
      %get3A_732 = tpu.vector_load %arg7[%get3A_731] {strides = array<i32>} : memref<128xi32, #tpu.memory_space<vmem>>, vector<16xi32>,
      %get3A_733 = vector.shape_cast %get3A_732 : vector<16xi32> to vector<16xi32>
      %swap3A_734 = arith.constant 64 : index
      %swap3A_735 = tpu.vector_load %arg8[%swap3A_734] {strides = array<i32>} : memref<128xi32, #tpu.memory_space<vmem>>, vector<16xi32>,
      %swap3A_736 = vector.shape_cast %swap3A_735 : vector<16xi32> to vector<16xi32>
      %swap3A_737 = vector.shape_cast %get3A_733 : vector<16xi32> to vector<16xi32>
      tpu.vector_store %arg8[%swap3A_734], %swap3A_737 {strides = array<i32>} : memref<128xi32, #tpu.memory_space<vmem>>, vector<16xi32>,
      %get3A_738 = arith.constant 80 : index
      %get3A_739 = tpu.vector_load %arg7[%get3A_738] {strides = array<i32>} : memref<128xi32, #tpu.memory_space<vmem>>, vector<16xi32>,
      %get3A_740 = vector.shape_cast %get3A_739 : vector<16xi32> to vector<16xi32>
      %swap3A_741 = arith.constant 80 : index
      %swap3A_742 = tpu.vector_load %arg8[%swap3A_741] {strides = array<i32>} : memref<128xi32, #tpu.memory_space<vmem>>, vector<16xi32>,
      %swap3A_743 = vector.shape_cast %swap3A_742 : vector<16xi32> to vector<16xi32>
      %swap3A_744 = vector.shape_cast %get3A_740 : vector<16xi32> to vector<16xi32>
      tpu.vector_store %arg8[%swap3A_741], %swap3A_744 {strides = array<i32>} : memref<128xi32, #tpu.memory_space<vmem>>, vector<16xi32>,
      %get3A_745 = arith.constant 96 : index
      %get3A_746 = tpu.vector_load %arg7[%get3A_745] {strides = array<i32>} : memref<128xi32, #tpu.memory_space<vmem>>, vector<16xi32>,
      %get3A_747 = vector.shape_cast %get3A_746 : vector<16xi32> to vector<16xi32>
      %swap3A_748 = arith.constant 96 : index
      %swap3A_749 = tpu.vector_load %arg8[%swap3A_748] {strides = array<i32>} : memref<128xi32, #tpu.memory_space<vmem>>, vector<16xi32>,
      %swap3A_750 = vector.shape_cast %swap3A_749 : vector<16xi32> to vector<16xi32>
      %swap3A_751 = vector.shape_cast %get3A_747 : vector<16xi32> to vector<16xi32>
      tpu.vector_store %arg8[%swap3A_748], %swap3A_751 {strides = array<i32>} : memref<128xi32, #tpu.memory_space<vmem>>, vector<16xi32>,
      %get3A_752 = arith.constant 112 : index
      %get3A_753 = tpu.vector_load %arg7[%get3A_752] {strides = array<i32>} : memref<128xi32, #tpu.memory_space<vmem>>, vector<16xi32>,
      %get3A_754 = vector.shape_cast %get3A_753 : vector<16xi32> to vector<16xi32>
      %swap3A_755 = arith.constant 112 : index
      %swap3A_756 = tpu.vector_load %arg8[%swap3A_755] {strides = array<i32>} : memref<128xi32, #tpu.memory_space<vmem>>, vector<16xi32>,
      %swap3A_757 = vector.shape_cast %swap3A_756 : vector<16xi32> to vector<16xi32>
      %swap3A_758 = vector.shape_cast %get3A_754 : vector<16xi32> to vector<16xi32>
      tpu.vector_store %arg8[%swap3A_755], %swap3A_758 {strides = array<i32>} : memref<128xi32, #tpu.memory_space<vmem>>, vector<16xi32>,
      %parallel_loop3A_759 = arith.constant 0 : i32
      %parallel_loop3A_760 = arith.constant 128 : i32
      %parallel_loop3A_761 = arith.constant 1 : i32
      scf.for %parallel_loop3A_916 = %parallel_loop3A_759 to %parallel_loop3A_760 step %parallel_loop3A_761  : i32 {
        %parallel_loop3A_917 = arith.index_cast %parallel_loop3A_916 : i32 to index
        %parallel_loop3A_918 = arith.constant 0 : index
        %parallel_loop3A_919 = tpu.vector_load %arg10[%parallel_loop3A_917, %parallel_loop3A_918] {strides = array<i32>} : memref<128x32xf32, #tpu.memory_space<vmem>>, vector<1x16xf32>,
        %parallel_loop3A_920 = vector.shape_cast %parallel_loop3A_919 : vector<1x16xf32> to vector<16xf32>
        %parallel_loop3A_921 = arith.index_cast %parallel_loop3A_916 : i32 to index
        %parallel_loop3A_922 = arith.constant 0 : index
        %parallel_loop3A_923 = tpu.vector_load %arg11[%parallel_loop3A_921, %parallel_loop3A_922] {strides = array<i32>} : memref<128x32xf32, #tpu.memory_space<vmem>>, vector<1x16xf32>,
        %parallel_loop3A_924 = vector.shape_cast %parallel_loop3A_923 : vector<1x16xf32> to vector<16xf32>
        %parallel_loop3A_925 = arith.subf %parallel_loop3A_920, %parallel_loop3A_924 : vector<16xf32>
        %parallel_loop3A_926 = math.absf %parallel_loop3A_925 : vector<16xf32>
        %parallel_loop3A_927 = arith.index_cast %parallel_loop3A_916 : i32 to index
        %parallel_loop3A_928 = arith.constant 0 : index
        %parallel_loop3A_929 = tpu.vector_load %arg10[%parallel_loop3A_927, %parallel_loop3A_928] {strides = array<i32>} : memref<128x32xf32, #tpu.memory_space<vmem>>, vector<1x16xf32>,
        %parallel_loop3A_930 = vector.shape_cast %parallel_loop3A_929 : vector<1x16xf32> to vector<16xf32>
        %parallel_loop3A_931 = vector.shape_cast %parallel_loop3A_926 : vector<16xf32> to vector<1x16xf32>
        tpu.vector_store %arg10[%parallel_loop3A_927, %parallel_loop3A_928], %parallel_loop3A_931 {strides = array<i32>} : memref<128x32xf32, #tpu.memory_space<vmem>>, vector<1x16xf32>,
        %parallel_loop3A_932 = arith.index_cast %parallel_loop3A_916 : i32 to index
        %parallel_loop3A_933 = arith.constant 16 : index
        %parallel_loop3A_934 = tpu.vector_load %arg10[%parallel_loop3A_932, %parallel_loop3A_933] {strides = array<i32>} : memref<128x32xf32, #tpu.memory_space<vmem>>, vector<1x16xf32>,
        %parallel_loop3A_935 = vector.shape_cast %parallel_loop3A_934 : vector<1x16xf32> to vector<16xf32>
        %parallel_loop3A_936 = arith.index_cast %parallel_loop3A_916 : i32 to index
        %parallel_loop3A_937 = arith.constant 16 : index
        %parallel_loop3A_938 = tpu.vector_load %arg11[%parallel_loop3A_936, %parallel_loop3A_937] {strides = array<i32>} : memref<128x32xf32, #tpu.memory_space<vmem>>, vector<1x16xf32>,
        %parallel_loop3A_939 = vector.shape_cast %parallel_loop3A_938 : vector<1x16xf32> to vector<16xf32>
        %parallel_loop3A_940 = arith.subf %parallel_loop3A_935, %parallel_loop3A_939 : vector<16xf32>
        %parallel_loop3A_941 = math.absf %parallel_loop3A_940 : vector<16xf32>
        %parallel_loop3A_942 = arith.index_cast %parallel_loop3A_916 : i32 to index
        %parallel_loop3A_943 = arith.constant 16 : index
        %parallel_loop3A_944 = tpu.vector_load %arg10[%parallel_loop3A_942, %parallel_loop3A_943] {strides = array<i32>} : memref<128x32xf32, #tpu.memory_space<vmem>>, vector<1x16xf32>,
        %parallel_loop3A_945 = vector.shape_cast %parallel_loop3A_944 : vector<1x16xf32> to vector<16xf32>
        %parallel_loop3A_946 = vector.shape_cast %parallel_loop3A_941 : vector<16xf32> to vector<1x16xf32>
        tpu.vector_store %arg10[%parallel_loop3A_942, %parallel_loop3A_943], %parallel_loop3A_946 {strides = array<i32>} : memref<128x32xf32, #tpu.memory_space<vmem>>, vector<1x16xf32>,
      } {sc.loop_unroll_factor = 4 : i64, sc.parallel_access}
      %dma_start3A_762 = arith.constant 0 : i32
      %dma_start3A_763 = arith.constant 0 : i32
      %dma_start3A_764 = tpu.memref_slice %arg34[%dma_start3A_762, %dma_start3A_763] : memref<50000x32xf32, #tpu.memory_space<vmem_shared>> -> memref<50000x32xf32, #tpu.memory_space<vmem_shared>>
      tpu.enqueue_indirect_dma source(%arg10 : memref<128x32xf32, #tpu.memory_space<vmem>>) target(%dma_start3A_764 : memref<50000x32xf32, #tpu.memory_space<vmem_shared>>) offsets(%arg8 : memref<128xi32, #tpu.memory_space<vmem>>) semaphore(%arg14 : memref<!tpu.dma_semaphore, #tpu.memory_space<semaphore_mem>>) {add = true}
      %lt3A_765 = arith.constant 129 : i32
      %lt3A_766 = arith.cmpi slt, %scan3A_208, %lt3A_765 : i32
      %convert_element_type3A_767 = arith.extui %lt3A_766 : i1 to i32
      %cond3A_768 = arith.constant 0 : i32
      %cond3A_769 = arith.cmpi ne, %convert_element_type3A_767, %cond3A_768 : i32
      scf.if %cond3A_769 {
        %add3A_916 = arith.constant 1 : i32
        %add3A_917 = arith.addi %scan3A_208, %add3A_916 : i32
        %mul3A_918 = arith.constant 3 : i32
        %mul3A_919 = arith.muli %add3A_917, %mul3A_918 : i32
        %add3A_920 = arith.constant 0 : i32
        %add3A_921 = arith.addi %mul3A_919, %add3A_920 : i32
        %mul3A_922 = arith.constant 50000 : i32
        %mul3A_923 = arith.muli %arg1, %mul3A_922 : i32
        %mul3A_924 = arith.constant 128 : i32
        %mul3A_925 = arith.muli %add3A_921, %mul3A_924 : i32
        %add3A_926 = arith.addi %mul3A_923, %mul3A_925 : i32
        %dma_start3A_927 = tpu.memref_slice %arg3[%add3A_926] : memref<800000xi32, #tpu.memory_space<hbm>> -> memref<128xi32, #tpu.memory_space<hbm>>
        %dma_start3A_928 = tpu.memref_slice %arg3[%add3A_926] : memref<800000xi32, #tpu.memory_space<hbm>> -> memref<128xi32, #tpu.memory_space<hbm>>
        tpu.enqueue_dma source(%dma_start3A_928 : memref<128xi32, #tpu.memory_space<hbm>>) target(%arg7 : memref<128xi32, #tpu.memory_space<vmem>>) target_semaphore(%arg12 : memref<!tpu.dma_semaphore, #tpu.memory_space<semaphore_mem>>)
        %dma_start3A_929 = tpu.memref_slice %arg4[%add3A_926] : memref<800000xi32, #tpu.memory_space<hbm>> -> memref<128xi32, #tpu.memory_space<hbm>>
        %dma_start3A_930 = tpu.memref_slice %arg4[%add3A_926] : memref<800000xi32, #tpu.memory_space<hbm>> -> memref<128xi32, #tpu.memory_space<hbm>>
        tpu.enqueue_dma source(%dma_start3A_930 : memref<128xi32, #tpu.memory_space<hbm>>) target(%arg9 : memref<128xi32, #tpu.memory_space<vmem>>) target_semaphore(%arg12 : memref<!tpu.dma_semaphore, #tpu.memory_space<semaphore_mem>>)
      } else {
      }
      %dma_wait3A_770 = arith.constant 0 : i32
      %dma_wait3A_771 = arith.constant 0 : i32
      %dma_wait3A_772 = tpu.memref_slice %arg2[%dma_wait3A_770, %dma_wait3A_771] : memref<100000x32xf32, #tpu.memory_space<hbm>> -> memref<100000x32xf32, #tpu.memory_space<hbm>>
      tpu.wait_indirect_dma semaphore(%arg21 : memref<!tpu.dma_semaphore, #tpu.memory_space<semaphore_mem>>) src(%dma_wait3A_772 : memref<100000x32xf32, #tpu.memory_space<hbm>>) dst(%arg18 : memref<128x32xf32, #tpu.memory_space<vmem>>)
      %dma_wait3A_773 = arith.constant 0 : i32
      %dma_wait3A_774 = arith.constant 0 : i32
      %dma_wait3A_775 = tpu.memref_slice %arg2[%dma_wait3A_773, %dma_wait3A_774] : memref<100000x32xf32, #tpu.memory_space<hbm>> -> memref<100000x32xf32, #tpu.memory_space<hbm>>
      tpu.wait_indirect_dma semaphore(%arg21 : memref<!tpu.dma_semaphore, #tpu.memory_space<semaphore_mem>>) src(%dma_wait3A_775 : memref<100000x32xf32, #tpu.memory_space<hbm>>) dst(%arg19 : memref<128x32xf32, #tpu.memory_space<vmem>>)
      %get3A_776 = arith.constant 0 : index
      %get3A_777 = tpu.vector_load %arg15[%get3A_776] {strides = array<i32>} : memref<128xi32, #tpu.memory_space<vmem>>, vector<16xi32>,
      %get3A_778 = vector.shape_cast %get3A_777 : vector<16xi32> to vector<16xi32>
      %swap3A_779 = arith.constant 0 : index
      %swap3A_780 = tpu.vector_load %arg16[%swap3A_779] {strides = array<i32>} : memref<128xi32, #tpu.memory_space<vmem>>, vector<16xi32>,
      %swap3A_781 = vector.shape_cast %swap3A_780 : vector<16xi32> to vector<16xi32>
      %swap3A_782 = vector.shape_cast %get3A_778 : vector<16xi32> to vector<16xi32>
      tpu.vector_store %arg16[%swap3A_779], %swap3A_782 {strides = array<i32>} : memref<128xi32, #tpu.memory_space<vmem>>, vector<16xi32>,
      %get3A_783 = arith.constant 16 : index
      %get3A_784 = tpu.vector_load %arg15[%get3A_783] {strides = array<i32>} : memref<128xi32, #tpu.memory_space<vmem>>, vector<16xi32>,
      %get3A_785 = vector.shape_cast %get3A_784 : vector<16xi32> to vector<16xi32>
      %swap3A_786 = arith.constant 16 : index
      %swap3A_787 = tpu.vector_load %arg16[%swap3A_786] {strides = array<i32>} : memref<128xi32, #tpu.memory_space<vmem>>, vector<16xi32>,
      %swap3A_788 = vector.shape_cast %swap3A_787 : vector<16xi32> to vector<16xi32>
      %swap3A_789 = vector.shape_cast %get3A_785 : vector<16xi32> to vector<16xi32>
      tpu.vector_store %arg16[%swap3A_786], %swap3A_789 {strides = array<i32>} : memref<128xi32, #tpu.memory_space<vmem>>, vector<16xi32>,
      %get3A_790 = arith.constant 32 : index
      %get3A_791 = tpu.vector_load %arg15[%get3A_790] {strides = array<i32>} : memref<128xi32, #tpu.memory_space<vmem>>, vector<16xi32>,
      %get3A_792 = vector.shape_cast %get3A_791 : vector<16xi32> to vector<16xi32>
      %swap3A_793 = arith.constant 32 : index
      %swap3A_794 = tpu.vector_load %arg16[%swap3A_793] {strides = array<i32>} : memref<128xi32, #tpu.memory_space<vmem>>, vector<16xi32>,
      %swap3A_795 = vector.shape_cast %swap3A_794 : vector<16xi32> to vector<16xi32>
      %swap3A_796 = vector.shape_cast %get3A_792 : vector<16xi32> to vector<16xi32>
      tpu.vector_store %arg16[%swap3A_793], %swap3A_796 {strides = array<i32>} : memref<128xi32, #tpu.memory_space<vmem>>, vector<16xi32>,
      %get3A_797 = arith.constant 48 : index
      %get3A_798 = tpu.vector_load %arg15[%get3A_797] {strides = array<i32>} : memref<128xi32, #tpu.memory_space<vmem>>, vector<16xi32>,
      %get3A_799 = vector.shape_cast %get3A_798 : vector<16xi32> to vector<16xi32>
      %swap3A_800 = arith.constant 48 : index
      %swap3A_801 = tpu.vector_load %arg16[%swap3A_800] {strides = array<i32>} : memref<128xi32, #tpu.memory_space<vmem>>, vector<16xi32>,
      %swap3A_802 = vector.shape_cast %swap3A_801 : vector<16xi32> to vector<16xi32>
      %swap3A_803 = vector.shape_cast %get3A_799 : vector<16xi32> to vector<16xi32>
      tpu.vector_store %arg16[%swap3A_800], %swap3A_803 {strides = array<i32>} : memref<128xi32, #tpu.memory_space<vmem>>, vector<16xi32>,
      %get3A_804 = arith.constant 64 : index
      %get3A_805 = tpu.vector_load %arg15[%get3A_804] {strides = array<i32>} : memref<128xi32, #tpu.memory_space<vmem>>, vector<16xi32>,
      %get3A_806 = vector.shape_cast %get3A_805 : vector<16xi32> to vector<16xi32>
      %swap3A_807 = arith.constant 64 : index
      %swap3A_808 = tpu.vector_load %arg16[%swap3A_807] {strides = array<i32>} : memref<128xi32, #tpu.memory_space<vmem>>, vector<16xi32>,
      %swap3A_809 = vector.shape_cast %swap3A_808 : vector<16xi32> to vector<16xi32>
      %swap3A_810 = vector.shape_cast %get3A_806 : vector<16xi32> to vector<16xi32>
      tpu.vector_store %arg16[%swap3A_807], %swap3A_810 {strides = array<i32>} : memref<128xi32, #tpu.memory_space<vmem>>, vector<16xi32>,
      %get3A_811 = arith.constant 80 : index
      %get3A_812 = tpu.vector_load %arg15[%get3A_811] {strides = array<i32>} : memref<128xi32, #tpu.memory_space<vmem>>, vector<16xi32>,
      %get3A_813 = vector.shape_cast %get3A_812 : vector<16xi32> to vector<16xi32>
      %swap3A_814 = arith.constant 80 : index
      %swap3A_815 = tpu.vector_load %arg16[%swap3A_814] {strides = array<i32>} : memref<128xi32, #tpu.memory_space<vmem>>, vector<16xi32>,
      %swap3A_816 = vector.shape_cast %swap3A_815 : vector<16xi32> to vector<16xi32>
      %swap3A_817 = vector.shape_cast %get3A_813 : vector<16xi32> to vector<16xi32>
      tpu.vector_store %arg16[%swap3A_814], %swap3A_817 {strides = array<i32>} : memref<128xi32, #tpu.memory_space<vmem>>, vector<16xi32>,
      %get3A_818 = arith.constant 96 : index
      %get3A_819 = tpu.vector_load %arg15[%get3A_818] {strides = array<i32>} : memref<128xi32, #tpu.memory_space<vmem>>, vector<16xi32>,
      %get3A_820 = vector.shape_cast %get3A_819 : vector<16xi32> to vector<16xi32>
      %swap3A_821 = arith.constant 96 : index
      %swap3A_822 = tpu.vector_load %arg16[%swap3A_821] {strides = array<i32>} : memref<128xi32, #tpu.memory_space<vmem>>, vector<16xi32>,
      %swap3A_823 = vector.shape_cast %swap3A_822 : vector<16xi32> to vector<16xi32>
      %swap3A_824 = vector.shape_cast %get3A_820 : vector<16xi32> to vector<16xi32>
      tpu.vector_store %arg16[%swap3A_821], %swap3A_824 {strides = array<i32>} : memref<128xi32, #tpu.memory_space<vmem>>, vector<16xi32>,
      %get3A_825 = arith.constant 112 : index
      %get3A_826 = tpu.vector_load %arg15[%get3A_825] {strides = array<i32>} : memref<128xi32, #tpu.memory_space<vmem>>, vector<16xi32>,
      %get3A_827 = vector.shape_cast %get3A_826 : vector<16xi32> to vector<16xi32>
      %swap3A_828 = arith.constant 112 : index
      %swap3A_829 = tpu.vector_load %arg16[%swap3A_828] {strides = array<i32>} : memref<128xi32, #tpu.memory_space<vmem>>, vector<16xi32>,
      %swap3A_830 = vector.shape_cast %swap3A_829 : vector<16xi32> to vector<16xi32>
      %swap3A_831 = vector.shape_cast %get3A_827 : vector<16xi32> to vector<16xi32>
      tpu.vector_store %arg16[%swap3A_828], %swap3A_831 {strides = array<i32>} : memref<128xi32, #tpu.memory_space<vmem>>, vector<16xi32>,
      %parallel_loop3A_832 = arith.constant 0 : i32
      %parallel_loop3A_833 = arith.constant 128 : i32
      %parallel_loop3A_834 = arith.constant 1 : i32
      scf.for %parallel_loop3A_916 = %parallel_loop3A_832 to %parallel_loop3A_833 step %parallel_loop3A_834  : i32 {
        %parallel_loop3A_917 = arith.index_cast %parallel_loop3A_916 : i32 to index
        %parallel_loop3A_918 = arith.constant 0 : index
        %parallel_loop3A_919 = tpu.vector_load %arg18[%parallel_loop3A_917, %parallel_loop3A_918] {strides = array<i32>} : memref<128x32xf32, #tpu.memory_space<vmem>>, vector<1x16xf32>,
        %parallel_loop3A_920 = vector.shape_cast %parallel_loop3A_919 : vector<1x16xf32> to vector<16xf32>
        %parallel_loop3A_921 = arith.index_cast %parallel_loop3A_916 : i32 to index
        %parallel_loop3A_922 = arith.constant 0 : index
        %parallel_loop3A_923 = tpu.vector_load %arg19[%parallel_loop3A_921, %parallel_loop3A_922] {strides = array<i32>} : memref<128x32xf32, #tpu.memory_space<vmem>>, vector<1x16xf32>,
        %parallel_loop3A_924 = vector.shape_cast %parallel_loop3A_923 : vector<1x16xf32> to vector<16xf32>
        %parallel_loop3A_925 = arith.subf %parallel_loop3A_920, %parallel_loop3A_924 : vector<16xf32>
        %parallel_loop3A_926 = math.absf %parallel_loop3A_925 : vector<16xf32>
        %parallel_loop3A_927 = arith.index_cast %parallel_loop3A_916 : i32 to index
        %parallel_loop3A_928 = arith.constant 0 : index
        %parallel_loop3A_929 = tpu.vector_load %arg18[%parallel_loop3A_927, %parallel_loop3A_928] {strides = array<i32>} : memref<128x32xf32, #tpu.memory_space<vmem>>, vector<1x16xf32>,
        %parallel_loop3A_930 = vector.shape_cast %parallel_loop3A_929 : vector<1x16xf32> to vector<16xf32>
        %parallel_loop3A_931 = vector.shape_cast %parallel_loop3A_926 : vector<16xf32> to vector<1x16xf32>
        tpu.vector_store %arg18[%parallel_loop3A_927, %parallel_loop3A_928], %parallel_loop3A_931 {strides = array<i32>} : memref<128x32xf32, #tpu.memory_space<vmem>>, vector<1x16xf32>,
        %parallel_loop3A_932 = arith.index_cast %parallel_loop3A_916 : i32 to index
        %parallel_loop3A_933 = arith.constant 16 : index
        %parallel_loop3A_934 = tpu.vector_load %arg18[%parallel_loop3A_932, %parallel_loop3A_933] {strides = array<i32>} : memref<128x32xf32, #tpu.memory_space<vmem>>, vector<1x16xf32>,
        %parallel_loop3A_935 = vector.shape_cast %parallel_loop3A_934 : vector<1x16xf32> to vector<16xf32>
        %parallel_loop3A_936 = arith.index_cast %parallel_loop3A_916 : i32 to index
        %parallel_loop3A_937 = arith.constant 16 : index
        %parallel_loop3A_938 = tpu.vector_load %arg19[%parallel_loop3A_936, %parallel_loop3A_937] {strides = array<i32>} : memref<128x32xf32, #tpu.memory_space<vmem>>, vector<1x16xf32>,
        %parallel_loop3A_939 = vector.shape_cast %parallel_loop3A_938 : vector<1x16xf32> to vector<16xf32>
        %parallel_loop3A_940 = arith.subf %parallel_loop3A_935, %parallel_loop3A_939 : vector<16xf32>
        %parallel_loop3A_941 = math.absf %parallel_loop3A_940 : vector<16xf32>
        %parallel_loop3A_942 = arith.index_cast %parallel_loop3A_916 : i32 to index
        %parallel_loop3A_943 = arith.constant 16 : index
        %parallel_loop3A_944 = tpu.vector_load %arg18[%parallel_loop3A_942, %parallel_loop3A_943] {strides = array<i32>} : memref<128x32xf32, #tpu.memory_space<vmem>>, vector<1x16xf32>,
        %parallel_loop3A_945 = vector.shape_cast %parallel_loop3A_944 : vector<1x16xf32> to vector<16xf32>
        %parallel_loop3A_946 = vector.shape_cast %parallel_loop3A_941 : vector<16xf32> to vector<1x16xf32>
        tpu.vector_store %arg18[%parallel_loop3A_942, %parallel_loop3A_943], %parallel_loop3A_946 {strides = array<i32>} : memref<128x32xf32, #tpu.memory_space<vmem>>, vector<1x16xf32>,
      } {sc.loop_unroll_factor = 4 : i64, sc.parallel_access}
      %dma_start3A_835 = arith.constant 0 : i32
      %dma_start3A_836 = arith.constant 0 : i32
      %dma_start3A_837 = tpu.memref_slice %arg34[%dma_start3A_835, %dma_start3A_836] : memref<50000x32xf32, #tpu.memory_space<vmem_shared>> -> memref<50000x32xf32, #tpu.memory_space<vmem_shared>>
      tpu.enqueue_indirect_dma source(%arg18 : memref<128x32xf32, #tpu.memory_space<vmem>>) target(%dma_start3A_837 : memref<50000x32xf32, #tpu.memory_space<vmem_shared>>) offsets(%arg16 : memref<128xi32, #tpu.memory_space<vmem>>) semaphore(%arg22 : memref<!tpu.dma_semaphore, #tpu.memory_space<semaphore_mem>>) {add = true}
      %lt3A_838 = arith.constant 129 : i32
      %lt3A_839 = arith.cmpi slt, %scan3A_208, %lt3A_838 : i32
      %convert_element_type3A_840 = arith.extui %lt3A_839 : i1 to i32
      %cond3A_841 = arith.constant 0 : i32
      %cond3A_842 = arith.cmpi ne, %convert_element_type3A_840, %cond3A_841 : i32
      scf.if %cond3A_842 {
        %add3A_916 = arith.constant 1 : i32
        %add3A_917 = arith.addi %scan3A_208, %add3A_916 : i32
        %mul3A_918 = arith.constant 3 : i32
        %mul3A_919 = arith.muli %add3A_917, %mul3A_918 : i32
        %add3A_920 = arith.constant 1 : i32
        %add3A_921 = arith.addi %mul3A_919, %add3A_920 : i32
        %mul3A_922 = arith.constant 50000 : i32
        %mul3A_923 = arith.muli %arg1, %mul3A_922 : i32
        %mul3A_924 = arith.constant 128 : i32
        %mul3A_925 = arith.muli %add3A_921, %mul3A_924 : i32
        %add3A_926 = arith.addi %mul3A_923, %mul3A_925 : i32
        %dma_start3A_927 = tpu.memref_slice %arg3[%add3A_926] : memref<800000xi32, #tpu.memory_space<hbm>> -> memref<128xi32, #tpu.memory_space<hbm>>
        %dma_start3A_928 = tpu.memref_slice %arg3[%add3A_926] : memref<800000xi32, #tpu.memory_space<hbm>> -> memref<128xi32, #tpu.memory_space<hbm>>
        tpu.enqueue_dma source(%dma_start3A_928 : memref<128xi32, #tpu.memory_space<hbm>>) target(%arg15 : memref<128xi32, #tpu.memory_space<vmem>>) target_semaphore(%arg20 : memref<!tpu.dma_semaphore, #tpu.memory_space<semaphore_mem>>)
        %dma_start3A_929 = tpu.memref_slice %arg4[%add3A_926] : memref<800000xi32, #tpu.memory_space<hbm>> -> memref<128xi32, #tpu.memory_space<hbm>>
        %dma_start3A_930 = tpu.memref_slice %arg4[%add3A_926] : memref<800000xi32, #tpu.memory_space<hbm>> -> memref<128xi32, #tpu.memory_space<hbm>>
        tpu.enqueue_dma source(%dma_start3A_930 : memref<128xi32, #tpu.memory_space<hbm>>) target(%arg17 : memref<128xi32, #tpu.memory_space<vmem>>) target_semaphore(%arg20 : memref<!tpu.dma_semaphore, #tpu.memory_space<semaphore_mem>>)
      } else {
      }
      %dma_wait3A_843 = arith.constant 0 : i32
      %dma_wait3A_844 = arith.constant 0 : i32
      %dma_wait3A_845 = tpu.memref_slice %arg2[%dma_wait3A_843, %dma_wait3A_844] : memref<100000x32xf32, #tpu.memory_space<hbm>> -> memref<100000x32xf32, #tpu.memory_space<hbm>>
      tpu.wait_indirect_dma semaphore(%arg29 : memref<!tpu.dma_semaphore, #tpu.memory_space<semaphore_mem>>) src(%dma_wait3A_845 : memref<100000x32xf32, #tpu.memory_space<hbm>>) dst(%arg26 : memref<128x32xf32, #tpu.memory_space<vmem>>)
      %dma_wait3A_846 = arith.constant 0 : i32
      %dma_wait3A_847 = arith.constant 0 : i32
      %dma_wait3A_848 = tpu.memref_slice %arg2[%dma_wait3A_846, %dma_wait3A_847] : memref<100000x32xf32, #tpu.memory_space<hbm>> -> memref<100000x32xf32, #tpu.memory_space<hbm>>
      tpu.wait_indirect_dma semaphore(%arg29 : memref<!tpu.dma_semaphore, #tpu.memory_space<semaphore_mem>>) src(%dma_wait3A_848 : memref<100000x32xf32, #tpu.memory_space<hbm>>) dst(%arg27 : memref<128x32xf32, #tpu.memory_space<vmem>>)
      %get3A_849 = arith.constant 0 : index
      %get3A_850 = tpu.vector_load %arg23[%get3A_849] {strides = array<i32>} : memref<128xi32, #tpu.memory_space<vmem>>, vector<16xi32>,
      %get3A_851 = vector.shape_cast %get3A_850 : vector<16xi32> to vector<16xi32>
      %swap3A_852 = arith.constant 0 : index
      %swap3A_853 = tpu.vector_load %arg24[%swap3A_852] {strides = array<i32>} : memref<128xi32, #tpu.memory_space<vmem>>, vector<16xi32>,
      %swap3A_854 = vector.shape_cast %swap3A_853 : vector<16xi32> to vector<16xi32>
      %swap3A_855 = vector.shape_cast %get3A_851 : vector<16xi32> to vector<16xi32>
      tpu.vector_store %arg24[%swap3A_852], %swap3A_855 {strides = array<i32>} : memref<128xi32, #tpu.memory_space<vmem>>, vector<16xi32>,
      %get3A_856 = arith.constant 16 : index
      %get3A_857 = tpu.vector_load %arg23[%get3A_856] {strides = array<i32>} : memref<128xi32, #tpu.memory_space<vmem>>, vector<16xi32>,
      %get3A_858 = vector.shape_cast %get3A_857 : vector<16xi32> to vector<16xi32>
      %swap3A_859 = arith.constant 16 : index
      %swap3A_860 = tpu.vector_load %arg24[%swap3A_859] {strides = array<i32>} : memref<128xi32, #tpu.memory_space<vmem>>, vector<16xi32>,
      %swap3A_861 = vector.shape_cast %swap3A_860 : vector<16xi32> to vector<16xi32>
      %swap3A_862 = vector.shape_cast %get3A_858 : vector<16xi32> to vector<16xi32>
      tpu.vector_store %arg24[%swap3A_859], %swap3A_862 {strides = array<i32>} : memref<128xi32, #tpu.memory_space<vmem>>, vector<16xi32>,
      %get3A_863 = arith.constant 32 : index
      %get3A_864 = tpu.vector_load %arg23[%get3A_863] {strides = array<i32>} : memref<128xi32, #tpu.memory_space<vmem>>, vector<16xi32>,
      %get3A_865 = vector.shape_cast %get3A_864 : vector<16xi32> to vector<16xi32>
      %swap3A_866 = arith.constant 32 : index
      %swap3A_867 = tpu.vector_load %arg24[%swap3A_866] {strides = array<i32>} : memref<128xi32, #tpu.memory_space<vmem>>, vector<16xi32>,
      %swap3A_868 = vector.shape_cast %swap3A_867 : vector<16xi32> to vector<16xi32>
      %swap3A_869 = vector.shape_cast %get3A_865 : vector<16xi32> to vector<16xi32>
      tpu.vector_store %arg24[%swap3A_866], %swap3A_869 {strides = array<i32>} : memref<128xi32, #tpu.memory_space<vmem>>, vector<16xi32>,
      %get3A_870 = arith.constant 48 : index
      %get3A_871 = tpu.vector_load %arg23[%get3A_870] {strides = array<i32>} : memref<128xi32, #tpu.memory_space<vmem>>, vector<16xi32>,
      %get3A_872 = vector.shape_cast %get3A_871 : vector<16xi32> to vector<16xi32>
      %swap3A_873 = arith.constant 48 : index
      %swap3A_874 = tpu.vector_load %arg24[%swap3A_873] {strides = array<i32>} : memref<128xi32, #tpu.memory_space<vmem>>, vector<16xi32>,
      %swap3A_875 = vector.shape_cast %swap3A_874 : vector<16xi32> to vector<16xi32>
      %swap3A_876 = vector.shape_cast %get3A_872 : vector<16xi32> to vector<16xi32>
      tpu.vector_store %arg24[%swap3A_873], %swap3A_876 {strides = array<i32>} : memref<128xi32, #tpu.memory_space<vmem>>, vector<16xi32>,
      %get3A_877 = arith.constant 64 : index
      %get3A_878 = tpu.vector_load %arg23[%get3A_877] {strides = array<i32>} : memref<128xi32, #tpu.memory_space<vmem>>, vector<16xi32>,
      %get3A_879 = vector.shape_cast %get3A_878 : vector<16xi32> to vector<16xi32>
      %swap3A_880 = arith.constant 64 : index
      %swap3A_881 = tpu.vector_load %arg24[%swap3A_880] {strides = array<i32>} : memref<128xi32, #tpu.memory_space<vmem>>, vector<16xi32>,
      %swap3A_882 = vector.shape_cast %swap3A_881 : vector<16xi32> to vector<16xi32>
      %swap3A_883 = vector.shape_cast %get3A_879 : vector<16xi32> to vector<16xi32>
      tpu.vector_store %arg24[%swap3A_880], %swap3A_883 {strides = array<i32>} : memref<128xi32, #tpu.memory_space<vmem>>, vector<16xi32>,
      %get3A_884 = arith.constant 80 : index
      %get3A_885 = tpu.vector_load %arg23[%get3A_884] {strides = array<i32>} : memref<128xi32, #tpu.memory_space<vmem>>, vector<16xi32>,
      %get3A_886 = vector.shape_cast %get3A_885 : vector<16xi32> to vector<16xi32>
      %swap3A_887 = arith.constant 80 : index
      %swap3A_888 = tpu.vector_load %arg24[%swap3A_887] {strides = array<i32>} : memref<128xi32, #tpu.memory_space<vmem>>, vector<16xi32>,
      %swap3A_889 = vector.shape_cast %swap3A_888 : vector<16xi32> to vector<16xi32>
      %swap3A_890 = vector.shape_cast %get3A_886 : vector<16xi32> to vector<16xi32>
      tpu.vector_store %arg24[%swap3A_887], %swap3A_890 {strides = array<i32>} : memref<128xi32, #tpu.memory_space<vmem>>, vector<16xi32>,
      %get3A_891 = arith.constant 96 : index
      %get3A_892 = tpu.vector_load %arg23[%get3A_891] {strides = array<i32>} : memref<128xi32, #tpu.memory_space<vmem>>, vector<16xi32>,
      %get3A_893 = vector.shape_cast %get3A_892 : vector<16xi32> to vector<16xi32>
      %swap3A_894 = arith.constant 96 : index
      %swap3A_895 = tpu.vector_load %arg24[%swap3A_894] {strides = array<i32>} : memref<128xi32, #tpu.memory_space<vmem>>, vector<16xi32>,
      %swap3A_896 = vector.shape_cast %swap3A_895 : vector<16xi32> to vector<16xi32>
      %swap3A_897 = vector.shape_cast %get3A_893 : vector<16xi32> to vector<16xi32>
      tpu.vector_store %arg24[%swap3A_894], %swap3A_897 {strides = array<i32>} : memref<128xi32, #tpu.memory_space<vmem>>, vector<16xi32>,
      %get3A_898 = arith.constant 112 : index
      %get3A_899 = tpu.vector_load %arg23[%get3A_898] {strides = array<i32>} : memref<128xi32, #tpu.memory_space<vmem>>, vector<16xi32>,
      %get3A_900 = vector.shape_cast %get3A_899 : vector<16xi32> to vector<16xi32>
      %swap3A_901 = arith.constant 112 : index
      %swap3A_902 = tpu.vector_load %arg24[%swap3A_901] {strides = array<i32>} : memref<128xi32, #tpu.memory_space<vmem>>, vector<16xi32>,
      %swap3A_903 = vector.shape_cast %swap3A_902 : vector<16xi32> to vector<16xi32>
      %swap3A_904 = vector.shape_cast %get3A_900 : vector<16xi32> to vector<16xi32>
      tpu.vector_store %arg24[%swap3A_901], %swap3A_904 {strides = array<i32>} : memref<128xi32, #tpu.memory_space<vmem>>, vector<16xi32>,
      %parallel_loop3A_905 = arith.constant 0 : i32
      %parallel_loop3A_906 = arith.constant 128 : i32
      %parallel_loop3A_907 = arith.constant 1 : i32
      scf.for %parallel_loop3A_916 = %parallel_loop3A_905 to %parallel_loop3A_906 step %parallel_loop3A_907  : i32 {
        %parallel_loop3A_917 = arith.index_cast %parallel_loop3A_916 : i32 to index
        %parallel_loop3A_918 = arith.constant 0 : index
        %parallel_loop3A_919 = tpu.vector_load %arg26[%parallel_loop3A_917, %parallel_loop3A_918] {strides = array<i32>} : memref<128x32xf32, #tpu.memory_space<vmem>>, vector<1x16xf32>,
        %parallel_loop3A_920 = vector.shape_cast %parallel_loop3A_919 : vector<1x16xf32> to vector<16xf32>
        %parallel_loop3A_921 = arith.index_cast %parallel_loop3A_916 : i32 to index
        %parallel_loop3A_922 = arith.constant 0 : index
        %parallel_loop3A_923 = tpu.vector_load %arg27[%parallel_loop3A_921, %parallel_loop3A_922] {strides = array<i32>} : memref<128x32xf32, #tpu.memory_space<vmem>>, vector<1x16xf32>,
        %parallel_loop3A_924 = vector.shape_cast %parallel_loop3A_923 : vector<1x16xf32> to vector<16xf32>
        %parallel_loop3A_925 = arith.subf %parallel_loop3A_920, %parallel_loop3A_924 : vector<16xf32>
        %parallel_loop3A_926 = math.absf %parallel_loop3A_925 : vector<16xf32>
        %parallel_loop3A_927 = arith.index_cast %parallel_loop3A_916 : i32 to index
        %parallel_loop3A_928 = arith.constant 0 : index
        %parallel_loop3A_929 = tpu.vector_load %arg26[%parallel_loop3A_927, %parallel_loop3A_928] {strides = array<i32>} : memref<128x32xf32, #tpu.memory_space<vmem>>, vector<1x16xf32>,
        %parallel_loop3A_930 = vector.shape_cast %parallel_loop3A_929 : vector<1x16xf32> to vector<16xf32>
        %parallel_loop3A_931 = vector.shape_cast %parallel_loop3A_926 : vector<16xf32> to vector<1x16xf32>
        tpu.vector_store %arg26[%parallel_loop3A_927, %parallel_loop3A_928], %parallel_loop3A_931 {strides = array<i32>} : memref<128x32xf32, #tpu.memory_space<vmem>>, vector<1x16xf32>,
        %parallel_loop3A_932 = arith.index_cast %parallel_loop3A_916 : i32 to index
        %parallel_loop3A_933 = arith.constant 16 : index
        %parallel_loop3A_934 = tpu.vector_load %arg26[%parallel_loop3A_932, %parallel_loop3A_933] {strides = array<i32>} : memref<128x32xf32, #tpu.memory_space<vmem>>, vector<1x16xf32>,
        %parallel_loop3A_935 = vector.shape_cast %parallel_loop3A_934 : vector<1x16xf32> to vector<16xf32>
        %parallel_loop3A_936 = arith.index_cast %parallel_loop3A_916 : i32 to index
        %parallel_loop3A_937 = arith.constant 16 : index
        %parallel_loop3A_938 = tpu.vector_load %arg27[%parallel_loop3A_936, %parallel_loop3A_937] {strides = array<i32>} : memref<128x32xf32, #tpu.memory_space<vmem>>, vector<1x16xf32>,
        %parallel_loop3A_939 = vector.shape_cast %parallel_loop3A_938 : vector<1x16xf32> to vector<16xf32>
        %parallel_loop3A_940 = arith.subf %parallel_loop3A_935, %parallel_loop3A_939 : vector<16xf32>
        %parallel_loop3A_941 = math.absf %parallel_loop3A_940 : vector<16xf32>
        %parallel_loop3A_942 = arith.index_cast %parallel_loop3A_916 : i32 to index
        %parallel_loop3A_943 = arith.constant 16 : index
        %parallel_loop3A_944 = tpu.vector_load %arg26[%parallel_loop3A_942, %parallel_loop3A_943] {strides = array<i32>} : memref<128x32xf32, #tpu.memory_space<vmem>>, vector<1x16xf32>,
        %parallel_loop3A_945 = vector.shape_cast %parallel_loop3A_944 : vector<1x16xf32> to vector<16xf32>
        %parallel_loop3A_946 = vector.shape_cast %parallel_loop3A_941 : vector<16xf32> to vector<1x16xf32>
        tpu.vector_store %arg26[%parallel_loop3A_942, %parallel_loop3A_943], %parallel_loop3A_946 {strides = array<i32>} : memref<128x32xf32, #tpu.memory_space<vmem>>, vector<1x16xf32>,
      } {sc.loop_unroll_factor = 4 : i64, sc.parallel_access}
      %dma_start3A_908 = arith.constant 0 : i32
      %dma_start3A_909 = arith.constant 0 : i32
      %dma_start3A_910 = tpu.memref_slice %arg34[%dma_start3A_908, %dma_start3A_909] : memref<50000x32xf32, #tpu.memory_space<vmem_shared>> -> memref<50000x32xf32, #tpu.memory_space<vmem_shared>>
      tpu.enqueue_indirect_dma source(%arg26 : memref<128x32xf32, #tpu.memory_space<vmem>>) target(%dma_start3A_910 : memref<50000x32xf32, #tpu.memory_space<vmem_shared>>) offsets(%arg24 : memref<128xi32, #tpu.memory_space<vmem>>) semaphore(%arg30 : memref<!tpu.dma_semaphore, #tpu.memory_space<semaphore_mem>>) {add = true}
      %lt3A_911 = arith.constant 129 : i32
      %lt3A_912 = arith.cmpi slt, %scan3A_208, %lt3A_911 : i32
      %convert_element_type3A_913 = arith.extui %lt3A_912 : i1 to i32
      %cond3A_914 = arith.constant 0 : i32
      %cond3A_915 = arith.cmpi ne, %convert_element_type3A_913, %cond3A_914 : i32
      scf.if %cond3A_915 {
        %add3A_916 = arith.constant 1 : i32
        %add3A_917 = arith.addi %scan3A_208, %add3A_916 : i32
        %mul3A_918 = arith.constant 3 : i32
        %mul3A_919 = arith.muli %add3A_917, %mul3A_918 : i32
        %add3A_920 = arith.constant 2 : i32
        %add3A_921 = arith.addi %mul3A_919, %add3A_920 : i32
        %mul3A_922 = arith.constant 50000 : i32
        %mul3A_923 = arith.muli %arg1, %mul3A_922 : i32
        %mul3A_924 = arith.constant 128 : i32
        %mul3A_925 = arith.muli %add3A_921, %mul3A_924 : i32
        %add3A_926 = arith.addi %mul3A_923, %mul3A_925 : i32
        %dma_start3A_927 = tpu.memref_slice %arg3[%add3A_926] : memref<800000xi32, #tpu.memory_space<hbm>> -> memref<128xi32, #tpu.memory_space<hbm>>
        %dma_start3A_928 = tpu.memref_slice %arg3[%add3A_926] : memref<800000xi32, #tpu.memory_space<hbm>> -> memref<128xi32, #tpu.memory_space<hbm>>
        tpu.enqueue_dma source(%dma_start3A_928 : memref<128xi32, #tpu.memory_space<hbm>>) target(%arg23 : memref<128xi32, #tpu.memory_space<vmem>>) target_semaphore(%arg28 : memref<!tpu.dma_semaphore, #tpu.memory_space<semaphore_mem>>)
        %dma_start3A_929 = tpu.memref_slice %arg4[%add3A_926] : memref<800000xi32, #tpu.memory_space<hbm>> -> memref<128xi32, #tpu.memory_space<hbm>>
        %dma_start3A_930 = tpu.memref_slice %arg4[%add3A_926] : memref<800000xi32, #tpu.memory_space<hbm>> -> memref<128xi32, #tpu.memory_space<hbm>>
        tpu.enqueue_dma source(%dma_start3A_930 : memref<128xi32, #tpu.memory_space<hbm>>) target(%arg25 : memref<128xi32, #tpu.memory_space<vmem>>) target_semaphore(%arg28 : memref<!tpu.dma_semaphore, #tpu.memory_space<semaphore_mem>>)
      } else {
      }
    }
    %scan3A_35 = arith.constant 130 : i32
    %dma_wait3A = arith.constant 0 : i32
    %dma_wait3A_36 = arith.constant 0 : i32
    %dma_wait3A_37 = tpu.memref_slice %arg34[%dma_wait3A, %dma_wait3A_36] : memref<50000x32xf32, #tpu.memory_space<vmem_shared>> -> memref<50000x32xf32, #tpu.memory_space<vmem_shared>>
    tpu.wait_indirect_dma semaphore(%arg14 : memref<!tpu.dma_semaphore, #tpu.memory_space<semaphore_mem>>) src(%arg10 : memref<128x32xf32, #tpu.memory_space<vmem>>) dst(%dma_wait3A_37 : memref<50000x32xf32, #tpu.memory_space<vmem_shared>>)
    %dma_wait3A_38 = arith.constant 0 : i32
    %dma_wait3A_39 = arith.constant 0 : i32
    %dma_wait3A_40 = tpu.memref_slice %arg34[%dma_wait3A_38, %dma_wait3A_39] : memref<50000x32xf32, #tpu.memory_space<vmem_shared>> -> memref<50000x32xf32, #tpu.memory_space<vmem_shared>>
    tpu.wait_indirect_dma semaphore(%arg22 : memref<!tpu.dma_semaphore, #tpu.memory_space<semaphore_mem>>) src(%arg18 : memref<128x32xf32, #tpu.memory_space<vmem>>) dst(%dma_wait3A_40 : memref<50000x32xf32, #tpu.memory_space<vmem_shared>>)
    %dma_wait3A_41 = arith.constant 0 : i32
    %dma_wait3A_42 = arith.constant 0 : i32
    %dma_wait3A_43 = tpu.memref_slice %arg34[%dma_wait3A_41, %dma_wait3A_42] : memref<50000x32xf32, #tpu.memory_space<vmem_shared>> -> memref<50000x32xf32, #tpu.memory_space<vmem_shared>>
    tpu.wait_indirect_dma semaphore(%arg30 : memref<!tpu.dma_semaphore, #tpu.memory_space<semaphore_mem>>) src(%arg26 : memref<128x32xf32, #tpu.memory_space<vmem>>) dst(%dma_wait3A_43 : memref<50000x32xf32, #tpu.memory_space<vmem_shared>>)
    %mul3A_44 = arith.constant 50000 : i32
    %mul3A_45 = arith.muli %arg1, %mul3A_44 : i32
    %add3A_46 = arith.constant 49920 : i32
    %add3A_47 = arith.addi %mul3A_45, %add3A_46 : i32
    "tpu.region"() ({
      %run_scoped3A = tpu.sem_alloc : memref<!tpu.dma_semaphore, #tpu.memory_space<semaphore_mem>>
      %dma_start3A_208 = tpu.memref_slice %arg3[%add3A_47] : memref<800000xi32, #tpu.memory_space<hbm>> -> memref<80xi32, #tpu.memory_space<hbm>>
      %dma_start3A_209 = tpu.memref_slice %arg3[%add3A_47] : memref<800000xi32, #tpu.memory_space<hbm>> -> memref<80xi32, #tpu.memory_space<hbm>>
      tpu.enqueue_dma source(%dma_start3A_209 : memref<80xi32, #tpu.memory_space<hbm>>) target(%arg31 : memref<80xi32, #tpu.memory_space<vmem>>) target_semaphore(%run_scoped3A : memref<!tpu.dma_semaphore, #tpu.memory_space<semaphore_mem>>)
      %dma_wait3A_210 = tpu.memref_slice %arg3[%add3A_47] : memref<800000xi32, #tpu.memory_space<hbm>> -> memref<80xi32, #tpu.memory_space<hbm>>
      %dma_wait3A_211 = tpu.memref_slice %arg3[%add3A_47] : memref<800000xi32, #tpu.memory_space<hbm>> -> memref<80xi32, #tpu.memory_space<hbm>>
      tpu.wait_dma2 semaphore(%run_scoped3A : memref<!tpu.dma_semaphore, #tpu.memory_space<semaphore_mem>>) src(%dma_wait3A_211 : memref<80xi32, #tpu.memory_space<hbm>>) dst(%arg31 : memref<80xi32, #tpu.memory_space<vmem>>)
      tpu.yield
    }) : () -> ()
    "tpu.region"() ({
      %run_scoped3A = tpu.sem_alloc : memref<!tpu.dma_semaphore, #tpu.memory_space<semaphore_mem>>
      %dma_start3A_208 = tpu.memref_slice %arg4[%add3A_47] : memref<800000xi32, #tpu.memory_space<hbm>> -> memref<80xi32, #tpu.memory_space<hbm>>
      %dma_start3A_209 = tpu.memref_slice %arg4[%add3A_47] : memref<800000xi32, #tpu.memory_space<hbm>> -> memref<80xi32, #tpu.memory_space<hbm>>
      tpu.enqueue_dma source(%dma_start3A_209 : memref<80xi32, #tpu.memory_space<hbm>>) target(%arg33 : memref<80xi32, #tpu.memory_space<vmem>>) target_semaphore(%run_scoped3A : memref<!tpu.dma_semaphore, #tpu.memory_space<semaphore_mem>>)
      %dma_wait3A_210 = tpu.memref_slice %arg4[%add3A_47] : memref<800000xi32, #tpu.memory_space<hbm>> -> memref<80xi32, #tpu.memory_space<hbm>>
      %dma_wait3A_211 = tpu.memref_slice %arg4[%add3A_47] : memref<800000xi32, #tpu.memory_space<hbm>> -> memref<80xi32, #tpu.memory_space<hbm>>
      tpu.wait_dma2 semaphore(%run_scoped3A : memref<!tpu.dma_semaphore, #tpu.memory_space<semaphore_mem>>) src(%dma_wait3A_211 : memref<80xi32, #tpu.memory_space<hbm>>) dst(%arg33 : memref<80xi32, #tpu.memory_space<vmem>>)
      tpu.yield
    }) : () -> ()
    %get3A = arith.constant 0 : index
    %get3A_48 = tpu.vector_load %arg31[%get3A] {strides = array<i32>} : memref<80xi32, #tpu.memory_space<vmem>>, vector<16xi32>,
    %get3A_49 = vector.shape_cast %get3A_48 : vector<16xi32> to vector<16xi32>
    %add3A_50 = vector.broadcast %mul3A_0 : i32 to vector<16xi32>
    %add3A_51 = arith.addi %get3A_49, %add3A_50 : vector<16xi32>
    %swap3A = arith.constant 0 : index
    %swap3A_52 = tpu.vector_load %arg32[%swap3A] {strides = array<i32>} : memref<80xi32, #tpu.memory_space<vmem>>, vector<16xi32>,
    %swap3A_53 = vector.shape_cast %swap3A_52 : vector<16xi32> to vector<16xi32>
    %swap3A_54 = vector.shape_cast %add3A_51 : vector<16xi32> to vector<16xi32>
    tpu.vector_store %arg32[%swap3A], %swap3A_54 {strides = array<i32>} : memref<80xi32, #tpu.memory_space<vmem>>, vector<16xi32>,
    %get3A_55 = arith.constant 0 : index
    %get3A_56 = tpu.vector_load %arg33[%get3A_55] {strides = array<i32>} : memref<80xi32, #tpu.memory_space<vmem>>, vector<16xi32>,
    %get3A_57 = vector.shape_cast %get3A_56 : vector<16xi32> to vector<16xi32>
    %add3A_58 = vector.broadcast %mul3A_0 : i32 to vector<16xi32>
    %add3A_59 = arith.addi %get3A_57, %add3A_58 : vector<16xi32>
    %swap3A_60 = arith.constant 0 : index
    %swap3A_61 = tpu.vector_load %arg33[%swap3A_60] {strides = array<i32>} : memref<80xi32, #tpu.memory_space<vmem>>, vector<16xi32>,
    %swap3A_62 = vector.shape_cast %swap3A_61 : vector<16xi32> to vector<16xi32>
    %swap3A_63 = vector.shape_cast %add3A_59 : vector<16xi32> to vector<16xi32>
    tpu.vector_store %arg33[%swap3A_60], %swap3A_63 {strides = array<i32>} : memref<80xi32, #tpu.memory_space<vmem>>, vector<16xi32>,
    %get3A_64 = arith.constant 16 : index
    %get3A_65 = tpu.vector_load %arg31[%get3A_64] {strides = array<i32>} : memref<80xi32, #tpu.memory_space<vmem>>, vector<16xi32>,
    %get3A_66 = vector.shape_cast %get3A_65 : vector<16xi32> to vector<16xi32>
    %add3A_67 = vector.broadcast %mul3A_0 : i32 to vector<16xi32>
    %add3A_68 = arith.addi %get3A_66, %add3A_67 : vector<16xi32>
    %swap3A_69 = arith.constant 16 : index
    %swap3A_70 = tpu.vector_load %arg32[%swap3A_69] {strides = array<i32>} : memref<80xi32, #tpu.memory_space<vmem>>, vector<16xi32>,
    %swap3A_71 = vector.shape_cast %swap3A_70 : vector<16xi32> to vector<16xi32>
    %swap3A_72 = vector.shape_cast %add3A_68 : vector<16xi32> to vector<16xi32>
    tpu.vector_store %arg32[%swap3A_69], %swap3A_72 {strides = array<i32>} : memref<80xi32, #tpu.memory_space<vmem>>, vector<16xi32>,
    %get3A_73 = arith.constant 16 : index
    %get3A_74 = tpu.vector_load %arg33[%get3A_73] {strides = array<i32>} : memref<80xi32, #tpu.memory_space<vmem>>, vector<16xi32>,
    %get3A_75 = vector.shape_cast %get3A_74 : vector<16xi32> to vector<16xi32>
    %add3A_76 = vector.broadcast %mul3A_0 : i32 to vector<16xi32>
    %add3A_77 = arith.addi %get3A_75, %add3A_76 : vector<16xi32>
    %swap3A_78 = arith.constant 16 : index
    %swap3A_79 = tpu.vector_load %arg33[%swap3A_78] {strides = array<i32>} : memref<80xi32, #tpu.memory_space<vmem>>, vector<16xi32>,
    %swap3A_80 = vector.shape_cast %swap3A_79 : vector<16xi32> to vector<16xi32>
    %swap3A_81 = vector.shape_cast %add3A_77 : vector<16xi32> to vector<16xi32>
    tpu.vector_store %arg33[%swap3A_78], %swap3A_81 {strides = array<i32>} : memref<80xi32, #tpu.memory_space<vmem>>, vector<16xi32>,
    %get3A_82 = arith.constant 32 : index
    %get3A_83 = tpu.vector_load %arg31[%get3A_82] {strides = array<i32>} : memref<80xi32, #tpu.memory_space<vmem>>, vector<16xi32>,
    %get3A_84 = vector.shape_cast %get3A_83 : vector<16xi32> to vector<16xi32>
    %add3A_85 = vector.broadcast %mul3A_0 : i32 to vector<16xi32>
    %add3A_86 = arith.addi %get3A_84, %add3A_85 : vector<16xi32>
    %swap3A_87 = arith.constant 32 : index
    %swap3A_88 = tpu.vector_load %arg32[%swap3A_87] {strides = array<i32>} : memref<80xi32, #tpu.memory_space<vmem>>, vector<16xi32>,
    %swap3A_89 = vector.shape_cast %swap3A_88 : vector<16xi32> to vector<16xi32>
    %swap3A_90 = vector.shape_cast %add3A_86 : vector<16xi32> to vector<16xi32>
    tpu.vector_store %arg32[%swap3A_87], %swap3A_90 {strides = array<i32>} : memref<80xi32, #tpu.memory_space<vmem>>, vector<16xi32>,
    %get3A_91 = arith.constant 32 : index
    %get3A_92 = tpu.vector_load %arg33[%get3A_91] {strides = array<i32>} : memref<80xi32, #tpu.memory_space<vmem>>, vector<16xi32>,
    %get3A_93 = vector.shape_cast %get3A_92 : vector<16xi32> to vector<16xi32>
    %add3A_94 = vector.broadcast %mul3A_0 : i32 to vector<16xi32>
    %add3A_95 = arith.addi %get3A_93, %add3A_94 : vector<16xi32>
    %swap3A_96 = arith.constant 32 : index
    %swap3A_97 = tpu.vector_load %arg33[%swap3A_96] {strides = array<i32>} : memref<80xi32, #tpu.memory_space<vmem>>, vector<16xi32>,
    %swap3A_98 = vector.shape_cast %swap3A_97 : vector<16xi32> to vector<16xi32>
    %swap3A_99 = vector.shape_cast %add3A_95 : vector<16xi32> to vector<16xi32>
    tpu.vector_store %arg33[%swap3A_96], %swap3A_99 {strides = array<i32>} : memref<80xi32, #tpu.memory_space<vmem>>, vector<16xi32>,
    %get3A_100 = arith.constant 48 : index
    %get3A_101 = tpu.vector_load %arg31[%get3A_100] {strides = array<i32>} : memref<80xi32, #tpu.memory_space<vmem>>, vector<16xi32>,
    %get3A_102 = vector.shape_cast %get3A_101 : vector<16xi32> to vector<16xi32>
    %add3A_103 = vector.broadcast %mul3A_0 : i32 to vector<16xi32>
    %add3A_104 = arith.addi %get3A_102, %add3A_103 : vector<16xi32>
    %swap3A_105 = arith.constant 48 : index
    %swap3A_106 = tpu.vector_load %arg32[%swap3A_105] {strides = array<i32>} : memref<80xi32, #tpu.memory_space<vmem>>, vector<16xi32>,
    %swap3A_107 = vector.shape_cast %swap3A_106 : vector<16xi32> to vector<16xi32>
    %swap3A_108 = vector.shape_cast %add3A_104 : vector<16xi32> to vector<16xi32>
    tpu.vector_store %arg32[%swap3A_105], %swap3A_108 {strides = array<i32>} : memref<80xi32, #tpu.memory_space<vmem>>, vector<16xi32>,
    %get3A_109 = arith.constant 48 : index
    %get3A_110 = tpu.vector_load %arg33[%get3A_109] {strides = array<i32>} : memref<80xi32, #tpu.memory_space<vmem>>, vector<16xi32>,
    %get3A_111 = vector.shape_cast %get3A_110 : vector<16xi32> to vector<16xi32>
    %add3A_112 = vector.broadcast %mul3A_0 : i32 to vector<16xi32>
    %add3A_113 = arith.addi %get3A_111, %add3A_112 : vector<16xi32>
    %swap3A_114 = arith.constant 48 : index
    %swap3A_115 = tpu.vector_load %arg33[%swap3A_114] {strides = array<i32>} : memref<80xi32, #tpu.memory_space<vmem>>, vector<16xi32>,
    %swap3A_116 = vector.shape_cast %swap3A_115 : vector<16xi32> to vector<16xi32>
    %swap3A_117 = vector.shape_cast %add3A_113 : vector<16xi32> to vector<16xi32>
    tpu.vector_store %arg33[%swap3A_114], %swap3A_117 {strides = array<i32>} : memref<80xi32, #tpu.memory_space<vmem>>, vector<16xi32>,
    %get3A_118 = arith.constant 64 : index
    %get3A_119 = tpu.vector_load %arg31[%get3A_118] {strides = array<i32>} : memref<80xi32, #tpu.memory_space<vmem>>, vector<16xi32>,
    %get3A_120 = vector.shape_cast %get3A_119 : vector<16xi32> to vector<16xi32>
    %add3A_121 = vector.broadcast %mul3A_0 : i32 to vector<16xi32>
    %add3A_122 = arith.addi %get3A_120, %add3A_121 : vector<16xi32>
    %swap3A_123 = arith.constant 64 : index
    %swap3A_124 = tpu.vector_load %arg32[%swap3A_123] {strides = array<i32>} : memref<80xi32, #tpu.memory_space<vmem>>, vector<16xi32>,
    %swap3A_125 = vector.shape_cast %swap3A_124 : vector<16xi32> to vector<16xi32>
    %swap3A_126 = vector.shape_cast %add3A_122 : vector<16xi32> to vector<16xi32>
    tpu.vector_store %arg32[%swap3A_123], %swap3A_126 {strides = array<i32>} : memref<80xi32, #tpu.memory_space<vmem>>, vector<16xi32>,
    %get3A_127 = arith.constant 64 : index
    %get3A_128 = tpu.vector_load %arg33[%get3A_127] {strides = array<i32>} : memref<80xi32, #tpu.memory_space<vmem>>, vector<16xi32>,
    %get3A_129 = vector.shape_cast %get3A_128 : vector<16xi32> to vector<16xi32>
    %add3A_130 = vector.broadcast %mul3A_0 : i32 to vector<16xi32>
    %add3A_131 = arith.addi %get3A_129, %add3A_130 : vector<16xi32>
    %swap3A_132 = arith.constant 64 : index
    %swap3A_133 = tpu.vector_load %arg33[%swap3A_132] {strides = array<i32>} : memref<80xi32, #tpu.memory_space<vmem>>, vector<16xi32>,
    %swap3A_134 = vector.shape_cast %swap3A_133 : vector<16xi32> to vector<16xi32>
    %swap3A_135 = vector.shape_cast %add3A_131 : vector<16xi32> to vector<16xi32>
    tpu.vector_store %arg33[%swap3A_132], %swap3A_135 {strides = array<i32>} : memref<80xi32, #tpu.memory_space<vmem>>, vector<16xi32>,
    %dma_start3A_136 = arith.constant 0 : i32
    %dma_start3A_137 = arith.constant 0 : i32
    %dma_start3A_138 = tpu.memref_slice %arg10[%dma_start3A_136, %dma_start3A_137] : memref<128x32xf32, #tpu.memory_space<vmem>> -> memref<80x32xf32, #tpu.memory_space<vmem>>
    %dma_start3A_139 = arith.constant 0 : i32
    %dma_start3A_140 = arith.constant 0 : i32
    %dma_start3A_141 = tpu.memref_slice %arg2[%dma_start3A_139, %dma_start3A_140] : memref<100000x32xf32, #tpu.memory_space<hbm>> -> memref<100000x32xf32, #tpu.memory_space<hbm>>
    tpu.enqueue_indirect_dma source(%dma_start3A_141 : memref<100000x32xf32, #tpu.memory_space<hbm>>) target(%dma_start3A_138 : memref<80x32xf32, #tpu.memory_space<vmem>>) offsets(%arg32 : memref<80xi32, #tpu.memory_space<vmem>>) semaphore(%arg13 : memref<!tpu.dma_semaphore, #tpu.memory_space<semaphore_mem>>)
    %dma_start3A_142 = arith.constant 0 : i32
    %dma_start3A_143 = arith.constant 0 : i32
    %dma_start3A_144 = tpu.memref_slice %arg11[%dma_start3A_142, %dma_start3A_143] : memref<128x32xf32, #tpu.memory_space<vmem>> -> memref<80x32xf32, #tpu.memory_space<vmem>>
    %dma_start3A_145 = arith.constant 0 : i32
    %dma_start3A_146 = arith.constant 0 : i32
    %dma_start3A_147 = tpu.memref_slice %arg2[%dma_start3A_145, %dma_start3A_146] : memref<100000x32xf32, #tpu.memory_space<hbm>> -> memref<100000x32xf32, #tpu.memory_space<hbm>>
    tpu.enqueue_indirect_dma source(%dma_start3A_147 : memref<100000x32xf32, #tpu.memory_space<hbm>>) target(%dma_start3A_144 : memref<80x32xf32, #tpu.memory_space<vmem>>) offsets(%arg33 : memref<80xi32, #tpu.memory_space<vmem>>) semaphore(%arg13 : memref<!tpu.dma_semaphore, #tpu.memory_space<semaphore_mem>>)
    %dma_wait3A_148 = arith.constant 0 : i32
    %dma_wait3A_149 = arith.constant 0 : i32
    %dma_wait3A_150 = tpu.memref_slice %arg10[%dma_wait3A_148, %dma_wait3A_149] : memref<128x32xf32, #tpu.memory_space<vmem>> -> memref<80x32xf32, #tpu.memory_space<vmem>>
    %dma_wait3A_151 = arith.constant 0 : i32
    %dma_wait3A_152 = arith.constant 0 : i32
    %dma_wait3A_153 = tpu.memref_slice %arg2[%dma_wait3A_151, %dma_wait3A_152] : memref<100000x32xf32, #tpu.memory_space<hbm>> -> memref<100000x32xf32, #tpu.memory_space<hbm>>
    tpu.wait_indirect_dma semaphore(%arg13 : memref<!tpu.dma_semaphore, #tpu.memory_space<semaphore_mem>>) src(%dma_wait3A_153 : memref<100000x32xf32, #tpu.memory_space<hbm>>) dst(%dma_wait3A_150 : memref<80x32xf32, #tpu.memory_space<vmem>>)
    %dma_wait3A_154 = arith.constant 0 : i32
    %dma_wait3A_155 = arith.constant 0 : i32
    %dma_wait3A_156 = tpu.memref_slice %arg11[%dma_wait3A_154, %dma_wait3A_155] : memref<128x32xf32, #tpu.memory_space<vmem>> -> memref<80x32xf32, #tpu.memory_space<vmem>>
    %dma_wait3A_157 = arith.constant 0 : i32
    %dma_wait3A_158 = arith.constant 0 : i32
    %dma_wait3A_159 = tpu.memref_slice %arg2[%dma_wait3A_157, %dma_wait3A_158] : memref<100000x32xf32, #tpu.memory_space<hbm>> -> memref<100000x32xf32, #tpu.memory_space<hbm>>
    tpu.wait_indirect_dma semaphore(%arg13 : memref<!tpu.dma_semaphore, #tpu.memory_space<semaphore_mem>>) src(%dma_wait3A_159 : memref<100000x32xf32, #tpu.memory_space<hbm>>) dst(%dma_wait3A_156 : memref<80x32xf32, #tpu.memory_space<vmem>>)
    %parallel_loop3A = arith.constant 0 : i32
    %parallel_loop3A_160 = arith.constant 80 : i32
    %parallel_loop3A_161 = arith.constant 1 : i32
    scf.for %parallel_loop3A_208 = %parallel_loop3A to %parallel_loop3A_160 step %parallel_loop3A_161  : i32 {
      %parallel_loop3A_209 = arith.index_cast %parallel_loop3A_208 : i32 to index
      %parallel_loop3A_210 = arith.constant 0 : index
      %parallel_loop3A_211 = tpu.vector_load %arg10[%parallel_loop3A_209, %parallel_loop3A_210] {strides = array<i32>} : memref<128x32xf32, #tpu.memory_space<vmem>>, vector<1x16xf32>,
      %parallel_loop3A_212 = vector.shape_cast %parallel_loop3A_211 : vector<1x16xf32> to vector<16xf32>
      %parallel_loop3A_213 = arith.index_cast %parallel_loop3A_208 : i32 to index
      %parallel_loop3A_214 = arith.constant 0 : index
      %parallel_loop3A_215 = tpu.vector_load %arg11[%parallel_loop3A_213, %parallel_loop3A_214] {strides = array<i32>} : memref<128x32xf32, #tpu.memory_space<vmem>>, vector<1x16xf32>,
      %parallel_loop3A_216 = vector.shape_cast %parallel_loop3A_215 : vector<1x16xf32> to vector<16xf32>
      %parallel_loop3A_217 = arith.subf %parallel_loop3A_212, %parallel_loop3A_216 : vector<16xf32>
      %parallel_loop3A_218 = math.absf %parallel_loop3A_217 : vector<16xf32>
      %parallel_loop3A_219 = arith.index_cast %parallel_loop3A_208 : i32 to index
      %parallel_loop3A_220 = arith.constant 0 : index
      %parallel_loop3A_221 = tpu.vector_load %arg10[%parallel_loop3A_219, %parallel_loop3A_220] {strides = array<i32>} : memref<128x32xf32, #tpu.memory_space<vmem>>, vector<1x16xf32>,
      %parallel_loop3A_222 = vector.shape_cast %parallel_loop3A_221 : vector<1x16xf32> to vector<16xf32>
      %parallel_loop3A_223 = vector.shape_cast %parallel_loop3A_218 : vector<16xf32> to vector<1x16xf32>
      tpu.vector_store %arg10[%parallel_loop3A_219, %parallel_loop3A_220], %parallel_loop3A_223 {strides = array<i32>} : memref<128x32xf32, #tpu.memory_space<vmem>>, vector<1x16xf32>,
      %parallel_loop3A_224 = arith.index_cast %parallel_loop3A_208 : i32 to index
      %parallel_loop3A_225 = arith.constant 16 : index
      %parallel_loop3A_226 = tpu.vector_load %arg10[%parallel_loop3A_224, %parallel_loop3A_225] {strides = array<i32>} : memref<128x32xf32, #tpu.memory_space<vmem>>, vector<1x16xf32>,
      %parallel_loop3A_227 = vector.shape_cast %parallel_loop3A_226 : vector<1x16xf32> to vector<16xf32>
      %parallel_loop3A_228 = arith.index_cast %parallel_loop3A_208 : i32 to index
      %parallel_loop3A_229 = arith.constant 16 : index
      %parallel_loop3A_230 = tpu.vector_load %arg11[%parallel_loop3A_228, %parallel_loop3A_229] {strides = array<i32>} : memref<128x32xf32, #tpu.memory_space<vmem>>, vector<1x16xf32>,
      %parallel_loop3A_231 = vector.shape_cast %parallel_loop3A_230 : vector<1x16xf32> to vector<16xf32>
      %parallel_loop3A_232 = arith.subf %parallel_loop3A_227, %parallel_loop3A_231 : vector<16xf32>
      %parallel_loop3A_233 = math.absf %parallel_loop3A_232 : vector<16xf32>
      %parallel_loop3A_234 = arith.index_cast %parallel_loop3A_208 : i32 to index
      %parallel_loop3A_235 = arith.constant 16 : index
      %parallel_loop3A_236 = tpu.vector_load %arg10[%parallel_loop3A_234, %parallel_loop3A_235] {strides = array<i32>} : memref<128x32xf32, #tpu.memory_space<vmem>>, vector<1x16xf32>,
      %parallel_loop3A_237 = vector.shape_cast %parallel_loop3A_236 : vector<1x16xf32> to vector<16xf32>
      %parallel_loop3A_238 = vector.shape_cast %parallel_loop3A_233 : vector<16xf32> to vector<1x16xf32>
      tpu.vector_store %arg10[%parallel_loop3A_234, %parallel_loop3A_235], %parallel_loop3A_238 {strides = array<i32>} : memref<128x32xf32, #tpu.memory_space<vmem>>, vector<1x16xf32>,
    } {sc.loop_unroll_factor = 4 : i64, sc.parallel_access}
    %get3A_162 = arith.constant 0 : index
    %get3A_163 = tpu.vector_load %arg31[%get3A_162] {strides = array<i32>} : memref<80xi32, #tpu.memory_space<vmem>>, vector<16xi32>,
    %get3A_164 = vector.shape_cast %get3A_163 : vector<16xi32> to vector<16xi32>
    %swap3A_165 = arith.constant 0 : index
    %swap3A_166 = tpu.vector_load %arg32[%swap3A_165] {strides = array<i32>} : memref<80xi32, #tpu.memory_space<vmem>>, vector<16xi32>,
    %swap3A_167 = vector.shape_cast %swap3A_166 : vector<16xi32> to vector<16xi32>
    %swap3A_168 = vector.shape_cast %get3A_164 : vector<16xi32> to vector<16xi32>
    tpu.vector_store %arg32[%swap3A_165], %swap3A_168 {strides = array<i32>} : memref<80xi32, #tpu.memory_space<vmem>>, vector<16xi32>,
    %get3A_169 = arith.constant 16 : index
    %get3A_170 = tpu.vector_load %arg31[%get3A_169] {strides = array<i32>} : memref<80xi32, #tpu.memory_space<vmem>>, vector<16xi32>,
    %get3A_171 = vector.shape_cast %get3A_170 : vector<16xi32> to vector<16xi32>
    %swap3A_172 = arith.constant 16 : index
    %swap3A_173 = tpu.vector_load %arg32[%swap3A_172] {strides = array<i32>} : memref<80xi32, #tpu.memory_space<vmem>>, vector<16xi32>,
    %swap3A_174 = vector.shape_cast %swap3A_173 : vector<16xi32> to vector<16xi32>
    %swap3A_175 = vector.shape_cast %get3A_171 : vector<16xi32> to vector<16xi32>
    tpu.vector_store %arg32[%swap3A_172], %swap3A_175 {strides = array<i32>} : memref<80xi32, #tpu.memory_space<vmem>>, vector<16xi32>,
    %get3A_176 = arith.constant 32 : index
    %get3A_177 = tpu.vector_load %arg31[%get3A_176] {strides = array<i32>} : memref<80xi32, #tpu.memory_space<vmem>>, vector<16xi32>,
    %get3A_178 = vector.shape_cast %get3A_177 : vector<16xi32> to vector<16xi32>
    %swap3A_179 = arith.constant 32 : index
    %swap3A_180 = tpu.vector_load %arg32[%swap3A_179] {strides = array<i32>} : memref<80xi32, #tpu.memory_space<vmem>>, vector<16xi32>,
    %swap3A_181 = vector.shape_cast %swap3A_180 : vector<16xi32> to vector<16xi32>
    %swap3A_182 = vector.shape_cast %get3A_178 : vector<16xi32> to vector<16xi32>
    tpu.vector_store %arg32[%swap3A_179], %swap3A_182 {strides = array<i32>} : memref<80xi32, #tpu.memory_space<vmem>>, vector<16xi32>,
    %get3A_183 = arith.constant 48 : index
    %get3A_184 = tpu.vector_load %arg31[%get3A_183] {strides = array<i32>} : memref<80xi32, #tpu.memory_space<vmem>>, vector<16xi32>,
    %get3A_185 = vector.shape_cast %get3A_184 : vector<16xi32> to vector<16xi32>
    %swap3A_186 = arith.constant 48 : index
    %swap3A_187 = tpu.vector_load %arg32[%swap3A_186] {strides = array<i32>} : memref<80xi32, #tpu.memory_space<vmem>>, vector<16xi32>,
    %swap3A_188 = vector.shape_cast %swap3A_187 : vector<16xi32> to vector<16xi32>
    %swap3A_189 = vector.shape_cast %get3A_185 : vector<16xi32> to vector<16xi32>
    tpu.vector_store %arg32[%swap3A_186], %swap3A_189 {strides = array<i32>} : memref<80xi32, #tpu.memory_space<vmem>>, vector<16xi32>,
    %get3A_190 = arith.constant 64 : index
    %get3A_191 = tpu.vector_load %arg31[%get3A_190] {strides = array<i32>} : memref<80xi32, #tpu.memory_space<vmem>>, vector<16xi32>,
    %get3A_192 = vector.shape_cast %get3A_191 : vector<16xi32> to vector<16xi32>
    %swap3A_193 = arith.constant 64 : index
    %swap3A_194 = tpu.vector_load %arg32[%swap3A_193] {strides = array<i32>} : memref<80xi32, #tpu.memory_space<vmem>>, vector<16xi32>,
    %swap3A_195 = vector.shape_cast %swap3A_194 : vector<16xi32> to vector<16xi32>
    %swap3A_196 = vector.shape_cast %get3A_192 : vector<16xi32> to vector<16xi32>
    tpu.vector_store %arg32[%swap3A_193], %swap3A_196 {strides = array<i32>} : memref<80xi32, #tpu.memory_space<vmem>>, vector<16xi32>,
    "tpu.region"() ({
      %run_scoped3A = tpu.sem_alloc : memref<!tpu.dma_semaphore, #tpu.memory_space<semaphore_mem>>
      %dma_start3A_208 = arith.constant 0 : i32
      %dma_start3A_209 = arith.constant 0 : i32
      %dma_start3A_210 = tpu.memref_slice %arg10[%dma_start3A_208, %dma_start3A_209] : memref<128x32xf32, #tpu.memory_space<vmem>> -> memref<80x32xf32, #tpu.memory_space<vmem>>
      %dma_start3A_211 = arith.constant 0 : i32
      %dma_start3A_212 = arith.constant 0 : i32
      %dma_start3A_213 = tpu.memref_slice %arg34[%dma_start3A_211, %dma_start3A_212] : memref<50000x32xf32, #tpu.memory_space<vmem_shared>> -> memref<50000x32xf32, #tpu.memory_space<vmem_shared>>
      tpu.enqueue_indirect_dma source(%dma_start3A_210 : memref<80x32xf32, #tpu.memory_space<vmem>>) target(%dma_start3A_213 : memref<50000x32xf32, #tpu.memory_space<vmem_shared>>) offsets(%arg32 : memref<80xi32, #tpu.memory_space<vmem>>) semaphore(%run_scoped3A : memref<!tpu.dma_semaphore, #tpu.memory_space<semaphore_mem>>) {add = true}
      %dma_wait3A_214 = arith.constant 0 : i32
      %dma_wait3A_215 = arith.constant 0 : i32
      %dma_wait3A_216 = tpu.memref_slice %arg10[%dma_wait3A_214, %dma_wait3A_215] : memref<128x32xf32, #tpu.memory_space<vmem>> -> memref<80x32xf32, #tpu.memory_space<vmem>>
      %dma_wait3A_217 = arith.constant 0 : i32
      %dma_wait3A_218 = arith.constant 0 : i32
      %dma_wait3A_219 = tpu.memref_slice %arg34[%dma_wait3A_217, %dma_wait3A_218] : memref<50000x32xf32, #tpu.memory_space<vmem_shared>> -> memref<50000x32xf32, #tpu.memory_space<vmem_shared>>
      tpu.wait_indirect_dma semaphore(%run_scoped3A : memref<!tpu.dma_semaphore, #tpu.memory_space<semaphore_mem>>) src(%dma_wait3A_216 : memref<80x32xf32, #tpu.memory_space<vmem>>) dst(%dma_wait3A_219 : memref<50000x32xf32, #tpu.memory_space<vmem_shared>>)
      tpu.yield
    }) : () -> ()
    %barrier3A_197 = arith.constant 0 : index
    tpu.barrier barrier_id(%barrier3A_197)
    %lt3A_198 = arith.constant 15 : i32
    %lt3A_199 = arith.cmpi slt, %arg1, %lt3A_198 : i32
    %convert_element_type3A_200 = arith.extui %lt3A_199 : i1 to i32
    %cond3A_201 = arith.constant 0 : i32
    %cond3A_202 = arith.cmpi ne, %convert_element_type3A_200, %cond3A_201 : i32
    scf.if %cond3A_202 {
      %add3A_208 = arith.addi %mul3A_0, %mul3A_2 : i32
      "tpu.region"() ({
        %run_scoped3A = tpu.sem_alloc : memref<!tpu.dma_semaphore, #tpu.memory_space<semaphore_mem>>
        %dma_start3A_209 = arith.constant 0 : i32
        %dma_start3A_210 = tpu.memref_slice %arg6[%add3A_208, %dma_start3A_209] : memref<100000x32xf32, #tpu.memory_space<hbm>> -> memref<3128x32xf32, #tpu.memory_space<hbm>>
        %dma_start3A_211 = arith.constant 0 : i32
        %dma_start3A_212 = tpu.memref_slice %arg34[%mul3A_2, %dma_start3A_211] : memref<50000x32xf32, #tpu.memory_space<vmem_shared>> -> memref<3128x32xf32, #tpu.memory_space<vmem_shared>>
        tpu.enqueue_dma source(%dma_start3A_212 : memref<3128x32xf32, #tpu.memory_space<vmem_shared>>) target(%dma_start3A_210 : memref<3128x32xf32, #tpu.memory_space<hbm>>) target_semaphore(%run_scoped3A : memref<!tpu.dma_semaphore, #tpu.memory_space<semaphore_mem>>)
        %dma_wait3A_213 = arith.constant 0 : i32
        %dma_wait3A_214 = tpu.memref_slice %arg6[%add3A_208, %dma_wait3A_213] : memref<100000x32xf32, #tpu.memory_space<hbm>> -> memref<3128x32xf32, #tpu.memory_space<hbm>>
        %dma_wait3A_215 = arith.constant 0 : i32
        %dma_wait3A_216 = tpu.memref_slice %arg34[%mul3A_2, %dma_wait3A_215] : memref<50000x32xf32, #tpu.memory_space<vmem_shared>> -> memref<3128x32xf32, #tpu.memory_space<vmem_shared>>
        tpu.wait_dma2 semaphore(%run_scoped3A : memref<!tpu.dma_semaphore, #tpu.memory_space<semaphore_mem>>) src(%dma_wait3A_216 : memref<3128x32xf32, #tpu.memory_space<vmem_shared>>) dst(%dma_wait3A_214 : memref<3128x32xf32, #tpu.memory_space<hbm>>)
        tpu.yield
      }) : () -> ()
    } else {
    }
    %eq3A_203 = arith.constant 15 : i32
    %eq3A_204 = arith.cmpi eq, %arg1, %eq3A_203 : i32
    %convert_element_type3A_205 = arith.extui %eq3A_204 : i1 to i32
    %cond3A_206 = arith.constant 0 : i32
    %cond3A_207 = arith.cmpi ne, %convert_element_type3A_205, %cond3A_206 : i32
    scf.if %cond3A_207 {
      %add3A_208 = arith.addi %mul3A_0, %mul3A_2 : i32
      "tpu.region"() ({
        %run_scoped3A = tpu.sem_alloc : memref<!tpu.dma_semaphore, #tpu.memory_space<semaphore_mem>>
        %dma_start3A_209 = arith.constant 0 : i32
        %dma_start3A_210 = tpu.memref_slice %arg6[%add3A_208, %dma_start3A_209] : memref<100000x32xf32, #tpu.memory_space<hbm>> -> memref<3080x32xf32, #tpu.memory_space<hbm>>
        %dma_start3A_211 = arith.constant 0 : i32
        %dma_start3A_212 = tpu.memref_slice %arg34[%mul3A_2, %dma_start3A_211] : memref<50000x32xf32, #tpu.memory_space<vmem_shared>> -> memref<3080x32xf32, #tpu.memory_space<vmem_shared>>
        tpu.enqueue_dma source(%dma_start3A_212 : memref<3080x32xf32, #tpu.memory_space<vmem_shared>>) target(%dma_start3A_210 : memref<3080x32xf32, #tpu.memory_space<hbm>>) target_semaphore(%run_scoped3A : memref<!tpu.dma_semaphore, #tpu.memory_space<semaphore_mem>>)
        %dma_wait3A_213 = arith.constant 0 : i32
        %dma_wait3A_214 = tpu.memref_slice %arg6[%add3A_208, %dma_wait3A_213] : memref<100000x32xf32, #tpu.memory_space<hbm>> -> memref<3080x32xf32, #tpu.memory_space<hbm>>
        %dma_wait3A_215 = arith.constant 0 : i32
        %dma_wait3A_216 = tpu.memref_slice %arg34[%mul3A_2, %dma_wait3A_215] : memref<50000x32xf32, #tpu.memory_space<vmem_shared>> -> memref<3080x32xf32, #tpu.memory_space<vmem_shared>>
        tpu.wait_dma2 semaphore(%run_scoped3A : memref<!tpu.dma_semaphore, #tpu.memory_space<semaphore_mem>>) src(%dma_wait3A_216 : memref<3080x32xf32, #tpu.memory_space<vmem_shared>>) dst(%dma_wait3A_214 : memref<3080x32xf32, #tpu.memory_space<hbm>>)
        tpu.yield
      }) : () -> ()
    } else {
    }
    return
  }
}

#map = affine_map<(d0, d1) -> (0, 0)>
#map1 = affine_map<(d0, d1) -> (0)>
module attributes {stable_mosaic.version = 14 : i64} {
  func.func @body(%arg0: i32, %arg1: i32, %arg2: memref<100000x32xf32, #tpu.memory_space<hbm>>, %arg3: memref<800000xi32, #tpu.memory_space<hbm>>, %arg4: memref<800000xi32, #tpu.memory_space<hbm>>, %arg5: memref<3128x32xf32, #tpu.memory_space<hbm>>, %arg6: memref<100000x32xf32, #tpu.memory_space<hbm>>, %arg7: memref<128xi32, #tpu.memory_space<vmem>>, %arg8: memref<128xi32, #tpu.memory_space<vmem>>, %arg9: memref<128xi32, #tpu.memory_space<vmem>>, %arg10: memref<128x32xf32, #tpu.memory_space<vmem>>, %arg11: memref<128x32xf32, #tpu.memory_space<vmem>>, %arg12: memref<!tpu.dma_semaphore, #tpu.memory_space<semaphore_mem>>, %arg13: memref<!tpu.dma_semaphore, #tpu.memory_space<semaphore_mem>>, %arg14: memref<!tpu.dma_semaphore, #tpu.memory_space<semaphore_mem>>, %arg15: memref<128xi32, #tpu.memory_space<vmem>>, %arg16: memref<128xi32, #tpu.memory_space<vmem>>, %arg17: memref<128xi32, #tpu.memory_space<vmem>>, %arg18: memref<128x32xf32, #tpu.memory_space<vmem>>, %arg19: memref<128x32xf32, #tpu.memory_space<vmem>>, %arg20: memref<!tpu.dma_semaphore, #tpu.memory_space<semaphore_mem>>, %arg21: memref<!tpu.dma_semaphore, #tpu.memory_space<semaphore_mem>>, %arg22: memref<!tpu.dma_semaphore, #tpu.memory_space<semaphore_mem>>, %arg23: memref<128xi32, #tpu.memory_space<vmem>>, %arg24: memref<128xi32, #tpu.memory_space<vmem>>, %arg25: memref<128xi32, #tpu.memory_space<vmem>>, %arg26: memref<128x32xf32, #tpu.memory_space<vmem>>, %arg27: memref<128x32xf32, #tpu.memory_space<vmem>>, %arg28: memref<!tpu.dma_semaphore, #tpu.memory_space<semaphore_mem>>, %arg29: memref<!tpu.dma_semaphore, #tpu.memory_space<semaphore_mem>>, %arg30: memref<!tpu.dma_semaphore, #tpu.memory_space<semaphore_mem>>, %arg31: memref<80xi32, #tpu.memory_space<vmem>>, %arg32: memref<80xi32, #tpu.memory_space<vmem>>, %arg33: memref<80xi32, #tpu.memory_space<vmem>>, %arg34: memref<50000x32xf32, #tpu.memory_space<vmem_shared>>) attributes {dimension_semantics = [#tpu.dimension_semantics<core_parallel>, #tpu.dimension_semantics<subcore_parallel>], iteration_bounds = array<i64: 2, 16>, scalar_prefetch = 0 : i64, scratch_operands = 28 : i64, tpu.core_type = #tpu.core_type<sc_vector_subcore>, window_params = [{transform_indices = #map}, {transform_indices = #map1}, {transform_indices = #map1}, {transform_indices = #map}, {transform_indices = #map}]} {
    %mul3A = arith.constant 50000 : i32
    %mul3A_0 = arith.muli %arg0, %mul3A : i32
    %mul3A_1 = arith.constant 3128 : i32
    %mul3A_2 = arith.muli %arg1, %mul3A_1 : i32
    %mul3A_3 = arith.constant 50000 : i32
    %mul3A_4 = arith.muli %arg1, %mul3A_3 : i32
    %add3A = arith.constant 0 : i32
    %add3A_5 = arith.addi %mul3A_4, %add3A : i32
    %dma_start3A = tpu.memref_slice %arg3[%add3A_5] : memref<800000xi32, #tpu.memory_space<hbm>> -> memref<128xi32, #tpu.memory_space<hbm>>
    %dma_start3A_6 = tpu.memref_slice %arg3[%add3A_5] : memref<800000xi32, #tpu.memory_space<hbm>> -> memref<128xi32, #tpu.memory_space<hbm>>
    tpu.enqueue_dma source(%dma_start3A_6 : memref<128xi32, #tpu.memory_space<hbm>>) target(%arg7 : memref<128xi32, #tpu.memory_space<vmem>>) target_semaphore(%arg12 : memref<!tpu.dma_semaphore, #tpu.memory_space<semaphore_mem>>)
    %dma_start3A_7 = tpu.memref_slice %arg4[%add3A_5] : memref<800000xi32, #tpu.memory_space<hbm>> -> memref<128xi32, #tpu.memory_space<hbm>>
    %dma_start3A_8 = tpu.memref_slice %arg4[%add3A_5] : memref<800000xi32, #tpu.memory_space<hbm>> -> memref<128xi32, #tpu.memory_space<hbm>>
    tpu.enqueue_dma source(%dma_start3A_8 : memref<128xi32, #tpu.memory_space<hbm>>) target(%arg9 : memref<128xi32, #tpu.memory_space<vmem>>) target_semaphore(%arg12 : memref<!tpu.dma_semaphore, #tpu.memory_space<semaphore_mem>>)
    %mul3A_9 = arith.constant 50000 : i32
    %mul3A_10 = arith.muli %arg1, %mul3A_9 : i32
    %add3A_11 = arith.constant 128 : i32
    %add3A_12 = arith.addi %mul3A_10, %add3A_11 : i32
    %dma_start3A_13 = tpu.memref_slice %arg3[%add3A_12] : memref<800000xi32, #tpu.memory_space<hbm>> -> memref<128xi32, #tpu.memory_space<hbm>>
    %dma_start3A_14 = tpu.memref_slice %arg3[%add3A_12] : memref<800000xi32, #tpu.memory_space<hbm>> -> memref<128xi32, #tpu.memory_space<hbm>>
    tpu.enqueue_dma source(%dma_start3A_14 : memref<128xi32, #tpu.memory_space<hbm>>) target(%arg15 : memref<128xi32, #tpu.memory_space<vmem>>) target_semaphore(%arg20 : memref<!tpu.dma_semaphore, #tpu.memory_space<semaphore_mem>>)
    %dma_start3A_15 = tpu.memref_slice %arg4[%add3A_12] : memref<800000xi32, #tpu.memory_space<hbm>> -> memref<128xi32, #tpu.memory_space<hbm>>
    %dma_start3A_16 = tpu.memref_slice %arg4[%add3A_12] : memref<800000xi32, #tpu.memory_space<hbm>> -> memref<128xi32, #tpu.memory_space<hbm>>
    tpu.enqueue_dma source(%dma_start3A_16 : memref<128xi32, #tpu.memory_space<hbm>>) target(%arg17 : memref<128xi32, #tpu.memory_space<vmem>>) target_semaphore(%arg20 : memref<!tpu.dma_semaphore, #tpu.memory_space<semaphore_mem>>)
    %mul3A_17 = arith.constant 50000 : i32
    %mul3A_18 = arith.muli %arg1, %mul3A_17 : i32
    %add3A_19 = arith.constant 256 : i32
    %add3A_20 = arith.addi %mul3A_18, %add3A_19 : i32
    %dma_start3A_21 = tpu.memref_slice %arg3[%add3A_20] : memref<800000xi32, #tpu.memory_space<hbm>> -> memref<128xi32, #tpu.memory_space<hbm>>
    %dma_start3A_22 = tpu.memref_slice %arg3[%add3A_20] : memref<800000xi32, #tpu.memory_space<hbm>> -> memref<128xi32, #tpu.memory_space<hbm>>
    tpu.enqueue_dma source(%dma_start3A_22 : memref<128xi32, #tpu.memory_space<hbm>>) target(%arg23 : memref<128xi32, #tpu.memory_space<vmem>>) target_semaphore(%arg28 : memref<!tpu.dma_semaphore, #tpu.memory_space<semaphore_mem>>)
    %dma_start3A_23 = tpu.memref_slice %arg4[%add3A_20] : memref<800000xi32, #tpu.memory_space<hbm>> -> memref<128xi32, #tpu.memory_space<hbm>>
    %dma_start3A_24 = tpu.memref_slice %arg4[%add3A_20] : memref<800000xi32, #tpu.memory_space<hbm>> -> memref<128xi32, #tpu.memory_space<hbm>>
    tpu.enqueue_dma source(%dma_start3A_24 : memref<128xi32, #tpu.memory_space<hbm>>) target(%arg25 : memref<128xi32, #tpu.memory_space<vmem>>) target_semaphore(%arg28 : memref<!tpu.dma_semaphore, #tpu.memory_space<semaphore_mem>>)
    %lt3A = arith.constant 15 : i32
    %lt3A_25 = arith.cmpi slt, %arg1, %lt3A : i32
    %convert_element_type3A = arith.extui %lt3A_25 : i1 to i32
    %cond3A = arith.constant 0 : i32
    %cond3A_26 = arith.cmpi ne, %convert_element_type3A, %cond3A : i32
    scf.if %cond3A_26 {
      "tpu.region"() ({
        %run_scoped3A = tpu.sem_alloc : memref<!tpu.dma_semaphore, #tpu.memory_space<semaphore_mem>>
        %dma_start3A_208 = arith.constant 0 : i32
        %dma_start3A_209 = tpu.memref_slice %arg34[%mul3A_2, %dma_start3A_208] : memref<50000x32xf32, #tpu.memory_space<vmem_shared>> -> memref<3128x32xf32, #tpu.memory_space<vmem_shared>>
        tpu.enqueue_dma source(%arg5 : memref<3128x32xf32, #tpu.memory_space<hbm>>) target(%dma_start3A_209 : memref<3128x32xf32, #tpu.memory_space<vmem_shared>>) target_semaphore(%run_scoped3A : memref<!tpu.dma_semaphore, #tpu.memory_space<semaphore_mem>>)
        %dma_wait3A_210 = arith.constant 0 : i32
        %dma_wait3A_211 = tpu.memref_slice %arg34[%mul3A_2, %dma_wait3A_210] : memref<50000x32xf32, #tpu.memory_space<vmem_shared>> -> memref<3128x32xf32, #tpu.memory_space<vmem_shared>>
        tpu.wait_dma2 semaphore(%run_scoped3A : memref<!tpu.dma_semaphore, #tpu.memory_space<semaphore_mem>>) src(%arg5 : memref<3128x32xf32, #tpu.memory_space<hbm>>) dst(%dma_wait3A_211 : memref<3128x32xf32, #tpu.memory_space<vmem_shared>>)
        tpu.yield
      }) : () -> ()
    } else {
    }
    %eq3A = arith.constant 15 : i32
    %eq3A_27 = arith.cmpi eq, %arg1, %eq3A : i32
    %convert_element_type3A_28 = arith.extui %eq3A_27 : i1 to i32
    %cond3A_29 = arith.constant 0 : i32
    %cond3A_30 = arith.cmpi ne, %convert_element_type3A_28, %cond3A_29 : i32
    scf.if %cond3A_30 {
      "tpu.region"() ({
        %run_scoped3A = tpu.sem_alloc : memref<!tpu.dma_semaphore, #tpu.memory_space<semaphore_mem>>
        %dma_start3A_208 = arith.constant 0 : i32
        %dma_start3A_209 = tpu.memref_slice %arg34[%mul3A_2, %dma_start3A_208] : memref<50000x32xf32, #tpu.memory_space<vmem_shared>> -> memref<3080x32xf32, #tpu.memory_space<vmem_shared>>
        %dma_start3A_210 = arith.constant 0 : i32
        %dma_start3A_211 = arith.constant 0 : i32
        %dma_start3A_212 = tpu.memref_slice %arg5[%dma_start3A_210, %dma_start3A_211] : memref<3128x32xf32, #tpu.memory_space<hbm>> -> memref<3080x32xf32, #tpu.memory_space<hbm>>
        tpu.enqueue_dma source(%dma_start3A_212 : memref<3080x32xf32, #tpu.memory_space<hbm>>) target(%dma_start3A_209 : memref<3080x32xf32, #tpu.memory_space<vmem_shared>>) target_semaphore(%run_scoped3A : memref<!tpu.dma_semaphore, #tpu.memory_space<semaphore_mem>>)
        %dma_wait3A_213 = arith.constant 0 : i32
        %dma_wait3A_214 = tpu.memref_slice %arg34[%mul3A_2, %dma_wait3A_213] : memref<50000x32xf32, #tpu.memory_space<vmem_shared>> -> memref<3080x32xf32, #tpu.memory_space<vmem_shared>>
        %dma_wait3A_215 = arith.constant 0 : i32
        %dma_wait3A_216 = arith.constant 0 : i32
        %dma_wait3A_217 = tpu.memref_slice %arg5[%dma_wait3A_215, %dma_wait3A_216] : memref<3128x32xf32, #tpu.memory_space<hbm>> -> memref<3080x32xf32, #tpu.memory_space<hbm>>
        tpu.wait_dma2 semaphore(%run_scoped3A : memref<!tpu.dma_semaphore, #tpu.memory_space<semaphore_mem>>) src(%dma_wait3A_217 : memref<3080x32xf32, #tpu.memory_space<hbm>>) dst(%dma_wait3A_214 : memref<3080x32xf32, #tpu.memory_space<vmem_shared>>)
        tpu.yield
      }) : () -> ()
    } else {
    }
    %barrier3A = arith.constant 0 : index
    tpu.barrier barrier_id(%barrier3A)
    %scan3A = arith.constant 0 : i32
    %scan3A_31 = arith.constant 0 : i32
    %scan3A_32 = arith.constant 130 : i32
    %scan3A_33 = arith.addi %scan3A_31, %scan3A_32 : i32
    %scan3A_34 = arith.constant 1 : i32
    scf.for %scan3A_208 = %scan3A_31 to %scan3A_33 step %scan3A_34  : i32 {
      %dma_wait3A_209 = arith.constant 0 : i32
      %dma_wait3A_210 = tpu.memref_slice %arg3[%dma_wait3A_209] : memref<800000xi32, #tpu.memory_space<hbm>> -> memref<128xi32, #tpu.memory_space<hbm>>
      %dma_wait3A_211 = arith.constant 0 : i32
      %dma_wait3A_212 = tpu.memref_slice %arg3[%dma_wait3A_211] : memref<800000xi32, #tpu.memory_space<hbm>> -> memref<128xi32, #tpu.memory_space<hbm>>
      tpu.wait_dma2 semaphore(%arg12 : memref<!tpu.dma_semaphore, #tpu.memory_space<semaphore_mem>>) src(%dma_wait3A_212 : memref<128xi32, #tpu.memory_space<hbm>>) dst(%arg7 : memref<128xi32, #tpu.memory_space<vmem>>)
      %dma_wait3A_213 = arith.constant 0 : i32
      %dma_wait3A_214 = tpu.memref_slice %arg4[%dma_wait3A_213] : memref<800000xi32, #tpu.memory_space<hbm>> -> memref<128xi32, #tpu.memory_space<hbm>>
      %dma_wait3A_215 = arith.constant 0 : i32
      %dma_wait3A_216 = tpu.memref_slice %arg4[%dma_wait3A_215] : memref<800000xi32, #tpu.memory_space<hbm>> -> memref<128xi32, #tpu.memory_space<hbm>>
      tpu.wait_dma2 semaphore(%arg12 : memref<!tpu.dma_semaphore, #tpu.memory_space<semaphore_mem>>) src(%dma_wait3A_216 : memref<128xi32, #tpu.memory_space<hbm>>) dst(%arg9 : memref<128xi32, #tpu.memory_space<vmem>>)
      %gt3A = arith.constant 0 : i32
      %gt3A_217 = arith.cmpi sgt, %scan3A_208, %gt3A : i32
      %convert_element_type3A_218 = arith.extui %gt3A_217 : i1 to i32
      %cond3A_219 = arith.constant 0 : i32
      %cond3A_220 = arith.cmpi ne, %convert_element_type3A_218, %cond3A_219 : i32
      scf.if %cond3A_220 {
        %dma_wait3A_916 = arith.constant 0 : i32
        %dma_wait3A_917 = arith.constant 0 : i32
        %dma_wait3A_918 = tpu.memref_slice %arg34[%dma_wait3A_916, %dma_wait3A_917] : memref<50000x32xf32, #tpu.memory_space<vmem_shared>> -> memref<50000x32xf32, #tpu.memory_space<vmem_shared>>
        tpu.wait_indirect_dma semaphore(%arg14 : memref<!tpu.dma_semaphore, #tpu.memory_space<semaphore_mem>>) src(%arg10 : memref<128x32xf32, #tpu.memory_space<vmem>>) dst(%dma_wait3A_918 : memref<50000x32xf32, #tpu.memory_space<vmem_shared>>)
      } else {
      }
      %get3A_221 = arith.constant 0 : index
      %get3A_222 = tpu.vector_load %arg7[%get3A_221] {strides = array<i32>} : memref<128xi32, #tpu.memory_space<vmem>>, vector<16xi32>,
      %get3A_223 = vector.shape_cast %get3A_222 : vector<16xi32> to vector<16xi32>
      %add3A_224 = vector.broadcast %mul3A_0 : i32 to vector<16xi32>
      %add3A_225 = arith.addi %get3A_223, %add3A_224 : vector<16xi32>
      %swap3A_226 = arith.constant 0 : index
      %swap3A_227 = tpu.vector_load %arg8[%swap3A_226] {strides = array<i32>} : memref<128xi32, #tpu.memory_space<vmem>>, vector<16xi32>,
      %swap3A_228 = vector.shape_cast %swap3A_227 : vector<16xi32> to vector<16xi32>
      %swap3A_229 = vector.shape_cast %add3A_225 : vector<16xi32> to vector<16xi32>
      tpu.vector_store %arg8[%swap3A_226], %swap3A_229 {strides = array<i32>} : memref<128xi32, #tpu.memory_space<vmem>>, vector<16xi32>,
      %get3A_230 = arith.constant 0 : index
      %get3A_231 = tpu.vector_load %arg9[%get3A_230] {strides = array<i32>} : memref<128xi32, #tpu.memory_space<vmem>>, vector<16xi32>,
      %get3A_232 = vector.shape_cast %get3A_231 : vector<16xi32> to vector<16xi32>
      %add3A_233 = vector.broadcast %mul3A_0 : i32 to vector<16xi32>
      %add3A_234 = arith.addi %get3A_232, %add3A_233 : vector<16xi32>
      %swap3A_235 = arith.constant 0 : index
      %swap3A_236 = tpu.vector_load %arg9[%swap3A_235] {strides = array<i32>} : memref<128xi32, #tpu.memory_space<vmem>>, vector<16xi32>,
      %swap3A_237 = vector.shape_cast %swap3A_236 : vector<16xi32> to vector<16xi32>
      %swap3A_238 = vector.shape_cast %add3A_234 : vector<16xi32> to vector<16xi32>
      tpu.vector_store %arg9[%swap3A_235], %swap3A_238 {strides = array<i32>} : memref<128xi32, #tpu.memory_space<vmem>>, vector<16xi32>,
      %get3A_239 = arith.constant 16 : index
      %get3A_240 = tpu.vector_load %arg7[%get3A_239] {strides = array<i32>} : memref<128xi32, #tpu.memory_space<vmem>>, vector<16xi32>,
      %get3A_241 = vector.shape_cast %get3A_240 : vector<16xi32> to vector<16xi32>
      %add3A_242 = vector.broadcast %mul3A_0 : i32 to vector<16xi32>
      %add3A_243 = arith.addi %get3A_241, %add3A_242 : vector<16xi32>
      %swap3A_244 = arith.constant 16 : index
      %swap3A_245 = tpu.vector_load %arg8[%swap3A_244] {strides = array<i32>} : memref<128xi32, #tpu.memory_space<vmem>>, vector<16xi32>,
      %swap3A_246 = vector.shape_cast %swap3A_245 : vector<16xi32> to vector<16xi32>
      %swap3A_247 = vector.shape_cast %add3A_243 : vector<16xi32> to vector<16xi32>
      tpu.vector_store %arg8[%swap3A_244], %swap3A_247 {strides = array<i32>} : memref<128xi32, #tpu.memory_space<vmem>>, vector<16xi32>,
      %get3A_248 = arith.constant 16 : index
      %get3A_249 = tpu.vector_load %arg9[%get3A_248] {strides = array<i32>} : memref<128xi32, #tpu.memory_space<vmem>>, vector<16xi32>,
      %get3A_250 = vector.shape_cast %get3A_249 : vector<16xi32> to vector<16xi32>
      %add3A_251 = vector.broadcast %mul3A_0 : i32 to vector<16xi32>
      %add3A_252 = arith.addi %get3A_250, %add3A_251 : vector<16xi32>
      %swap3A_253 = arith.constant 16 : index
      %swap3A_254 = tpu.vector_load %arg9[%swap3A_253] {strides = array<i32>} : memref<128xi32, #tpu.memory_space<vmem>>, vector<16xi32>,
      %swap3A_255 = vector.shape_cast %swap3A_254 : vector<16xi32> to vector<16xi32>
      %swap3A_256 = vector.shape_cast %add3A_252 : vector<16xi32> to vector<16xi32>
      tpu.vector_store %arg9[%swap3A_253], %swap3A_256 {strides = array<i32>} : memref<128xi32, #tpu.memory_space<vmem>>, vector<16xi32>,
      %get3A_257 = arith.constant 32 : index
      %get3A_258 = tpu.vector_load %arg7[%get3A_257] {strides = array<i32>} : memref<128xi32, #tpu.memory_space<vmem>>, vector<16xi32>,
      %get3A_259 = vector.shape_cast %get3A_258 : vector<16xi32> to vector<16xi32>
      %add3A_260 = vector.broadcast %mul3A_0 : i32 to vector<16xi32>
      %add3A_261 = arith.addi %get3A_259, %add3A_260 : vector<16xi32>
      %swap3A_262 = arith.constant 32 : index
      %swap3A_263 = tpu.vector_load %arg8[%swap3A_262] {strides = array<i32>} : memref<128xi32, #tpu.memory_space<vmem>>, vector<16xi32>,
      %swap3A_264 = vector.shape_cast %swap3A_263 : vector<16xi32> to vector<16xi32>
      %swap3A_265 = vector.shape_cast %add3A_261 : vector<16xi32> to vector<16xi32>
      tpu.vector_store %arg8[%swap3A_262], %swap3A_265 {strides = array<i32>} : memref<128xi32, #tpu.memory_space<vmem>>, vector<16xi32>,
      %get3A_266 = arith.constant 32 : index
      %get3A_267 = tpu.vector_load %arg9[%get3A_266] {strides = array<i32>} : memref<128xi32, #tpu.memory_space<vmem>>, vector<16xi32>,
      %get3A_268 = vector.shape_cast %get3A_267 : vector<16xi32> to vector<16xi32>
      %add3A_269 = vector.broadcast %mul3A_0 : i32 to vector<16xi32>
      %add3A_270 = arith.addi %get3A_268, %add3A_269 : vector<16xi32>
      %swap3A_271 = arith.constant 32 : index
      %swap3A_272 = tpu.vector_load %arg9[%swap3A_271] {strides = array<i32>} : memref<128xi32, #tpu.memory_space<vmem>>, vector<16xi32>,
      %swap3A_273 = vector.shape_cast %swap3A_272 : vector<16xi32> to vector<16xi32>
      %swap3A_274 = vector.shape_cast %add3A_270 : vector<16xi32> to vector<16xi32>
      tpu.vector_store %arg9[%swap3A_271], %swap3A_274 {strides = array<i32>} : memref<128xi32, #tpu.memory_space<vmem>>, vector<16xi32>,
      %get3A_275 = arith.constant 48 : index
      %get3A_276 = tpu.vector_load %arg7[%get3A_275] {strides = array<i32>} : memref<128xi32, #tpu.memory_space<vmem>>, vector<16xi32>,
      %get3A_277 = vector.shape_cast %get3A_276 : vector<16xi32> to vector<16xi32>
      %add3A_278 = vector.broadcast %mul3A_0 : i32 to vector<16xi32>
      %add3A_279 = arith.addi %get3A_277, %add3A_278 : vector<16xi32>
      %swap3A_280 = arith.constant 48 : index
      %swap3A_281 = tpu.vector_load %arg8[%swap3A_280] {strides = array<i32>} : memref<128xi32, #tpu.memory_space<vmem>>, vector<16xi32>,
      %swap3A_282 = vector.shape_cast %swap3A_281 : vector<16xi32> to vector<16xi32>
      %swap3A_283 = vector.shape_cast %add3A_279 : vector<16xi32> to vector<16xi32>
      tpu.vector_store %arg8[%swap3A_280], %swap3A_283 {strides = array<i32>} : memref<128xi32, #tpu.memory_space<vmem>>, vector<16xi32>,
      %get3A_284 = arith.constant 48 : index
      %get3A_285 = tpu.vector_load %arg9[%get3A_284] {strides = array<i32>} : memref<128xi32, #tpu.memory_space<vmem>>, vector<16xi32>,
      %get3A_286 = vector.shape_cast %get3A_285 : vector<16xi32> to vector<16xi32>
      %add3A_287 = vector.broadcast %mul3A_0 : i32 to vector<16xi32>
      %add3A_288 = arith.addi %get3A_286, %add3A_287 : vector<16xi32>
      %swap3A_289 = arith.constant 48 : index
      %swap3A_290 = tpu.vector_load %arg9[%swap3A_289] {strides = array<i32>} : memref<128xi32, #tpu.memory_space<vmem>>, vector<16xi32>,
      %swap3A_291 = vector.shape_cast %swap3A_290 : vector<16xi32> to vector<16xi32>
      %swap3A_292 = vector.shape_cast %add3A_288 : vector<16xi32> to vector<16xi32>
      tpu.vector_store %arg9[%swap3A_289], %swap3A_292 {strides = array<i32>} : memref<128xi32, #tpu.memory_space<vmem>>, vector<16xi32>,
      %get3A_293 = arith.constant 64 : index
      %get3A_294 = tpu.vector_load %arg7[%get3A_293] {strides = array<i32>} : memref<128xi32, #tpu.memory_space<vmem>>, vector<16xi32>,
      %get3A_295 = vector.shape_cast %get3A_294 : vector<16xi32> to vector<16xi32>
      %add3A_296 = vector.broadcast %mul3A_0 : i32 to vector<16xi32>
      %add3A_297 = arith.addi %get3A_295, %add3A_296 : vector<16xi32>
      %swap3A_298 = arith.constant 64 : index
      %swap3A_299 = tpu.vector_load %arg8[%swap3A_298] {strides = array<i32>} : memref<128xi32, #tpu.memory_space<vmem>>, vector<16xi32>,
      %swap3A_300 = vector.shape_cast %swap3A_299 : vector<16xi32> to vector<16xi32>
      %swap3A_301 = vector.shape_cast %add3A_297 : vector<16xi32> to vector<16xi32>
      tpu.vector_store %arg8[%swap3A_298], %swap3A_301 {strides = array<i32>} : memref<128xi32, #tpu.memory_space<vmem>>, vector<16xi32>,
      %get3A_302 = arith.constant 64 : index
      %get3A_303 = tpu.vector_load %arg9[%get3A_302] {strides = array<i32>} : memref<128xi32, #tpu.memory_space<vmem>>, vector<16xi32>,
      %get3A_304 = vector.shape_cast %get3A_303 : vector<16xi32> to vector<16xi32>
      %add3A_305 = vector.broadcast %mul3A_0 : i32 to vector<16xi32>
      %add3A_306 = arith.addi %get3A_304, %add3A_305 : vector<16xi32>
      %swap3A_307 = arith.constant 64 : index
      %swap3A_308 = tpu.vector_load %arg9[%swap3A_307] {strides = array<i32>} : memref<128xi32, #tpu.memory_space<vmem>>, vector<16xi32>,
      %swap3A_309 = vector.shape_cast %swap3A_308 : vector<16xi32> to vector<16xi32>
      %swap3A_310 = vector.shape_cast %add3A_306 : vector<16xi32> to vector<16xi32>
      tpu.vector_store %arg9[%swap3A_307], %swap3A_310 {strides = array<i32>} : memref<128xi32, #tpu.memory_space<vmem>>, vector<16xi32>,
      %get3A_311 = arith.constant 80 : index
      %get3A_312 = tpu.vector_load %arg7[%get3A_311] {strides = array<i32>} : memref<128xi32, #tpu.memory_space<vmem>>, vector<16xi32>,
      %get3A_313 = vector.shape_cast %get3A_312 : vector<16xi32> to vector<16xi32>
      %add3A_314 = vector.broadcast %mul3A_0 : i32 to vector<16xi32>
      %add3A_315 = arith.addi %get3A_313, %add3A_314 : vector<16xi32>
      %swap3A_316 = arith.constant 80 : index
      %swap3A_317 = tpu.vector_load %arg8[%swap3A_316] {strides = array<i32>} : memref<128xi32, #tpu.memory_space<vmem>>, vector<16xi32>,
      %swap3A_318 = vector.shape_cast %swap3A_317 : vector<16xi32> to vector<16xi32>
      %swap3A_319 = vector.shape_cast %add3A_315 : vector<16xi32> to vector<16xi32>
      tpu.vector_store %arg8[%swap3A_316], %swap3A_319 {strides = array<i32>} : memref<128xi32, #tpu.memory_space<vmem>>, vector<16xi32>,
      %get3A_320 = arith.constant 80 : index
      %get3A_321 = tpu.vector_load %arg9[%get3A_320] {strides = array<i32>} : memref<128xi32, #tpu.memory_space<vmem>>, vector<16xi32>,
      %get3A_322 = vector.shape_cast %get3A_321 : vector<16xi32> to vector<16xi32>
      %add3A_323 = vector.broadcast %mul3A_0 : i32 to vector<16xi32>
      %add3A_324 = arith.addi %get3A_322, %add3A_323 : vector<16xi32>
      %swap3A_325 = arith.constant 80 : index
      %swap3A_326 = tpu.vector_load %arg9[%swap3A_325] {strides = array<i32>} : memref<128xi32, #tpu.memory_space<vmem>>, vector<16xi32>,
      %swap3A_327 = vector.shape_cast %swap3A_326 : vector<16xi32> to vector<16xi32>
      %swap3A_328 = vector.shape_cast %add3A_324 : vector<16xi32> to vector<16xi32>
      tpu.vector_store %arg9[%swap3A_325], %swap3A_328 {strides = array<i32>} : memref<128xi32, #tpu.memory_space<vmem>>, vector<16xi32>,
      %get3A_329 = arith.constant 96 : index
      %get3A_330 = tpu.vector_load %arg7[%get3A_329] {strides = array<i32>} : memref<128xi32, #tpu.memory_space<vmem>>, vector<16xi32>,
      %get3A_331 = vector.shape_cast %get3A_330 : vector<16xi32> to vector<16xi32>
      %add3A_332 = vector.broadcast %mul3A_0 : i32 to vector<16xi32>
      %add3A_333 = arith.addi %get3A_331, %add3A_332 : vector<16xi32>
      %swap3A_334 = arith.constant 96 : index
      %swap3A_335 = tpu.vector_load %arg8[%swap3A_334] {strides = array<i32>} : memref<128xi32, #tpu.memory_space<vmem>>, vector<16xi32>,
      %swap3A_336 = vector.shape_cast %swap3A_335 : vector<16xi32> to vector<16xi32>
      %swap3A_337 = vector.shape_cast %add3A_333 : vector<16xi32> to vector<16xi32>
      tpu.vector_store %arg8[%swap3A_334], %swap3A_337 {strides = array<i32>} : memref<128xi32, #tpu.memory_space<vmem>>, vector<16xi32>,
      %get3A_338 = arith.constant 96 : index
      %get3A_339 = tpu.vector_load %arg9[%get3A_338] {strides = array<i32>} : memref<128xi32, #tpu.memory_space<vmem>>, vector<16xi32>,
      %get3A_340 = vector.shape_cast %get3A_339 : vector<16xi32> to vector<16xi32>
      %add3A_341 = vector.broadcast %mul3A_0 : i32 to vector<16xi32>
      %add3A_342 = arith.addi %get3A_340, %add3A_341 : vector<16xi32>
      %swap3A_343 = arith.constant 96 : index
      %swap3A_344 = tpu.vector_load %arg9[%swap3A_343] {strides = array<i32>} : memref<128xi32, #tpu.memory_space<vmem>>, vector<16xi32>,
      %swap3A_345 = vector.shape_cast %swap3A_344 : vector<16xi32> to vector<16xi32>
      %swap3A_346 = vector.shape_cast %add3A_342 : vector<16xi32> to vector<16xi32>
      tpu.vector_store %arg9[%swap3A_343], %swap3A_346 {strides = array<i32>} : memref<128xi32, #tpu.memory_space<vmem>>, vector<16xi32>,
      %get3A_347 = arith.constant 112 : index
      %get3A_348 = tpu.vector_load %arg7[%get3A_347] {strides = array<i32>} : memref<128xi32, #tpu.memory_space<vmem>>, vector<16xi32>,
      %get3A_349 = vector.shape_cast %get3A_348 : vector<16xi32> to vector<16xi32>
      %add3A_350 = vector.broadcast %mul3A_0 : i32 to vector<16xi32>
      %add3A_351 = arith.addi %get3A_349, %add3A_350 : vector<16xi32>
      %swap3A_352 = arith.constant 112 : index
      %swap3A_353 = tpu.vector_load %arg8[%swap3A_352] {strides = array<i32>} : memref<128xi32, #tpu.memory_space<vmem>>, vector<16xi32>,
      %swap3A_354 = vector.shape_cast %swap3A_353 : vector<16xi32> to vector<16xi32>
      %swap3A_355 = vector.shape_cast %add3A_351 : vector<16xi32> to vector<16xi32>
      tpu.vector_store %arg8[%swap3A_352], %swap3A_355 {strides = array<i32>} : memref<128xi32, #tpu.memory_space<vmem>>, vector<16xi32>,
      %get3A_356 = arith.constant 112 : index
      %get3A_357 = tpu.vector_load %arg9[%get3A_356] {strides = array<i32>} : memref<128xi32, #tpu.memory_space<vmem>>, vector<16xi32>,
      %get3A_358 = vector.shape_cast %get3A_357 : vector<16xi32> to vector<16xi32>
      %add3A_359 = vector.broadcast %mul3A_0 : i32 to vector<16xi32>
      %add3A_360 = arith.addi %get3A_358, %add3A_359 : vector<16xi32>
      %swap3A_361 = arith.constant 112 : index
      %swap3A_362 = tpu.vector_load %arg9[%swap3A_361] {strides = array<i32>} : memref<128xi32, #tpu.memory_space<vmem>>, vector<16xi32>,
      %swap3A_363 = vector.shape_cast %swap3A_362 : vector<16xi32> to vector<16xi32>
      %swap3A_364 = vector.shape_cast %add3A_360 : vector<16xi32> to vector<16xi32>
      tpu.vector_store %arg9[%swap3A_361], %swap3A_364 {strides = array<i32>} : memref<128xi32, #tpu.memory_space<vmem>>, vector<16xi32>,
      %dma_start3A_365 = arith.constant 0 : i32
      %dma_start3A_366 = arith.constant 0 : i32
      %dma_start3A_367 = tpu.memref_slice %arg2[%dma_start3A_365, %dma_start3A_366] : memref<100000x32xf32, #tpu.memory_space<hbm>> -> memref<100000x32xf32, #tpu.memory_space<hbm>>
      tpu.enqueue_indirect_dma source(%dma_start3A_367 : memref<100000x32xf32, #tpu.memory_space<hbm>>) target(%arg10 : memref<128x32xf32, #tpu.memory_space<vmem>>) offsets(%arg8 : memref<128xi32, #tpu.memory_space<vmem>>) semaphore(%arg13 : memref<!tpu.dma_semaphore, #tpu.memory_space<semaphore_mem>>)
      %dma_start3A_368 = arith.constant 0 : i32
      %dma_start3A_369 = arith.constant 0 : i32
      %dma_start3A_370 = tpu.memref_slice %arg2[%dma_start3A_368, %dma_start3A_369] : memref<100000x32xf32, #tpu.memory_space<hbm>> -> memref<100000x32xf32, #tpu.memory_space<hbm>>
      tpu.enqueue_indirect_dma source(%dma_start3A_370 : memref<100000x32xf32, #tpu.memory_space<hbm>>) target(%arg11 : memref<128x32xf32, #tpu.memory_space<vmem>>) offsets(%arg9 : memref<128xi32, #tpu.memory_space<vmem>>) semaphore(%arg13 : memref<!tpu.dma_semaphore, #tpu.memory_space<semaphore_mem>>)
      %dma_wait3A_371 = arith.constant 0 : i32
      %dma_wait3A_372 = tpu.memref_slice %arg3[%dma_wait3A_371] : memref<800000xi32, #tpu.memory_space<hbm>> -> memref<128xi32, #tpu.memory_space<hbm>>
      %dma_wait3A_373 = arith.constant 0 : i32
      %dma_wait3A_374 = tpu.memref_slice %arg3[%dma_wait3A_373] : memref<800000xi32, #tpu.memory_space<hbm>> -> memref<128xi32, #tpu.memory_space<hbm>>
      tpu.wait_dma2 semaphore(%arg20 : memref<!tpu.dma_semaphore, #tpu.memory_space<semaphore_mem>>) src(%dma_wait3A_374 : memref<128xi32, #tpu.memory_space<hbm>>) dst(%arg15 : memref<128xi32, #tpu.memory_space<vmem>>)
      %dma_wait3A_375 = arith.constant 0 : i32
      %dma_wait3A_376 = tpu.memref_slice %arg4[%dma_wait3A_375] : memref<800000xi32, #tpu.memory_space<hbm>> -> memref<128xi32, #tpu.memory_space<hbm>>
      %dma_wait3A_377 = arith.constant 0 : i32
      %dma_wait3A_378 = tpu.memref_slice %arg4[%dma_wait3A_377] : memref<800000xi32, #tpu.memory_space<hbm>> -> memref<128xi32, #tpu.memory_space<hbm>>
      tpu.wait_dma2 semaphore(%arg20 : memref<!tpu.dma_semaphore, #tpu.memory_space<semaphore_mem>>) src(%dma_wait3A_378 : memref<128xi32, #tpu.memory_space<hbm>>) dst(%arg17 : memref<128xi32, #tpu.memory_space<vmem>>)
      %gt3A_379 = arith.constant 0 : i32
      %gt3A_380 = arith.cmpi sgt, %scan3A_208, %gt3A_379 : i32
      %convert_element_type3A_381 = arith.extui %gt3A_380 : i1 to i32
      %cond3A_382 = arith.constant 0 : i32
      %cond3A_383 = arith.cmpi ne, %convert_element_type3A_381, %cond3A_382 : i32
      scf.if %cond3A_383 {
        %dma_wait3A_916 = arith.constant 0 : i32
        %dma_wait3A_917 = arith.constant 0 : i32
        %dma_wait3A_918 = tpu.memref_slice %arg34[%dma_wait3A_916, %dma_wait3A_917] : memref<50000x32xf32, #tpu.memory_space<vmem_shared>> -> memref<50000x32xf32, #tpu.memory_space<vmem_shared>>
        tpu.wait_indirect_dma semaphore(%arg22 : memref<!tpu.dma_semaphore, #tpu.memory_space<semaphore_mem>>) src(%arg18 : memref<128x32xf32, #tpu.memory_space<vmem>>) dst(%dma_wait3A_918 : memref<50000x32xf32, #tpu.memory_space<vmem_shared>>)
      } else {
      }
      %get3A_384 = arith.constant 0 : index
      %get3A_385 = tpu.vector_load %arg15[%get3A_384] {strides = array<i32>} : memref<128xi32, #tpu.memory_space<vmem>>, vector<16xi32>,
      %get3A_386 = vector.shape_cast %get3A_385 : vector<16xi32> to vector<16xi32>
      %add3A_387 = vector.broadcast %mul3A_0 : i32 to vector<16xi32>
      %add3A_388 = arith.addi %get3A_386, %add3A_387 : vector<16xi32>
      %swap3A_389 = arith.constant 0 : index
      %swap3A_390 = tpu.vector_load %arg16[%swap3A_389] {strides = array<i32>} : memref<128xi32, #tpu.memory_space<vmem>>, vector<16xi32>,
      %swap3A_391 = vector.shape_cast %swap3A_390 : vector<16xi32> to vector<16xi32>
      %swap3A_392 = vector.shape_cast %add3A_388 : vector<16xi32> to vector<16xi32>
      tpu.vector_store %arg16[%swap3A_389], %swap3A_392 {strides = array<i32>} : memref<128xi32, #tpu.memory_space<vmem>>, vector<16xi32>,
      %get3A_393 = arith.constant 0 : index
      %get3A_394 = tpu.vector_load %arg17[%get3A_393] {strides = array<i32>} : memref<128xi32, #tpu.memory_space<vmem>>, vector<16xi32>,
      %get3A_395 = vector.shape_cast %get3A_394 : vector<16xi32> to vector<16xi32>
      %add3A_396 = vector.broadcast %mul3A_0 : i32 to vector<16xi32>
      %add3A_397 = arith.addi %get3A_395, %add3A_396 : vector<16xi32>
      %swap3A_398 = arith.constant 0 : index
      %swap3A_399 = tpu.vector_load %arg17[%swap3A_398] {strides = array<i32>} : memref<128xi32, #tpu.memory_space<vmem>>, vector<16xi32>,
      %swap3A_400 = vector.shape_cast %swap3A_399 : vector<16xi32> to vector<16xi32>
      %swap3A_401 = vector.shape_cast %add3A_397 : vector<16xi32> to vector<16xi32>
      tpu.vector_store %arg17[%swap3A_398], %swap3A_401 {strides = array<i32>} : memref<128xi32, #tpu.memory_space<vmem>>, vector<16xi32>,
      %get3A_402 = arith.constant 16 : index
      %get3A_403 = tpu.vector_load %arg15[%get3A_402] {strides = array<i32>} : memref<128xi32, #tpu.memory_space<vmem>>, vector<16xi32>,
      %get3A_404 = vector.shape_cast %get3A_403 : vector<16xi32> to vector<16xi32>
      %add3A_405 = vector.broadcast %mul3A_0 : i32 to vector<16xi32>
      %add3A_406 = arith.addi %get3A_404, %add3A_405 : vector<16xi32>
      %swap3A_407 = arith.constant 16 : index
      %swap3A_408 = tpu.vector_load %arg16[%swap3A_407] {strides = array<i32>} : memref<128xi32, #tpu.memory_space<vmem>>, vector<16xi32>,
      %swap3A_409 = vector.shape_cast %swap3A_408 : vector<16xi32> to vector<16xi32>
      %swap3A_410 = vector.shape_cast %add3A_406 : vector<16xi32> to vector<16xi32>
      tpu.vector_store %arg16[%swap3A_407], %swap3A_410 {strides = array<i32>} : memref<128xi32, #tpu.memory_space<vmem>>, vector<16xi32>,
      %get3A_411 = arith.constant 16 : index
      %get3A_412 = tpu.vector_load %arg17[%get3A_411] {strides = array<i32>} : memref<128xi32, #tpu.memory_space<vmem>>, vector<16xi32>,
      %get3A_413 = vector.shape_cast %get3A_412 : vector<16xi32> to vector<16xi32>
      %add3A_414 = vector.broadcast %mul3A_0 : i32 to vector<16xi32>
      %add3A_415 = arith.addi %get3A_413, %add3A_414 : vector<16xi32>
      %swap3A_416 = arith.constant 16 : index
      %swap3A_417 = tpu.vector_load %arg17[%swap3A_416] {strides = array<i32>} : memref<128xi32, #tpu.memory_space<vmem>>, vector<16xi32>,
      %swap3A_418 = vector.shape_cast %swap3A_417 : vector<16xi32> to vector<16xi32>
      %swap3A_419 = vector.shape_cast %add3A_415 : vector<16xi32> to vector<16xi32>
      tpu.vector_store %arg17[%swap3A_416], %swap3A_419 {strides = array<i32>} : memref<128xi32, #tpu.memory_space<vmem>>, vector<16xi32>,
      %get3A_420 = arith.constant 32 : index
      %get3A_421 = tpu.vector_load %arg15[%get3A_420] {strides = array<i32>} : memref<128xi32, #tpu.memory_space<vmem>>, vector<16xi32>,
      %get3A_422 = vector.shape_cast %get3A_421 : vector<16xi32> to vector<16xi32>
      %add3A_423 = vector.broadcast %mul3A_0 : i32 to vector<16xi32>
      %add3A_424 = arith.addi %get3A_422, %add3A_423 : vector<16xi32>
      %swap3A_425 = arith.constant 32 : index
      %swap3A_426 = tpu.vector_load %arg16[%swap3A_425] {strides = array<i32>} : memref<128xi32, #tpu.memory_space<vmem>>, vector<16xi32>,
      %swap3A_427 = vector.shape_cast %swap3A_426 : vector<16xi32> to vector<16xi32>
      %swap3A_428 = vector.shape_cast %add3A_424 : vector<16xi32> to vector<16xi32>
      tpu.vector_store %arg16[%swap3A_425], %swap3A_428 {strides = array<i32>} : memref<128xi32, #tpu.memory_space<vmem>>, vector<16xi32>,
      %get3A_429 = arith.constant 32 : index
      %get3A_430 = tpu.vector_load %arg17[%get3A_429] {strides = array<i32>} : memref<128xi32, #tpu.memory_space<vmem>>, vector<16xi32>,
      %get3A_431 = vector.shape_cast %get3A_430 : vector<16xi32> to vector<16xi32>
      %add3A_432 = vector.broadcast %mul3A_0 : i32 to vector<16xi32>
      %add3A_433 = arith.addi %get3A_431, %add3A_432 : vector<16xi32>
      %swap3A_434 = arith.constant 32 : index
      %swap3A_435 = tpu.vector_load %arg17[%swap3A_434] {strides = array<i32>} : memref<128xi32, #tpu.memory_space<vmem>>, vector<16xi32>,
      %swap3A_436 = vector.shape_cast %swap3A_435 : vector<16xi32> to vector<16xi32>
      %swap3A_437 = vector.shape_cast %add3A_433 : vector<16xi32> to vector<16xi32>
      tpu.vector_store %arg17[%swap3A_434], %swap3A_437 {strides = array<i32>} : memref<128xi32, #tpu.memory_space<vmem>>, vector<16xi32>,
      %get3A_438 = arith.constant 48 : index
      %get3A_439 = tpu.vector_load %arg15[%get3A_438] {strides = array<i32>} : memref<128xi32, #tpu.memory_space<vmem>>, vector<16xi32>,
      %get3A_440 = vector.shape_cast %get3A_439 : vector<16xi32> to vector<16xi32>
      %add3A_441 = vector.broadcast %mul3A_0 : i32 to vector<16xi32>
      %add3A_442 = arith.addi %get3A_440, %add3A_441 : vector<16xi32>
      %swap3A_443 = arith.constant 48 : index
      %swap3A_444 = tpu.vector_load %arg16[%swap3A_443] {strides = array<i32>} : memref<128xi32, #tpu.memory_space<vmem>>, vector<16xi32>,
      %swap3A_445 = vector.shape_cast %swap3A_444 : vector<16xi32> to vector<16xi32>
      %swap3A_446 = vector.shape_cast %add3A_442 : vector<16xi32> to vector<16xi32>
      tpu.vector_store %arg16[%swap3A_443], %swap3A_446 {strides = array<i32>} : memref<128xi32, #tpu.memory_space<vmem>>, vector<16xi32>,
      %get3A_447 = arith.constant 48 : index
      %get3A_448 = tpu.vector_load %arg17[%get3A_447] {strides = array<i32>} : memref<128xi32, #tpu.memory_space<vmem>>, vector<16xi32>,
      %get3A_449 = vector.shape_cast %get3A_448 : vector<16xi32> to vector<16xi32>
      %add3A_450 = vector.broadcast %mul3A_0 : i32 to vector<16xi32>
      %add3A_451 = arith.addi %get3A_449, %add3A_450 : vector<16xi32>
      %swap3A_452 = arith.constant 48 : index
      %swap3A_453 = tpu.vector_load %arg17[%swap3A_452] {strides = array<i32>} : memref<128xi32, #tpu.memory_space<vmem>>, vector<16xi32>,
      %swap3A_454 = vector.shape_cast %swap3A_453 : vector<16xi32> to vector<16xi32>
      %swap3A_455 = vector.shape_cast %add3A_451 : vector<16xi32> to vector<16xi32>
      tpu.vector_store %arg17[%swap3A_452], %swap3A_455 {strides = array<i32>} : memref<128xi32, #tpu.memory_space<vmem>>, vector<16xi32>,
      %get3A_456 = arith.constant 64 : index
      %get3A_457 = tpu.vector_load %arg15[%get3A_456] {strides = array<i32>} : memref<128xi32, #tpu.memory_space<vmem>>, vector<16xi32>,
      %get3A_458 = vector.shape_cast %get3A_457 : vector<16xi32> to vector<16xi32>
      %add3A_459 = vector.broadcast %mul3A_0 : i32 to vector<16xi32>
      %add3A_460 = arith.addi %get3A_458, %add3A_459 : vector<16xi32>
      %swap3A_461 = arith.constant 64 : index
      %swap3A_462 = tpu.vector_load %arg16[%swap3A_461] {strides = array<i32>} : memref<128xi32, #tpu.memory_space<vmem>>, vector<16xi32>,
      %swap3A_463 = vector.shape_cast %swap3A_462 : vector<16xi32> to vector<16xi32>
      %swap3A_464 = vector.shape_cast %add3A_460 : vector<16xi32> to vector<16xi32>
      tpu.vector_store %arg16[%swap3A_461], %swap3A_464 {strides = array<i32>} : memref<128xi32, #tpu.memory_space<vmem>>, vector<16xi32>,
      %get3A_465 = arith.constant 64 : index
      %get3A_466 = tpu.vector_load %arg17[%get3A_465] {strides = array<i32>} : memref<128xi32, #tpu.memory_space<vmem>>, vector<16xi32>,
      %get3A_467 = vector.shape_cast %get3A_466 : vector<16xi32> to vector<16xi32>
      %add3A_468 = vector.broadcast %mul3A_0 : i32 to vector<16xi32>
      %add3A_469 = arith.addi %get3A_467, %add3A_468 : vector<16xi32>
      %swap3A_470 = arith.constant 64 : index
      %swap3A_471 = tpu.vector_load %arg17[%swap3A_470] {strides = array<i32>} : memref<128xi32, #tpu.memory_space<vmem>>, vector<16xi32>,
      %swap3A_472 = vector.shape_cast %swap3A_471 : vector<16xi32> to vector<16xi32>
      %swap3A_473 = vector.shape_cast %add3A_469 : vector<16xi32> to vector<16xi32>
      tpu.vector_store %arg17[%swap3A_470], %swap3A_473 {strides = array<i32>} : memref<128xi32, #tpu.memory_space<vmem>>, vector<16xi32>,
      %get3A_474 = arith.constant 80 : index
      %get3A_475 = tpu.vector_load %arg15[%get3A_474] {strides = array<i32>} : memref<128xi32, #tpu.memory_space<vmem>>, vector<16xi32>,
      %get3A_476 = vector.shape_cast %get3A_475 : vector<16xi32> to vector<16xi32>
      %add3A_477 = vector.broadcast %mul3A_0 : i32 to vector<16xi32>
      %add3A_478 = arith.addi %get3A_476, %add3A_477 : vector<16xi32>
      %swap3A_479 = arith.constant 80 : index
      %swap3A_480 = tpu.vector_load %arg16[%swap3A_479] {strides = array<i32>} : memref<128xi32, #tpu.memory_space<vmem>>, vector<16xi32>,
      %swap3A_481 = vector.shape_cast %swap3A_480 : vector<16xi32> to vector<16xi32>
      %swap3A_482 = vector.shape_cast %add3A_478 : vector<16xi32> to vector<16xi32>
      tpu.vector_store %arg16[%swap3A_479], %swap3A_482 {strides = array<i32>} : memref<128xi32, #tpu.memory_space<vmem>>, vector<16xi32>,
      %get3A_483 = arith.constant 80 : index
      %get3A_484 = tpu.vector_load %arg17[%get3A_483] {strides = array<i32>} : memref<128xi32, #tpu.memory_space<vmem>>, vector<16xi32>,
      %get3A_485 = vector.shape_cast %get3A_484 : vector<16xi32> to vector<16xi32>
      %add3A_486 = vector.broadcast %mul3A_0 : i32 to vector<16xi32>
      %add3A_487 = arith.addi %get3A_485, %add3A_486 : vector<16xi32>
      %swap3A_488 = arith.constant 80 : index
      %swap3A_489 = tpu.vector_load %arg17[%swap3A_488] {strides = array<i32>} : memref<128xi32, #tpu.memory_space<vmem>>, vector<16xi32>,
      %swap3A_490 = vector.shape_cast %swap3A_489 : vector<16xi32> to vector<16xi32>
      %swap3A_491 = vector.shape_cast %add3A_487 : vector<16xi32> to vector<16xi32>
      tpu.vector_store %arg17[%swap3A_488], %swap3A_491 {strides = array<i32>} : memref<128xi32, #tpu.memory_space<vmem>>, vector<16xi32>,
      %get3A_492 = arith.constant 96 : index
      %get3A_493 = tpu.vector_load %arg15[%get3A_492] {strides = array<i32>} : memref<128xi32, #tpu.memory_space<vmem>>, vector<16xi32>,
      %get3A_494 = vector.shape_cast %get3A_493 : vector<16xi32> to vector<16xi32>
      %add3A_495 = vector.broadcast %mul3A_0 : i32 to vector<16xi32>
      %add3A_496 = arith.addi %get3A_494, %add3A_495 : vector<16xi32>
      %swap3A_497 = arith.constant 96 : index
      %swap3A_498 = tpu.vector_load %arg16[%swap3A_497] {strides = array<i32>} : memref<128xi32, #tpu.memory_space<vmem>>, vector<16xi32>,
      %swap3A_499 = vector.shape_cast %swap3A_498 : vector<16xi32> to vector<16xi32>
      %swap3A_500 = vector.shape_cast %add3A_496 : vector<16xi32> to vector<16xi32>
      tpu.vector_store %arg16[%swap3A_497], %swap3A_500 {strides = array<i32>} : memref<128xi32, #tpu.memory_space<vmem>>, vector<16xi32>,
      %get3A_501 = arith.constant 96 : index
      %get3A_502 = tpu.vector_load %arg17[%get3A_501] {strides = array<i32>} : memref<128xi32, #tpu.memory_space<vmem>>, vector<16xi32>,
      %get3A_503 = vector.shape_cast %get3A_502 : vector<16xi32> to vector<16xi32>
      %add3A_504 = vector.broadcast %mul3A_0 : i32 to vector<16xi32>
      %add3A_505 = arith.addi %get3A_503, %add3A_504 : vector<16xi32>
      %swap3A_506 = arith.constant 96 : index
      %swap3A_507 = tpu.vector_load %arg17[%swap3A_506] {strides = array<i32>} : memref<128xi32, #tpu.memory_space<vmem>>, vector<16xi32>,
      %swap3A_508 = vector.shape_cast %swap3A_507 : vector<16xi32> to vector<16xi32>
      %swap3A_509 = vector.shape_cast %add3A_505 : vector<16xi32> to vector<16xi32>
      tpu.vector_store %arg17[%swap3A_506], %swap3A_509 {strides = array<i32>} : memref<128xi32, #tpu.memory_space<vmem>>, vector<16xi32>,
      %get3A_510 = arith.constant 112 : index
      %get3A_511 = tpu.vector_load %arg15[%get3A_510] {strides = array<i32>} : memref<128xi32, #tpu.memory_space<vmem>>, vector<16xi32>,
      %get3A_512 = vector.shape_cast %get3A_511 : vector<16xi32> to vector<16xi32>
      %add3A_513 = vector.broadcast %mul3A_0 : i32 to vector<16xi32>
      %add3A_514 = arith.addi %get3A_512, %add3A_513 : vector<16xi32>
      %swap3A_515 = arith.constant 112 : index
      %swap3A_516 = tpu.vector_load %arg16[%swap3A_515] {strides = array<i32>} : memref<128xi32, #tpu.memory_space<vmem>>, vector<16xi32>,
      %swap3A_517 = vector.shape_cast %swap3A_516 : vector<16xi32> to vector<16xi32>
      %swap3A_518 = vector.shape_cast %add3A_514 : vector<16xi32> to vector<16xi32>
      tpu.vector_store %arg16[%swap3A_515], %swap3A_518 {strides = array<i32>} : memref<128xi32, #tpu.memory_space<vmem>>, vector<16xi32>,
      %get3A_519 = arith.constant 112 : index
      %get3A_520 = tpu.vector_load %arg17[%get3A_519] {strides = array<i32>} : memref<128xi32, #tpu.memory_space<vmem>>, vector<16xi32>,
      %get3A_521 = vector.shape_cast %get3A_520 : vector<16xi32> to vector<16xi32>
      %add3A_522 = vector.broadcast %mul3A_0 : i32 to vector<16xi32>
      %add3A_523 = arith.addi %get3A_521, %add3A_522 : vector<16xi32>
      %swap3A_524 = arith.constant 112 : index
      %swap3A_525 = tpu.vector_load %arg17[%swap3A_524] {strides = array<i32>} : memref<128xi32, #tpu.memory_space<vmem>>, vector<16xi32>,
      %swap3A_526 = vector.shape_cast %swap3A_525 : vector<16xi32> to vector<16xi32>
      %swap3A_527 = vector.shape_cast %add3A_523 : vector<16xi32> to vector<16xi32>
      tpu.vector_store %arg17[%swap3A_524], %swap3A_527 {strides = array<i32>} : memref<128xi32, #tpu.memory_space<vmem>>, vector<16xi32>,
      %dma_start3A_528 = arith.constant 0 : i32
      %dma_start3A_529 = arith.constant 0 : i32
      %dma_start3A_530 = tpu.memref_slice %arg2[%dma_start3A_528, %dma_start3A_529] : memref<100000x32xf32, #tpu.memory_space<hbm>> -> memref<100000x32xf32, #tpu.memory_space<hbm>>
      tpu.enqueue_indirect_dma source(%dma_start3A_530 : memref<100000x32xf32, #tpu.memory_space<hbm>>) target(%arg18 : memref<128x32xf32, #tpu.memory_space<vmem>>) offsets(%arg16 : memref<128xi32, #tpu.memory_space<vmem>>) semaphore(%arg21 : memref<!tpu.dma_semaphore, #tpu.memory_space<semaphore_mem>>)
      %dma_start3A_531 = arith.constant 0 : i32
      %dma_start3A_532 = arith.constant 0 : i32
      %dma_start3A_533 = tpu.memref_slice %arg2[%dma_start3A_531, %dma_start3A_532] : memref<100000x32xf32, #tpu.memory_space<hbm>> -> memref<100000x32xf32, #tpu.memory_space<hbm>>
      tpu.enqueue_indirect_dma source(%dma_start3A_533 : memref<100000x32xf32, #tpu.memory_space<hbm>>) target(%arg19 : memref<128x32xf32, #tpu.memory_space<vmem>>) offsets(%arg17 : memref<128xi32, #tpu.memory_space<vmem>>) semaphore(%arg21 : memref<!tpu.dma_semaphore, #tpu.memory_space<semaphore_mem>>)
      %dma_wait3A_534 = arith.constant 0 : i32
      %dma_wait3A_535 = tpu.memref_slice %arg3[%dma_wait3A_534] : memref<800000xi32, #tpu.memory_space<hbm>> -> memref<128xi32, #tpu.memory_space<hbm>>
      %dma_wait3A_536 = arith.constant 0 : i32
      %dma_wait3A_537 = tpu.memref_slice %arg3[%dma_wait3A_536] : memref<800000xi32, #tpu.memory_space<hbm>> -> memref<128xi32, #tpu.memory_space<hbm>>
      tpu.wait_dma2 semaphore(%arg28 : memref<!tpu.dma_semaphore, #tpu.memory_space<semaphore_mem>>) src(%dma_wait3A_537 : memref<128xi32, #tpu.memory_space<hbm>>) dst(%arg23 : memref<128xi32, #tpu.memory_space<vmem>>)
      %dma_wait3A_538 = arith.constant 0 : i32
      %dma_wait3A_539 = tpu.memref_slice %arg4[%dma_wait3A_538] : memref<800000xi32, #tpu.memory_space<hbm>> -> memref<128xi32, #tpu.memory_space<hbm>>
      %dma_wait3A_540 = arith.constant 0 : i32
      %dma_wait3A_541 = tpu.memref_slice %arg4[%dma_wait3A_540] : memref<800000xi32, #tpu.memory_space<hbm>> -> memref<128xi32, #tpu.memory_space<hbm>>
      tpu.wait_dma2 semaphore(%arg28 : memref<!tpu.dma_semaphore, #tpu.memory_space<semaphore_mem>>) src(%dma_wait3A_541 : memref<128xi32, #tpu.memory_space<hbm>>) dst(%arg25 : memref<128xi32, #tpu.memory_space<vmem>>)
      %gt3A_542 = arith.constant 0 : i32
      %gt3A_543 = arith.cmpi sgt, %scan3A_208, %gt3A_542 : i32
      %convert_element_type3A_544 = arith.extui %gt3A_543 : i1 to i32
      %cond3A_545 = arith.constant 0 : i32
      %cond3A_546 = arith.cmpi ne, %convert_element_type3A_544, %cond3A_545 : i32
      scf.if %cond3A_546 {
        %dma_wait3A_916 = arith.constant 0 : i32
        %dma_wait3A_917 = arith.constant 0 : i32
        %dma_wait3A_918 = tpu.memref_slice %arg34[%dma_wait3A_916, %dma_wait3A_917] : memref<50000x32xf32, #tpu.memory_space<vmem_shared>> -> memref<50000x32xf32, #tpu.memory_space<vmem_shared>>
        tpu.wait_indirect_dma semaphore(%arg30 : memref<!tpu.dma_semaphore, #tpu.memory_space<semaphore_mem>>) src(%arg26 : memref<128x32xf32, #tpu.memory_space<vmem>>) dst(%dma_wait3A_918 : memref<50000x32xf32, #tpu.memory_space<vmem_shared>>)
      } else {
      }
      %get3A_547 = arith.constant 0 : index
      %get3A_548 = tpu.vector_load %arg23[%get3A_547] {strides = array<i32>} : memref<128xi32, #tpu.memory_space<vmem>>, vector<16xi32>,
      %get3A_549 = vector.shape_cast %get3A_548 : vector<16xi32> to vector<16xi32>
      %add3A_550 = vector.broadcast %mul3A_0 : i32 to vector<16xi32>
      %add3A_551 = arith.addi %get3A_549, %add3A_550 : vector<16xi32>
      %swap3A_552 = arith.constant 0 : index
      %swap3A_553 = tpu.vector_load %arg24[%swap3A_552] {strides = array<i32>} : memref<128xi32, #tpu.memory_space<vmem>>, vector<16xi32>,
      %swap3A_554 = vector.shape_cast %swap3A_553 : vector<16xi32> to vector<16xi32>
      %swap3A_555 = vector.shape_cast %add3A_551 : vector<16xi32> to vector<16xi32>
      tpu.vector_store %arg24[%swap3A_552], %swap3A_555 {strides = array<i32>} : memref<128xi32, #tpu.memory_space<vmem>>, vector<16xi32>,
      %get3A_556 = arith.constant 0 : index
      %get3A_557 = tpu.vector_load %arg25[%get3A_556] {strides = array<i32>} : memref<128xi32, #tpu.memory_space<vmem>>, vector<16xi32>,
      %get3A_558 = vector.shape_cast %get3A_557 : vector<16xi32> to vector<16xi32>
      %add3A_559 = vector.broadcast %mul3A_0 : i32 to vector<16xi32>
      %add3A_560 = arith.addi %get3A_558, %add3A_559 : vector<16xi32>
      %swap3A_561 = arith.constant 0 : index
      %swap3A_562 = tpu.vector_load %arg25[%swap3A_561] {strides = array<i32>} : memref<128xi32, #tpu.memory_space<vmem>>, vector<16xi32>,
      %swap3A_563 = vector.shape_cast %swap3A_562 : vector<16xi32> to vector<16xi32>
      %swap3A_564 = vector.shape_cast %add3A_560 : vector<16xi32> to vector<16xi32>
      tpu.vector_store %arg25[%swap3A_561], %swap3A_564 {strides = array<i32>} : memref<128xi32, #tpu.memory_space<vmem>>, vector<16xi32>,
      %get3A_565 = arith.constant 16 : index
      %get3A_566 = tpu.vector_load %arg23[%get3A_565] {strides = array<i32>} : memref<128xi32, #tpu.memory_space<vmem>>, vector<16xi32>,
      %get3A_567 = vector.shape_cast %get3A_566 : vector<16xi32> to vector<16xi32>
      %add3A_568 = vector.broadcast %mul3A_0 : i32 to vector<16xi32>
      %add3A_569 = arith.addi %get3A_567, %add3A_568 : vector<16xi32>
      %swap3A_570 = arith.constant 16 : index
      %swap3A_571 = tpu.vector_load %arg24[%swap3A_570] {strides = array<i32>} : memref<128xi32, #tpu.memory_space<vmem>>, vector<16xi32>,
      %swap3A_572 = vector.shape_cast %swap3A_571 : vector<16xi32> to vector<16xi32>
      %swap3A_573 = vector.shape_cast %add3A_569 : vector<16xi32> to vector<16xi32>
      tpu.vector_store %arg24[%swap3A_570], %swap3A_573 {strides = array<i32>} : memref<128xi32, #tpu.memory_space<vmem>>, vector<16xi32>,
      %get3A_574 = arith.constant 16 : index
      %get3A_575 = tpu.vector_load %arg25[%get3A_574] {strides = array<i32>} : memref<128xi32, #tpu.memory_space<vmem>>, vector<16xi32>,
      %get3A_576 = vector.shape_cast %get3A_575 : vector<16xi32> to vector<16xi32>
      %add3A_577 = vector.broadcast %mul3A_0 : i32 to vector<16xi32>
      %add3A_578 = arith.addi %get3A_576, %add3A_577 : vector<16xi32>
      %swap3A_579 = arith.constant 16 : index
      %swap3A_580 = tpu.vector_load %arg25[%swap3A_579] {strides = array<i32>} : memref<128xi32, #tpu.memory_space<vmem>>, vector<16xi32>,
      %swap3A_581 = vector.shape_cast %swap3A_580 : vector<16xi32> to vector<16xi32>
      %swap3A_582 = vector.shape_cast %add3A_578 : vector<16xi32> to vector<16xi32>
      tpu.vector_store %arg25[%swap3A_579], %swap3A_582 {strides = array<i32>} : memref<128xi32, #tpu.memory_space<vmem>>, vector<16xi32>,
      %get3A_583 = arith.constant 32 : index
      %get3A_584 = tpu.vector_load %arg23[%get3A_583] {strides = array<i32>} : memref<128xi32, #tpu.memory_space<vmem>>, vector<16xi32>,
      %get3A_585 = vector.shape_cast %get3A_584 : vector<16xi32> to vector<16xi32>
      %add3A_586 = vector.broadcast %mul3A_0 : i32 to vector<16xi32>
      %add3A_587 = arith.addi %get3A_585, %add3A_586 : vector<16xi32>
      %swap3A_588 = arith.constant 32 : index
      %swap3A_589 = tpu.vector_load %arg24[%swap3A_588] {strides = array<i32>} : memref<128xi32, #tpu.memory_space<vmem>>, vector<16xi32>,
      %swap3A_590 = vector.shape_cast %swap3A_589 : vector<16xi32> to vector<16xi32>
      %swap3A_591 = vector.shape_cast %add3A_587 : vector<16xi32> to vector<16xi32>
      tpu.vector_store %arg24[%swap3A_588], %swap3A_591 {strides = array<i32>} : memref<128xi32, #tpu.memory_space<vmem>>, vector<16xi32>,
      %get3A_592 = arith.constant 32 : index
      %get3A_593 = tpu.vector_load %arg25[%get3A_592] {strides = array<i32>} : memref<128xi32, #tpu.memory_space<vmem>>, vector<16xi32>,
      %get3A_594 = vector.shape_cast %get3A_593 : vector<16xi32> to vector<16xi32>
      %add3A_595 = vector.broadcast %mul3A_0 : i32 to vector<16xi32>
      %add3A_596 = arith.addi %get3A_594, %add3A_595 : vector<16xi32>
      %swap3A_597 = arith.constant 32 : index
      %swap3A_598 = tpu.vector_load %arg25[%swap3A_597] {strides = array<i32>} : memref<128xi32, #tpu.memory_space<vmem>>, vector<16xi32>,
      %swap3A_599 = vector.shape_cast %swap3A_598 : vector<16xi32> to vector<16xi32>
      %swap3A_600 = vector.shape_cast %add3A_596 : vector<16xi32> to vector<16xi32>
      tpu.vector_store %arg25[%swap3A_597], %swap3A_600 {strides = array<i32>} : memref<128xi32, #tpu.memory_space<vmem>>, vector<16xi32>,
      %get3A_601 = arith.constant 48 : index
      %get3A_602 = tpu.vector_load %arg23[%get3A_601] {strides = array<i32>} : memref<128xi32, #tpu.memory_space<vmem>>, vector<16xi32>,
      %get3A_603 = vector.shape_cast %get3A_602 : vector<16xi32> to vector<16xi32>
      %add3A_604 = vector.broadcast %mul3A_0 : i32 to vector<16xi32>
      %add3A_605 = arith.addi %get3A_603, %add3A_604 : vector<16xi32>
      %swap3A_606 = arith.constant 48 : index
      %swap3A_607 = tpu.vector_load %arg24[%swap3A_606] {strides = array<i32>} : memref<128xi32, #tpu.memory_space<vmem>>, vector<16xi32>,
      %swap3A_608 = vector.shape_cast %swap3A_607 : vector<16xi32> to vector<16xi32>
      %swap3A_609 = vector.shape_cast %add3A_605 : vector<16xi32> to vector<16xi32>
      tpu.vector_store %arg24[%swap3A_606], %swap3A_609 {strides = array<i32>} : memref<128xi32, #tpu.memory_space<vmem>>, vector<16xi32>,
      %get3A_610 = arith.constant 48 : index
      %get3A_611 = tpu.vector_load %arg25[%get3A_610] {strides = array<i32>} : memref<128xi32, #tpu.memory_space<vmem>>, vector<16xi32>,
      %get3A_612 = vector.shape_cast %get3A_611 : vector<16xi32> to vector<16xi32>
      %add3A_613 = vector.broadcast %mul3A_0 : i32 to vector<16xi32>
      %add3A_614 = arith.addi %get3A_612, %add3A_613 : vector<16xi32>
      %swap3A_615 = arith.constant 48 : index
      %swap3A_616 = tpu.vector_load %arg25[%swap3A_615] {strides = array<i32>} : memref<128xi32, #tpu.memory_space<vmem>>, vector<16xi32>,
      %swap3A_617 = vector.shape_cast %swap3A_616 : vector<16xi32> to vector<16xi32>
      %swap3A_618 = vector.shape_cast %add3A_614 : vector<16xi32> to vector<16xi32>
      tpu.vector_store %arg25[%swap3A_615], %swap3A_618 {strides = array<i32>} : memref<128xi32, #tpu.memory_space<vmem>>, vector<16xi32>,
      %get3A_619 = arith.constant 64 : index
      %get3A_620 = tpu.vector_load %arg23[%get3A_619] {strides = array<i32>} : memref<128xi32, #tpu.memory_space<vmem>>, vector<16xi32>,
      %get3A_621 = vector.shape_cast %get3A_620 : vector<16xi32> to vector<16xi32>
      %add3A_622 = vector.broadcast %mul3A_0 : i32 to vector<16xi32>
      %add3A_623 = arith.addi %get3A_621, %add3A_622 : vector<16xi32>
      %swap3A_624 = arith.constant 64 : index
      %swap3A_625 = tpu.vector_load %arg24[%swap3A_624] {strides = array<i32>} : memref<128xi32, #tpu.memory_space<vmem>>, vector<16xi32>,
      %swap3A_626 = vector.shape_cast %swap3A_625 : vector<16xi32> to vector<16xi32>
      %swap3A_627 = vector.shape_cast %add3A_623 : vector<16xi32> to vector<16xi32>
      tpu.vector_store %arg24[%swap3A_624], %swap3A_627 {strides = array<i32>} : memref<128xi32, #tpu.memory_space<vmem>>, vector<16xi32>,
      %get3A_628 = arith.constant 64 : index
      %get3A_629 = tpu.vector_load %arg25[%get3A_628] {strides = array<i32>} : memref<128xi32, #tpu.memory_space<vmem>>, vector<16xi32>,
      %get3A_630 = vector.shape_cast %get3A_629 : vector<16xi32> to vector<16xi32>
      %add3A_631 = vector.broadcast %mul3A_0 : i32 to vector<16xi32>
      %add3A_632 = arith.addi %get3A_630, %add3A_631 : vector<16xi32>
      %swap3A_633 = arith.constant 64 : index
      %swap3A_634 = tpu.vector_load %arg25[%swap3A_633] {strides = array<i32>} : memref<128xi32, #tpu.memory_space<vmem>>, vector<16xi32>,
      %swap3A_635 = vector.shape_cast %swap3A_634 : vector<16xi32> to vector<16xi32>
      %swap3A_636 = vector.shape_cast %add3A_632 : vector<16xi32> to vector<16xi32>
      tpu.vector_store %arg25[%swap3A_633], %swap3A_636 {strides = array<i32>} : memref<128xi32, #tpu.memory_space<vmem>>, vector<16xi32>,
      %get3A_637 = arith.constant 80 : index
      %get3A_638 = tpu.vector_load %arg23[%get3A_637] {strides = array<i32>} : memref<128xi32, #tpu.memory_space<vmem>>, vector<16xi32>,
      %get3A_639 = vector.shape_cast %get3A_638 : vector<16xi32> to vector<16xi32>
      %add3A_640 = vector.broadcast %mul3A_0 : i32 to vector<16xi32>
      %add3A_641 = arith.addi %get3A_639, %add3A_640 : vector<16xi32>
      %swap3A_642 = arith.constant 80 : index
      %swap3A_643 = tpu.vector_load %arg24[%swap3A_642] {strides = array<i32>} : memref<128xi32, #tpu.memory_space<vmem>>, vector<16xi32>,
      %swap3A_644 = vector.shape_cast %swap3A_643 : vector<16xi32> to vector<16xi32>
      %swap3A_645 = vector.shape_cast %add3A_641 : vector<16xi32> to vector<16xi32>
      tpu.vector_store %arg24[%swap3A_642], %swap3A_645 {strides = array<i32>} : memref<128xi32, #tpu.memory_space<vmem>>, vector<16xi32>,
      %get3A_646 = arith.constant 80 : index
      %get3A_647 = tpu.vector_load %arg25[%get3A_646] {strides = array<i32>} : memref<128xi32, #tpu.memory_space<vmem>>, vector<16xi32>,
      %get3A_648 = vector.shape_cast %get3A_647 : vector<16xi32> to vector<16xi32>
      %add3A_649 = vector.broadcast %mul3A_0 : i32 to vector<16xi32>
      %add3A_650 = arith.addi %get3A_648, %add3A_649 : vector<16xi32>
      %swap3A_651 = arith.constant 80 : index
      %swap3A_652 = tpu.vector_load %arg25[%swap3A_651] {strides = array<i32>} : memref<128xi32, #tpu.memory_space<vmem>>, vector<16xi32>,
      %swap3A_653 = vector.shape_cast %swap3A_652 : vector<16xi32> to vector<16xi32>
      %swap3A_654 = vector.shape_cast %add3A_650 : vector<16xi32> to vector<16xi32>
      tpu.vector_store %arg25[%swap3A_651], %swap3A_654 {strides = array<i32>} : memref<128xi32, #tpu.memory_space<vmem>>, vector<16xi32>,
      %get3A_655 = arith.constant 96 : index
      %get3A_656 = tpu.vector_load %arg23[%get3A_655] {strides = array<i32>} : memref<128xi32, #tpu.memory_space<vmem>>, vector<16xi32>,
      %get3A_657 = vector.shape_cast %get3A_656 : vector<16xi32> to vector<16xi32>
      %add3A_658 = vector.broadcast %mul3A_0 : i32 to vector<16xi32>
      %add3A_659 = arith.addi %get3A_657, %add3A_658 : vector<16xi32>
      %swap3A_660 = arith.constant 96 : index
      %swap3A_661 = tpu.vector_load %arg24[%swap3A_660] {strides = array<i32>} : memref<128xi32, #tpu.memory_space<vmem>>, vector<16xi32>,
      %swap3A_662 = vector.shape_cast %swap3A_661 : vector<16xi32> to vector<16xi32>
      %swap3A_663 = vector.shape_cast %add3A_659 : vector<16xi32> to vector<16xi32>
      tpu.vector_store %arg24[%swap3A_660], %swap3A_663 {strides = array<i32>} : memref<128xi32, #tpu.memory_space<vmem>>, vector<16xi32>,
      %get3A_664 = arith.constant 96 : index
      %get3A_665 = tpu.vector_load %arg25[%get3A_664] {strides = array<i32>} : memref<128xi32, #tpu.memory_space<vmem>>, vector<16xi32>,
      %get3A_666 = vector.shape_cast %get3A_665 : vector<16xi32> to vector<16xi32>
      %add3A_667 = vector.broadcast %mul3A_0 : i32 to vector<16xi32>
      %add3A_668 = arith.addi %get3A_666, %add3A_667 : vector<16xi32>
      %swap3A_669 = arith.constant 96 : index
      %swap3A_670 = tpu.vector_load %arg25[%swap3A_669] {strides = array<i32>} : memref<128xi32, #tpu.memory_space<vmem>>, vector<16xi32>,
      %swap3A_671 = vector.shape_cast %swap3A_670 : vector<16xi32> to vector<16xi32>
      %swap3A_672 = vector.shape_cast %add3A_668 : vector<16xi32> to vector<16xi32>
      tpu.vector_store %arg25[%swap3A_669], %swap3A_672 {strides = array<i32>} : memref<128xi32, #tpu.memory_space<vmem>>, vector<16xi32>,
      %get3A_673 = arith.constant 112 : index
      %get3A_674 = tpu.vector_load %arg23[%get3A_673] {strides = array<i32>} : memref<128xi32, #tpu.memory_space<vmem>>, vector<16xi32>,
      %get3A_675 = vector.shape_cast %get3A_674 : vector<16xi32> to vector<16xi32>
      %add3A_676 = vector.broadcast %mul3A_0 : i32 to vector<16xi32>
      %add3A_677 = arith.addi %get3A_675, %add3A_676 : vector<16xi32>
      %swap3A_678 = arith.constant 112 : index
      %swap3A_679 = tpu.vector_load %arg24[%swap3A_678] {strides = array<i32>} : memref<128xi32, #tpu.memory_space<vmem>>, vector<16xi32>,
      %swap3A_680 = vector.shape_cast %swap3A_679 : vector<16xi32> to vector<16xi32>
      %swap3A_681 = vector.shape_cast %add3A_677 : vector<16xi32> to vector<16xi32>
      tpu.vector_store %arg24[%swap3A_678], %swap3A_681 {strides = array<i32>} : memref<128xi32, #tpu.memory_space<vmem>>, vector<16xi32>,
      %get3A_682 = arith.constant 112 : index
      %get3A_683 = tpu.vector_load %arg25[%get3A_682] {strides = array<i32>} : memref<128xi32, #tpu.memory_space<vmem>>, vector<16xi32>,
      %get3A_684 = vector.shape_cast %get3A_683 : vector<16xi32> to vector<16xi32>
      %add3A_685 = vector.broadcast %mul3A_0 : i32 to vector<16xi32>
      %add3A_686 = arith.addi %get3A_684, %add3A_685 : vector<16xi32>
      %swap3A_687 = arith.constant 112 : index
      %swap3A_688 = tpu.vector_load %arg25[%swap3A_687] {strides = array<i32>} : memref<128xi32, #tpu.memory_space<vmem>>, vector<16xi32>,
      %swap3A_689 = vector.shape_cast %swap3A_688 : vector<16xi32> to vector<16xi32>
      %swap3A_690 = vector.shape_cast %add3A_686 : vector<16xi32> to vector<16xi32>
      tpu.vector_store %arg25[%swap3A_687], %swap3A_690 {strides = array<i32>} : memref<128xi32, #tpu.memory_space<vmem>>, vector<16xi32>,
      %dma_start3A_691 = arith.constant 0 : i32
      %dma_start3A_692 = arith.constant 0 : i32
      %dma_start3A_693 = tpu.memref_slice %arg2[%dma_start3A_691, %dma_start3A_692] : memref<100000x32xf32, #tpu.memory_space<hbm>> -> memref<100000x32xf32, #tpu.memory_space<hbm>>
      tpu.enqueue_indirect_dma source(%dma_start3A_693 : memref<100000x32xf32, #tpu.memory_space<hbm>>) target(%arg26 : memref<128x32xf32, #tpu.memory_space<vmem>>) offsets(%arg24 : memref<128xi32, #tpu.memory_space<vmem>>) semaphore(%arg29 : memref<!tpu.dma_semaphore, #tpu.memory_space<semaphore_mem>>)
      %dma_start3A_694 = arith.constant 0 : i32
      %dma_start3A_695 = arith.constant 0 : i32
      %dma_start3A_696 = tpu.memref_slice %arg2[%dma_start3A_694, %dma_start3A_695] : memref<100000x32xf32, #tpu.memory_space<hbm>> -> memref<100000x32xf32, #tpu.memory_space<hbm>>
      tpu.enqueue_indirect_dma source(%dma_start3A_696 : memref<100000x32xf32, #tpu.memory_space<hbm>>) target(%arg27 : memref<128x32xf32, #tpu.memory_space<vmem>>) offsets(%arg25 : memref<128xi32, #tpu.memory_space<vmem>>) semaphore(%arg29 : memref<!tpu.dma_semaphore, #tpu.memory_space<semaphore_mem>>)
      %dma_wait3A_697 = arith.constant 0 : i32
      %dma_wait3A_698 = arith.constant 0 : i32
      %dma_wait3A_699 = tpu.memref_slice %arg2[%dma_wait3A_697, %dma_wait3A_698] : memref<100000x32xf32, #tpu.memory_space<hbm>> -> memref<100000x32xf32, #tpu.memory_space<hbm>>
      tpu.wait_indirect_dma semaphore(%arg13 : memref<!tpu.dma_semaphore, #tpu.memory_space<semaphore_mem>>) src(%dma_wait3A_699 : memref<100000x32xf32, #tpu.memory_space<hbm>>) dst(%arg10 : memref<128x32xf32, #tpu.memory_space<vmem>>)
      %dma_wait3A_700 = arith.constant 0 : i32
      %dma_wait3A_701 = arith.constant 0 : i32
      %dma_wait3A_702 = tpu.memref_slice %arg2[%dma_wait3A_700, %dma_wait3A_701] : memref<100000x32xf32, #tpu.memory_space<hbm>> -> memref<100000x32xf32, #tpu.memory_space<hbm>>
      tpu.wait_indirect_dma semaphore(%arg13 : memref<!tpu.dma_semaphore, #tpu.memory_space<semaphore_mem>>) src(%dma_wait3A_702 : memref<100000x32xf32, #tpu.memory_space<hbm>>) dst(%arg11 : memref<128x32xf32, #tpu.memory_space<vmem>>)
      %get3A_703 = arith.constant 0 : index
      %get3A_704 = tpu.vector_load %arg7[%get3A_703] {strides = array<i32>} : memref<128xi32, #tpu.memory_space<vmem>>, vector<16xi32>,
      %get3A_705 = vector.shape_cast %get3A_704 : vector<16xi32> to vector<16xi32>
      %swap3A_706 = arith.constant 0 : index
      %swap3A_707 = tpu.vector_load %arg8[%swap3A_706] {strides = array<i32>} : memref<128xi32, #tpu.memory_space<vmem>>, vector<16xi32>,
      %swap3A_708 = vector.shape_cast %swap3A_707 : vector<16xi32> to vector<16xi32>
      %swap3A_709 = vector.shape_cast %get3A_705 : vector<16xi32> to vector<16xi32>
      tpu.vector_store %arg8[%swap3A_706], %swap3A_709 {strides = array<i32>} : memref<128xi32, #tpu.memory_space<vmem>>, vector<16xi32>,
      %get3A_710 = arith.constant 16 : index
      %get3A_711 = tpu.vector_load %arg7[%get3A_710] {strides = array<i32>} : memref<128xi32, #tpu.memory_space<vmem>>, vector<16xi32>,
      %get3A_712 = vector.shape_cast %get3A_711 : vector<16xi32> to vector<16xi32>
      %swap3A_713 = arith.constant 16 : index
      %swap3A_714 = tpu.vector_load %arg8[%swap3A_713] {strides = array<i32>} : memref<128xi32, #tpu.memory_space<vmem>>, vector<16xi32>,
      %swap3A_715 = vector.shape_cast %swap3A_714 : vector<16xi32> to vector<16xi32>
      %swap3A_716 = vector.shape_cast %get3A_712 : vector<16xi32> to vector<16xi32>
      tpu.vector_store %arg8[%swap3A_713], %swap3A_716 {strides = array<i32>} : memref<128xi32, #tpu.memory_space<vmem>>, vector<16xi32>,
      %get3A_717 = arith.constant 32 : index
      %get3A_718 = tpu.vector_load %arg7[%get3A_717] {strides = array<i32>} : memref<128xi32, #tpu.memory_space<vmem>>, vector<16xi32>,
      %get3A_719 = vector.shape_cast %get3A_718 : vector<16xi32> to vector<16xi32>
      %swap3A_720 = arith.constant 32 : index
      %swap3A_721 = tpu.vector_load %arg8[%swap3A_720] {strides = array<i32>} : memref<128xi32, #tpu.memory_space<vmem>>, vector<16xi32>,
      %swap3A_722 = vector.shape_cast %swap3A_721 : vector<16xi32> to vector<16xi32>
      %swap3A_723 = vector.shape_cast %get3A_719 : vector<16xi32> to vector<16xi32>
      tpu.vector_store %arg8[%swap3A_720], %swap3A_723 {strides = array<i32>} : memref<128xi32, #tpu.memory_space<vmem>>, vector<16xi32>,
      %get3A_724 = arith.constant 48 : index
      %get3A_725 = tpu.vector_load %arg7[%get3A_724] {strides = array<i32>} : memref<128xi32, #tpu.memory_space<vmem>>, vector<16xi32>,
      %get3A_726 = vector.shape_cast %get3A_725 : vector<16xi32> to vector<16xi32>
      %swap3A_727 = arith.constant 48 : index
      %swap3A_728 = tpu.vector_load %arg8[%swap3A_727] {strides = array<i32>} : memref<128xi32, #tpu.memory_space<vmem>>, vector<16xi32>,
      %swap3A_729 = vector.shape_cast %swap3A_728 : vector<16xi32> to vector<16xi32>
      %swap3A_730 = vector.shape_cast %get3A_726 : vector<16xi32> to vector<16xi32>
      tpu.vector_store %arg8[%swap3A_727], %swap3A_730 {strides = array<i32>} : memref<128xi32, #tpu.memory_space<vmem>>, vector<16xi32>,
      %get3A_731 = arith.constant 64 : index
      %get3A_732 = tpu.vector_load %arg7[%get3A_731] {strides = array<i32>} : memref<128xi32, #tpu.memory_space<vmem>>, vector<16xi32>,
      %get3A_733 = vector.shape_cast %get3A_732 : vector<16xi32> to vector<16xi32>
      %swap3A_734 = arith.constant 64 : index
      %swap3A_735 = tpu.vector_load %arg8[%swap3A_734] {strides = array<i32>} : memref<128xi32, #tpu.memory_space<vmem>>, vector<16xi32>,
      %swap3A_736 = vector.shape_cast %swap3A_735 : vector<16xi32> to vector<16xi32>
      %swap3A_737 = vector.shape_cast %get3A_733 : vector<16xi32> to vector<16xi32>
      tpu.vector_store %arg8[%swap3A_734], %swap3A_737 {strides = array<i32>} : memref<128xi32, #tpu.memory_space<vmem>>, vector<16xi32>,
      %get3A_738 = arith.constant 80 : index
      %get3A_739 = tpu.vector_load %arg7[%get3A_738] {strides = array<i32>} : memref<128xi32, #tpu.memory_space<vmem>>, vector<16xi32>,
      %get3A_740 = vector.shape_cast %get3A_739 : vector<16xi32> to vector<16xi32>
      %swap3A_741 = arith.constant 80 : index
      %swap3A_742 = tpu.vector_load %arg8[%swap3A_741] {strides = array<i32>} : memref<128xi32, #tpu.memory_space<vmem>>, vector<16xi32>,
      %swap3A_743 = vector.shape_cast %swap3A_742 : vector<16xi32> to vector<16xi32>
      %swap3A_744 = vector.shape_cast %get3A_740 : vector<16xi32> to vector<16xi32>
      tpu.vector_store %arg8[%swap3A_741], %swap3A_744 {strides = array<i32>} : memref<128xi32, #tpu.memory_space<vmem>>, vector<16xi32>,
      %get3A_745 = arith.constant 96 : index
      %get3A_746 = tpu.vector_load %arg7[%get3A_745] {strides = array<i32>} : memref<128xi32, #tpu.memory_space<vmem>>, vector<16xi32>,
      %get3A_747 = vector.shape_cast %get3A_746 : vector<16xi32> to vector<16xi32>
      %swap3A_748 = arith.constant 96 : index
      %swap3A_749 = tpu.vector_load %arg8[%swap3A_748] {strides = array<i32>} : memref<128xi32, #tpu.memory_space<vmem>>, vector<16xi32>,
      %swap3A_750 = vector.shape_cast %swap3A_749 : vector<16xi32> to vector<16xi32>
      %swap3A_751 = vector.shape_cast %get3A_747 : vector<16xi32> to vector<16xi32>
      tpu.vector_store %arg8[%swap3A_748], %swap3A_751 {strides = array<i32>} : memref<128xi32, #tpu.memory_space<vmem>>, vector<16xi32>,
      %get3A_752 = arith.constant 112 : index
      %get3A_753 = tpu.vector_load %arg7[%get3A_752] {strides = array<i32>} : memref<128xi32, #tpu.memory_space<vmem>>, vector<16xi32>,
      %get3A_754 = vector.shape_cast %get3A_753 : vector<16xi32> to vector<16xi32>
      %swap3A_755 = arith.constant 112 : index
      %swap3A_756 = tpu.vector_load %arg8[%swap3A_755] {strides = array<i32>} : memref<128xi32, #tpu.memory_space<vmem>>, vector<16xi32>,
      %swap3A_757 = vector.shape_cast %swap3A_756 : vector<16xi32> to vector<16xi32>
      %swap3A_758 = vector.shape_cast %get3A_754 : vector<16xi32> to vector<16xi32>
      tpu.vector_store %arg8[%swap3A_755], %swap3A_758 {strides = array<i32>} : memref<128xi32, #tpu.memory_space<vmem>>, vector<16xi32>,
      %parallel_loop3A_759 = arith.constant 0 : i32
      %parallel_loop3A_760 = arith.constant 128 : i32
      %parallel_loop3A_761 = arith.constant 1 : i32
      scf.for %parallel_loop3A_916 = %parallel_loop3A_759 to %parallel_loop3A_760 step %parallel_loop3A_761  : i32 {
        %parallel_loop3A_917 = arith.index_cast %parallel_loop3A_916 : i32 to index
        %parallel_loop3A_918 = arith.constant 0 : index
        %parallel_loop3A_919 = tpu.vector_load %arg10[%parallel_loop3A_917, %parallel_loop3A_918] {strides = array<i32>} : memref<128x32xf32, #tpu.memory_space<vmem>>, vector<1x16xf32>,
        %parallel_loop3A_920 = vector.shape_cast %parallel_loop3A_919 : vector<1x16xf32> to vector<16xf32>
        %parallel_loop3A_921 = arith.index_cast %parallel_loop3A_916 : i32 to index
        %parallel_loop3A_922 = arith.constant 0 : index
        %parallel_loop3A_923 = tpu.vector_load %arg11[%parallel_loop3A_921, %parallel_loop3A_922] {strides = array<i32>} : memref<128x32xf32, #tpu.memory_space<vmem>>, vector<1x16xf32>,
        %parallel_loop3A_924 = vector.shape_cast %parallel_loop3A_923 : vector<1x16xf32> to vector<16xf32>
        %parallel_loop3A_925 = arith.subf %parallel_loop3A_920, %parallel_loop3A_924 : vector<16xf32>
        %parallel_loop3A_926 = math.absf %parallel_loop3A_925 : vector<16xf32>
        %parallel_loop3A_927 = arith.index_cast %parallel_loop3A_916 : i32 to index
        %parallel_loop3A_928 = arith.constant 0 : index
        %parallel_loop3A_929 = tpu.vector_load %arg10[%parallel_loop3A_927, %parallel_loop3A_928] {strides = array<i32>} : memref<128x32xf32, #tpu.memory_space<vmem>>, vector<1x16xf32>,
        %parallel_loop3A_930 = vector.shape_cast %parallel_loop3A_929 : vector<1x16xf32> to vector<16xf32>
        %parallel_loop3A_931 = vector.shape_cast %parallel_loop3A_926 : vector<16xf32> to vector<1x16xf32>
        tpu.vector_store %arg10[%parallel_loop3A_927, %parallel_loop3A_928], %parallel_loop3A_931 {strides = array<i32>} : memref<128x32xf32, #tpu.memory_space<vmem>>, vector<1x16xf32>,
        %parallel_loop3A_932 = arith.index_cast %parallel_loop3A_916 : i32 to index
        %parallel_loop3A_933 = arith.constant 16 : index
        %parallel_loop3A_934 = tpu.vector_load %arg10[%parallel_loop3A_932, %parallel_loop3A_933] {strides = array<i32>} : memref<128x32xf32, #tpu.memory_space<vmem>>, vector<1x16xf32>,
        %parallel_loop3A_935 = vector.shape_cast %parallel_loop3A_934 : vector<1x16xf32> to vector<16xf32>
        %parallel_loop3A_936 = arith.index_cast %parallel_loop3A_916 : i32 to index
        %parallel_loop3A_937 = arith.constant 16 : index
        %parallel_loop3A_938 = tpu.vector_load %arg11[%parallel_loop3A_936, %parallel_loop3A_937] {strides = array<i32>} : memref<128x32xf32, #tpu.memory_space<vmem>>, vector<1x16xf32>,
        %parallel_loop3A_939 = vector.shape_cast %parallel_loop3A_938 : vector<1x16xf32> to vector<16xf32>
        %parallel_loop3A_940 = arith.subf %parallel_loop3A_935, %parallel_loop3A_939 : vector<16xf32>
        %parallel_loop3A_941 = math.absf %parallel_loop3A_940 : vector<16xf32>
        %parallel_loop3A_942 = arith.index_cast %parallel_loop3A_916 : i32 to index
        %parallel_loop3A_943 = arith.constant 16 : index
        %parallel_loop3A_944 = tpu.vector_load %arg10[%parallel_loop3A_942, %parallel_loop3A_943] {strides = array<i32>} : memref<128x32xf32, #tpu.memory_space<vmem>>, vector<1x16xf32>,
        %parallel_loop3A_945 = vector.shape_cast %parallel_loop3A_944 : vector<1x16xf32> to vector<16xf32>
        %parallel_loop3A_946 = vector.shape_cast %parallel_loop3A_941 : vector<16xf32> to vector<1x16xf32>
        tpu.vector_store %arg10[%parallel_loop3A_942, %parallel_loop3A_943], %parallel_loop3A_946 {strides = array<i32>} : memref<128x32xf32, #tpu.memory_space<vmem>>, vector<1x16xf32>,
      } {sc.loop_unroll_factor = 4 : i64, sc.parallel_access}
      %dma_start3A_762 = arith.constant 0 : i32
      %dma_start3A_763 = arith.constant 0 : i32
      %dma_start3A_764 = tpu.memref_slice %arg34[%dma_start3A_762, %dma_start3A_763] : memref<50000x32xf32, #tpu.memory_space<vmem_shared>> -> memref<50000x32xf32, #tpu.memory_space<vmem_shared>>
      tpu.enqueue_indirect_dma source(%arg10 : memref<128x32xf32, #tpu.memory_space<vmem>>) target(%dma_start3A_764 : memref<50000x32xf32, #tpu.memory_space<vmem_shared>>) offsets(%arg8 : memref<128xi32, #tpu.memory_space<vmem>>) semaphore(%arg14 : memref<!tpu.dma_semaphore, #tpu.memory_space<semaphore_mem>>) {add = true}
      %lt3A_765 = arith.constant 129 : i32
      %lt3A_766 = arith.cmpi slt, %scan3A_208, %lt3A_765 : i32
      %convert_element_type3A_767 = arith.extui %lt3A_766 : i1 to i32
      %cond3A_768 = arith.constant 0 : i32
      %cond3A_769 = arith.cmpi ne, %convert_element_type3A_767, %cond3A_768 : i32
      scf.if %cond3A_769 {
        %add3A_916 = arith.constant 1 : i32
        %add3A_917 = arith.addi %scan3A_208, %add3A_916 : i32
        %mul3A_918 = arith.constant 3 : i32
        %mul3A_919 = arith.muli %add3A_917, %mul3A_918 : i32
        %add3A_920 = arith.constant 0 : i32
        %add3A_921 = arith.addi %mul3A_919, %add3A_920 : i32
        %mul3A_922 = arith.constant 50000 : i32
        %mul3A_923 = arith.muli %arg1, %mul3A_922 : i32
        %mul3A_924 = arith.constant 128 : i32
        %mul3A_925 = arith.muli %add3A_921, %mul3A_924 : i32
        %add3A_926 = arith.addi %mul3A_923, %mul3A_925 : i32
        %dma_start3A_927 = tpu.memref_slice %arg3[%add3A_926] : memref<800000xi32, #tpu.memory_space<hbm>> -> memref<128xi32, #tpu.memory_space<hbm>>
        %dma_start3A_928 = tpu.memref_slice %arg3[%add3A_926] : memref<800000xi32, #tpu.memory_space<hbm>> -> memref<128xi32, #tpu.memory_space<hbm>>
        tpu.enqueue_dma source(%dma_start3A_928 : memref<128xi32, #tpu.memory_space<hbm>>) target(%arg7 : memref<128xi32, #tpu.memory_space<vmem>>) target_semaphore(%arg12 : memref<!tpu.dma_semaphore, #tpu.memory_space<semaphore_mem>>)
        %dma_start3A_929 = tpu.memref_slice %arg4[%add3A_926] : memref<800000xi32, #tpu.memory_space<hbm>> -> memref<128xi32, #tpu.memory_space<hbm>>
        %dma_start3A_930 = tpu.memref_slice %arg4[%add3A_926] : memref<800000xi32, #tpu.memory_space<hbm>> -> memref<128xi32, #tpu.memory_space<hbm>>
        tpu.enqueue_dma source(%dma_start3A_930 : memref<128xi32, #tpu.memory_space<hbm>>) target(%arg9 : memref<128xi32, #tpu.memory_space<vmem>>) target_semaphore(%arg12 : memref<!tpu.dma_semaphore, #tpu.memory_space<semaphore_mem>>)
      } else {
      }
      %dma_wait3A_770 = arith.constant 0 : i32
      %dma_wait3A_771 = arith.constant 0 : i32
      %dma_wait3A_772 = tpu.memref_slice %arg2[%dma_wait3A_770, %dma_wait3A_771] : memref<100000x32xf32, #tpu.memory_space<hbm>> -> memref<100000x32xf32, #tpu.memory_space<hbm>>
      tpu.wait_indirect_dma semaphore(%arg21 : memref<!tpu.dma_semaphore, #tpu.memory_space<semaphore_mem>>) src(%dma_wait3A_772 : memref<100000x32xf32, #tpu.memory_space<hbm>>) dst(%arg18 : memref<128x32xf32, #tpu.memory_space<vmem>>)
      %dma_wait3A_773 = arith.constant 0 : i32
      %dma_wait3A_774 = arith.constant 0 : i32
      %dma_wait3A_775 = tpu.memref_slice %arg2[%dma_wait3A_773, %dma_wait3A_774] : memref<100000x32xf32, #tpu.memory_space<hbm>> -> memref<100000x32xf32, #tpu.memory_space<hbm>>
      tpu.wait_indirect_dma semaphore(%arg21 : memref<!tpu.dma_semaphore, #tpu.memory_space<semaphore_mem>>) src(%dma_wait3A_775 : memref<100000x32xf32, #tpu.memory_space<hbm>>) dst(%arg19 : memref<128x32xf32, #tpu.memory_space<vmem>>)
      %get3A_776 = arith.constant 0 : index
      %get3A_777 = tpu.vector_load %arg15[%get3A_776] {strides = array<i32>} : memref<128xi32, #tpu.memory_space<vmem>>, vector<16xi32>,
      %get3A_778 = vector.shape_cast %get3A_777 : vector<16xi32> to vector<16xi32>
      %swap3A_779 = arith.constant 0 : index
      %swap3A_780 = tpu.vector_load %arg16[%swap3A_779] {strides = array<i32>} : memref<128xi32, #tpu.memory_space<vmem>>, vector<16xi32>,
      %swap3A_781 = vector.shape_cast %swap3A_780 : vector<16xi32> to vector<16xi32>
      %swap3A_782 = vector.shape_cast %get3A_778 : vector<16xi32> to vector<16xi32>
      tpu.vector_store %arg16[%swap3A_779], %swap3A_782 {strides = array<i32>} : memref<128xi32, #tpu.memory_space<vmem>>, vector<16xi32>,
      %get3A_783 = arith.constant 16 : index
      %get3A_784 = tpu.vector_load %arg15[%get3A_783] {strides = array<i32>} : memref<128xi32, #tpu.memory_space<vmem>>, vector<16xi32>,
      %get3A_785 = vector.shape_cast %get3A_784 : vector<16xi32> to vector<16xi32>
      %swap3A_786 = arith.constant 16 : index
      %swap3A_787 = tpu.vector_load %arg16[%swap3A_786] {strides = array<i32>} : memref<128xi32, #tpu.memory_space<vmem>>, vector<16xi32>,
      %swap3A_788 = vector.shape_cast %swap3A_787 : vector<16xi32> to vector<16xi32>
      %swap3A_789 = vector.shape_cast %get3A_785 : vector<16xi32> to vector<16xi32>
      tpu.vector_store %arg16[%swap3A_786], %swap3A_789 {strides = array<i32>} : memref<128xi32, #tpu.memory_space<vmem>>, vector<16xi32>,
      %get3A_790 = arith.constant 32 : index
      %get3A_791 = tpu.vector_load %arg15[%get3A_790] {strides = array<i32>} : memref<128xi32, #tpu.memory_space<vmem>>, vector<16xi32>,
      %get3A_792 = vector.shape_cast %get3A_791 : vector<16xi32> to vector<16xi32>
      %swap3A_793 = arith.constant 32 : index
      %swap3A_794 = tpu.vector_load %arg16[%swap3A_793] {strides = array<i32>} : memref<128xi32, #tpu.memory_space<vmem>>, vector<16xi32>,
      %swap3A_795 = vector.shape_cast %swap3A_794 : vector<16xi32> to vector<16xi32>
      %swap3A_796 = vector.shape_cast %get3A_792 : vector<16xi32> to vector<16xi32>
      tpu.vector_store %arg16[%swap3A_793], %swap3A_796 {strides = array<i32>} : memref<128xi32, #tpu.memory_space<vmem>>, vector<16xi32>,
      %get3A_797 = arith.constant 48 : index
      %get3A_798 = tpu.vector_load %arg15[%get3A_797] {strides = array<i32>} : memref<128xi32, #tpu.memory_space<vmem>>, vector<16xi32>,
      %get3A_799 = vector.shape_cast %get3A_798 : vector<16xi32> to vector<16xi32>
      %swap3A_800 = arith.constant 48 : index
      %swap3A_801 = tpu.vector_load %arg16[%swap3A_800] {strides = array<i32>} : memref<128xi32, #tpu.memory_space<vmem>>, vector<16xi32>,
      %swap3A_802 = vector.shape_cast %swap3A_801 : vector<16xi32> to vector<16xi32>
      %swap3A_803 = vector.shape_cast %get3A_799 : vector<16xi32> to vector<16xi32>
      tpu.vector_store %arg16[%swap3A_800], %swap3A_803 {strides = array<i32>} : memref<128xi32, #tpu.memory_space<vmem>>, vector<16xi32>,
      %get3A_804 = arith.constant 64 : index
      %get3A_805 = tpu.vector_load %arg15[%get3A_804] {strides = array<i32>} : memref<128xi32, #tpu.memory_space<vmem>>, vector<16xi32>,
      %get3A_806 = vector.shape_cast %get3A_805 : vector<16xi32> to vector<16xi32>
      %swap3A_807 = arith.constant 64 : index
      %swap3A_808 = tpu.vector_load %arg16[%swap3A_807] {strides = array<i32>} : memref<128xi32, #tpu.memory_space<vmem>>, vector<16xi32>,
      %swap3A_809 = vector.shape_cast %swap3A_808 : vector<16xi32> to vector<16xi32>
      %swap3A_810 = vector.shape_cast %get3A_806 : vector<16xi32> to vector<16xi32>
      tpu.vector_store %arg16[%swap3A_807], %swap3A_810 {strides = array<i32>} : memref<128xi32, #tpu.memory_space<vmem>>, vector<16xi32>,
      %get3A_811 = arith.constant 80 : index
      %get3A_812 = tpu.vector_load %arg15[%get3A_811] {strides = array<i32>} : memref<128xi32, #tpu.memory_space<vmem>>, vector<16xi32>,
      %get3A_813 = vector.shape_cast %get3A_812 : vector<16xi32> to vector<16xi32>
      %swap3A_814 = arith.constant 80 : index
      %swap3A_815 = tpu.vector_load %arg16[%swap3A_814] {strides = array<i32>} : memref<128xi32, #tpu.memory_space<vmem>>, vector<16xi32>,
      %swap3A_816 = vector.shape_cast %swap3A_815 : vector<16xi32> to vector<16xi32>
      %swap3A_817 = vector.shape_cast %get3A_813 : vector<16xi32> to vector<16xi32>
      tpu.vector_store %arg16[%swap3A_814], %swap3A_817 {strides = array<i32>} : memref<128xi32, #tpu.memory_space<vmem>>, vector<16xi32>,
      %get3A_818 = arith.constant 96 : index
      %get3A_819 = tpu.vector_load %arg15[%get3A_818] {strides = array<i32>} : memref<128xi32, #tpu.memory_space<vmem>>, vector<16xi32>,
      %get3A_820 = vector.shape_cast %get3A_819 : vector<16xi32> to vector<16xi32>
      %swap3A_821 = arith.constant 96 : index
      %swap3A_822 = tpu.vector_load %arg16[%swap3A_821] {strides = array<i32>} : memref<128xi32, #tpu.memory_space<vmem>>, vector<16xi32>,
      %swap3A_823 = vector.shape_cast %swap3A_822 : vector<16xi32> to vector<16xi32>
      %swap3A_824 = vector.shape_cast %get3A_820 : vector<16xi32> to vector<16xi32>
      tpu.vector_store %arg16[%swap3A_821], %swap3A_824 {strides = array<i32>} : memref<128xi32, #tpu.memory_space<vmem>>, vector<16xi32>,
      %get3A_825 = arith.constant 112 : index
      %get3A_826 = tpu.vector_load %arg15[%get3A_825] {strides = array<i32>} : memref<128xi32, #tpu.memory_space<vmem>>, vector<16xi32>,
      %get3A_827 = vector.shape_cast %get3A_826 : vector<16xi32> to vector<16xi32>
      %swap3A_828 = arith.constant 112 : index
      %swap3A_829 = tpu.vector_load %arg16[%swap3A_828] {strides = array<i32>} : memref<128xi32, #tpu.memory_space<vmem>>, vector<16xi32>,
      %swap3A_830 = vector.shape_cast %swap3A_829 : vector<16xi32> to vector<16xi32>
      %swap3A_831 = vector.shape_cast %get3A_827 : vector<16xi32> to vector<16xi32>
      tpu.vector_store %arg16[%swap3A_828], %swap3A_831 {strides = array<i32>} : memref<128xi32, #tpu.memory_space<vmem>>, vector<16xi32>,
      %parallel_loop3A_832 = arith.constant 0 : i32
      %parallel_loop3A_833 = arith.constant 128 : i32
      %parallel_loop3A_834 = arith.constant 1 : i32
      scf.for %parallel_loop3A_916 = %parallel_loop3A_832 to %parallel_loop3A_833 step %parallel_loop3A_834  : i32 {
        %parallel_loop3A_917 = arith.index_cast %parallel_loop3A_916 : i32 to index
        %parallel_loop3A_918 = arith.constant 0 : index
        %parallel_loop3A_919 = tpu.vector_load %arg18[%parallel_loop3A_917, %parallel_loop3A_918] {strides = array<i32>} : memref<128x32xf32, #tpu.memory_space<vmem>>, vector<1x16xf32>,
        %parallel_loop3A_920 = vector.shape_cast %parallel_loop3A_919 : vector<1x16xf32> to vector<16xf32>
        %parallel_loop3A_921 = arith.index_cast %parallel_loop3A_916 : i32 to index
        %parallel_loop3A_922 = arith.constant 0 : index
        %parallel_loop3A_923 = tpu.vector_load %arg19[%parallel_loop3A_921, %parallel_loop3A_922] {strides = array<i32>} : memref<128x32xf32, #tpu.memory_space<vmem>>, vector<1x16xf32>,
        %parallel_loop3A_924 = vector.shape_cast %parallel_loop3A_923 : vector<1x16xf32> to vector<16xf32>
        %parallel_loop3A_925 = arith.subf %parallel_loop3A_920, %parallel_loop3A_924 : vector<16xf32>
        %parallel_loop3A_926 = math.absf %parallel_loop3A_925 : vector<16xf32>
        %parallel_loop3A_927 = arith.index_cast %parallel_loop3A_916 : i32 to index
        %parallel_loop3A_928 = arith.constant 0 : index
        %parallel_loop3A_929 = tpu.vector_load %arg18[%parallel_loop3A_927, %parallel_loop3A_928] {strides = array<i32>} : memref<128x32xf32, #tpu.memory_space<vmem>>, vector<1x16xf32>,
        %parallel_loop3A_930 = vector.shape_cast %parallel_loop3A_929 : vector<1x16xf32> to vector<16xf32>
        %parallel_loop3A_931 = vector.shape_cast %parallel_loop3A_926 : vector<16xf32> to vector<1x16xf32>
        tpu.vector_store %arg18[%parallel_loop3A_927, %parallel_loop3A_928], %parallel_loop3A_931 {strides = array<i32>} : memref<128x32xf32, #tpu.memory_space<vmem>>, vector<1x16xf32>,
        %parallel_loop3A_932 = arith.index_cast %parallel_loop3A_916 : i32 to index
        %parallel_loop3A_933 = arith.constant 16 : index
        %parallel_loop3A_934 = tpu.vector_load %arg18[%parallel_loop3A_932, %parallel_loop3A_933] {strides = array<i32>} : memref<128x32xf32, #tpu.memory_space<vmem>>, vector<1x16xf32>,
        %parallel_loop3A_935 = vector.shape_cast %parallel_loop3A_934 : vector<1x16xf32> to vector<16xf32>
        %parallel_loop3A_936 = arith.index_cast %parallel_loop3A_916 : i32 to index
        %parallel_loop3A_937 = arith.constant 16 : index
        %parallel_loop3A_938 = tpu.vector_load %arg19[%parallel_loop3A_936, %parallel_loop3A_937] {strides = array<i32>} : memref<128x32xf32, #tpu.memory_space<vmem>>, vector<1x16xf32>,
        %parallel_loop3A_939 = vector.shape_cast %parallel_loop3A_938 : vector<1x16xf32> to vector<16xf32>
        %parallel_loop3A_940 = arith.subf %parallel_loop3A_935, %parallel_loop3A_939 : vector<16xf32>
        %parallel_loop3A_941 = math.absf %parallel_loop3A_940 : vector<16xf32>
        %parallel_loop3A_942 = arith.index_cast %parallel_loop3A_916 : i32 to index
        %parallel_loop3A_943 = arith.constant 16 : index
        %parallel_loop3A_944 = tpu.vector_load %arg18[%parallel_loop3A_942, %parallel_loop3A_943] {strides = array<i32>} : memref<128x32xf32, #tpu.memory_space<vmem>>, vector<1x16xf32>,
        %parallel_loop3A_945 = vector.shape_cast %parallel_loop3A_944 : vector<1x16xf32> to vector<16xf32>
        %parallel_loop3A_946 = vector.shape_cast %parallel_loop3A_941 : vector<16xf32> to vector<1x16xf32>
        tpu.vector_store %arg18[%parallel_loop3A_942, %parallel_loop3A_943], %parallel_loop3A_946 {strides = array<i32>} : memref<128x32xf32, #tpu.memory_space<vmem>>, vector<1x16xf32>,
      } {sc.loop_unroll_factor = 4 : i64, sc.parallel_access}
      %dma_start3A_835 = arith.constant 0 : i32
      %dma_start3A_836 = arith.constant 0 : i32
      %dma_start3A_837 = tpu.memref_slice %arg34[%dma_start3A_835, %dma_start3A_836] : memref<50000x32xf32, #tpu.memory_space<vmem_shared>> -> memref<50000x32xf32, #tpu.memory_space<vmem_shared>>
      tpu.enqueue_indirect_dma source(%arg18 : memref<128x32xf32, #tpu.memory_space<vmem>>) target(%dma_start3A_837 : memref<50000x32xf32, #tpu.memory_space<vmem_shared>>) offsets(%arg16 : memref<128xi32, #tpu.memory_space<vmem>>) semaphore(%arg22 : memref<!tpu.dma_semaphore, #tpu.memory_space<semaphore_mem>>) {add = true}
      %lt3A_838 = arith.constant 129 : i32
      %lt3A_839 = arith.cmpi slt, %scan3A_208, %lt3A_838 : i32
      %convert_element_type3A_840 = arith.extui %lt3A_839 : i1 to i32
      %cond3A_841 = arith.constant 0 : i32
      %cond3A_842 = arith.cmpi ne, %convert_element_type3A_840, %cond3A_841 : i32
      scf.if %cond3A_842 {
        %add3A_916 = arith.constant 1 : i32
        %add3A_917 = arith.addi %scan3A_208, %add3A_916 : i32
        %mul3A_918 = arith.constant 3 : i32
        %mul3A_919 = arith.muli %add3A_917, %mul3A_918 : i32
        %add3A_920 = arith.constant 1 : i32
        %add3A_921 = arith.addi %mul3A_919, %add3A_920 : i32
        %mul3A_922 = arith.constant 50000 : i32
        %mul3A_923 = arith.muli %arg1, %mul3A_922 : i32
        %mul3A_924 = arith.constant 128 : i32
        %mul3A_925 = arith.muli %add3A_921, %mul3A_924 : i32
        %add3A_926 = arith.addi %mul3A_923, %mul3A_925 : i32
        %dma_start3A_927 = tpu.memref_slice %arg3[%add3A_926] : memref<800000xi32, #tpu.memory_space<hbm>> -> memref<128xi32, #tpu.memory_space<hbm>>
        %dma_start3A_928 = tpu.memref_slice %arg3[%add3A_926] : memref<800000xi32, #tpu.memory_space<hbm>> -> memref<128xi32, #tpu.memory_space<hbm>>
        tpu.enqueue_dma source(%dma_start3A_928 : memref<128xi32, #tpu.memory_space<hbm>>) target(%arg15 : memref<128xi32, #tpu.memory_space<vmem>>) target_semaphore(%arg20 : memref<!tpu.dma_semaphore, #tpu.memory_space<semaphore_mem>>)
        %dma_start3A_929 = tpu.memref_slice %arg4[%add3A_926] : memref<800000xi32, #tpu.memory_space<hbm>> -> memref<128xi32, #tpu.memory_space<hbm>>
        %dma_start3A_930 = tpu.memref_slice %arg4[%add3A_926] : memref<800000xi32, #tpu.memory_space<hbm>> -> memref<128xi32, #tpu.memory_space<hbm>>
        tpu.enqueue_dma source(%dma_start3A_930 : memref<128xi32, #tpu.memory_space<hbm>>) target(%arg17 : memref<128xi32, #tpu.memory_space<vmem>>) target_semaphore(%arg20 : memref<!tpu.dma_semaphore, #tpu.memory_space<semaphore_mem>>)
      } else {
      }
      %dma_wait3A_843 = arith.constant 0 : i32
      %dma_wait3A_844 = arith.constant 0 : i32
      %dma_wait3A_845 = tpu.memref_slice %arg2[%dma_wait3A_843, %dma_wait3A_844] : memref<100000x32xf32, #tpu.memory_space<hbm>> -> memref<100000x32xf32, #tpu.memory_space<hbm>>
      tpu.wait_indirect_dma semaphore(%arg29 : memref<!tpu.dma_semaphore, #tpu.memory_space<semaphore_mem>>) src(%dma_wait3A_845 : memref<100000x32xf32, #tpu.memory_space<hbm>>) dst(%arg26 : memref<128x32xf32, #tpu.memory_space<vmem>>)
      %dma_wait3A_846 = arith.constant 0 : i32
      %dma_wait3A_847 = arith.constant 0 : i32
      %dma_wait3A_848 = tpu.memref_slice %arg2[%dma_wait3A_846, %dma_wait3A_847] : memref<100000x32xf32, #tpu.memory_space<hbm>> -> memref<100000x32xf32, #tpu.memory_space<hbm>>
      tpu.wait_indirect_dma semaphore(%arg29 : memref<!tpu.dma_semaphore, #tpu.memory_space<semaphore_mem>>) src(%dma_wait3A_848 : memref<100000x32xf32, #tpu.memory_space<hbm>>) dst(%arg27 : memref<128x32xf32, #tpu.memory_space<vmem>>)
      %get3A_849 = arith.constant 0 : index
      %get3A_850 = tpu.vector_load %arg23[%get3A_849] {strides = array<i32>} : memref<128xi32, #tpu.memory_space<vmem>>, vector<16xi32>,
      %get3A_851 = vector.shape_cast %get3A_850 : vector<16xi32> to vector<16xi32>
      %swap3A_852 = arith.constant 0 : index
      %swap3A_853 = tpu.vector_load %arg24[%swap3A_852] {strides = array<i32>} : memref<128xi32, #tpu.memory_space<vmem>>, vector<16xi32>,
      %swap3A_854 = vector.shape_cast %swap3A_853 : vector<16xi32> to vector<16xi32>
      %swap3A_855 = vector.shape_cast %get3A_851 : vector<16xi32> to vector<16xi32>
      tpu.vector_store %arg24[%swap3A_852], %swap3A_855 {strides = array<i32>} : memref<128xi32, #tpu.memory_space<vmem>>, vector<16xi32>,
      %get3A_856 = arith.constant 16 : index
      %get3A_857 = tpu.vector_load %arg23[%get3A_856] {strides = array<i32>} : memref<128xi32, #tpu.memory_space<vmem>>, vector<16xi32>,
      %get3A_858 = vector.shape_cast %get3A_857 : vector<16xi32> to vector<16xi32>
      %swap3A_859 = arith.constant 16 : index
      %swap3A_860 = tpu.vector_load %arg24[%swap3A_859] {strides = array<i32>} : memref<128xi32, #tpu.memory_space<vmem>>, vector<16xi32>,
      %swap3A_861 = vector.shape_cast %swap3A_860 : vector<16xi32> to vector<16xi32>
      %swap3A_862 = vector.shape_cast %get3A_858 : vector<16xi32> to vector<16xi32>
      tpu.vector_store %arg24[%swap3A_859], %swap3A_862 {strides = array<i32>} : memref<128xi32, #tpu.memory_space<vmem>>, vector<16xi32>,
      %get3A_863 = arith.constant 32 : index
      %get3A_864 = tpu.vector_load %arg23[%get3A_863] {strides = array<i32>} : memref<128xi32, #tpu.memory_space<vmem>>, vector<16xi32>,
      %get3A_865 = vector.shape_cast %get3A_864 : vector<16xi32> to vector<16xi32>
      %swap3A_866 = arith.constant 32 : index
      %swap3A_867 = tpu.vector_load %arg24[%swap3A_866] {strides = array<i32>} : memref<128xi32, #tpu.memory_space<vmem>>, vector<16xi32>,
      %swap3A_868 = vector.shape_cast %swap3A_867 : vector<16xi32> to vector<16xi32>
      %swap3A_869 = vector.shape_cast %get3A_865 : vector<16xi32> to vector<16xi32>
      tpu.vector_store %arg24[%swap3A_866], %swap3A_869 {strides = array<i32>} : memref<128xi32, #tpu.memory_space<vmem>>, vector<16xi32>,
      %get3A_870 = arith.constant 48 : index
      %get3A_871 = tpu.vector_load %arg23[%get3A_870] {strides = array<i32>} : memref<128xi32, #tpu.memory_space<vmem>>, vector<16xi32>,
      %get3A_872 = vector.shape_cast %get3A_871 : vector<16xi32> to vector<16xi32>
      %swap3A_873 = arith.constant 48 : index
      %swap3A_874 = tpu.vector_load %arg24[%swap3A_873] {strides = array<i32>} : memref<128xi32, #tpu.memory_space<vmem>>, vector<16xi32>,
      %swap3A_875 = vector.shape_cast %swap3A_874 : vector<16xi32> to vector<16xi32>
      %swap3A_876 = vector.shape_cast %get3A_872 : vector<16xi32> to vector<16xi32>
      tpu.vector_store %arg24[%swap3A_873], %swap3A_876 {strides = array<i32>} : memref<128xi32, #tpu.memory_space<vmem>>, vector<16xi32>,
      %get3A_877 = arith.constant 64 : index
      %get3A_878 = tpu.vector_load %arg23[%get3A_877] {strides = array<i32>} : memref<128xi32, #tpu.memory_space<vmem>>, vector<16xi32>,
      %get3A_879 = vector.shape_cast %get3A_878 : vector<16xi32> to vector<16xi32>
      %swap3A_880 = arith.constant 64 : index
      %swap3A_881 = tpu.vector_load %arg24[%swap3A_880] {strides = array<i32>} : memref<128xi32, #tpu.memory_space<vmem>>, vector<16xi32>,
      %swap3A_882 = vector.shape_cast %swap3A_881 : vector<16xi32> to vector<16xi32>
      %swap3A_883 = vector.shape_cast %get3A_879 : vector<16xi32> to vector<16xi32>
      tpu.vector_store %arg24[%swap3A_880], %swap3A_883 {strides = array<i32>} : memref<128xi32, #tpu.memory_space<vmem>>, vector<16xi32>,
      %get3A_884 = arith.constant 80 : index
      %get3A_885 = tpu.vector_load %arg23[%get3A_884] {strides = array<i32>} : memref<128xi32, #tpu.memory_space<vmem>>, vector<16xi32>,
      %get3A_886 = vector.shape_cast %get3A_885 : vector<16xi32> to vector<16xi32>
      %swap3A_887 = arith.constant 80 : index
      %swap3A_888 = tpu.vector_load %arg24[%swap3A_887] {strides = array<i32>} : memref<128xi32, #tpu.memory_space<vmem>>, vector<16xi32>,
      %swap3A_889 = vector.shape_cast %swap3A_888 : vector<16xi32> to vector<16xi32>
      %swap3A_890 = vector.shape_cast %get3A_886 : vector<16xi32> to vector<16xi32>
      tpu.vector_store %arg24[%swap3A_887], %swap3A_890 {strides = array<i32>} : memref<128xi32, #tpu.memory_space<vmem>>, vector<16xi32>,
      %get3A_891 = arith.constant 96 : index
      %get3A_892 = tpu.vector_load %arg23[%get3A_891] {strides = array<i32>} : memref<128xi32, #tpu.memory_space<vmem>>, vector<16xi32>,
      %get3A_893 = vector.shape_cast %get3A_892 : vector<16xi32> to vector<16xi32>
      %swap3A_894 = arith.constant 96 : index
      %swap3A_895 = tpu.vector_load %arg24[%swap3A_894] {strides = array<i32>} : memref<128xi32, #tpu.memory_space<vmem>>, vector<16xi32>,
      %swap3A_896 = vector.shape_cast %swap3A_895 : vector<16xi32> to vector<16xi32>
      %swap3A_897 = vector.shape_cast %get3A_893 : vector<16xi32> to vector<16xi32>
      tpu.vector_store %arg24[%swap3A_894], %swap3A_897 {strides = array<i32>} : memref<128xi32, #tpu.memory_space<vmem>>, vector<16xi32>,
      %get3A_898 = arith.constant 112 : index
      %get3A_899 = tpu.vector_load %arg23[%get3A_898] {strides = array<i32>} : memref<128xi32, #tpu.memory_space<vmem>>, vector<16xi32>,
      %get3A_900 = vector.shape_cast %get3A_899 : vector<16xi32> to vector<16xi32>
      %swap3A_901 = arith.constant 112 : index
      %swap3A_902 = tpu.vector_load %arg24[%swap3A_901] {strides = array<i32>} : memref<128xi32, #tpu.memory_space<vmem>>, vector<16xi32>,
      %swap3A_903 = vector.shape_cast %swap3A_902 : vector<16xi32> to vector<16xi32>
      %swap3A_904 = vector.shape_cast %get3A_900 : vector<16xi32> to vector<16xi32>
      tpu.vector_store %arg24[%swap3A_901], %swap3A_904 {strides = array<i32>} : memref<128xi32, #tpu.memory_space<vmem>>, vector<16xi32>,
      %parallel_loop3A_905 = arith.constant 0 : i32
      %parallel_loop3A_906 = arith.constant 128 : i32
      %parallel_loop3A_907 = arith.constant 1 : i32
      scf.for %parallel_loop3A_916 = %parallel_loop3A_905 to %parallel_loop3A_906 step %parallel_loop3A_907  : i32 {
        %parallel_loop3A_917 = arith.index_cast %parallel_loop3A_916 : i32 to index
        %parallel_loop3A_918 = arith.constant 0 : index
        %parallel_loop3A_919 = tpu.vector_load %arg26[%parallel_loop3A_917, %parallel_loop3A_918] {strides = array<i32>} : memref<128x32xf32, #tpu.memory_space<vmem>>, vector<1x16xf32>,
        %parallel_loop3A_920 = vector.shape_cast %parallel_loop3A_919 : vector<1x16xf32> to vector<16xf32>
        %parallel_loop3A_921 = arith.index_cast %parallel_loop3A_916 : i32 to index
        %parallel_loop3A_922 = arith.constant 0 : index
        %parallel_loop3A_923 = tpu.vector_load %arg27[%parallel_loop3A_921, %parallel_loop3A_922] {strides = array<i32>} : memref<128x32xf32, #tpu.memory_space<vmem>>, vector<1x16xf32>,
        %parallel_loop3A_924 = vector.shape_cast %parallel_loop3A_923 : vector<1x16xf32> to vector<16xf32>
        %parallel_loop3A_925 = arith.subf %parallel_loop3A_920, %parallel_loop3A_924 : vector<16xf32>
        %parallel_loop3A_926 = math.absf %parallel_loop3A_925 : vector<16xf32>
        %parallel_loop3A_927 = arith.index_cast %parallel_loop3A_916 : i32 to index
        %parallel_loop3A_928 = arith.constant 0 : index
        %parallel_loop3A_929 = tpu.vector_load %arg26[%parallel_loop3A_927, %parallel_loop3A_928] {strides = array<i32>} : memref<128x32xf32, #tpu.memory_space<vmem>>, vector<1x16xf32>,
        %parallel_loop3A_930 = vector.shape_cast %parallel_loop3A_929 : vector<1x16xf32> to vector<16xf32>
        %parallel_loop3A_931 = vector.shape_cast %parallel_loop3A_926 : vector<16xf32> to vector<1x16xf32>
        tpu.vector_store %arg26[%parallel_loop3A_927, %parallel_loop3A_928], %parallel_loop3A_931 {strides = array<i32>} : memref<128x32xf32, #tpu.memory_space<vmem>>, vector<1x16xf32>,
        %parallel_loop3A_932 = arith.index_cast %parallel_loop3A_916 : i32 to index
        %parallel_loop3A_933 = arith.constant 16 : index
        %parallel_loop3A_934 = tpu.vector_load %arg26[%parallel_loop3A_932, %parallel_loop3A_933] {strides = array<i32>} : memref<128x32xf32, #tpu.memory_space<vmem>>, vector<1x16xf32>,
        %parallel_loop3A_935 = vector.shape_cast %parallel_loop3A_934 : vector<1x16xf32> to vector<16xf32>
        %parallel_loop3A_936 = arith.index_cast %parallel_loop3A_916 : i32 to index
        %parallel_loop3A_937 = arith.constant 16 : index
        %parallel_loop3A_938 = tpu.vector_load %arg27[%parallel_loop3A_936, %parallel_loop3A_937] {strides = array<i32>} : memref<128x32xf32, #tpu.memory_space<vmem>>, vector<1x16xf32>,
        %parallel_loop3A_939 = vector.shape_cast %parallel_loop3A_938 : vector<1x16xf32> to vector<16xf32>
        %parallel_loop3A_940 = arith.subf %parallel_loop3A_935, %parallel_loop3A_939 : vector<16xf32>
        %parallel_loop3A_941 = math.absf %parallel_loop3A_940 : vector<16xf32>
        %parallel_loop3A_942 = arith.index_cast %parallel_loop3A_916 : i32 to index
        %parallel_loop3A_943 = arith.constant 16 : index
        %parallel_loop3A_944 = tpu.vector_load %arg26[%parallel_loop3A_942, %parallel_loop3A_943] {strides = array<i32>} : memref<128x32xf32, #tpu.memory_space<vmem>>, vector<1x16xf32>,
        %parallel_loop3A_945 = vector.shape_cast %parallel_loop3A_944 : vector<1x16xf32> to vector<16xf32>
        %parallel_loop3A_946 = vector.shape_cast %parallel_loop3A_941 : vector<16xf32> to vector<1x16xf32>
        tpu.vector_store %arg26[%parallel_loop3A_942, %parallel_loop3A_943], %parallel_loop3A_946 {strides = array<i32>} : memref<128x32xf32, #tpu.memory_space<vmem>>, vector<1x16xf32>,
      } {sc.loop_unroll_factor = 4 : i64, sc.parallel_access}
      %dma_start3A_908 = arith.constant 0 : i32
      %dma_start3A_909 = arith.constant 0 : i32
      %dma_start3A_910 = tpu.memref_slice %arg34[%dma_start3A_908, %dma_start3A_909] : memref<50000x32xf32, #tpu.memory_space<vmem_shared>> -> memref<50000x32xf32, #tpu.memory_space<vmem_shared>>
      tpu.enqueue_indirect_dma source(%arg26 : memref<128x32xf32, #tpu.memory_space<vmem>>) target(%dma_start3A_910 : memref<50000x32xf32, #tpu.memory_space<vmem_shared>>) offsets(%arg24 : memref<128xi32, #tpu.memory_space<vmem>>) semaphore(%arg30 : memref<!tpu.dma_semaphore, #tpu.memory_space<semaphore_mem>>) {add = true}
      %lt3A_911 = arith.constant 129 : i32
      %lt3A_912 = arith.cmpi slt, %scan3A_208, %lt3A_911 : i32
      %convert_element_type3A_913 = arith.extui %lt3A_912 : i1 to i32
      %cond3A_914 = arith.constant 0 : i32
      %cond3A_915 = arith.cmpi ne, %convert_element_type3A_913, %cond3A_914 : i32
      scf.if %cond3A_915 {
        %add3A_916 = arith.constant 1 : i32
        %add3A_917 = arith.addi %scan3A_208, %add3A_916 : i32
        %mul3A_918 = arith.constant 3 : i32
        %mul3A_919 = arith.muli %add3A_917, %mul3A_918 : i32
        %add3A_920 = arith.constant 2 : i32
        %add3A_921 = arith.addi %mul3A_919, %add3A_920 : i32
        %mul3A_922 = arith.constant 50000 : i32
        %mul3A_923 = arith.muli %arg1, %mul3A_922 : i32
        %mul3A_924 = arith.constant 128 : i32
        %mul3A_925 = arith.muli %add3A_921, %mul3A_924 : i32
        %add3A_926 = arith.addi %mul3A_923, %mul3A_925 : i32
        %dma_start3A_927 = tpu.memref_slice %arg3[%add3A_926] : memref<800000xi32, #tpu.memory_space<hbm>> -> memref<128xi32, #tpu.memory_space<hbm>>
        %dma_start3A_928 = tpu.memref_slice %arg3[%add3A_926] : memref<800000xi32, #tpu.memory_space<hbm>> -> memref<128xi32, #tpu.memory_space<hbm>>
        tpu.enqueue_dma source(%dma_start3A_928 : memref<128xi32, #tpu.memory_space<hbm>>) target(%arg23 : memref<128xi32, #tpu.memory_space<vmem>>) target_semaphore(%arg28 : memref<!tpu.dma_semaphore, #tpu.memory_space<semaphore_mem>>)
        %dma_start3A_929 = tpu.memref_slice %arg4[%add3A_926] : memref<800000xi32, #tpu.memory_space<hbm>> -> memref<128xi32, #tpu.memory_space<hbm>>
        %dma_start3A_930 = tpu.memref_slice %arg4[%add3A_926] : memref<800000xi32, #tpu.memory_space<hbm>> -> memref<128xi32, #tpu.memory_space<hbm>>
        tpu.enqueue_dma source(%dma_start3A_930 : memref<128xi32, #tpu.memory_space<hbm>>) target(%arg25 : memref<128xi32, #tpu.memory_space<vmem>>) target_semaphore(%arg28 : memref<!tpu.dma_semaphore, #tpu.memory_space<semaphore_mem>>)
      } else {
      }
    }
    %scan3A_35 = arith.constant 130 : i32
    %dma_wait3A = arith.constant 0 : i32
    %dma_wait3A_36 = arith.constant 0 : i32
    %dma_wait3A_37 = tpu.memref_slice %arg34[%dma_wait3A, %dma_wait3A_36] : memref<50000x32xf32, #tpu.memory_space<vmem_shared>> -> memref<50000x32xf32, #tpu.memory_space<vmem_shared>>
    tpu.wait_indirect_dma semaphore(%arg14 : memref<!tpu.dma_semaphore, #tpu.memory_space<semaphore_mem>>) src(%arg10 : memref<128x32xf32, #tpu.memory_space<vmem>>) dst(%dma_wait3A_37 : memref<50000x32xf32, #tpu.memory_space<vmem_shared>>)
    %dma_wait3A_38 = arith.constant 0 : i32
    %dma_wait3A_39 = arith.constant 0 : i32
    %dma_wait3A_40 = tpu.memref_slice %arg34[%dma_wait3A_38, %dma_wait3A_39] : memref<50000x32xf32, #tpu.memory_space<vmem_shared>> -> memref<50000x32xf32, #tpu.memory_space<vmem_shared>>
    tpu.wait_indirect_dma semaphore(%arg22 : memref<!tpu.dma_semaphore, #tpu.memory_space<semaphore_mem>>) src(%arg18 : memref<128x32xf32, #tpu.memory_space<vmem>>) dst(%dma_wait3A_40 : memref<50000x32xf32, #tpu.memory_space<vmem_shared>>)
    %dma_wait3A_41 = arith.constant 0 : i32
    %dma_wait3A_42 = arith.constant 0 : i32
    %dma_wait3A_43 = tpu.memref_slice %arg34[%dma_wait3A_41, %dma_wait3A_42] : memref<50000x32xf32, #tpu.memory_space<vmem_shared>> -> memref<50000x32xf32, #tpu.memory_space<vmem_shared>>
    tpu.wait_indirect_dma semaphore(%arg30 : memref<!tpu.dma_semaphore, #tpu.memory_space<semaphore_mem>>) src(%arg26 : memref<128x32xf32, #tpu.memory_space<vmem>>) dst(%dma_wait3A_43 : memref<50000x32xf32, #tpu.memory_space<vmem_shared>>)
    %mul3A_44 = arith.constant 50000 : i32
    %mul3A_45 = arith.muli %arg1, %mul3A_44 : i32
    %add3A_46 = arith.constant 49920 : i32
    %add3A_47 = arith.addi %mul3A_45, %add3A_46 : i32
    "tpu.region"() ({
      %run_scoped3A = tpu.sem_alloc : memref<!tpu.dma_semaphore, #tpu.memory_space<semaphore_mem>>
      %dma_start3A_208 = tpu.memref_slice %arg3[%add3A_47] : memref<800000xi32, #tpu.memory_space<hbm>> -> memref<80xi32, #tpu.memory_space<hbm>>
      %dma_start3A_209 = tpu.memref_slice %arg3[%add3A_47] : memref<800000xi32, #tpu.memory_space<hbm>> -> memref<80xi32, #tpu.memory_space<hbm>>
      tpu.enqueue_dma source(%dma_start3A_209 : memref<80xi32, #tpu.memory_space<hbm>>) target(%arg31 : memref<80xi32, #tpu.memory_space<vmem>>) target_semaphore(%run_scoped3A : memref<!tpu.dma_semaphore, #tpu.memory_space<semaphore_mem>>)
      %dma_wait3A_210 = tpu.memref_slice %arg3[%add3A_47] : memref<800000xi32, #tpu.memory_space<hbm>> -> memref<80xi32, #tpu.memory_space<hbm>>
      %dma_wait3A_211 = tpu.memref_slice %arg3[%add3A_47] : memref<800000xi32, #tpu.memory_space<hbm>> -> memref<80xi32, #tpu.memory_space<hbm>>
      tpu.wait_dma2 semaphore(%run_scoped3A : memref<!tpu.dma_semaphore, #tpu.memory_space<semaphore_mem>>) src(%dma_wait3A_211 : memref<80xi32, #tpu.memory_space<hbm>>) dst(%arg31 : memref<80xi32, #tpu.memory_space<vmem>>)
      tpu.yield
    }) : () -> ()
    "tpu.region"() ({
      %run_scoped3A = tpu.sem_alloc : memref<!tpu.dma_semaphore, #tpu.memory_space<semaphore_mem>>
      %dma_start3A_208 = tpu.memref_slice %arg4[%add3A_47] : memref<800000xi32, #tpu.memory_space<hbm>> -> memref<80xi32, #tpu.memory_space<hbm>>
      %dma_start3A_209 = tpu.memref_slice %arg4[%add3A_47] : memref<800000xi32, #tpu.memory_space<hbm>> -> memref<80xi32, #tpu.memory_space<hbm>>
      tpu.enqueue_dma source(%dma_start3A_209 : memref<80xi32, #tpu.memory_space<hbm>>) target(%arg33 : memref<80xi32, #tpu.memory_space<vmem>>) target_semaphore(%run_scoped3A : memref<!tpu.dma_semaphore, #tpu.memory_space<semaphore_mem>>)
      %dma_wait3A_210 = tpu.memref_slice %arg4[%add3A_47] : memref<800000xi32, #tpu.memory_space<hbm>> -> memref<80xi32, #tpu.memory_space<hbm>>
      %dma_wait3A_211 = tpu.memref_slice %arg4[%add3A_47] : memref<800000xi32, #tpu.memory_space<hbm>> -> memref<80xi32, #tpu.memory_space<hbm>>
      tpu.wait_dma2 semaphore(%run_scoped3A : memref<!tpu.dma_semaphore, #tpu.memory_space<semaphore_mem>>) src(%dma_wait3A_211 : memref<80xi32, #tpu.memory_space<hbm>>) dst(%arg33 : memref<80xi32, #tpu.memory_space<vmem>>)
      tpu.yield
    }) : () -> ()
    %get3A = arith.constant 0 : index
    %get3A_48 = tpu.vector_load %arg31[%get3A] {strides = array<i32>} : memref<80xi32, #tpu.memory_space<vmem>>, vector<16xi32>,
    %get3A_49 = vector.shape_cast %get3A_48 : vector<16xi32> to vector<16xi32>
    %add3A_50 = vector.broadcast %mul3A_0 : i32 to vector<16xi32>
    %add3A_51 = arith.addi %get3A_49, %add3A_50 : vector<16xi32>
    %swap3A = arith.constant 0 : index
    %swap3A_52 = tpu.vector_load %arg32[%swap3A] {strides = array<i32>} : memref<80xi32, #tpu.memory_space<vmem>>, vector<16xi32>,
    %swap3A_53 = vector.shape_cast %swap3A_52 : vector<16xi32> to vector<16xi32>
    %swap3A_54 = vector.shape_cast %add3A_51 : vector<16xi32> to vector<16xi32>
    tpu.vector_store %arg32[%swap3A], %swap3A_54 {strides = array<i32>} : memref<80xi32, #tpu.memory_space<vmem>>, vector<16xi32>,
    %get3A_55 = arith.constant 0 : index
    %get3A_56 = tpu.vector_load %arg33[%get3A_55] {strides = array<i32>} : memref<80xi32, #tpu.memory_space<vmem>>, vector<16xi32>,
    %get3A_57 = vector.shape_cast %get3A_56 : vector<16xi32> to vector<16xi32>
    %add3A_58 = vector.broadcast %mul3A_0 : i32 to vector<16xi32>
    %add3A_59 = arith.addi %get3A_57, %add3A_58 : vector<16xi32>
    %swap3A_60 = arith.constant 0 : index
    %swap3A_61 = tpu.vector_load %arg33[%swap3A_60] {strides = array<i32>} : memref<80xi32, #tpu.memory_space<vmem>>, vector<16xi32>,
    %swap3A_62 = vector.shape_cast %swap3A_61 : vector<16xi32> to vector<16xi32>
    %swap3A_63 = vector.shape_cast %add3A_59 : vector<16xi32> to vector<16xi32>
    tpu.vector_store %arg33[%swap3A_60], %swap3A_63 {strides = array<i32>} : memref<80xi32, #tpu.memory_space<vmem>>, vector<16xi32>,
    %get3A_64 = arith.constant 16 : index
    %get3A_65 = tpu.vector_load %arg31[%get3A_64] {strides = array<i32>} : memref<80xi32, #tpu.memory_space<vmem>>, vector<16xi32>,
    %get3A_66 = vector.shape_cast %get3A_65 : vector<16xi32> to vector<16xi32>
    %add3A_67 = vector.broadcast %mul3A_0 : i32 to vector<16xi32>
    %add3A_68 = arith.addi %get3A_66, %add3A_67 : vector<16xi32>
    %swap3A_69 = arith.constant 16 : index
    %swap3A_70 = tpu.vector_load %arg32[%swap3A_69] {strides = array<i32>} : memref<80xi32, #tpu.memory_space<vmem>>, vector<16xi32>,
    %swap3A_71 = vector.shape_cast %swap3A_70 : vector<16xi32> to vector<16xi32>
    %swap3A_72 = vector.shape_cast %add3A_68 : vector<16xi32> to vector<16xi32>
    tpu.vector_store %arg32[%swap3A_69], %swap3A_72 {strides = array<i32>} : memref<80xi32, #tpu.memory_space<vmem>>, vector<16xi32>,
    %get3A_73 = arith.constant 16 : index
    %get3A_74 = tpu.vector_load %arg33[%get3A_73] {strides = array<i32>} : memref<80xi32, #tpu.memory_space<vmem>>, vector<16xi32>,
    %get3A_75 = vector.shape_cast %get3A_74 : vector<16xi32> to vector<16xi32>
    %add3A_76 = vector.broadcast %mul3A_0 : i32 to vector<16xi32>
    %add3A_77 = arith.addi %get3A_75, %add3A_76 : vector<16xi32>
    %swap3A_78 = arith.constant 16 : index
    %swap3A_79 = tpu.vector_load %arg33[%swap3A_78] {strides = array<i32>} : memref<80xi32, #tpu.memory_space<vmem>>, vector<16xi32>,
    %swap3A_80 = vector.shape_cast %swap3A_79 : vector<16xi32> to vector<16xi32>
    %swap3A_81 = vector.shape_cast %add3A_77 : vector<16xi32> to vector<16xi32>
    tpu.vector_store %arg33[%swap3A_78], %swap3A_81 {strides = array<i32>} : memref<80xi32, #tpu.memory_space<vmem>>, vector<16xi32>,
    %get3A_82 = arith.constant 32 : index
    %get3A_83 = tpu.vector_load %arg31[%get3A_82] {strides = array<i32>} : memref<80xi32, #tpu.memory_space<vmem>>, vector<16xi32>,
    %get3A_84 = vector.shape_cast %get3A_83 : vector<16xi32> to vector<16xi32>
    %add3A_85 = vector.broadcast %mul3A_0 : i32 to vector<16xi32>
    %add3A_86 = arith.addi %get3A_84, %add3A_85 : vector<16xi32>
    %swap3A_87 = arith.constant 32 : index
    %swap3A_88 = tpu.vector_load %arg32[%swap3A_87] {strides = array<i32>} : memref<80xi32, #tpu.memory_space<vmem>>, vector<16xi32>,
    %swap3A_89 = vector.shape_cast %swap3A_88 : vector<16xi32> to vector<16xi32>
    %swap3A_90 = vector.shape_cast %add3A_86 : vector<16xi32> to vector<16xi32>
    tpu.vector_store %arg32[%swap3A_87], %swap3A_90 {strides = array<i32>} : memref<80xi32, #tpu.memory_space<vmem>>, vector<16xi32>,
    %get3A_91 = arith.constant 32 : index
    %get3A_92 = tpu.vector_load %arg33[%get3A_91] {strides = array<i32>} : memref<80xi32, #tpu.memory_space<vmem>>, vector<16xi32>,
    %get3A_93 = vector.shape_cast %get3A_92 : vector<16xi32> to vector<16xi32>
    %add3A_94 = vector.broadcast %mul3A_0 : i32 to vector<16xi32>
    %add3A_95 = arith.addi %get3A_93, %add3A_94 : vector<16xi32>
    %swap3A_96 = arith.constant 32 : index
    %swap3A_97 = tpu.vector_load %arg33[%swap3A_96] {strides = array<i32>} : memref<80xi32, #tpu.memory_space<vmem>>, vector<16xi32>,
    %swap3A_98 = vector.shape_cast %swap3A_97 : vector<16xi32> to vector<16xi32>
    %swap3A_99 = vector.shape_cast %add3A_95 : vector<16xi32> to vector<16xi32>
    tpu.vector_store %arg33[%swap3A_96], %swap3A_99 {strides = array<i32>} : memref<80xi32, #tpu.memory_space<vmem>>, vector<16xi32>,
    %get3A_100 = arith.constant 48 : index
    %get3A_101 = tpu.vector_load %arg31[%get3A_100] {strides = array<i32>} : memref<80xi32, #tpu.memory_space<vmem>>, vector<16xi32>,
    %get3A_102 = vector.shape_cast %get3A_101 : vector<16xi32> to vector<16xi32>
    %add3A_103 = vector.broadcast %mul3A_0 : i32 to vector<16xi32>
    %add3A_104 = arith.addi %get3A_102, %add3A_103 : vector<16xi32>
    %swap3A_105 = arith.constant 48 : index
    %swap3A_106 = tpu.vector_load %arg32[%swap3A_105] {strides = array<i32>} : memref<80xi32, #tpu.memory_space<vmem>>, vector<16xi32>,
    %swap3A_107 = vector.shape_cast %swap3A_106 : vector<16xi32> to vector<16xi32>
    %swap3A_108 = vector.shape_cast %add3A_104 : vector<16xi32> to vector<16xi32>
    tpu.vector_store %arg32[%swap3A_105], %swap3A_108 {strides = array<i32>} : memref<80xi32, #tpu.memory_space<vmem>>, vector<16xi32>,
    %get3A_109 = arith.constant 48 : index
    %get3A_110 = tpu.vector_load %arg33[%get3A_109] {strides = array<i32>} : memref<80xi32, #tpu.memory_space<vmem>>, vector<16xi32>,
    %get3A_111 = vector.shape_cast %get3A_110 : vector<16xi32> to vector<16xi32>
    %add3A_112 = vector.broadcast %mul3A_0 : i32 to vector<16xi32>
    %add3A_113 = arith.addi %get3A_111, %add3A_112 : vector<16xi32>
    %swap3A_114 = arith.constant 48 : index
    %swap3A_115 = tpu.vector_load %arg33[%swap3A_114] {strides = array<i32>} : memref<80xi32, #tpu.memory_space<vmem>>, vector<16xi32>,
    %swap3A_116 = vector.shape_cast %swap3A_115 : vector<16xi32> to vector<16xi32>
    %swap3A_117 = vector.shape_cast %add3A_113 : vector<16xi32> to vector<16xi32>
    tpu.vector_store %arg33[%swap3A_114], %swap3A_117 {strides = array<i32>} : memref<80xi32, #tpu.memory_space<vmem>>, vector<16xi32>,
    %get3A_118 = arith.constant 64 : index
    %get3A_119 = tpu.vector_load %arg31[%get3A_118] {strides = array<i32>} : memref<80xi32, #tpu.memory_space<vmem>>, vector<16xi32>,
    %get3A_120 = vector.shape_cast %get3A_119 : vector<16xi32> to vector<16xi32>
    %add3A_121 = vector.broadcast %mul3A_0 : i32 to vector<16xi32>
    %add3A_122 = arith.addi %get3A_120, %add3A_121 : vector<16xi32>
    %swap3A_123 = arith.constant 64 : index
    %swap3A_124 = tpu.vector_load %arg32[%swap3A_123] {strides = array<i32>} : memref<80xi32, #tpu.memory_space<vmem>>, vector<16xi32>,
    %swap3A_125 = vector.shape_cast %swap3A_124 : vector<16xi32> to vector<16xi32>
    %swap3A_126 = vector.shape_cast %add3A_122 : vector<16xi32> to vector<16xi32>
    tpu.vector_store %arg32[%swap3A_123], %swap3A_126 {strides = array<i32>} : memref<80xi32, #tpu.memory_space<vmem>>, vector<16xi32>,
    %get3A_127 = arith.constant 64 : index
    %get3A_128 = tpu.vector_load %arg33[%get3A_127] {strides = array<i32>} : memref<80xi32, #tpu.memory_space<vmem>>, vector<16xi32>,
    %get3A_129 = vector.shape_cast %get3A_128 : vector<16xi32> to vector<16xi32>
    %add3A_130 = vector.broadcast %mul3A_0 : i32 to vector<16xi32>
    %add3A_131 = arith.addi %get3A_129, %add3A_130 : vector<16xi32>
    %swap3A_132 = arith.constant 64 : index
    %swap3A_133 = tpu.vector_load %arg33[%swap3A_132] {strides = array<i32>} : memref<80xi32, #tpu.memory_space<vmem>>, vector<16xi32>,
    %swap3A_134 = vector.shape_cast %swap3A_133 : vector<16xi32> to vector<16xi32>
    %swap3A_135 = vector.shape_cast %add3A_131 : vector<16xi32> to vector<16xi32>
    tpu.vector_store %arg33[%swap3A_132], %swap3A_135 {strides = array<i32>} : memref<80xi32, #tpu.memory_space<vmem>>, vector<16xi32>,
    %dma_start3A_136 = arith.constant 0 : i32
    %dma_start3A_137 = arith.constant 0 : i32
    %dma_start3A_138 = tpu.memref_slice %arg10[%dma_start3A_136, %dma_start3A_137] : memref<128x32xf32, #tpu.memory_space<vmem>> -> memref<80x32xf32, #tpu.memory_space<vmem>>
    %dma_start3A_139 = arith.constant 0 : i32
    %dma_start3A_140 = arith.constant 0 : i32
    %dma_start3A_141 = tpu.memref_slice %arg2[%dma_start3A_139, %dma_start3A_140] : memref<100000x32xf32, #tpu.memory_space<hbm>> -> memref<100000x32xf32, #tpu.memory_space<hbm>>
    tpu.enqueue_indirect_dma source(%dma_start3A_141 : memref<100000x32xf32, #tpu.memory_space<hbm>>) target(%dma_start3A_138 : memref<80x32xf32, #tpu.memory_space<vmem>>) offsets(%arg32 : memref<80xi32, #tpu.memory_space<vmem>>) semaphore(%arg13 : memref<!tpu.dma_semaphore, #tpu.memory_space<semaphore_mem>>)
    %dma_start3A_142 = arith.constant 0 : i32
    %dma_start3A_143 = arith.constant 0 : i32
    %dma_start3A_144 = tpu.memref_slice %arg11[%dma_start3A_142, %dma_start3A_143] : memref<128x32xf32, #tpu.memory_space<vmem>> -> memref<80x32xf32, #tpu.memory_space<vmem>>
    %dma_start3A_145 = arith.constant 0 : i32
    %dma_start3A_146 = arith.constant 0 : i32
    %dma_start3A_147 = tpu.memref_slice %arg2[%dma_start3A_145, %dma_start3A_146] : memref<100000x32xf32, #tpu.memory_space<hbm>> -> memref<100000x32xf32, #tpu.memory_space<hbm>>
    tpu.enqueue_indirect_dma source(%dma_start3A_147 : memref<100000x32xf32, #tpu.memory_space<hbm>>) target(%dma_start3A_144 : memref<80x32xf32, #tpu.memory_space<vmem>>) offsets(%arg33 : memref<80xi32, #tpu.memory_space<vmem>>) semaphore(%arg13 : memref<!tpu.dma_semaphore, #tpu.memory_space<semaphore_mem>>)
    %dma_wait3A_148 = arith.constant 0 : i32
    %dma_wait3A_149 = arith.constant 0 : i32
    %dma_wait3A_150 = tpu.memref_slice %arg10[%dma_wait3A_148, %dma_wait3A_149] : memref<128x32xf32, #tpu.memory_space<vmem>> -> memref<80x32xf32, #tpu.memory_space<vmem>>
    %dma_wait3A_151 = arith.constant 0 : i32
    %dma_wait3A_152 = arith.constant 0 : i32
    %dma_wait3A_153 = tpu.memref_slice %arg2[%dma_wait3A_151, %dma_wait3A_152] : memref<100000x32xf32, #tpu.memory_space<hbm>> -> memref<100000x32xf32, #tpu.memory_space<hbm>>
    tpu.wait_indirect_dma semaphore(%arg13 : memref<!tpu.dma_semaphore, #tpu.memory_space<semaphore_mem>>) src(%dma_wait3A_153 : memref<100000x32xf32, #tpu.memory_space<hbm>>) dst(%dma_wait3A_150 : memref<80x32xf32, #tpu.memory_space<vmem>>)
    %dma_wait3A_154 = arith.constant 0 : i32
    %dma_wait3A_155 = arith.constant 0 : i32
    %dma_wait3A_156 = tpu.memref_slice %arg11[%dma_wait3A_154, %dma_wait3A_155] : memref<128x32xf32, #tpu.memory_space<vmem>> -> memref<80x32xf32, #tpu.memory_space<vmem>>
    %dma_wait3A_157 = arith.constant 0 : i32
    %dma_wait3A_158 = arith.constant 0 : i32
    %dma_wait3A_159 = tpu.memref_slice %arg2[%dma_wait3A_157, %dma_wait3A_158] : memref<100000x32xf32, #tpu.memory_space<hbm>> -> memref<100000x32xf32, #tpu.memory_space<hbm>>
    tpu.wait_indirect_dma semaphore(%arg13 : memref<!tpu.dma_semaphore, #tpu.memory_space<semaphore_mem>>) src(%dma_wait3A_159 : memref<100000x32xf32, #tpu.memory_space<hbm>>) dst(%dma_wait3A_156 : memref<80x32xf32, #tpu.memory_space<vmem>>)
    %parallel_loop3A = arith.constant 0 : i32
    %parallel_loop3A_160 = arith.constant 80 : i32
    %parallel_loop3A_161 = arith.constant 1 : i32
    scf.for %parallel_loop3A_208 = %parallel_loop3A to %parallel_loop3A_160 step %parallel_loop3A_161  : i32 {
      %parallel_loop3A_209 = arith.index_cast %parallel_loop3A_208 : i32 to index
      %parallel_loop3A_210 = arith.constant 0 : index
      %parallel_loop3A_211 = tpu.vector_load %arg10[%parallel_loop3A_209, %parallel_loop3A_210] {strides = array<i32>} : memref<128x32xf32, #tpu.memory_space<vmem>>, vector<1x16xf32>,
      %parallel_loop3A_212 = vector.shape_cast %parallel_loop3A_211 : vector<1x16xf32> to vector<16xf32>
      %parallel_loop3A_213 = arith.index_cast %parallel_loop3A_208 : i32 to index
      %parallel_loop3A_214 = arith.constant 0 : index
      %parallel_loop3A_215 = tpu.vector_load %arg11[%parallel_loop3A_213, %parallel_loop3A_214] {strides = array<i32>} : memref<128x32xf32, #tpu.memory_space<vmem>>, vector<1x16xf32>,
      %parallel_loop3A_216 = vector.shape_cast %parallel_loop3A_215 : vector<1x16xf32> to vector<16xf32>
      %parallel_loop3A_217 = arith.subf %parallel_loop3A_212, %parallel_loop3A_216 : vector<16xf32>
      %parallel_loop3A_218 = math.absf %parallel_loop3A_217 : vector<16xf32>
      %parallel_loop3A_219 = arith.index_cast %parallel_loop3A_208 : i32 to index
      %parallel_loop3A_220 = arith.constant 0 : index
      %parallel_loop3A_221 = tpu.vector_load %arg10[%parallel_loop3A_219, %parallel_loop3A_220] {strides = array<i32>} : memref<128x32xf32, #tpu.memory_space<vmem>>, vector<1x16xf32>,
      %parallel_loop3A_222 = vector.shape_cast %parallel_loop3A_221 : vector<1x16xf32> to vector<16xf32>
      %parallel_loop3A_223 = vector.shape_cast %parallel_loop3A_218 : vector<16xf32> to vector<1x16xf32>
      tpu.vector_store %arg10[%parallel_loop3A_219, %parallel_loop3A_220], %parallel_loop3A_223 {strides = array<i32>} : memref<128x32xf32, #tpu.memory_space<vmem>>, vector<1x16xf32>,
      %parallel_loop3A_224 = arith.index_cast %parallel_loop3A_208 : i32 to index
      %parallel_loop3A_225 = arith.constant 16 : index
      %parallel_loop3A_226 = tpu.vector_load %arg10[%parallel_loop3A_224, %parallel_loop3A_225] {strides = array<i32>} : memref<128x32xf32, #tpu.memory_space<vmem>>, vector<1x16xf32>,
      %parallel_loop3A_227 = vector.shape_cast %parallel_loop3A_226 : vector<1x16xf32> to vector<16xf32>
      %parallel_loop3A_228 = arith.index_cast %parallel_loop3A_208 : i32 to index
      %parallel_loop3A_229 = arith.constant 16 : index
      %parallel_loop3A_230 = tpu.vector_load %arg11[%parallel_loop3A_228, %parallel_loop3A_229] {strides = array<i32>} : memref<128x32xf32, #tpu.memory_space<vmem>>, vector<1x16xf32>,
      %parallel_loop3A_231 = vector.shape_cast %parallel_loop3A_230 : vector<1x16xf32> to vector<16xf32>
      %parallel_loop3A_232 = arith.subf %parallel_loop3A_227, %parallel_loop3A_231 : vector<16xf32>
      %parallel_loop3A_233 = math.absf %parallel_loop3A_232 : vector<16xf32>
      %parallel_loop3A_234 = arith.index_cast %parallel_loop3A_208 : i32 to index
      %parallel_loop3A_235 = arith.constant 16 : index
      %parallel_loop3A_236 = tpu.vector_load %arg10[%parallel_loop3A_234, %parallel_loop3A_235] {strides = array<i32>} : memref<128x32xf32, #tpu.memory_space<vmem>>, vector<1x16xf32>,
      %parallel_loop3A_237 = vector.shape_cast %parallel_loop3A_236 : vector<1x16xf32> to vector<16xf32>
      %parallel_loop3A_238 = vector.shape_cast %parallel_loop3A_233 : vector<16xf32> to vector<1x16xf32>
      tpu.vector_store %arg10[%parallel_loop3A_234, %parallel_loop3A_235], %parallel_loop3A_238 {strides = array<i32>} : memref<128x32xf32, #tpu.memory_space<vmem>>, vector<1x16xf32>,
    } {sc.loop_unroll_factor = 4 : i64, sc.parallel_access}
    %get3A_162 = arith.constant 0 : index
    %get3A_163 = tpu.vector_load %arg31[%get3A_162] {strides = array<i32>} : memref<80xi32, #tpu.memory_space<vmem>>, vector<16xi32>,
    %get3A_164 = vector.shape_cast %get3A_163 : vector<16xi32> to vector<16xi32>
    %swap3A_165 = arith.constant 0 : index
    %swap3A_166 = tpu.vector_load %arg32[%swap3A_165] {strides = array<i32>} : memref<80xi32, #tpu.memory_space<vmem>>, vector<16xi32>,
    %swap3A_167 = vector.shape_cast %swap3A_166 : vector<16xi32> to vector<16xi32>
    %swap3A_168 = vector.shape_cast %get3A_164 : vector<16xi32> to vector<16xi32>
    tpu.vector_store %arg32[%swap3A_165], %swap3A_168 {strides = array<i32>} : memref<80xi32, #tpu.memory_space<vmem>>, vector<16xi32>,
    %get3A_169 = arith.constant 16 : index
    %get3A_170 = tpu.vector_load %arg31[%get3A_169] {strides = array<i32>} : memref<80xi32, #tpu.memory_space<vmem>>, vector<16xi32>,
    %get3A_171 = vector.shape_cast %get3A_170 : vector<16xi32> to vector<16xi32>
    %swap3A_172 = arith.constant 16 : index
    %swap3A_173 = tpu.vector_load %arg32[%swap3A_172] {strides = array<i32>} : memref<80xi32, #tpu.memory_space<vmem>>, vector<16xi32>,
    %swap3A_174 = vector.shape_cast %swap3A_173 : vector<16xi32> to vector<16xi32>
    %swap3A_175 = vector.shape_cast %get3A_171 : vector<16xi32> to vector<16xi32>
    tpu.vector_store %arg32[%swap3A_172], %swap3A_175 {strides = array<i32>} : memref<80xi32, #tpu.memory_space<vmem>>, vector<16xi32>,
    %get3A_176 = arith.constant 32 : index
    %get3A_177 = tpu.vector_load %arg31[%get3A_176] {strides = array<i32>} : memref<80xi32, #tpu.memory_space<vmem>>, vector<16xi32>,
    %get3A_178 = vector.shape_cast %get3A_177 : vector<16xi32> to vector<16xi32>
    %swap3A_179 = arith.constant 32 : index
    %swap3A_180 = tpu.vector_load %arg32[%swap3A_179] {strides = array<i32>} : memref<80xi32, #tpu.memory_space<vmem>>, vector<16xi32>,
    %swap3A_181 = vector.shape_cast %swap3A_180 : vector<16xi32> to vector<16xi32>
    %swap3A_182 = vector.shape_cast %get3A_178 : vector<16xi32> to vector<16xi32>
    tpu.vector_store %arg32[%swap3A_179], %swap3A_182 {strides = array<i32>} : memref<80xi32, #tpu.memory_space<vmem>>, vector<16xi32>,
    %get3A_183 = arith.constant 48 : index
    %get3A_184 = tpu.vector_load %arg31[%get3A_183] {strides = array<i32>} : memref<80xi32, #tpu.memory_space<vmem>>, vector<16xi32>,
    %get3A_185 = vector.shape_cast %get3A_184 : vector<16xi32> to vector<16xi32>
    %swap3A_186 = arith.constant 48 : index
    %swap3A_187 = tpu.vector_load %arg32[%swap3A_186] {strides = array<i32>} : memref<80xi32, #tpu.memory_space<vmem>>, vector<16xi32>,
    %swap3A_188 = vector.shape_cast %swap3A_187 : vector<16xi32> to vector<16xi32>
    %swap3A_189 = vector.shape_cast %get3A_185 : vector<16xi32> to vector<16xi32>
    tpu.vector_store %arg32[%swap3A_186], %swap3A_189 {strides = array<i32>} : memref<80xi32, #tpu.memory_space<vmem>>, vector<16xi32>,
    %get3A_190 = arith.constant 64 : index
    %get3A_191 = tpu.vector_load %arg31[%get3A_190] {strides = array<i32>} : memref<80xi32, #tpu.memory_space<vmem>>, vector<16xi32>,
    %get3A_192 = vector.shape_cast %get3A_191 : vector<16xi32> to vector<16xi32>
    %swap3A_193 = arith.constant 64 : index
    %swap3A_194 = tpu.vector_load %arg32[%swap3A_193] {strides = array<i32>} : memref<80xi32, #tpu.memory_space<vmem>>, vector<16xi32>,
    %swap3A_195 = vector.shape_cast %swap3A_194 : vector<16xi32> to vector<16xi32>
    %swap3A_196 = vector.shape_cast %get3A_192 : vector<16xi32> to vector<16xi32>
    tpu.vector_store %arg32[%swap3A_193], %swap3A_196 {strides = array<i32>} : memref<80xi32, #tpu.memory_space<vmem>>, vector<16xi32>,
    "tpu.region"() ({
      %run_scoped3A = tpu.sem_alloc : memref<!tpu.dma_semaphore, #tpu.memory_space<semaphore_mem>>
      %dma_start3A_208 = arith.constant 0 : i32
      %dma_start3A_209 = arith.constant 0 : i32
      %dma_start3A_210 = tpu.memref_slice %arg10[%dma_start3A_208, %dma_start3A_209] : memref<128x32xf32, #tpu.memory_space<vmem>> -> memref<80x32xf32, #tpu.memory_space<vmem>>
      %dma_start3A_211 = arith.constant 0 : i32
      %dma_start3A_212 = arith.constant 0 : i32
      %dma_start3A_213 = tpu.memref_slice %arg34[%dma_start3A_211, %dma_start3A_212] : memref<50000x32xf32, #tpu.memory_space<vmem_shared>> -> memref<50000x32xf32, #tpu.memory_space<vmem_shared>>
      tpu.enqueue_indirect_dma source(%dma_start3A_210 : memref<80x32xf32, #tpu.memory_space<vmem>>) target(%dma_start3A_213 : memref<50000x32xf32, #tpu.memory_space<vmem_shared>>) offsets(%arg32 : memref<80xi32, #tpu.memory_space<vmem>>) semaphore(%run_scoped3A : memref<!tpu.dma_semaphore, #tpu.memory_space<semaphore_mem>>) {add = true}
      %dma_wait3A_214 = arith.constant 0 : i32
      %dma_wait3A_215 = arith.constant 0 : i32
      %dma_wait3A_216 = tpu.memref_slice %arg10[%dma_wait3A_214, %dma_wait3A_215] : memref<128x32xf32, #tpu.memory_space<vmem>> -> memref<80x32xf32, #tpu.memory_space<vmem>>
      %dma_wait3A_217 = arith.constant 0 : i32
      %dma_wait3A_218 = arith.constant 0 : i32
      %dma_wait3A_219 = tpu.memref_slice %arg34[%dma_wait3A_217, %dma_wait3A_218] : memref<50000x32xf32, #tpu.memory_space<vmem_shared>> -> memref<50000x32xf32, #tpu.memory_space<vmem_shared>>
      tpu.wait_indirect_dma semaphore(%run_scoped3A : memref<!tpu.dma_semaphore, #tpu.memory_space<semaphore_mem>>) src(%dma_wait3A_216 : memref<80x32xf32, #tpu.memory_space<vmem>>) dst(%dma_wait3A_219 : memref<50000x32xf32, #tpu.memory_space<vmem_shared>>)
      tpu.yield
    }) : () -> ()
    %barrier3A_197 = arith.constant 0 : index
    tpu.barrier barrier_id(%barrier3A_197)
    %lt3A_198 = arith.constant 15 : i32
    %lt3A_199 = arith.cmpi slt, %arg1, %lt3A_198 : i32
    %convert_element_type3A_200 = arith.extui %lt3A_199 : i1 to i32
    %cond3A_201 = arith.constant 0 : i32
    %cond3A_202 = arith.cmpi ne, %convert_element_type3A_200, %cond3A_201 : i32
    scf.if %cond3A_202 {
      %add3A_208 = arith.addi %mul3A_0, %mul3A_2 : i32
      "tpu.region"() ({
        %run_scoped3A = tpu.sem_alloc : memref<!tpu.dma_semaphore, #tpu.memory_space<semaphore_mem>>
        %dma_start3A_209 = arith.constant 0 : i32
        %dma_start3A_210 = tpu.memref_slice %arg6[%add3A_208, %dma_start3A_209] : memref<100000x32xf32, #tpu.memory_space<hbm>> -> memref<3128x32xf32, #tpu.memory_space<hbm>>
        %dma_start3A_211 = arith.constant 0 : i32
        %dma_start3A_212 = tpu.memref_slice %arg34[%mul3A_2, %dma_start3A_211] : memref<50000x32xf32, #tpu.memory_space<vmem_shared>> -> memref<3128x32xf32, #tpu.memory_space<vmem_shared>>
        tpu.enqueue_dma source(%dma_start3A_212 : memref<3128x32xf32, #tpu.memory_space<vmem_shared>>) target(%dma_start3A_210 : memref<3128x32xf32, #tpu.memory_space<hbm>>) target_semaphore(%run_scoped3A : memref<!tpu.dma_semaphore, #tpu.memory_space<semaphore_mem>>)
        %dma_wait3A_213 = arith.constant 0 : i32
        %dma_wait3A_214 = tpu.memref_slice %arg6[%add3A_208, %dma_wait3A_213] : memref<100000x32xf32, #tpu.memory_space<hbm>> -> memref<3128x32xf32, #tpu.memory_space<hbm>>
        %dma_wait3A_215 = arith.constant 0 : i32
        %dma_wait3A_216 = tpu.memref_slice %arg34[%mul3A_2, %dma_wait3A_215] : memref<50000x32xf32, #tpu.memory_space<vmem_shared>> -> memref<3128x32xf32, #tpu.memory_space<vmem_shared>>
        tpu.wait_dma2 semaphore(%run_scoped3A : memref<!tpu.dma_semaphore, #tpu.memory_space<semaphore_mem>>) src(%dma_wait3A_216 : memref<3128x32xf32, #tpu.memory_space<vmem_shared>>) dst(%dma_wait3A_214 : memref<3128x32xf32, #tpu.memory_space<hbm>>)
        tpu.yield
      }) : () -> ()
    } else {
    }
    %eq3A_203 = arith.constant 15 : i32
    %eq3A_204 = arith.cmpi eq, %arg1, %eq3A_203 : i32
    %convert_element_type3A_205 = arith.extui %eq3A_204 : i1 to i32
    %cond3A_206 = arith.constant 0 : i32
    %cond3A_207 = arith.cmpi ne, %convert_element_type3A_205, %cond3A_206 : i32
    scf.if %cond3A_207 {
      %add3A_208 = arith.addi %mul3A_0, %mul3A_2 : i32
      "tpu.region"() ({
        %run_scoped3A = tpu.sem_alloc : memref<!tpu.dma_semaphore, #tpu.memory_space<semaphore_mem>>
        %dma_start3A_209 = arith.constant 0 : i32
        %dma_start3A_210 = tpu.memref_slice %arg6[%add3A_208, %dma_start3A_209] : memref<100000x32xf32, #tpu.memory_space<hbm>> -> memref<3080x32xf32, #tpu.memory_space<hbm>>
        %dma_start3A_211 = arith.constant 0 : i32
        %dma_start3A_212 = tpu.memref_slice %arg34[%mul3A_2, %dma_start3A_211] : memref<50000x32xf32, #tpu.memory_space<vmem_shared>> -> memref<3080x32xf32, #tpu.memory_space<vmem_shared>>
        tpu.enqueue_dma source(%dma_start3A_212 : memref<3080x32xf32, #tpu.memory_space<vmem_shared>>) target(%dma_start3A_210 : memref<3080x32xf32, #tpu.memory_space<hbm>>) target_semaphore(%run_scoped3A : memref<!tpu.dma_semaphore, #tpu.memory_space<semaphore_mem>>)
        %dma_wait3A_213 = arith.constant 0 : i32
        %dma_wait3A_214 = tpu.memref_slice %arg6[%add3A_208, %dma_wait3A_213] : memref<100000x32xf32, #tpu.memory_space<hbm>> -> memref<3080x32xf32, #tpu.memory_space<hbm>>
        %dma_wait3A_215 = arith.constant 0 : i32
        %dma_wait3A_216 = tpu.memref_slice %arg34[%mul3A_2, %dma_wait3A_215] : memref<50000x32xf32, #tpu.memory_space<vmem_shared>> -> memref<3080x32xf32, #tpu.memory_space<vmem_shared>>
        tpu.wait_dma2 semaphore(%run_scoped3A : memref<!tpu.dma_semaphore, #tpu.memory_space<semaphore_mem>>) src(%dma_wait3A_216 : memref<3080x32xf32, #tpu.memory_space<vmem_shared>>) dst(%dma_wait3A_214 : memref<3080x32xf32, #tpu.memory_space<hbm>>)
        tpu.yield
      }) : () -> ()
    } else {
    }
    return
  }
}

module attributes {stable_mosaic.version = 14 : i64} {
  func.func @kern(%arg0: i32, %arg1: memref<2000x128xf32, #tpu.memory_space<vmem>>, %arg2: memref<64x128xf32, #tpu.memory_space<vmem>>, %arg3: memref<1x64xf32, #tpu.memory_space<vmem>>, %arg4: memref<2000x64xf32, #tpu.memory_space<vmem>>, %arg5: memref<2x2000x32xf32, #tpu.memory_space<vmem>>) attributes {dimension_semantics = [#tpu.dimension_semantics<arbitrary>], iteration_bounds = array<i64: 25>, scalar_prefetch = 0 : i64, scratch_operands = 0 : i64, tpu.core_type = #tpu.core_type<tc>, window_params = [{transform_indices = @transform_0, window_bounds = array<i64: 2000, 128>}, {pipeline_mode = #tpu.pipeline_mode<synchronous>, transform_indices = @transform_1, window_bounds = array<i64: 64, 128>}, {pipeline_mode = #tpu.pipeline_mode<synchronous>, transform_indices = @transform_2, window_bounds = array<i64: 1, 64>}, {transform_indices = @transform_3, window_bounds = array<i64: 2000, 64>}, {transform_indices = @transform_4, window_bounds = array<i64: 2, 2000, 32>}]} {
    %get3A = arith.constant 0 : index
    %get3A_0 = arith.constant 0 : index
    %get3A_1 = vector.load %arg1[%get3A, %get3A_0] : memref<2000x128xf32, #tpu.memory_space<vmem>>, vector<2000x128xf32>
    %get3A_2 = arith.constant 0 : index
    %get3A_3 = arith.constant 0 : index
    %get3A_4 = vector.load %arg2[%get3A_2, %get3A_3] : memref<64x128xf32, #tpu.memory_space<vmem>>, vector<64x128xf32>
    %dot_general3A = arith.constant dense<0.000000e+00> : vector<2000x64xf32>
    %dot_general3A_5 = tpu.matmul %get3A_1, %get3A_4, %dot_general3A {dimension_numbers = #tpu.dot_dimension_numbers<[1], [1], [0], [0], [0, 0, 1, 0], [], []>, transpose_lhs_hint = false} : vector<2000x128xf32>, vector<64x128xf32>, vector<2000x64xf32> -> vector<2000x64xf32>
    %get3A_6 = arith.constant 0 : index
    %get3A_7 = arith.constant 0 : index
    %get3A_8 = vector.load %arg3[%get3A_6, %get3A_7] : memref<1x64xf32, #tpu.memory_space<vmem>>, vector<1x64xf32>
    %add3A = vector.broadcast %get3A_8 : vector<1x64xf32> to vector<2000x64xf32>
    %add3A_9 = arith.addf %dot_general3A_5, %add3A : vector<2000x64xf32>
    %max3A = arith.constant 0.000000e+00 : f32
    %max3A_10 = vector.broadcast %max3A : f32 to vector<2000x64xf32>
    %max3A_11 = arith.maximumf %add3A_9, %max3A_10 : vector<2000x64xf32>
    %swap3A = arith.constant 0 : index
    %swap3A_12 = arith.constant 0 : index
    %swap3A_13 = vector.load %arg4[%swap3A, %swap3A_12] : memref<2000x64xf32, #tpu.memory_space<vmem>>, vector<2000x64xf32>
    tpu.vector_store %arg4[%swap3A, %swap3A_12], %max3A_11 {strides = array<i32>} : memref<2000x64xf32, #tpu.memory_space<vmem>>, vector<2000x64xf32>,
    %slice3A = vector.extract_strided_slice %max3A_11 {offsets = [0, 0], sizes = [2000, 32], strides = [1, 1]} : vector<2000x64xf32> to vector<2000x32xf32>
    %swap3A_14 = arith.constant 0 : index
    %swap3A_15 = arith.constant 0 : index
    %swap3A_16 = arith.constant 0 : index
    %swap3A_17 = vector.load %arg5[%swap3A_14, %swap3A_15, %swap3A_16] : memref<2x2000x32xf32, #tpu.memory_space<vmem>>, vector<1x2000x32xf32>
    %swap3A_18 = vector.shape_cast %swap3A_17 : vector<1x2000x32xf32> to vector<2000x32xf32>
    %swap3A_19 = vector.shape_cast %slice3A : vector<2000x32xf32> to vector<1x2000x32xf32>
    tpu.vector_store %arg5[%swap3A_14, %swap3A_15, %swap3A_16], %swap3A_19 {strides = array<i32>} : memref<2x2000x32xf32, #tpu.memory_space<vmem>>, vector<1x2000x32xf32>,
    %slice3A_20 = vector.extract_strided_slice %max3A_11 {offsets = [0, 32], sizes = [2000, 32], strides = [1, 1]} : vector<2000x64xf32> to vector<2000x32xf32>
    %swap3A_21 = arith.constant 1 : index
    %swap3A_22 = arith.constant 0 : index
    %swap3A_23 = arith.constant 0 : index
    %swap3A_24 = vector.load %arg5[%swap3A_21, %swap3A_22, %swap3A_23] : memref<2x2000x32xf32, #tpu.memory_space<vmem>>, vector<1x2000x32xf32>
    %swap3A_25 = vector.shape_cast %swap3A_24 : vector<1x2000x32xf32> to vector<2000x32xf32>
    %swap3A_26 = vector.shape_cast %slice3A_20 : vector<2000x32xf32> to vector<1x2000x32xf32>
    tpu.vector_store %arg5[%swap3A_21, %swap3A_22, %swap3A_23], %swap3A_26 {strides = array<i32>} : memref<2x2000x32xf32, #tpu.memory_space<vmem>>, vector<1x2000x32xf32>,
    return
  }
  func.func @transform_0(%arg0: i32) -> (i32, i32) {
    %c0_i32 = arith.constant 0 : i32
    %c0_i32_0 = arith.constant 0 : i32
    return %arg0, %c0_i32 : i32, i32
  }
  func.func @transform_1(%arg0: i32) -> (i32, i32) {
    %c0_i32 = arith.constant 0 : i32
    %c0_i32_0 = arith.constant 0 : i32
    %c0_i32_1 = arith.constant 0 : i32
    return %c0_i32, %c0_i32_0 : i32, i32
  }
  func.func @transform_2(%arg0: i32) -> (i32, i32) {
    %c0_i32 = arith.constant 0 : i32
    %c0_i32_0 = arith.constant 0 : i32
    %c0_i32_1 = arith.constant 0 : i32
    return %c0_i32, %c0_i32_0 : i32, i32
  }
  func.func @transform_3(%arg0: i32) -> (i32, i32) {
    %c0_i32 = arith.constant 0 : i32
    %c0_i32_0 = arith.constant 0 : i32
    return %arg0, %c0_i32 : i32, i32
  }
  func.func @transform_4(%arg0: i32) -> (i32, i32, i32) {
    %c0_i32 = arith.constant 0 : i32
    %c0_i32_0 = arith.constant 0 : i32
    %c0_i32_1 = arith.constant 0 : i32
    return %c0_i32, %arg0, %c0_i32_0 : i32, i32, i32
  }
}

module attributes {stable_mosaic.version = 14 : i64} {
  func.func @kern(%arg0: i32, %arg1: memref<2000x64xf32, #tpu.memory_space<vmem>>, %arg2: memref<2x2000x32xf32, #tpu.memory_space<vmem>>, %arg3: memref<64x128xf32, #tpu.memory_space<vmem>>, %arg4: memref<1x64xf32, #tpu.memory_space<vmem>>, %arg5: memref<8x64xf32, #tpu.memory_space<vmem>>, %arg6: memref<1x1xf32, #tpu.memory_space<vmem>>, %arg7: memref<192x64xf32, #tpu.memory_space<vmem>>, %arg8: memref<192x64xf32, #tpu.memory_space<vmem>>, %arg9: memref<1x192xf32, #tpu.memory_space<vmem>>, %arg10: memref<1x192xf32, #tpu.memory_space<vmem>>, %arg11: memref<2000x64xf32, #tpu.memory_space<vmem>>, %arg12: memref<2x2000x32xf32, #tpu.memory_space<vmem>>) attributes {dimension_semantics = [#tpu.dimension_semantics<arbitrary>], iteration_bounds = array<i64: 25>, scalar_prefetch = 0 : i64, scratch_operands = 0 : i64, tpu.core_type = #tpu.core_type<tc>, window_params = [{transform_indices = @transform_0, window_bounds = array<i64: 2000, 64>}, {transform_indices = @transform_1, window_bounds = array<i64: 2, 2000, 32>}, {pipeline_mode = #tpu.pipeline_mode<synchronous>, transform_indices = @transform_2, window_bounds = array<i64: 64, 128>}, {pipeline_mode = #tpu.pipeline_mode<synchronous>, transform_indices = @transform_3, window_bounds = array<i64: 1, 64>}, {pipeline_mode = #tpu.pipeline_mode<synchronous>, transform_indices = @transform_4, window_bounds = array<i64: 8, 64>}, {pipeline_mode = #tpu.pipeline_mode<synchronous>, transform_indices = @transform_5, window_bounds = array<i64: 1, 1>}, {pipeline_mode = #tpu.pipeline_mode<synchronous>, transform_indices = @transform_6, window_bounds = array<i64: 192, 64>}, {pipeline_mode = #tpu.pipeline_mode<synchronous>, transform_indices = @transform_7, window_bounds = array<i64: 192, 64>}, {pipeline_mode = #tpu.pipeline_mode<synchronous>, transform_indices = @transform_8, window_bounds = array<i64: 1, 192>}, {pipeline_mode = #tpu.pipeline_mode<synchronous>, transform_indices = @transform_9, window_bounds = array<i64: 1, 192>}, {transform_indices = @transform_10, window_bounds = array<i64: 2000, 64>}, {transform_indices = @transform_11, window_bounds = array<i64: 2, 2000, 32>}]} {
    %get3A = arith.constant 0 : index
    %get3A_0 = arith.constant 0 : index
    %get3A_1 = vector.load %arg1[%get3A, %get3A_0] : memref<2000x64xf32, #tpu.memory_space<vmem>>, vector<2000x64xf32>
    %get3A_2 = arith.constant 0 : index
    %get3A_3 = arith.constant 0 : index
    %get3A_4 = arith.constant 0 : index
    %get3A_5 = vector.load %arg2[%get3A_2, %get3A_3, %get3A_4] : memref<2x2000x32xf32, #tpu.memory_space<vmem>>, vector<1x2000x32xf32>
    %get3A_6 = vector.shape_cast %get3A_5 : vector<1x2000x32xf32> to vector<2000x32xf32>
    %get3A_7 = arith.constant 1 : index
    %get3A_8 = arith.constant 0 : index
    %get3A_9 = arith.constant 0 : index
    %get3A_10 = vector.load %arg2[%get3A_7, %get3A_8, %get3A_9] : memref<2x2000x32xf32, #tpu.memory_space<vmem>>, vector<1x2000x32xf32>
    %get3A_11 = vector.shape_cast %get3A_10 : vector<1x2000x32xf32> to vector<2000x32xf32>
    %concatenate3A = tpu.concatenate %get3A_6, %get3A_11 in 1 : vector<2000x32xf32>, vector<2000x32xf32> -> vector<2000x64xf32>
    %concatenate3A_12 = tpu.concatenate %get3A_1, %concatenate3A in 1 : vector<2000x64xf32>, vector<2000x64xf32> -> vector<2000x128xf32>
    %get3A_13 = arith.constant 0 : index
    %get3A_14 = arith.constant 0 : index
    %get3A_15 = vector.load %arg3[%get3A_13, %get3A_14] : memref<64x128xf32, #tpu.memory_space<vmem>>, vector<64x128xf32>
    %dot_general3A = arith.constant dense<0.000000e+00> : vector<2000x64xf32>
    %dot_general3A_16 = tpu.matmul %concatenate3A_12, %get3A_15, %dot_general3A {dimension_numbers = #tpu.dot_dimension_numbers<[1], [1], [0], [0], [0, 0, 1, 0], [], []>, transpose_lhs_hint = false} : vector<2000x128xf32>, vector<64x128xf32>, vector<2000x64xf32> -> vector<2000x64xf32>
    %get3A_17 = arith.constant 0 : index
    %get3A_18 = arith.constant 0 : index
    %get3A_19 = vector.load %arg4[%get3A_17, %get3A_18] : memref<1x64xf32, #tpu.memory_space<vmem>>, vector<1x64xf32>
    %add3A = vector.broadcast %get3A_19 : vector<1x64xf32> to vector<2000x64xf32>
    %add3A_20 = arith.addf %dot_general3A_16, %add3A : vector<2000x64xf32>
    %max3A = arith.constant 0.000000e+00 : f32
    %max3A_21 = vector.broadcast %max3A : f32 to vector<2000x64xf32>
    %max3A_22 = arith.maximumf %add3A_20, %max3A_21 : vector<2000x64xf32>
    %get3A_23 = arith.constant 0 : index
    %get3A_24 = arith.constant 0 : index
    %get3A_25 = vector.load %arg5[%get3A_23, %get3A_24] : memref<8x64xf32, #tpu.memory_space<vmem>>, vector<8x64xf32>
    %dot_general3A_26 = arith.constant dense<0.000000e+00> : vector<2000x8xf32>
    %dot_general3A_27 = tpu.matmul %max3A_22, %get3A_25, %dot_general3A_26 {dimension_numbers = #tpu.dot_dimension_numbers<[1], [1], [0], [0], [0, 0, 1, 0], [], []>, transpose_lhs_hint = false} : vector<2000x64xf32>, vector<8x64xf32>, vector<2000x8xf32> -> vector<2000x8xf32>
    %slice3A = vector.extract_strided_slice %dot_general3A_27 {offsets = [0, 0], sizes = [2000, 1], strides = [1, 1]} : vector<2000x8xf32> to vector<2000x1xf32>
    %get3A_28 = arith.constant 0 : index
    %get3A_29 = arith.constant 0 : index
    %get3A_30 = vector.load %arg6[%get3A_28, %get3A_29] : memref<1x1xf32, #tpu.memory_space<vmem>>, vector<1x1xf32>
    %add3A_31 = vector.broadcast %get3A_30 : vector<1x1xf32> to vector<2000x1xf32>
    %add3A_32 = arith.addf %slice3A, %add3A_31 : vector<2000x1xf32>
    %custom_jvp_call3A = arith.constant 0.000000e+00 : f32
    %max3A_33 = vector.broadcast %custom_jvp_call3A : f32 to vector<2000x1xf32>
    %max3A_34 = arith.maximumf %add3A_32, %max3A_33 : vector<2000x1xf32>
    %sub3A = vector.broadcast %custom_jvp_call3A : f32 to vector<2000x1xf32>
    %sub3A_35 = arith.subf %add3A_32, %sub3A : vector<2000x1xf32>
    %ne3A = arith.cmpf one, %sub3A_35, %sub3A_35 : vector<2000x1xf32>
    %add3A_36 = vector.broadcast %custom_jvp_call3A : f32 to vector<2000x1xf32>
    %add3A_37 = arith.addf %add3A_32, %add3A_36 : vector<2000x1xf32>
    %abs3A = math.absf %sub3A_35 : vector<2000x1xf32>
    %neg3A = arith.constant 0.000000e+00 : f32
    %neg3A_38 = vector.broadcast %neg3A : f32 to vector<2000x1xf32>
    %neg3A_39 = arith.subf %neg3A_38, %abs3A : vector<2000x1xf32>
    %exp3A = math.exp %neg3A_39 : vector<2000x1xf32>
    %log1p3A = math.log1p %exp3A : vector<2000x1xf32>
    %add3A_40 = arith.addf %max3A_34, %log1p3A : vector<2000x1xf32>
    %select_n3A = arith.select %ne3A, %add3A_37, %add3A_40 : vector<2000x1xi1>, vector<2000x1xf32>
    %div3A = arith.constant 1.000000e+00 : f32
    %div3A_41 = vector.broadcast %div3A : f32 to vector<2000x1xf32>
    %div3A_42 = arith.divf %div3A_41, %select_n3A : vector<2000x1xf32>
    %floor3A = math.floor %div3A_42 : vector<2000x1xf32>
    %convert_element_type3A = arith.fptosi %floor3A : vector<2000x1xf32> to vector<2000x1xi32>
    %min3A = arith.constant 10 : i32
    %min3A_43 = vector.broadcast %min3A : i32 to vector<2000x1xi32>
    %min3A_44 = arith.minsi %convert_element_type3A, %min3A_43 : vector<2000x1xi32>
    %gt3A = arith.constant 0 : i32
    %gt3A_45 = vector.broadcast %gt3A : i32 to vector<2000x1xi32>
    %gt3A_46 = arith.cmpi sgt, %min3A_44, %gt3A_45 : vector<2000x1xi32>
    %lt3A = arith.constant 5.000000e-03 : f32
    %lt3A_47 = vector.broadcast %lt3A : f32 to vector<2000x1xf32>
    %lt3A_48 = arith.cmpf olt, %select_n3A, %lt3A_47 : vector<2000x1xf32>
    %and3A = arith.andi %gt3A_46, %lt3A_48 : vector<2000x1xi1>
    %get3A_49 = arith.constant 0 : index
    %get3A_50 = arith.constant 0 : index
    %get3A_51 = vector.load %arg7[%get3A_49, %get3A_50] : memref<192x64xf32, #tpu.memory_space<vmem>>, vector<192x64xf32>
    %dot_general3A_52 = arith.constant dense<0.000000e+00> : vector<2000x192xf32>
    %dot_general3A_53 = tpu.matmul %concatenate3A, %get3A_51, %dot_general3A_52 {dimension_numbers = #tpu.dot_dimension_numbers<[1], [1], [0], [0], [0, 0, 1, 0], [], []>, transpose_lhs_hint = false} : vector<2000x64xf32>, vector<192x64xf32>, vector<2000x192xf32> -> vector<2000x192xf32>
    %get3A_54 = arith.constant 0 : index
    %get3A_55 = arith.constant 0 : index
    %get3A_56 = vector.load %arg9[%get3A_54, %get3A_55] : memref<1x192xf32, #tpu.memory_space<vmem>>, vector<1x192xf32>
    %add3A_57 = vector.broadcast %get3A_56 : vector<1x192xf32> to vector<2000x192xf32>
    %add3A_58 = arith.addf %dot_general3A_53, %add3A_57 : vector<2000x192xf32>
    %get3A_59 = arith.constant 0 : index
    %get3A_60 = arith.constant 0 : index
    %get3A_61 = vector.load %arg8[%get3A_59, %get3A_60] : memref<192x64xf32, #tpu.memory_space<vmem>>, vector<192x64xf32>
    %dot_general3A_62 = arith.constant dense<0.000000e+00> : vector<2000x192xf32>
    %dot_general3A_63 = tpu.matmul %max3A_22, %get3A_61, %dot_general3A_62 {dimension_numbers = #tpu.dot_dimension_numbers<[1], [1], [0], [0], [0, 0, 1, 0], [], []>, transpose_lhs_hint = false} : vector<2000x64xf32>, vector<192x64xf32>, vector<2000x192xf32> -> vector<2000x192xf32>
    %get3A_64 = arith.constant 0 : index
    %get3A_65 = arith.constant 0 : index
    %get3A_66 = vector.load %arg10[%get3A_64, %get3A_65] : memref<1x192xf32, #tpu.memory_space<vmem>>, vector<1x192xf32>
    %add3A_67 = vector.broadcast %get3A_66 : vector<1x192xf32> to vector<2000x192xf32>
    %add3A_68 = arith.addf %dot_general3A_63, %add3A_67 : vector<2000x192xf32>
    %slice3A_69 = vector.extract_strided_slice %add3A_58 {offsets = [0, 0], sizes = [2000, 64], strides = [1, 1]} : vector<2000x192xf32> to vector<2000x64xf32>
    %slice3A_70 = vector.extract_strided_slice %add3A_68 {offsets = [0, 0], sizes = [2000, 64], strides = [1, 1]} : vector<2000x192xf32> to vector<2000x64xf32>
    %add3A_71 = arith.addf %slice3A_69, %slice3A_70 : vector<2000x64xf32>
    %logistic3A = arith.negf %add3A_71 : vector<2000x64xf32>
    %logistic3A_72 = math.exp %logistic3A : vector<2000x64xf32>
    %logistic3A_73 = arith.constant 1.000000e+00 : f32
    %logistic3A_74 = vector.broadcast %logistic3A_73 : f32 to vector<2000x64xf32>
    %logistic3A_75 = arith.addf %logistic3A_74, %logistic3A_72 : vector<2000x64xf32>
    %logistic3A_76 = arith.divf %logistic3A_74, %logistic3A_75 : vector<2000x64xf32>
    %slice3A_77 = vector.extract_strided_slice %add3A_58 {offsets = [0, 64], sizes = [2000, 64], strides = [1, 1]} : vector<2000x192xf32> to vector<2000x64xf32>
    %slice3A_78 = vector.extract_strided_slice %add3A_68 {offsets = [0, 64], sizes = [2000, 64], strides = [1, 1]} : vector<2000x192xf32> to vector<2000x64xf32>
    %add3A_79 = arith.addf %slice3A_77, %slice3A_78 : vector<2000x64xf32>
    %logistic3A_80 = arith.negf %add3A_79 : vector<2000x64xf32>
    %logistic3A_81 = math.exp %logistic3A_80 : vector<2000x64xf32>
    %logistic3A_82 = arith.constant 1.000000e+00 : f32
    %logistic3A_83 = vector.broadcast %logistic3A_82 : f32 to vector<2000x64xf32>
    %logistic3A_84 = arith.addf %logistic3A_83, %logistic3A_81 : vector<2000x64xf32>
    %logistic3A_85 = arith.divf %logistic3A_83, %logistic3A_84 : vector<2000x64xf32>
    %slice3A_86 = vector.extract_strided_slice %add3A_58 {offsets = [0, 128], sizes = [2000, 64], strides = [1, 1]} : vector<2000x192xf32> to vector<2000x64xf32>
    %slice3A_87 = vector.extract_strided_slice %add3A_68 {offsets = [0, 128], sizes = [2000, 64], strides = [1, 1]} : vector<2000x192xf32> to vector<2000x64xf32>
    %mul3A = arith.mulf %logistic3A_76, %slice3A_87 : vector<2000x64xf32>
    %add3A_88 = arith.addf %slice3A_86, %mul3A : vector<2000x64xf32>
    %tanh3A = math.tanh %add3A_88 : vector<2000x64xf32>
    %sub3A_89 = arith.constant 1.000000e+00 : f32
    %sub3A_90 = vector.broadcast %sub3A_89 : f32 to vector<2000x64xf32>
    %sub3A_91 = arith.subf %sub3A_90, %logistic3A_85 : vector<2000x64xf32>
    %mul3A_92 = arith.mulf %sub3A_91, %tanh3A : vector<2000x64xf32>
    %mul3A_93 = arith.mulf %logistic3A_85, %max3A_22 : vector<2000x64xf32>
    %add3A_94 = arith.addf %mul3A_92, %mul3A_93 : vector<2000x64xf32>
    %broadcast_in_dim3A = vector.shape_cast %and3A : vector<2000x1xi1> to vector<2000x1xi1>
    %broadcast_in_dim3A_95 = vector.broadcast %broadcast_in_dim3A : vector<2000x1xi1> to vector<2000x64xi1>
    %select_n3A_96 = arith.select %broadcast_in_dim3A_95, %add3A_94, %max3A_22 : vector<2000x64xi1>, vector<2000x64xf32>
    %swap3A = arith.constant 0 : index
    %swap3A_97 = arith.constant 0 : index
    %swap3A_98 = vector.load %arg11[%swap3A, %swap3A_97] : memref<2000x64xf32, #tpu.memory_space<vmem>>, vector<2000x64xf32>
    tpu.vector_store %arg11[%swap3A, %swap3A_97], %select_n3A_96 {strides = array<i32>} : memref<2000x64xf32, #tpu.memory_space<vmem>>, vector<2000x64xf32>,
    %slice3A_99 = vector.extract_strided_slice %select_n3A_96 {offsets = [0, 0], sizes = [2000, 32], strides = [1, 1]} : vector<2000x64xf32> to vector<2000x32xf32>
    %swap3A_100 = arith.constant 0 : index
    %swap3A_101 = arith.constant 0 : index
    %swap3A_102 = arith.constant 0 : index
    %swap3A_103 = vector.load %arg12[%swap3A_100, %swap3A_101, %swap3A_102] : memref<2x2000x32xf32, #tpu.memory_space<vmem>>, vector<1x2000x32xf32>
    %swap3A_104 = vector.shape_cast %swap3A_103 : vector<1x2000x32xf32> to vector<2000x32xf32>
    %swap3A_105 = vector.shape_cast %slice3A_99 : vector<2000x32xf32> to vector<1x2000x32xf32>
    tpu.vector_store %arg12[%swap3A_100, %swap3A_101, %swap3A_102], %swap3A_105 {strides = array<i32>} : memref<2x2000x32xf32, #tpu.memory_space<vmem>>, vector<1x2000x32xf32>,
    %slice3A_106 = vector.extract_strided_slice %select_n3A_96 {offsets = [0, 32], sizes = [2000, 32], strides = [1, 1]} : vector<2000x64xf32> to vector<2000x32xf32>
    %swap3A_107 = arith.constant 1 : index
    %swap3A_108 = arith.constant 0 : index
    %swap3A_109 = arith.constant 0 : index
    %swap3A_110 = vector.load %arg12[%swap3A_107, %swap3A_108, %swap3A_109] : memref<2x2000x32xf32, #tpu.memory_space<vmem>>, vector<1x2000x32xf32>
    %swap3A_111 = vector.shape_cast %swap3A_110 : vector<1x2000x32xf32> to vector<2000x32xf32>
    %swap3A_112 = vector.shape_cast %slice3A_106 : vector<2000x32xf32> to vector<1x2000x32xf32>
    tpu.vector_store %arg12[%swap3A_107, %swap3A_108, %swap3A_109], %swap3A_112 {strides = array<i32>} : memref<2x2000x32xf32, #tpu.memory_space<vmem>>, vector<1x2000x32xf32>,
    return
  }
  func.func @transform_0(%arg0: i32) -> (i32, i32) {
    %c0_i32 = arith.constant 0 : i32
    %c0_i32_0 = arith.constant 0 : i32
    return %arg0, %c0_i32 : i32, i32
  }
  func.func @transform_1(%arg0: i32) -> (i32, i32, i32) {
    %c0_i32 = arith.constant 0 : i32
    %c0_i32_0 = arith.constant 0 : i32
    %c0_i32_1 = arith.constant 0 : i32
    return %c0_i32, %arg0, %c0_i32_0 : i32, i32, i32
  }
  func.func @transform_2(%arg0: i32) -> (i32, i32) {
    %c0_i32 = arith.constant 0 : i32
    %c0_i32_0 = arith.constant 0 : i32
    %c0_i32_1 = arith.constant 0 : i32
    return %c0_i32, %c0_i32_0 : i32, i32
  }
  func.func @transform_3(%arg0: i32) -> (i32, i32) {
    %c0_i32 = arith.constant 0 : i32
    %c0_i32_0 = arith.constant 0 : i32
    %c0_i32_1 = arith.constant 0 : i32
    return %c0_i32, %c0_i32_0 : i32, i32
  }
  func.func @transform_4(%arg0: i32) -> (i32, i32) {
    %c0_i32 = arith.constant 0 : i32
    %c0_i32_0 = arith.constant 0 : i32
    %c0_i32_1 = arith.constant 0 : i32
    return %c0_i32, %c0_i32_0 : i32, i32
  }
  func.func @transform_5(%arg0: i32) -> (i32, i32) {
    %c0_i32 = arith.constant 0 : i32
    %c0_i32_0 = arith.constant 0 : i32
    %c0_i32_1 = arith.constant 0 : i32
    return %c0_i32, %c0_i32_0 : i32, i32
  }
  func.func @transform_6(%arg0: i32) -> (i32, i32) {
    %c0_i32 = arith.constant 0 : i32
    %c0_i32_0 = arith.constant 0 : i32
    %c0_i32_1 = arith.constant 0 : i32
    return %c0_i32, %c0_i32_0 : i32, i32
  }
  func.func @transform_7(%arg0: i32) -> (i32, i32) {
    %c0_i32 = arith.constant 0 : i32
    %c0_i32_0 = arith.constant 0 : i32
    %c0_i32_1 = arith.constant 0 : i32
    return %c0_i32, %c0_i32_0 : i32, i32
  }
  func.func @transform_8(%arg0: i32) -> (i32, i32) {
    %c0_i32 = arith.constant 0 : i32
    %c0_i32_0 = arith.constant 0 : i32
    %c0_i32_1 = arith.constant 0 : i32
    return %c0_i32, %c0_i32_0 : i32, i32
  }
  func.func @transform_9(%arg0: i32) -> (i32, i32) {
    %c0_i32 = arith.constant 0 : i32
    %c0_i32_0 = arith.constant 0 : i32
    %c0_i32_1 = arith.constant 0 : i32
    return %c0_i32, %c0_i32_0 : i32, i32
  }
  func.func @transform_10(%arg0: i32) -> (i32, i32) {
    %c0_i32 = arith.constant 0 : i32
    %c0_i32_0 = arith.constant 0 : i32
    return %arg0, %c0_i32 : i32, i32
  }
  func.func @transform_11(%arg0: i32) -> (i32, i32, i32) {
    %c0_i32 = arith.constant 0 : i32
    %c0_i32_0 = arith.constant 0 : i32
    %c0_i32_1 = arith.constant 0 : i32
    return %c0_i32, %arg0, %c0_i32_0 : i32, i32, i32
  }
}

module attributes {stable_mosaic.version = 14 : i64} {
  func.func @kern(%arg0: i32, %arg1: memref<2000x64xf32, #tpu.memory_space<vmem>>, %arg2: memref<2x2000x32xf32, #tpu.memory_space<vmem>>, %arg3: memref<64x128xf32, #tpu.memory_space<vmem>>, %arg4: memref<1x64xf32, #tpu.memory_space<vmem>>, %arg5: memref<8x64xf32, #tpu.memory_space<vmem>>, %arg6: memref<1x1xf32, #tpu.memory_space<vmem>>, %arg7: memref<192x64xf32, #tpu.memory_space<vmem>>, %arg8: memref<192x64xf32, #tpu.memory_space<vmem>>, %arg9: memref<1x192xf32, #tpu.memory_space<vmem>>, %arg10: memref<1x192xf32, #tpu.memory_space<vmem>>, %arg11: memref<64x64xf32, #tpu.memory_space<vmem>>, %arg12: memref<1x64xf32, #tpu.memory_space<vmem>>, %arg13: memref<2000x64xf32, #tpu.memory_space<vmem>>, %arg14: memref<2000x1xf32, #tpu.memory_space<vmem>>) attributes {dimension_semantics = [#tpu.dimension_semantics<arbitrary>], iteration_bounds = array<i64: 25>, scalar_prefetch = 0 : i64, scratch_operands = 0 : i64, tpu.core_type = #tpu.core_type<tc>, window_params = [{transform_indices = @transform_0, window_bounds = array<i64: 2000, 64>}, {transform_indices = @transform_1, window_bounds = array<i64: 2, 2000, 32>}, {pipeline_mode = #tpu.pipeline_mode<synchronous>, transform_indices = @transform_2, window_bounds = array<i64: 64, 128>}, {pipeline_mode = #tpu.pipeline_mode<synchronous>, transform_indices = @transform_3, window_bounds = array<i64: 1, 64>}, {pipeline_mode = #tpu.pipeline_mode<synchronous>, transform_indices = @transform_4, window_bounds = array<i64: 8, 64>}, {pipeline_mode = #tpu.pipeline_mode<synchronous>, transform_indices = @transform_5, window_bounds = array<i64: 1, 1>}, {pipeline_mode = #tpu.pipeline_mode<synchronous>, transform_indices = @transform_6, window_bounds = array<i64: 192, 64>}, {pipeline_mode = #tpu.pipeline_mode<synchronous>, transform_indices = @transform_7, window_bounds = array<i64: 192, 64>}, {pipeline_mode = #tpu.pipeline_mode<synchronous>, transform_indices = @transform_8, window_bounds = array<i64: 1, 192>}, {pipeline_mode = #tpu.pipeline_mode<synchronous>, transform_indices = @transform_9, window_bounds = array<i64: 1, 192>}, {pipeline_mode = #tpu.pipeline_mode<synchronous>, transform_indices = @transform_10, window_bounds = array<i64: 64, 64>}, {pipeline_mode = #tpu.pipeline_mode<synchronous>, transform_indices = @transform_11, window_bounds = array<i64: 1, 64>}, {transform_indices = @transform_12, window_bounds = array<i64: 2000, 64>}, {transform_indices = @transform_13, window_bounds = array<i64: 2000, 1>}]} {
    %get3A = arith.constant 0 : index
    %get3A_0 = arith.constant 0 : index
    %get3A_1 = vector.load %arg1[%get3A, %get3A_0] : memref<2000x64xf32, #tpu.memory_space<vmem>>, vector<2000x64xf32>
    %get3A_2 = arith.constant 0 : index
    %get3A_3 = arith.constant 0 : index
    %get3A_4 = arith.constant 0 : index
    %get3A_5 = vector.load %arg2[%get3A_2, %get3A_3, %get3A_4] : memref<2x2000x32xf32, #tpu.memory_space<vmem>>, vector<1x2000x32xf32>
    %get3A_6 = vector.shape_cast %get3A_5 : vector<1x2000x32xf32> to vector<2000x32xf32>
    %get3A_7 = arith.constant 1 : index
    %get3A_8 = arith.constant 0 : index
    %get3A_9 = arith.constant 0 : index
    %get3A_10 = vector.load %arg2[%get3A_7, %get3A_8, %get3A_9] : memref<2x2000x32xf32, #tpu.memory_space<vmem>>, vector<1x2000x32xf32>
    %get3A_11 = vector.shape_cast %get3A_10 : vector<1x2000x32xf32> to vector<2000x32xf32>
    %concatenate3A = tpu.concatenate %get3A_6, %get3A_11 in 1 : vector<2000x32xf32>, vector<2000x32xf32> -> vector<2000x64xf32>
    %concatenate3A_12 = tpu.concatenate %get3A_1, %concatenate3A in 1 : vector<2000x64xf32>, vector<2000x64xf32> -> vector<2000x128xf32>
    %get3A_13 = arith.constant 0 : index
    %get3A_14 = arith.constant 0 : index
    %get3A_15 = vector.load %arg3[%get3A_13, %get3A_14] : memref<64x128xf32, #tpu.memory_space<vmem>>, vector<64x128xf32>
    %dot_general3A = arith.constant dense<0.000000e+00> : vector<2000x64xf32>
    %dot_general3A_16 = tpu.matmul %concatenate3A_12, %get3A_15, %dot_general3A {dimension_numbers = #tpu.dot_dimension_numbers<[1], [1], [0], [0], [0, 0, 1, 0], [], []>, transpose_lhs_hint = false} : vector<2000x128xf32>, vector<64x128xf32>, vector<2000x64xf32> -> vector<2000x64xf32>
    %get3A_17 = arith.constant 0 : index
    %get3A_18 = arith.constant 0 : index
    %get3A_19 = vector.load %arg4[%get3A_17, %get3A_18] : memref<1x64xf32, #tpu.memory_space<vmem>>, vector<1x64xf32>
    %add3A = vector.broadcast %get3A_19 : vector<1x64xf32> to vector<2000x64xf32>
    %add3A_20 = arith.addf %dot_general3A_16, %add3A : vector<2000x64xf32>
    %max3A = arith.constant 0.000000e+00 : f32
    %max3A_21 = vector.broadcast %max3A : f32 to vector<2000x64xf32>
    %max3A_22 = arith.maximumf %add3A_20, %max3A_21 : vector<2000x64xf32>
    %get3A_23 = arith.constant 0 : index
    %get3A_24 = arith.constant 0 : index
    %get3A_25 = vector.load %arg5[%get3A_23, %get3A_24] : memref<8x64xf32, #tpu.memory_space<vmem>>, vector<8x64xf32>
    %dot_general3A_26 = arith.constant dense<0.000000e+00> : vector<2000x8xf32>
    %dot_general3A_27 = tpu.matmul %max3A_22, %get3A_25, %dot_general3A_26 {dimension_numbers = #tpu.dot_dimension_numbers<[1], [1], [0], [0], [0, 0, 1, 0], [], []>, transpose_lhs_hint = false} : vector<2000x64xf32>, vector<8x64xf32>, vector<2000x8xf32> -> vector<2000x8xf32>
    %slice3A = vector.extract_strided_slice %dot_general3A_27 {offsets = [0, 0], sizes = [2000, 1], strides = [1, 1]} : vector<2000x8xf32> to vector<2000x1xf32>
    %get3A_28 = arith.constant 0 : index
    %get3A_29 = arith.constant 0 : index
    %get3A_30 = vector.load %arg6[%get3A_28, %get3A_29] : memref<1x1xf32, #tpu.memory_space<vmem>>, vector<1x1xf32>
    %add3A_31 = vector.broadcast %get3A_30 : vector<1x1xf32> to vector<2000x1xf32>
    %add3A_32 = arith.addf %slice3A, %add3A_31 : vector<2000x1xf32>
    %custom_jvp_call3A = arith.constant 0.000000e+00 : f32
    %max3A_33 = vector.broadcast %custom_jvp_call3A : f32 to vector<2000x1xf32>
    %max3A_34 = arith.maximumf %add3A_32, %max3A_33 : vector<2000x1xf32>
    %sub3A = vector.broadcast %custom_jvp_call3A : f32 to vector<2000x1xf32>
    %sub3A_35 = arith.subf %add3A_32, %sub3A : vector<2000x1xf32>
    %ne3A = arith.cmpf one, %sub3A_35, %sub3A_35 : vector<2000x1xf32>
    %add3A_36 = vector.broadcast %custom_jvp_call3A : f32 to vector<2000x1xf32>
    %add3A_37 = arith.addf %add3A_32, %add3A_36 : vector<2000x1xf32>
    %abs3A = math.absf %sub3A_35 : vector<2000x1xf32>
    %neg3A = arith.constant 0.000000e+00 : f32
    %neg3A_38 = vector.broadcast %neg3A : f32 to vector<2000x1xf32>
    %neg3A_39 = arith.subf %neg3A_38, %abs3A : vector<2000x1xf32>
    %exp3A = math.exp %neg3A_39 : vector<2000x1xf32>
    %log1p3A = math.log1p %exp3A : vector<2000x1xf32>
    %add3A_40 = arith.addf %max3A_34, %log1p3A : vector<2000x1xf32>
    %select_n3A = arith.select %ne3A, %add3A_37, %add3A_40 : vector<2000x1xi1>, vector<2000x1xf32>
    %div3A = arith.constant 1.000000e+00 : f32
    %div3A_41 = vector.broadcast %div3A : f32 to vector<2000x1xf32>
    %div3A_42 = arith.divf %div3A_41, %select_n3A : vector<2000x1xf32>
    %floor3A = math.floor %div3A_42 : vector<2000x1xf32>
    %convert_element_type3A = arith.fptosi %floor3A : vector<2000x1xf32> to vector<2000x1xi32>
    %min3A = arith.constant 10 : i32
    %min3A_43 = vector.broadcast %min3A : i32 to vector<2000x1xi32>
    %min3A_44 = arith.minsi %convert_element_type3A, %min3A_43 : vector<2000x1xi32>
    %gt3A = arith.constant 0 : i32
    %gt3A_45 = vector.broadcast %gt3A : i32 to vector<2000x1xi32>
    %gt3A_46 = arith.cmpi sgt, %min3A_44, %gt3A_45 : vector<2000x1xi32>
    %lt3A = arith.constant 5.000000e-03 : f32
    %lt3A_47 = vector.broadcast %lt3A : f32 to vector<2000x1xf32>
    %lt3A_48 = arith.cmpf olt, %select_n3A, %lt3A_47 : vector<2000x1xf32>
    %and3A = arith.andi %gt3A_46, %lt3A_48 : vector<2000x1xi1>
    %get3A_49 = arith.constant 0 : index
    %get3A_50 = arith.constant 0 : index
    %get3A_51 = vector.load %arg7[%get3A_49, %get3A_50] : memref<192x64xf32, #tpu.memory_space<vmem>>, vector<192x64xf32>
    %dot_general3A_52 = arith.constant dense<0.000000e+00> : vector<2000x192xf32>
    %dot_general3A_53 = tpu.matmul %concatenate3A, %get3A_51, %dot_general3A_52 {dimension_numbers = #tpu.dot_dimension_numbers<[1], [1], [0], [0], [0, 0, 1, 0], [], []>, transpose_lhs_hint = false} : vector<2000x64xf32>, vector<192x64xf32>, vector<2000x192xf32> -> vector<2000x192xf32>
    %get3A_54 = arith.constant 0 : index
    %get3A_55 = arith.constant 0 : index
    %get3A_56 = vector.load %arg9[%get3A_54, %get3A_55] : memref<1x192xf32, #tpu.memory_space<vmem>>, vector<1x192xf32>
    %add3A_57 = vector.broadcast %get3A_56 : vector<1x192xf32> to vector<2000x192xf32>
    %add3A_58 = arith.addf %dot_general3A_53, %add3A_57 : vector<2000x192xf32>
    %get3A_59 = arith.constant 0 : index
    %get3A_60 = arith.constant 0 : index
    %get3A_61 = vector.load %arg8[%get3A_59, %get3A_60] : memref<192x64xf32, #tpu.memory_space<vmem>>, vector<192x64xf32>
    %dot_general3A_62 = arith.constant dense<0.000000e+00> : vector<2000x192xf32>
    %dot_general3A_63 = tpu.matmul %max3A_22, %get3A_61, %dot_general3A_62 {dimension_numbers = #tpu.dot_dimension_numbers<[1], [1], [0], [0], [0, 0, 1, 0], [], []>, transpose_lhs_hint = false} : vector<2000x64xf32>, vector<192x64xf32>, vector<2000x192xf32> -> vector<2000x192xf32>
    %get3A_64 = arith.constant 0 : index
    %get3A_65 = arith.constant 0 : index
    %get3A_66 = vector.load %arg10[%get3A_64, %get3A_65] : memref<1x192xf32, #tpu.memory_space<vmem>>, vector<1x192xf32>
    %add3A_67 = vector.broadcast %get3A_66 : vector<1x192xf32> to vector<2000x192xf32>
    %add3A_68 = arith.addf %dot_general3A_63, %add3A_67 : vector<2000x192xf32>
    %slice3A_69 = vector.extract_strided_slice %add3A_58 {offsets = [0, 0], sizes = [2000, 64], strides = [1, 1]} : vector<2000x192xf32> to vector<2000x64xf32>
    %slice3A_70 = vector.extract_strided_slice %add3A_68 {offsets = [0, 0], sizes = [2000, 64], strides = [1, 1]} : vector<2000x192xf32> to vector<2000x64xf32>
    %add3A_71 = arith.addf %slice3A_69, %slice3A_70 : vector<2000x64xf32>
    %logistic3A = arith.negf %add3A_71 : vector<2000x64xf32>
    %logistic3A_72 = math.exp %logistic3A : vector<2000x64xf32>
    %logistic3A_73 = arith.constant 1.000000e+00 : f32
    %logistic3A_74 = vector.broadcast %logistic3A_73 : f32 to vector<2000x64xf32>
    %logistic3A_75 = arith.addf %logistic3A_74, %logistic3A_72 : vector<2000x64xf32>
    %logistic3A_76 = arith.divf %logistic3A_74, %logistic3A_75 : vector<2000x64xf32>
    %slice3A_77 = vector.extract_strided_slice %add3A_58 {offsets = [0, 64], sizes = [2000, 64], strides = [1, 1]} : vector<2000x192xf32> to vector<2000x64xf32>
    %slice3A_78 = vector.extract_strided_slice %add3A_68 {offsets = [0, 64], sizes = [2000, 64], strides = [1, 1]} : vector<2000x192xf32> to vector<2000x64xf32>
    %add3A_79 = arith.addf %slice3A_77, %slice3A_78 : vector<2000x64xf32>
    %logistic3A_80 = arith.negf %add3A_79 : vector<2000x64xf32>
    %logistic3A_81 = math.exp %logistic3A_80 : vector<2000x64xf32>
    %logistic3A_82 = arith.constant 1.000000e+00 : f32
    %logistic3A_83 = vector.broadcast %logistic3A_82 : f32 to vector<2000x64xf32>
    %logistic3A_84 = arith.addf %logistic3A_83, %logistic3A_81 : vector<2000x64xf32>
    %logistic3A_85 = arith.divf %logistic3A_83, %logistic3A_84 : vector<2000x64xf32>
    %slice3A_86 = vector.extract_strided_slice %add3A_58 {offsets = [0, 128], sizes = [2000, 64], strides = [1, 1]} : vector<2000x192xf32> to vector<2000x64xf32>
    %slice3A_87 = vector.extract_strided_slice %add3A_68 {offsets = [0, 128], sizes = [2000, 64], strides = [1, 1]} : vector<2000x192xf32> to vector<2000x64xf32>
    %mul3A = arith.mulf %logistic3A_76, %slice3A_87 : vector<2000x64xf32>
    %add3A_88 = arith.addf %slice3A_86, %mul3A : vector<2000x64xf32>
    %tanh3A = math.tanh %add3A_88 : vector<2000x64xf32>
    %sub3A_89 = arith.constant 1.000000e+00 : f32
    %sub3A_90 = vector.broadcast %sub3A_89 : f32 to vector<2000x64xf32>
    %sub3A_91 = arith.subf %sub3A_90, %logistic3A_85 : vector<2000x64xf32>
    %mul3A_92 = arith.mulf %sub3A_91, %tanh3A : vector<2000x64xf32>
    %mul3A_93 = arith.mulf %logistic3A_85, %max3A_22 : vector<2000x64xf32>
    %add3A_94 = arith.addf %mul3A_92, %mul3A_93 : vector<2000x64xf32>
    %broadcast_in_dim3A = vector.shape_cast %and3A : vector<2000x1xi1> to vector<2000x1xi1>
    %broadcast_in_dim3A_95 = vector.broadcast %broadcast_in_dim3A : vector<2000x1xi1> to vector<2000x64xi1>
    %select_n3A_96 = arith.select %broadcast_in_dim3A_95, %add3A_94, %max3A_22 : vector<2000x64xi1>, vector<2000x64xf32>
    %get3A_97 = arith.constant 0 : index
    %get3A_98 = arith.constant 0 : index
    %get3A_99 = vector.load %arg11[%get3A_97, %get3A_98] : memref<64x64xf32, #tpu.memory_space<vmem>>, vector<64x64xf32>
    %dot_general3A_100 = arith.constant dense<0.000000e+00> : vector<2000x64xf32>
    %dot_general3A_101 = tpu.matmul %select_n3A_96, %get3A_99, %dot_general3A_100 {dimension_numbers = #tpu.dot_dimension_numbers<[1], [1], [0], [0], [0, 0, 1, 0], [], []>, transpose_lhs_hint = false} : vector<2000x64xf32>, vector<64x64xf32>, vector<2000x64xf32> -> vector<2000x64xf32>
    %get3A_102 = arith.constant 0 : index
    %get3A_103 = arith.constant 0 : index
    %get3A_104 = vector.load %arg12[%get3A_102, %get3A_103] : memref<1x64xf32, #tpu.memory_space<vmem>>, vector<1x64xf32>
    %add3A_105 = vector.broadcast %get3A_104 : vector<1x64xf32> to vector<2000x64xf32>
    %add3A_106 = arith.addf %dot_general3A_101, %add3A_105 : vector<2000x64xf32>
    %swap3A = arith.constant 0 : index
    %swap3A_107 = arith.constant 0 : index
    %swap3A_108 = vector.load %arg13[%swap3A, %swap3A_107] : memref<2000x64xf32, #tpu.memory_space<vmem>>, vector<2000x64xf32>
    tpu.vector_store %arg13[%swap3A, %swap3A_107], %add3A_106 {strides = array<i32>} : memref<2000x64xf32, #tpu.memory_space<vmem>>, vector<2000x64xf32>,
    %swap3A_109 = arith.constant 0 : index
    %swap3A_110 = arith.constant 0 : index
    %swap3A_111 = vector.load %arg14[%swap3A_109, %swap3A_110] : memref<2000x1xf32, #tpu.memory_space<vmem>>, vector<2000x1xf32>
    tpu.vector_store %arg14[%swap3A_109, %swap3A_110], %select_n3A {strides = array<i32>} : memref<2000x1xf32, #tpu.memory_space<vmem>>, vector<2000x1xf32>,
    return
  }
  func.func @transform_0(%arg0: i32) -> (i32, i32) {
    %c0_i32 = arith.constant 0 : i32
    %c0_i32_0 = arith.constant 0 : i32
    return %arg0, %c0_i32 : i32, i32
  }
  func.func @transform_1(%arg0: i32) -> (i32, i32, i32) {
    %c0_i32 = arith.constant 0 : i32
    %c0_i32_0 = arith.constant 0 : i32
    %c0_i32_1 = arith.constant 0 : i32
    return %c0_i32, %arg0, %c0_i32_0 : i32, i32, i32
  }
  func.func @transform_2(%arg0: i32) -> (i32, i32) {
    %c0_i32 = arith.constant 0 : i32
    %c0_i32_0 = arith.constant 0 : i32
    %c0_i32_1 = arith.constant 0 : i32
    return %c0_i32, %c0_i32_0 : i32, i32
  }
  func.func @transform_3(%arg0: i32) -> (i32, i32) {
    %c0_i32 = arith.constant 0 : i32
    %c0_i32_0 = arith.constant 0 : i32
    %c0_i32_1 = arith.constant 0 : i32
    return %c0_i32, %c0_i32_0 : i32, i32
  }
  func.func @transform_4(%arg0: i32) -> (i32, i32) {
    %c0_i32 = arith.constant 0 : i32
    %c0_i32_0 = arith.constant 0 : i32
    %c0_i32_1 = arith.constant 0 : i32
    return %c0_i32, %c0_i32_0 : i32, i32
  }
  func.func @transform_5(%arg0: i32) -> (i32, i32) {
    %c0_i32 = arith.constant 0 : i32
    %c0_i32_0 = arith.constant 0 : i32
    %c0_i32_1 = arith.constant 0 : i32
    return %c0_i32, %c0_i32_0 : i32, i32
  }
  func.func @transform_6(%arg0: i32) -> (i32, i32) {
    %c0_i32 = arith.constant 0 : i32
    %c0_i32_0 = arith.constant 0 : i32
    %c0_i32_1 = arith.constant 0 : i32
    return %c0_i32, %c0_i32_0 : i32, i32
  }
  func.func @transform_7(%arg0: i32) -> (i32, i32) {
    %c0_i32 = arith.constant 0 : i32
    %c0_i32_0 = arith.constant 0 : i32
    %c0_i32_1 = arith.constant 0 : i32
    return %c0_i32, %c0_i32_0 : i32, i32
  }
  func.func @transform_8(%arg0: i32) -> (i32, i32) {
    %c0_i32 = arith.constant 0 : i32
    %c0_i32_0 = arith.constant 0 : i32
    %c0_i32_1 = arith.constant 0 : i32
    return %c0_i32, %c0_i32_0 : i32, i32
  }
  func.func @transform_9(%arg0: i32) -> (i32, i32) {
    %c0_i32 = arith.constant 0 : i32
    %c0_i32_0 = arith.constant 0 : i32
    %c0_i32_1 = arith.constant 0 : i32
    return %c0_i32, %c0_i32_0 : i32, i32
  }
  func.func @transform_10(%arg0: i32) -> (i32, i32) {
    %c0_i32 = arith.constant 0 : i32
    %c0_i32_0 = arith.constant 0 : i32
    %c0_i32_1 = arith.constant 0 : i32
    return %c0_i32, %c0_i32_0 : i32, i32
  }
  func.func @transform_11(%arg0: i32) -> (i32, i32) {
    %c0_i32 = arith.constant 0 : i32
    %c0_i32_0 = arith.constant 0 : i32
    %c0_i32_1 = arith.constant 0 : i32
    return %c0_i32, %c0_i32_0 : i32, i32
  }
  func.func @transform_12(%arg0: i32) -> (i32, i32) {
    %c0_i32 = arith.constant 0 : i32
    %c0_i32_0 = arith.constant 0 : i32
    return %arg0, %c0_i32 : i32, i32
  }
  func.func @transform_13(%arg0: i32) -> (i32, i32) {
    %c0_i32 = arith.constant 0 : i32
    %c0_i32_0 = arith.constant 0 : i32
    return %arg0, %c0_i32 : i32, i32
  }
}

</mosaic_0001>

<sc_bundles>
// kernel: kernel.10.cloned.1.call-start
scs
__scs_entry_jumppad:
0x0: {  	(pc) =	sbr.rel $0x88, $3  }
0x1: {  	(tag) =	ssettag $0x0;
	lr =	simm.s32 $0x1  }
0x2: {  	[smem:$0x3F91] =	sst lr;
	_ =	strace $0xD0000000  }
0x3: {  	_ = 	snop  }
0x4: {  	_ = 	snop  }
0x5: {  	_ = 	snop  }
0x6: {  	_ = 	snop  }
0x7: {  	_ = 	snop  }
__scs_overlays_trampoline_lowered:
0x8: {  	[smem:$0x3FA0] =	sst s0  }
0x9: {  	[smem:$0x3FA1] =	sst s1  }
0xa: {  	[smem:$0x3FA2] =	sst s2  }
0xb: {  	[smem:$0x3FA3] =	sst s3  }
0xc: {  	[smem:$0x3FA4] =	sst s4  }
0xd: {  	[smem:$0x3FA5] =	sst s5  }
0xe: {  	[smem:$0x3FA6] =	sst s6  }
0xf: {  	[smem:$0x3FA7] =	sst s7  }
0x10: {  	[smem:$0x3FA8] =	sst s8  }
0x11: {  	[smem:$0x3FA9] =	sst s9;
	s0 =	simm.s32 @!p0 $0x0  }
0x12: {  	s1 =	sld [smem:$0x3F8F];
	s0 =	simm.s32 @p0 $0x1  }
0x13: {  	[smem:$0x3FAA] =	sst s0;
	s0 =	simm.s32 @!p1 $0x0  }
0x14: {  	s2 =	sld [smem:$0x3F8E];
	s0 =	simm.s32 @p1 $0x1  }
0x15: {  	[smem:$0x3FAB] =	sst s0;
	s0 =	simm.s32 @!p2 $0x0  }
0x16: {  	s3 =	sld [smem:$0x3FDB];
	s0 =	simm.s32 @p2 $0x1  }
0x17: {  	s4 =	simm.s32 $0x1BF5;
	[smem:$0x3FAD] =	sst s0  }
0x18: {  	s0 =	sld [smem:$0x3F90];
	_ =	swait.ge [sflag:s4], $0x0  }
0x19: {  	s7 =	sld [smem:$0x3F91]  }
0x1a: {  	s8 =	sadd.s32 $0xFFFFE003, lr  }
0x1b: {  	s9 =	sadd.s32 $0xFFFFFEF7, lr;
	s5 =	simm.s32 $0xFFFFFFFF;
	p2 =	slt.u32 s8, $0xFFFFF086  }
0x1c: {  	p1 =	slt.u32 s9, $0xF7A;
	s5 =	simm.s32 @!p2 $0x0  }
0x1d: {  	s5 =	simm.s32 @p1 $0x1;
	p0 =	seq.s32 s7, s2  }
0x1e: {  	s7 =	smul.u32 @!p0 $0xF7A, s2;
	p2 =	seq.s32 @!p0 s5, $0x0  }
0x1f: {  	s9 =	smul.u32 $0xF7A, s1;
	s8 =	simm.s32 @!p0 $0x1BF5;
	p2 =	por !p2, p0  }
0x20: {  	[sflag:s8] =	ssyncset.s32 @!p0 $0xFFFFF086;
	s6 =	sadd.s32 @!p0 s3, s7;
	s7 =	simm.s32 @!p0 $0x108  }
0x21: {  	s3 =	sadd.s32 s3, s9;
	s6 =	sadd.s32 @!p0 $0x88, s6;
	s7 =	simm.s32 @p2 $0x1082  }
0x22: {  	[simem:s7], [sflag:s8] =	dma.local @!p0 [hbm:s6], $0xF7A  }
0x23: {  	s9 =	sor.u32 $0xD0000000, s2;
	s6 =	simm.s32 $0x108;
	_ =	swait.ge @!p0 [sflag:s8], $0x0  }
0x24: {  	s3 =	sadd.s32 $0x88, s3;
	s6 =	simm.s32 @!p1 $0x1082;
	[sflag:s4] =	ssyncset.s32 $0xFFFFF086  }
0x25: {  	[simem:s6], [sflag:s4] =	dma.local [hbm:s3], $0xF7A  }
0x26: {  	[smem:$0x3F91] =	sst s1;
	(tag) =	ssettag s2;
	_ =	strace s9  }
0x27: {  	s1 =	sld [smem:$0x3FA1]  }
0x28: {  	s2 =	sld [smem:$0x3FA2]  }
0x29: {  	s4 =	sld [smem:$0x3FA4]  }
0x2a: {  	p0 =	seq.s32 s5, $0x0;
	s5 =	sld [smem:$0x3FA5]  }
0x2b: {  	s6 =	sld [smem:$0x3FA6]  }
0x2c: {  	s7 =	sld [smem:$0x3FA7]  }
0x2d: {  	s3 =	simm.s32 $0x108;
	s8 =	sld [smem:$0x3FA8]  }
0x2e: {  	s3 =	simm.s32 @!p0 $0x1082;
	s9 =	sld [smem:$0x3FA9]  }
0x2f: {  	lr =	sadd.s32 s0, s3;
	s0 =	sld [smem:$0x3FA0]  }
0x30: {  	s3 =	sld [smem:$0x3FA3]  }
0x31: {  	[smem:$0x3FAC] =	sst s10  }
0x32: {  	s10 =	sld [smem:$0x3FAA];
	_ =	sdelay $0x3  }
0x33: {  	p0 =	seq.s32 s10, $0x1;
	s10 =	sld [smem:$0x3FAC];
	_ =	sdelay $0x3  }
0x34: {  	[smem:$0x3FAC] =	sst s10  }
0x35: {  	s10 =	sld [smem:$0x3FAB];
	_ =	sdelay $0x3  }
0x36: {  	p1 =	seq.s32 s10, $0x1;
	s10 =	sld [smem:$0x3FAC];
	_ =	sdelay $0x3  }
0x37: {  	[smem:$0x3FAC] =	sst s10  }
0x38: {  	s10 =	sld [smem:$0x3FAD]  }
0x39: {  	_ = 	snop;
	(pc) =	sbr.ind lr, $3  }
0x3a: {  	_ = 	snop  }
0x3b: {  	_ = 	snop  }
0x3c: {  	p2 =	seq.s32 s10, $0x1;
	s10 =	sld [smem:$0x3FAC]  }
0x3d: {  	_ =	shalt  }
0x3e: {  	_ =	shalt  }
0x3f: {  	_ =	shalt  }
0x40: {  	_ =	shalt  }
0x41: {  	_ =	shalt  }
0x42: {  	_ =	shalt  }
0x43: {  	_ =	shalt  }
0x44: {  	_ =	shalt  }
0x45: {  	_ =	shalt  }
0x46: {  	_ =	shalt  }
0x47: {  	_ =	shalt  }
0x48: {  	_ =	shalt  }
0x49: {  	_ =	shalt  }
0x4a: {  	_ =	shalt  }
0x4b: {  	_ =	shalt  }
0x4c: {  	_ =	shalt  }
0x4d: {  	_ =	shalt  }
0x4e: {  	_ =	shalt  }
0x4f: {  	_ =	shalt  }
0x50: {  	_ =	shalt  }
0x51: {  	_ =	shalt  }
0x52: {  	_ =	shalt  }
0x53: {  	_ =	shalt  }
0x54: {  	_ =	shalt  }
0x55: {  	_ =	shalt  }
0x56: {  	_ =	shalt  }
0x57: {  	_ =	shalt  }
0x58: {  	_ =	shalt  }
0x59: {  	_ =	shalt  }
0x5a: {  	_ =	shalt  }
0x5b: {  	_ =	shalt  }
0x5c: {  	_ =	shalt  }
0x5d: {  	_ =	shalt  }
0x5e: {  	_ =	shalt  }
0x5f: {  	_ =	shalt  }
0x60: {  	_ =	shalt  }
0x61: {  	_ =	shalt  }
0x62: {  	_ =	shalt  }
0x63: {  	_ =	shalt  }
0x64: {  	_ =	shalt  }
0x65: {  	_ =	shalt  }
0x66: {  	_ =	shalt  }
0x67: {  	_ =	shalt  }
0x68: {  	_ =	shalt  }
0x69: {  	_ =	shalt  }
0x6a: {  	_ =	shalt  }
0x6b: {  	_ =	shalt  }
0x6c: {  	_ =	shalt  }
0x6d: {  	_ =	shalt  }
0x6e: {  	_ =	shalt  }
0x6f: {  	_ =	shalt  }
0x70: {  	_ =	shalt  }
0x71: {  	_ =	shalt  }
0x72: {  	_ =	shalt  }
0x73: {  	_ =	shalt  }
0x74: {  	_ =	shalt  }
0x75: {  	_ =	shalt  }
0x76: {  	_ =	shalt  }
0x77: {  	_ =	shalt  }
0x78: {  	_ =	shalt  }
0x79: {  	_ =	shalt  }
0x7a: {  	_ =	shalt  }
0x7b: {  	_ =	shalt  }
0x7c: {  	_ =	shalt  }
0x7d: {  	_ =	shalt  }
0x7e: {  	_ =	shalt  }
0x7f: {  	_ =	shalt  }
0x80: {  	_ =	shalt  }
0x81: {  	_ =	shalt  }
0x82: {  	_ =	shalt  }
0x83: {  	_ =	shalt  }
0x84: {  	_ =	shalt  }
0x85: {  	_ =	shalt  }
0x86: {  	_ =	shalt  }
0x87: {  	_ =	shalt  }
.Lfunc_end0:
.L_simem_size_0:
called_computation.1_lowered:
.L_overlay_start_0:
0x88: {  	s2 =	sld [smem:$0x3FD9]  }
0x89: {  	s3 =	sld [smem:$0x3FFE];
	_ =	sdelay $0x1  }
0x8a: {  	s1 =	srdreg.scid  }
0x8b: {  	s0 =	sand.u32 $0x1, s1  }
0x8c: {  	s14 =	sshll.u32 s0, $0xA;
	s2 =	sadd.s32 s3, s2  }
0x8d: {  	s2 =	sadd.s32 s2, s14  }
0x8e: {  	[smem:$0x3FB8] =	sst s2  }
0x8f: {  	_ = 	snop  }
0x90: {  	s2 =	sld [smem:$0x3FD0];
	_ =	sdelay $0x2  }
0x91: {  	s15 =	simm.s32 $0xA;
	s4 =	simm.s32 $0x10  }
0x92: {  	[smem:s4], [sflag:s15] =	dma.local [hbm:s2], $0x1  }
0x93: {  	_ =	swait.eq [sflag:s15], $0x1  }
0x94: {  	[sflag:s15] =	ssyncset.done $0x0  }
0x95: {  	[sflag:s15] =	ssyncadd.s32 $0xFFFFFFFF  }
0x96: {  	s16 =	sld [smem:$0x10];
	(tm) =	ssettm $0x1  }
0x97: {  	s17 =	sld [smem:$0x3FFB];
	_ =	sdelay $0x3  }
0x98: {  	_ =	strace s17  }
0x99: {  	s3 =	sld [smem:$0x3FFC];
	_ =	sdelay $0x3  }
0x9a: {  	_ =	strace s3  }
0x9b: {  	s3 =	sld [smem:$0x3FFD];
	_ =	sdelay $0x3  }
0x9c: {  	_ =	strace s3  }
0x9d: {  	_ =	strace $0x8FFFFFFF  }
0x9e: {  	s18 =	sld [smem:$0x3FDB];
	_ =	sdelay $0x1  }
0x9f: {  	s19 =	simm.s32 $_scs_section_size  }
0xa0: {  	s5 =	simm.s32 $_size__tile_overlayer_lowered;
	s6 =	simm.s32 $_tile_overlayer_lowered  }
0xa1: {  	s22 =	simm.s32 $0x1BFF;
	s21 =	sshll.u32 s6, $0x1;
	s3 =	sadd.s32 s19, s18  }
0xa2: {  	s7 =	simm.s32 $0x0;
	s20 =	sshll.u32 s5, $0x1;
	s5 =	sadd.s32 s21, s3  }
0xa3: {  	[timem:s7], [sflag:s22] =	dma.local [hbm:s5], s20  }
0xa4: {  	_ =	swait.ge [sflag:s22], s20  }
0xa5: {  	s4 =	ssub.s32 $0x0, s20;
	[sflag:s22] =	ssyncset.done $0x0  }
0xa6: {  	[sflag:s22] =	ssyncadd.s32 s4;
	_ =	sdelay $0x1  }
0xa7: {  	s23 =	simm.s32 $0x1B8B  }
0xa8: {  	_ =	swait.ge [sflag:s23], $0x1  }
0xa9: {  	[sflag:s23] =	ssyncset.done $0x0  }
0xaa: {  	s25 =	simm.s32 $0x1B8E;
	s24 =	sld [smem:$0x3FFE];
	[sflag:s23] =	ssyncadd.s32 $0xFFFFFFFF  }
0xab: {  	s26 =	simm.s32 $execute0_lowered;
	[smem:$0x3FD2] =	sst s25  }
0xac: {  	s5 =	sshll.u32 s26, $0x1;
	_ =	strace $0x80000049;
	[dreg:$0x1] =	wrdreg $0xFFFFFFFF  }
0xad: {  	s28 =	simm.s32 $_size_execute0_lowered;
	s3 =	sadd.s32 s3, s5;
	[dreg:$0x0] =	wrdreg $0x0  }
0xae: {  	s5 =	sshll.u32 s28, $0x1;
	[dreg:$0x2] =	wrdreg s3  }
0xaf: {  	[dreg:$0x3] =	wrdreg s5  }
0xb0: {  	[dreg:$0x4] =	wrdreg $0xC0  }
0xb1: {  	_ =	task [dreg:s7], $0x5FFFF  }
0xb2: {  	[dreg:$0x1] =	wrdreg $0xFFFFFFFF  }
0xb3: {  	[dreg:$0x0] =	wrdreg $0x60  }
0xb4: {  	[dreg:$0x2] =	wrdreg s16  }
0xb5: {  	[dreg:$0x3] =	wrdreg s24  }
0xb6: {  	[dreg:$0x4] =	wrdreg $0x65700  }
0xb7: {  	[dreg:$0x5] =	wrdreg $0x9  }
0xb8: {  	_ =	task.clear_ibuf [dreg:s7], $0x6FFFF;
	_ =	strace $0x90000049  }
0xb9: {  	s29 =	simm.s32 $0x9;
	_ =	strace $0x8000004B  }
0xba: {  	_ =	swait.ge [sflag:s29], $0x1  }
0xbb: {  	[sflag:s29] =	ssyncadd.s32 $0xFFFFFFFF  }
0xbc: {  	_ =	strace $0x9000004B  }
0xbd: {  	_ =	sfence  }
0xbe: {  	s30 =	sld [smem:$0x0];
	_ =	sdelay $0x2  }
0xbf: {  	s31 =	sshll.u32 s1, $0xD;
	s1 =	sshrl.u32 s1, $0x2  }
0xc0: {  	s3 =	sand.u32 $0x4000, s31;
	s1 =	sadd.s32 s1, s30  }
0xc1: {  	s0 =	sor.u32 s3, s0;
	s1 =	sshll.u32 s1, $0x11  }
0xc2: {  	s0 =	sor.u32 s1, s0  }
0xc3: {  	s0 =	sadd.s32 $0x8F2B, s0  }
0xc4: {  	[sflag:s0] =	ssyncadd.remote.s32 $0x1  }
0xc5: {  	_ =	sfence.sel $0xFFFF  }
0xc6: {  	[dreg:$0x0] =	wrdreg $0xFFFFFFFF;
	(pc) =	sbr.abs _section_cstart, $3  }
0xc7: {  	[dreg:$0x1] =	wrdreg $0xFFFFFFFF  }
0xc8: {  	_ =	task.clear_ibuf [dreg:s7], $0x2FFFF;
	_ =	strace $0x9FFFFFFF  }
0xc9: {  	(tm) =	ssettm $0x7FFFFFFF  }
tec
execute0_lowered:
.L_overlay_start_1:
0x0: {  	(tag) =	ssettag $0x1  }
0x1: {  	s1 =	rddreg [dreg:$0x0]  }
0x2: {  	s0 =	rddreg [dreg:$0x1]  }
0x3: {  	s2 =	rddreg [dreg:$0x2];
	s3 =	simm.s32 $0x0;
	s4 =	srdreg.scid  }
0x4: {  	s15 =	stileid.u32;
	s29 =	simm.s32 $0x4400;
	s30 =	simm.s32 $0x1  }
0x5: {  	s31 =	simm.s32 $0x80;
	[smem:$0x7FF] =	sst s3;
	s5 =	sadd.s32 $0x1A400, s0  }
0x6: {  	s4 =	sand.u32 $0x1, s4;
	s6 =	sadd.s32 $0x1C00, s0;
	s8 =	smul.u32 $0xC350, s15  }
0x7: {  	s9 =	sadd.s32 $0x32C00, s0;
	s0 =	sadd.s32 $0xF9400, s0;
	s11 =	smul.u32 $0xC38, s15  }
0x8: {  	s14 =	smul.u32 $0x61C00, s15;
	s22 =	sadd.s32 $0x16E900, s2;
	p0 =	seq.s32 s15, $0xF  }
0x9: {  	s15 =	simm.s32 $0x2;
	_ =	strace $0x8000004A;
	[dreg:$0x4] =	wrdreg s9  }
0xa: {  	s7 =	ssub.s32 $0x2, s4;
	s10 =	smul.u32 $0xC350, s4;
	[dreg:$0xb] =	wrdreg s22  }
0xb: {  	s4 =	smul.u32 $0x186A00, s4;
	s26 =	sshrl.u32 s7, $0x1;
	s28 =	sshrl.u32 s8, $0x3  }
0xc: {  	s21 =	sshrl.u32 s14, $0x2;
	s14 =	simm.s32 $0x0;
	s7 =	ssub.s32 s7, s26  }
0xd: {  	s12 =	sadd.s32 s5, s28;
	s17 =	sadd.s32 s6, s28;
	s18 =	sadd.s32 $0x10, s28  }
0xe: {  	s13 =	sadd.s32 $0x20, s28;
	s23 =	sadd.s32 $0x1860, s28;
	s24 =	sadd.s32 s11, s10  }
0xf: {  	s4 =	sshrl.u32 s4, $0x3;
	s11 =	simm.s32 $0x7;
	[dreg:$0x5] =	wrdreg s12  }
0x10: {  	[dreg:$0x6] =	wrdreg s17;
	s16 =	sadd.s32 s5, s18;
	s12 =	sadd.s32 s6, s18  }
0x11: {  	s19 =	sadd.s32 s5, s13;
	s20 =	sadd.s32 s6, s13;
	[dreg:$0x7] =	wrdreg s16  }
0x12: {  	s17 =	sadd.s32 $0x200, s8;
	s18 =	sadd.s32 $0x280, s8;
	[dreg:$0x8] =	wrdreg s12  }
0x13: {  	s9 =	sadd.s32 s5, s23;
	s25 =	sshll.u32 s24, $0x2;
	[dreg:$0x9] =	wrdreg s19  }
0x14: {  	s4 =	sadd.s32 s0, s4;
	s28 =	smax.u32 s7, $0x1;
	[dreg:$0xa] =	wrdreg s20  }
0x15: {  	s13 =	simm.s32 $0x4480;
	s12 =	sadd.s32 s21, s2;
	[dreg:$0xd] =	wrdreg s9  }
0x16: {  	s16 =	sadd.s32 $0x180, s8;
	s8 =	sadd.s32 s6, s23;
	[dreg:$0x11] =	wrdreg s28  }
0x17: {  	s0 =	sadd.s32 s0, s25;
	s26 =	sadd.s32 $0x2DD20, s4;
	[dreg:$0xc] =	wrdreg s12  }
0x18: {  	s25 =	simm.s32 $0x1180;
	s4 =	simm.s32 $0x4;
	[dreg:$0xe] =	wrdreg s8  }
0x19: {  	s9 =	simm.s32 $0x2300;
	s19 =	simm.s32 $0x5;
	[dreg:$0xf] =	wrdreg s0  }
0x1a: {  	s20 =	simm.s32 $0x8;
	[dreg:$0x10] =	wrdreg s26;
	s26 =	simm.s32 $0x2280  }
0x1b: {  	v0 =	vmov s10;
	s0 =	simm.s32 $0x180;
	s8 =	simm.s32 $0x2200;
	s12 =	simm.s32 $0x4380  }
.LBB2_1:
0x1c: {  	[dreg:$0x12] =	wrdreg s14  }
0x1d: {  	s7 =	rddreg [dreg:$0x5]  }
0x1e: {  	s28 =	rddreg [dreg:$0x6]  }
0x1f: {  	s14 =	rddreg [dreg:$0x7]  }
0x20: {  	s22 =	rddreg [dreg:$0x8]  }
0x21: {  	[tilespmem:s3], [sflag:$0x1] =	stream.linear.gather [hbm4b:s7+s3], $0x80, $0x38;
	[tilespmem:$0x1EC10] =	vst v63  }
0x22: {  	s10 =	simm.s32 $0x100;
	s23 =	rddreg [dreg:$0x9]  }
0x23: {  	[tilespmem:s10], [sflag:$0x1] =	stream.linear.gather [hbm4b:s28+s3], $0x80, $0x38;
	[tilespmem:$0x1EC10] =	vst v63  }
0x24: {  	s21 =	simm.s32 $0x2180;
	s7 =	rddreg [dreg:$0xb]  }
0x25: {  	[tilespmem:s21], [sflag:$0x4] =	stream.linear.gather [hbm4b:s14+s3], $0x80, $0x38;
	[tilespmem:$0x1EC10] =	vst v63  }
0x26: {  	s28 =	rddreg [dreg:$0xa];
	s10 =	sshrl.u32 @p0 s7, $0x3  }
0x27: {  	[tilespmem:s26], [sflag:$0x4] =	stream.linear.gather [hbm4b:s22+s3], $0x80, $0x38;
	[tilespmem:$0x1EC10] =	vst v63  }
0x28: {  	s24 =	simm.s32 $0x4300;
	[dreg:$0x13] =	wrdreg s10  }
0x29: {  	[tilespmem:s24], [sflag:$0x7] =	stream.linear.gather [hbm4b:s23+s3], $0x80, $0x38;
	[tilespmem:$0x1EC10] =	vst v63  }
0x2a: {  	s7 =	simm.s32 @p0 $0x1FCA;
	s14 =	rddreg [dreg:$0x4]  }
0x2b: {  	[tilespmem:s29], [sflag:$0x7] =	stream.linear.gather [hbm4b:s28+s3], $0x80, $0x38;
	[tilespmem:$0x1EC10] =	vst v63  }
0x2c: {  	[spmem:s10], [sflag:s7] =	dma.local @p0 [hbm:s14], $0x3020  }
0x2d: {  	s7 =	simm.s32 @p0 $0xA  }
0x2e: {  	s10 =	stileid.u32;
	_ =	swait.ge @p0 [sflag:s7], $0x3020  }
0x2f: {  	s10 =	sshll.u32 @!p0 s10, $0x6;
	[sflag:s7] =	ssyncset.done @p0 $0x0  }
0x30: {  	s10 =	sor.u32 @!p0 $0x1C0A, s10;
	[sflag:s7] =	ssyncadd.s32 @p0 $0xFFFFCFE0;
	s7 =	rddreg [dreg:$0xc]  }
0x31: {  	[dreg:$0x14] =	wrdreg s10;
	s7 =	sshrl.u32 @!p0 s7, $0x3  }
0x32: {  	[dreg:$0x15] =	wrdreg s7  }
0x33: {  	[spmem:s7], [sflag:s10] =	dma.local @!p0 [hbm:s14], $0x30E0  }
0x34: {  	s7 =	simm.s32 @!p0 $0xA  }
0x35: {  	_ =	swait.ge @!p0 [sflag:s7], $0x30E0  }
0x36: {  	[sflag:s7] =	ssyncset.done @!p0 $0x0  }
0x37: {  	[sflag:s7] =	ssyncadd.s32 @!p0 $0xFFFFCF20  }
0x38: {  	s7 =	simm.s32 $0x0;
	[bflag:$0x0] =	sbarrier.arrive $0xFFFF  }
.LBB2_2:
0x39: {  	_ =	swait.ge [sflag:s30], $0x80  }
0x3a: {  	[sflag:s30] =	ssyncset.done $0x0  }
0x3b: {  	[sflag:s30] =	ssyncadd.s32 $0xFFFFFF80  }
0x3c: {  	_ =	swait.ge [sflag:s30], $0x80  }
0x3d: {  	p1 =	seq.s32 s7, $0x0;
	[sflag:s30] =	ssyncset.done $0x0  }
0x3e: {  	s10 =	simm.s32 @!p1 $0x3;
	[sflag:s30] =	ssyncadd.s32 $0xFFFFFF80  }
0x3f: {  	_ =	swait.ge @!p1 [sflag:s10], $0x1000  }
0x40: {  	[sflag:s10] =	ssyncset.done @!p1 $0x0  }
0x41: {  	[sflag:s10] =	ssyncadd.s32 @!p1 $0xFFFFF000  }
0x42: {  	v1 =	vld [tilespmem:$0x0]  }
0x43: {  	v2 =	vld [tilespmem:$0x100]  }
0x44: {  	v3 =	vld [tilespmem:$0x10]  }
0x45: {  	v4 =	vld [tilespmem:$0x110]  }
0x46: {  	v5 =	vld [tilespmem:$0x20]  }
0x47: {  	v6 =	vld [tilespmem:$0x120];
	v1 =	vadd.s32 v0, v1  }
0x48: {  	[tilespmem:$0x80] =	vst v1;
	v1 =	vadd.s32 v0, v2;
	v2 =	vld [tilespmem:$0x30]  }
0x49: {  	[tilespmem:$0x100] =	vst v1;
	v1 =	vadd.s32 v0, v3;
	v3 =	vld [tilespmem:$0x130]  }
0x4a: {  	[tilespmem:$0x90] =	vst v1;
	v1 =	vadd.s32 v0, v4;
	v4 =	vld [tilespmem:$0x40]  }
0x4b: {  	[tilespmem:$0x110] =	vst v1;
	v1 =	vadd.s32 v0, v5;
	v5 =	vld [tilespmem:$0x140]  }
0x4c: {  	[tilespmem:$0xA0] =	vst v1;
	v1 =	vadd.s32 v0, v6;
	v6 =	vld [tilespmem:$0x50]  }
0x4d: {  	[tilespmem:$0x120] =	vst v1;
	v1 =	vadd.s32 v0, v2;
	v2 =	vld [tilespmem:$0x150]  }
0x4e: {  	[tilespmem:$0xB0] =	vst v1;
	v1 =	vadd.s32 v0, v3;
	v3 =	vld [tilespmem:$0x60]  }
0x4f: {  	[tilespmem:$0x130] =	vst v1;
	v1 =	vadd.s32 v0, v4;
	v4 =	vld [tilespmem:$0x160]  }
0x50: {  	[tilespmem:$0xC0] =	vst v1;
	v1 =	vadd.s32 v0, v5;
	v5 =	vld [tilespmem:$0x70]  }
0x51: {  	[tilespmem:$0x140] =	vst v1;
	v1 =	vadd.s32 v0, v6;
	v6 =	vld [tilespmem:$0x170]  }
0x52: {  	[tilespmem:$0xD0] =	vst v1;
	v1 =	vadd.s32 v0, v2  }
0x53: {  	[tilespmem:$0x150] =	vst v1;
	v1 =	vadd.s32 v0, v3  }
0x54: {  	[tilespmem:$0xE0] =	vst v1;
	v1 =	vadd.s32 v0, v4  }
0x55: {  	[tilespmem:$0x160] =	vst v1;
	v1 =	vadd.s32 v0, v5  }
0x56: {  	[tilespmem:$0xF0] =	vst v1;
	v1 =	vadd.s32 v0, v6  }
0x57: {  	[tilespmem:$0x170] =	vst v1  }
0x58: {  	[tilespmem:s0], [sflag:$0x2] =	stream.indirect.gather [hbm4b:s1+s31], $0x20, s31, s31, $0xb8;
	[tilespmem:$0x1EC10] =	vst v63  }
0x59: {  	s21 =	simm.s32 $0x100  }
0x5a: {  	[tilespmem:s25], [sflag:$0x2] =	stream.indirect.gather [hbm4b:s1+s31], $0x20, s21, s31, $0xb8;
	[tilespmem:$0x1EC10] =	vst v63  }
0x5b: {  	_ =	swait.ge [sflag:s4], $0x80  }
0x5c: {  	[sflag:s4] =	ssyncset.done $0x0  }
0x5d: {  	[sflag:s4] =	ssyncadd.s32 $0xFFFFFF80  }
0x5e: {  	_ =	swait.ge [sflag:s4], $0x80  }
0x5f: {  	[sflag:s4] =	ssyncset.done $0x0  }
0x60: {  	s10 =	simm.s32 @!p1 $0x6;
	[sflag:s4] =	ssyncadd.s32 $0xFFFFFF80  }
0x61: {  	_ =	swait.ge @!p1 [sflag:s10], $0x1000  }
0x62: {  	[sflag:s10] =	ssyncset.done @!p1 $0x0  }
0x63: {  	[sflag:s10] =	ssyncadd.s32 @!p1 $0xFFFFF000  }
0x64: {  	v1 =	vld [tilespmem:$0x2180]  }
0x65: {  	v2 =	vld [tilespmem:$0x2280]  }
0x66: {  	v3 =	vld [tilespmem:$0x2190]  }
0x67: {  	v4 =	vld [tilespmem:$0x2290]  }
0x68: {  	v5 =	vld [tilespmem:$0x21A0]  }
0x69: {  	v6 =	vld [tilespmem:$0x22A0];
	v1 =	vadd.s32 v0, v1  }
0x6a: {  	[tilespmem:$0x2200] =	vst v1;
	v1 =	vadd.s32 v0, v2;
	v2 =	vld [tilespmem:$0x21B0]  }
0x6b: {  	[tilespmem:$0x2280] =	vst v1;
	v1 =	vadd.s32 v0, v3;
	v3 =	vld [tilespmem:$0x22B0]  }
0x6c: {  	[tilespmem:$0x2210] =	vst v1;
	v1 =	vadd.s32 v0, v4;
	v4 =	vld [tilespmem:$0x21C0]  }
0x6d: {  	[tilespmem:$0x2290] =	vst v1;
	v1 =	vadd.s32 v0, v5;
	v5 =	vld [tilespmem:$0x22C0]  }
0x6e: {  	[tilespmem:$0x2220] =	vst v1;
	v1 =	vadd.s32 v0, v6;
	v6 =	vld [tilespmem:$0x21D0]  }
0x6f: {  	[tilespmem:$0x22A0] =	vst v1;
	v1 =	vadd.s32 v0, v2;
	v2 =	vld [tilespmem:$0x22D0]  }
0x70: {  	[tilespmem:$0x2230] =	vst v1;
	v1 =	vadd.s32 v0, v3;
	v3 =	vld [tilespmem:$0x21E0]  }
0x71: {  	[tilespmem:$0x22B0] =	vst v1;
	v1 =	vadd.s32 v0, v4;
	v4 =	vld [tilespmem:$0x22E0]  }
0x72: {  	[tilespmem:$0x2240] =	vst v1;
	v1 =	vadd.s32 v0, v5;
	v5 =	vld [tilespmem:$0x21F0]  }
0x73: {  	[tilespmem:$0x22C0] =	vst v1;
	v1 =	vadd.s32 v0, v6;
	v6 =	vld [tilespmem:$0x22F0]  }
0x74: {  	[tilespmem:$0x2250] =	vst v1;
	v1 =	vadd.s32 v0, v2  }
0x75: {  	[tilespmem:$0x22D0] =	vst v1;
	v1 =	vadd.s32 v0, v3  }
0x76: {  	[tilespmem:$0x2260] =	vst v1;
	v1 =	vadd.s32 v0, v4  }
0x77: {  	[tilespmem:$0x22E0] =	vst v1;
	v1 =	vadd.s32 v0, v5  }
0x78: {  	[tilespmem:$0x2270] =	vst v1;
	v1 =	vadd.s32 v0, v6  }
0x79: {  	[tilespmem:$0x22F0] =	vst v1  }
0x7a: {  	[tilespmem:s9], [sflag:$0x5] =	stream.indirect.gather [hbm4b:s1+s31], $0x20, s8, s31, $0xb8;
	[tilespmem:$0x1EC10] =	vst v63  }
0x7b: {  	s22 =	simm.s32 $0x3300  }
0x7c: {  	[tilespmem:s22], [sflag:$0x5] =	stream.indirect.gather [hbm4b:s1+s31], $0x20, s26, s31, $0xb8;
	[tilespmem:$0x1EC10] =	vst v63  }
0x7d: {  	_ =	swait.ge [sflag:s11], $0x80  }
0x7e: {  	[sflag:s11] =	ssyncset.done $0x0  }
0x7f: {  	[sflag:s11] =	ssyncadd.s32 $0xFFFFFF80  }
0x80: {  	_ =	swait.ge [sflag:s11], $0x80  }
0x81: {  	[sflag:s11] =	ssyncset.done $0x0  }
0x82: {  	s10 =	simm.s32 @!p1 $0x9;
	[sflag:s11] =	ssyncadd.s32 $0xFFFFFF80  }
0x83: {  	_ =	swait.ge @!p1 [sflag:s10], $0x1000  }
0x84: {  	[sflag:s10] =	ssyncset.done @!p1 $0x0  }
0x85: {  	[sflag:s10] =	ssyncadd.s32 @!p1 $0xFFFFF000  }
0x86: {  	v1 =	vld [tilespmem:$0x4300]  }
0x87: {  	v2 =	vld [tilespmem:$0x4400]  }
0x88: {  	v3 =	vld [tilespmem:$0x4310]  }
0x89: {  	v4 =	vld [tilespmem:$0x4410]  }
0x8a: {  	v5 =	vld [tilespmem:$0x4320]  }
0x8b: {  	v6 =	vld [tilespmem:$0x4420];
	v1 =	vadd.s32 v0, v1  }
0x8c: {  	[tilespmem:$0x4380] =	vst v1;
	v1 =	vadd.s32 v0, v2;
	v2 =	vld [tilespmem:$0x4330]  }
0x8d: {  	[tilespmem:$0x4400] =	vst v1;
	v1 =	vadd.s32 v0, v3;
	v3 =	vld [tilespmem:$0x4430]  }
0x8e: {  	[tilespmem:$0x4390] =	vst v1;
	v1 =	vadd.s32 v0, v4;
	v4 =	vld [tilespmem:$0x4340]  }
0x8f: {  	[tilespmem:$0x4410] =	vst v1;
	v1 =	vadd.s32 v0, v5;
	v5 =	vld [tilespmem:$0x4440]  }
0x90: {  	[tilespmem:$0x43A0] =	vst v1;
	v1 =	vadd.s32 v0, v6;
	v6 =	vld [tilespmem:$0x4350]  }
0x91: {  	[tilespmem:$0x4420] =	vst v1;
	v1 =	vadd.s32 v0, v2;
	v2 =	vld [tilespmem:$0x4450]  }
0x92: {  	[tilespmem:$0x43B0] =	vst v1;
	v1 =	vadd.s32 v0, v3;
	v3 =	vld [tilespmem:$0x4360]  }
0x93: {  	[tilespmem:$0x4430] =	vst v1;
	v1 =	vadd.s32 v0, v4;
	v4 =	vld [tilespmem:$0x4460]  }
0x94: {  	[tilespmem:$0x43C0] =	vst v1;
	v1 =	vadd.s32 v0, v5;
	v5 =	vld [tilespmem:$0x4370]  }
0x95: {  	[tilespmem:$0x4440] =	vst v1;
	v1 =	vadd.s32 v0, v6;
	v6 =	vld [tilespmem:$0x4470]  }
0x96: {  	[tilespmem:$0x43D0] =	vst v1;
	v1 =	vadd.s32 v0, v2  }
0x97: {  	[tilespmem:$0x4450] =	vst v1;
	v1 =	vadd.s32 v0, v3  }
0x98: {  	[tilespmem:$0x43E0] =	vst v1;
	v1 =	vadd.s32 v0, v4  }
0x99: {  	[tilespmem:$0x4460] =	vst v1;
	v1 =	vadd.s32 v0, v5  }
0x9a: {  	[tilespmem:$0x43F0] =	vst v1;
	v1 =	vadd.s32 v0, v6  }
0x9b: {  	[tilespmem:$0x4470] =	vst v1  }
0x9c: {  	[tilespmem:s13], [sflag:$0x8] =	stream.indirect.gather [hbm4b:s1+s31], $0x20, s12, s31, $0xb8;
	[tilespmem:$0x1EC10] =	vst v63  }
0x9d: {  	s23 =	simm.s32 $0x5480  }
0x9e: {  	[tilespmem:s23], [sflag:$0x8] =	stream.indirect.gather [hbm4b:s1+s31], $0x20, s29, s31, $0xb8;
	[tilespmem:$0x1EC10] =	vst v63  }
0x9f: {  	_ =	swait.ge [sflag:s15], $0x1000  }
0xa0: {  	[sflag:s15] =	ssyncset.done $0x0  }
0xa1: {  	[sflag:s15] =	ssyncadd.s32 $0xFFFFF000  }
0xa2: {  	_ =	swait.ge [sflag:s15], $0x1000  }
0xa3: {  	[sflag:s15] =	ssyncset.done $0x0  }
0xa4: {  	[sflag:s15] =	ssyncadd.s32 $0xFFFFF000  }
0xa5: {  	v1 =	vld [tilespmem:$0x0]  }
0xa6: {  	v2 =	vld [tilespmem:$0x10]  }
0xa7: {  	v3 =	vld [tilespmem:$0x20]  }
0xa8: {  	v4 =	vld [tilespmem:$0x30]  }
0xa9: {  	v5 =	vld [tilespmem:$0x40]  }
0xaa: {  	[tilespmem:$0x80] =	vst v1;
	v1 =	vld [tilespmem:$0x50]  }
0xab: {  	[tilespmem:$0x90] =	vst v2;
	v2 =	vld [tilespmem:$0x60]  }
0xac: {  	[tilespmem:$0xA0] =	vst v3;
	v3 =	vld [tilespmem:$0x70]  }
0xad: {  	[tilespmem:$0xB0] =	vst v4  }
0xae: {  	[tilespmem:$0xC0] =	vst v5  }
0xaf: {  	[tilespmem:$0xD0] =	vst v1  }
0xb0: {  	[tilespmem:$0xE0] =	vst v2  }
0xb1: {  	s22 =	simm.s32 $0x1C0;
	[tilespmem:$0xF0] =	vst v3  }
0xb2: {  	s24 =	simm.s32 $0x11C0;
	v1 =	vld [tilespmem:s22+$0x20]  }
0xb3: {  	v2 =	vld [tilespmem:s24+$0x20]  }
0xb4: {  	v3 =	vld [tilespmem:s22+$0xFFFFFFE0]  }
0xb5: {  	v4 =	vld [tilespmem:s24+$0xFFFFFFE0]  }
0xb6: {  	v5 =	vld [tilespmem:s22+$0x0]  }
0xb7: {  	v6 =	vld [tilespmem:s24+$0x0]  }
0xb8: {  	s21 =	simm.s32 $0x240;
	v7 =	vld [tilespmem:s22+$0xFFFFFFC0]  }
0xb9: {  	s23 =	simm.s32 $0x1240;
	v9 =	vld [tilespmem:s21+$0x20]  }
0xba: {  	v10 =	vld [tilespmem:s23+$0x20]  }
0xbb: {  	v12 =	vld [tilespmem:s21+$0xFFFFFFE0]  }
0xbc: {  	v13 =	vld [tilespmem:s23+$0xFFFFFFE0]  }
0xbd: {  	v14 =	vld [tilespmem:s23+$0x0]  }
0xbe: {  	v59 =	vld [tilespmem:s23+$0xFFFFFFC0];
	v1 =	vsub.f32 v1, v2  }
0xbf: {  	v2 =	vld [tilespmem:s24+$0xFFFFFFC0];
	v3 =	vsub.f32 v3, v4  }
0xc0: {  	v5 =	vsub.f32 v5, v6;
	v6 =	vld [tilespmem:s22+$0xFFFFFFD0];
	v1 =	vand.u32 $0x7FFFFFFF, v1  }
0xc1: {  	v3 =	vand.u32 $0x7FFFFFFF, v3;
	[tilespmem:s22+$0x20] =	vst v1;
	v1 =	vld [tilespmem:s22+$0x30]  }
0xc2: {  	[tilespmem:s22+$0xFFFFFFE0] =	vst v3;
	v3 =	vld [tilespmem:s22+$0xFFFFFFF0]  }
0xc3: {  	v5 =	vand.u32 $0x7FFFFFFF, v5;
	v4 =	vld [tilespmem:s24+$0x30]  }
0xc4: {  	[tilespmem:s22+$0x0] =	vst v5;
	v5 =	vld [tilespmem:s22+$0x10]  }
0xc5: {  	v8 =	vld [tilespmem:s24+$0xFFFFFFF0];
	v2 =	vsub.f32 v7, v2  }
0xc6: {  	v9 =	vsub.f32 v9, v10;
	v11 =	vld [tilespmem:s24+$0x10]  }
0xc7: {  	v7 =	vld [tilespmem:s21+$0x0];
	v2 =	vand.u32 $0x7FFFFFFF, v2  }
0xc8: {  	[tilespmem:s22+$0xFFFFFFC0] =	vst v2;
	v2 =	vld [tilespmem:s21+$0xFFFFFFC0];
	v1 =	vsub.f32 v1, v4;
	v4 =	vand.u32 $0x7FFFFFFF, v9  }
0xc9: {  	v60 =	vsub.f32 v12, v13;
	[tilespmem:s21+$0x20] =	vst v4;
	v4 =	vld [tilespmem:s24+$0xFFFFFFD0]  }
0xca: {  	v3 =	vsub.f32 v3, v8;
	v8 =	vld [tilespmem:s21+$0x30];
	v1 =	vand.u32 $0x7FFFFFFF, v1  }
0xcb: {  	v5 =	vsub.f32 v5, v11;
	v61 =	vld [tilespmem:s23+$0x30];
	[tilespmem:s22+$0x30] =	vst v1;
	v1 =	vand.u32 $0x7FFFFFFF, v60  }
0xcc: {  	v7 =	vsub.f32 v7, v14;
	v3 =	vand.u32 $0x7FFFFFFF, v3;
	[tilespmem:s21+$0xFFFFFFE0] =	vst v1;
	v1 =	vld [tilespmem:s21+$0xFFFFFFD0]  }
0xcd: {  	v5 =	vand.u32 $0x7FFFFFFF, v5;
	[tilespmem:s22+$0xFFFFFFF0] =	vst v3;
	v62 =	vsub.f32 v2, v59;
	v2 =	vld [tilespmem:s21+$0xFFFFFFF0]  }
0xce: {  	v7 =	vand.u32 $0x7FFFFFFF, v7;
	[tilespmem:s22+$0x10] =	vst v5;
	v3 =	vld [tilespmem:s23+$0xFFFFFFF0];
	v63 =	vsub.f32 v6, v4  }
0xcf: {  	[tilespmem:s21+$0x0] =	vst v7;
	v5 =	vand.u32 $0x7FFFFFFF, v62;
	v4 =	vld [tilespmem:s21+$0x10]  }
0xd0: {  	s28 =	simm.s32 $0x4;
	s14 =	simm.s32 $0x1240;
	s10 =	simm.s32 $0x2C0;
	[tilespmem:s21+$0xFFFFFFC0] =	vst v5;
	v5 =	vld [tilespmem:s23+$0x10];
	v6 =	vsub.f32 v8, v61;
	v7 =	vand.u32 $0x7FFFFFFF, v63  }
.LBB2_3:
0xd1: {  	v8 =	vld [tilespmem:s10+$0x20];
	s23 =	sadd.s32 $0x80, s23;
	[tilespmem:s22+$0xFFFFFFD0] =	vst v7;
	v7 =	vmov v1;
	s22 =	smov.u32 s21;
	s21 =	smov.u32 s10  }
0xd2: {  	s28 =	sadd.s32 $0x4, s28;
	v1 =	vld [tilespmem:s23+$0x20];
	v6 =	vand.u32 $0x7FFFFFFF, v6  }
0xd3: {  	p1 =	slt.u32 s28, $0x7C;
	v9 =	vld [tilespmem:s23+$0xFFFFFFC0];
	v2 =	vsub.f32 v2, v3;
	[tilespmem:s22+$0x30] =	vst v6  }
0xd4: {  	v3 =	vld [tilespmem:s10+$0xFFFFFFE0]  }
0xd5: {  	v6 =	vld [tilespmem:s23+$0xFFFFFFE0];
	v2 =	vand.u32 $0x7FFFFFFF, v2;
	v4 =	vsub.f32 v4, v5  }
0xd6: {  	v5 =	vld [tilespmem:s10+$0x0];
	[tilespmem:s22+$0xFFFFFFF0] =	vst v2  }
0xd7: {  	v2 =	vld [tilespmem:s23+$0x0];
	v1 =	vsub.f32 v8, v1;
	v4 =	vand.u32 $0x7FFFFFFF, v4  }
0xd8: {  	v8 =	vld [tilespmem:s10+$0xFFFFFFC0];
	[tilespmem:s22+$0x10] =	vst v4  }
0xd9: {  	v1 =	vand.u32 $0x7FFFFFFF, v1;
	v4 =	vld [tilespmem:s14+$0xFFFFFFD0];
	s14 =	smov.u32 s23  }
0xda: {  	v3 =	vsub.f32 v3, v6;
	[tilespmem:s10+$0x20] =	vst v1;
	v6 =	vld [tilespmem:s10+$0x30]  }
0xdb: {  	v10 =	vld [tilespmem:s23+$0x30]  }
.Ltmp0:
0xdc: {  	v1 =	vld [tilespmem:s10+$0xFFFFFFD0];
	v3 =	vand.u32 $0x7FFFFFFF, v3;
	v5 =	vsub.f32 v5, v2;
	(pc) =	sbr.rel @p1 .LBB2_3-.Ltmp0, $4  }
0xdd: {  	v8 =	vsub.f32 v8, v9;
	[tilespmem:s10+$0xFFFFFFE0] =	vst v3;
	v2 =	vld [tilespmem:s10+$0xFFFFFFF0]  }
0xde: {  	v3 =	vld [tilespmem:s23+$0xFFFFFFF0];
	v5 =	vand.u32 $0x7FFFFFFF, v5;
	v7 =	vsub.f32 v7, v4  }
0xdf: {  	v8 =	vand.u32 $0x7FFFFFFF, v8;
	[tilespmem:s10+$0x0] =	vst v5;
	v4 =	vld [tilespmem:s10+$0x10]  }
0xe0: {  	s10 =	sadd.s32 $0x80, s10;
	[tilespmem:s21+$0xFFFFFFC0] =	vst v8;
	v5 =	vld [tilespmem:s23+$0x10];
	v6 =	vsub.f32 v6, v10;
	v7 =	vand.u32 $0x7FFFFFFF, v7  }
0xe1: {  	v8 =	vld [tilespmem:s14+$0xFFFFFFD0];
	_ =	sdelay $0x2  }
0xe2: {  	v2 =	vsub.f32 v2, v3  }
0xe3: {  	[tilespmem:s22+$0xFFFFFFD0] =	vst v7;
	p1 =	seq.s32 s7, $0x81;
	v3 =	vand.u32 $0x7FFFFFFF, v6;
	v4 =	vsub.f32 v4, v5  }
0xe4: {  	s22 =	smul.u32 @!p1 $0x180, s7;
	[tilespmem:s21+$0x30] =	vst v3;
	v2 =	vand.u32 $0x7FFFFFFF, v2;
	v1 =	vsub.f32 v1, v8  }
0xe5: {  	[tilespmem:s21+$0xFFFFFFF0] =	vst v2;
	v2 =	vand.u32 $0x7FFFFFFF, v4  }
0xe6: {  	s10 =	sadd.s32 @!p1 s22, s16;
	[tilespmem:s21+$0x10] =	vst v2;
	v1 =	vand.u32 $0x7FFFFFFF, v1  }
0xe7: {  	s10 =	sshrl.u32 @!p1 s10, $0x3;
	[tilespmem:s21+$0xFFFFFFD0] =	vst v1  }
0xe8: {  	[spmem:s2] =	stream.indirect.scatter.add.f32 [tilespmem:s0], [sflag:$0x3], $0x20, s31, s31, $0xb8;
	[tilespmem:$0x1EC10] =	vst v63  }
0xe9: {  	s14 =	sadd.s32 @!p1 s5, s10;
	s21 =	simm.s32 @!p1 $0x0  }
0xea: {  	[tilespmem:s21], [sflag:$0x1] =	stream.linear.gather @!p1 [hbm4b:s14+s21], $0x80, $0x38;
	[tilespmem:$0x1EC10] =	vst v63  }
0xeb: {  	s10 =	sadd.s32 @!p1 s6, s10;
	s14 =	simm.s32 @!p1 $0x100  }
0xec: {  	[tilespmem:s14], [sflag:$0x1] =	stream.linear.gather @!p1 [hbm4b:s10+s21], $0x80, $0x38;
	[tilespmem:$0x1EC10] =	vst v63  }
0xed: {  	_ =	swait.ge [sflag:s19], $0x1000  }
0xee: {  	[sflag:s19] =	ssyncset.done $0x0  }
0xef: {  	[sflag:s19] =	ssyncadd.s32 $0xFFFFF000  }
0xf0: {  	_ =	swait.ge [sflag:s19], $0x1000  }
0xf1: {  	[sflag:s19] =	ssyncset.done $0x0  }
0xf2: {  	[sflag:s19] =	ssyncadd.s32 $0xFFFFF000  }
0xf3: {  	v1 =	vld [tilespmem:$0x2180]  }
0xf4: {  	v2 =	vld [tilespmem:$0x2190]  }
0xf5: {  	v3 =	vld [tilespmem:$0x21A0]  }
0xf6: {  	v4 =	vld [tilespmem:$0x21B0]  }
0xf7: {  	v5 =	vld [tilespmem:$0x21C0]  }
0xf8: {  	[tilespmem:$0x2200] =	vst v1;
	v1 =	vld [tilespmem:$0x21D0]  }
0xf9: {  	[tilespmem:$0x2210] =	vst v2;
	v2 =	vld [tilespmem:$0x21E0]  }
0xfa: {  	[tilespmem:$0x2220] =	vst v3;
	v3 =	vld [tilespmem:$0x21F0]  }
0xfb: {  	[tilespmem:$0x2230] =	vst v4  }
0xfc: {  	[tilespmem:$0x2240] =	vst v5  }
0xfd: {  	[tilespmem:$0x2250] =	vst v1  }
0xfe: {  	[tilespmem:$0x2260] =	vst v2  }
0xff: {  	s21 =	simm.s32 $0x2340;
	[tilespmem:$0x2270] =	vst v3  }
0x100: {  	s24 =	simm.s32 $0x3340;
	v1 =	vld [tilespmem:s21+$0x20]  }
0x101: {  	v2 =	vld [tilespmem:s24+$0x20]  }
0x102: {  	v3 =	vld [tilespmem:s21+$0xFFFFFFE0]  }
0x103: {  	v4 =	vld [tilespmem:s24+$0xFFFFFFE0]  }
0x104: {  	v5 =	vld [tilespmem:s21+$0x0]  }
0x105: {  	v6 =	vld [tilespmem:s24+$0x0]  }
0x106: {  	s23 =	simm.s32 $0x23C0;
	v7 =	vld [tilespmem:s21+$0xFFFFFFC0]  }
0x107: {  	s28 =	simm.s32 $0x33C0;
	v9 =	vld [tilespmem:s23+$0x20]  }
0x108: {  	v10 =	vld [tilespmem:s28+$0x20]  }
0x109: {  	v12 =	vld [tilespmem:s23+$0xFFFFFFE0]  }
0x10a: {  	v13 =	vld [tilespmem:s28+$0xFFFFFFE0]  }
0x10b: {  	v14 =	vld [tilespmem:s28+$0x0]  }
0x10c: {  	v59 =	vld [tilespmem:s28+$0xFFFFFFC0];
	v1 =	vsub.f32 v1, v2  }
0x10d: {  	v2 =	vld [tilespmem:s24+$0xFFFFFFC0];
	v3 =	vsub.f32 v3, v4  }
0x10e: {  	v5 =	vsub.f32 v5, v6;
	v6 =	vld [tilespmem:s21+$0xFFFFFFD0];
	v1 =	vand.u32 $0x7FFFFFFF, v1  }
0x10f: {  	v3 =	vand.u32 $0x7FFFFFFF, v3;
	[tilespmem:s21+$0x20] =	vst v1;
	v1 =	vld [tilespmem:s21+$0x30]  }
0x110: {  	[tilespmem:s21+$0xFFFFFFE0] =	vst v3;
	v3 =	vld [tilespmem:s21+$0xFFFFFFF0]  }
0x111: {  	v5 =	vand.u32 $0x7FFFFFFF, v5;
	v4 =	vld [tilespmem:s24+$0x30]  }
0x112: {  	[tilespmem:s21+$0x0] =	vst v5;
	v5 =	vld [tilespmem:s21+$0x10]  }
0x113: {  	v8 =	vld [tilespmem:s24+$0xFFFFFFF0];
	v2 =	vsub.f32 v7, v2  }
0x114: {  	v9 =	vsub.f32 v9, v10;
	v11 =	vld [tilespmem:s24+$0x10]  }
0x115: {  	v7 =	vld [tilespmem:s23+$0x0];
	v2 =	vand.u32 $0x7FFFFFFF, v2  }
0x116: {  	[tilespmem:s21+$0xFFFFFFC0] =	vst v2;
	v2 =	vld [tilespmem:s23+$0xFFFFFFC0];
	v1 =	vsub.f32 v1, v4;
	v4 =	vand.u32 $0x7FFFFFFF, v9  }
0x117: {  	v60 =	vsub.f32 v12, v13;
	[tilespmem:s23+$0x20] =	vst v4;
	v4 =	vld [tilespmem:s24+$0xFFFFFFD0]  }
0x118: {  	v3 =	vsub.f32 v3, v8;
	v8 =	vld [tilespmem:s23+$0x30];
	v1 =	vand.u32 $0x7FFFFFFF, v1  }
0x119: {  	v5 =	vsub.f32 v5, v11;
	v61 =	vld [tilespmem:s28+$0x30];
	[tilespmem:s21+$0x30] =	vst v1;
	v1 =	vand.u32 $0x7FFFFFFF, v60  }
0x11a: {  	v7 =	vsub.f32 v7, v14;
	v3 =	vand.u32 $0x7FFFFFFF, v3;
	[tilespmem:s23+$0xFFFFFFE0] =	vst v1;
	v1 =	vld [tilespmem:s23+$0xFFFFFFD0]  }
0x11b: {  	v5 =	vand.u32 $0x7FFFFFFF, v5;
	[tilespmem:s21+$0xFFFFFFF0] =	vst v3;
	v62 =	vsub.f32 v2, v59;
	v2 =	vld [tilespmem:s23+$0xFFFFFFF0]  }
0x11c: {  	v7 =	vand.u32 $0x7FFFFFFF, v7;
	[tilespmem:s21+$0x10] =	vst v5;
	v3 =	vld [tilespmem:s28+$0xFFFFFFF0];
	v63 =	vsub.f32 v6, v4  }
0x11d: {  	[tilespmem:s23+$0x0] =	vst v7;
	v5 =	vand.u32 $0x7FFFFFFF, v62;
	v4 =	vld [tilespmem:s23+$0x10]  }
0x11e: {  	s10 =	simm.s32 $0x4;
	s14 =	simm.s32 $0x2440;
	s24 =	simm.s32 $0x33C0;
	[tilespmem:s23+$0xFFFFFFC0] =	vst v5;
	v5 =	vld [tilespmem:s28+$0x10];
	v6 =	vsub.f32 v8, v61;
	v7 =	vand.u32 $0x7FFFFFFF, v63  }
.LBB2_5:
0x11f: {  	v8 =	vld [tilespmem:s14+$0x20];
	s28 =	sadd.s32 $0x80, s28;
	[tilespmem:s21+$0xFFFFFFD0] =	vst v7;
	v7 =	vmov v1;
	s21 =	smov.u32 s23;
	s23 =	smov.u32 s14  }
0x120: {  	s10 =	sadd.s32 $0x4, s10;
	v1 =	vld [tilespmem:s28+$0x20];
	v6 =	vand.u32 $0x7FFFFFFF, v6  }
0x121: {  	p2 =	slt.u32 s10, $0x7C;
	v9 =	vld [tilespmem:s28+$0xFFFFFFC0];
	v2 =	vsub.f32 v2, v3;
	[tilespmem:s21+$0x30] =	vst v6  }
0x122: {  	v3 =	vld [tilespmem:s14+$0xFFFFFFE0]  }
0x123: {  	v6 =	vld [tilespmem:s28+$0xFFFFFFE0];
	v2 =	vand.u32 $0x7FFFFFFF, v2;
	v4 =	vsub.f32 v4, v5  }
0x124: {  	v5 =	vld [tilespmem:s14+$0x0];
	[tilespmem:s21+$0xFFFFFFF0] =	vst v2  }
0x125: {  	v2 =	vld [tilespmem:s28+$0x0];
	v1 =	vsub.f32 v8, v1;
	v4 =	vand.u32 $0x7FFFFFFF, v4  }
0x126: {  	v8 =	vld [tilespmem:s14+$0xFFFFFFC0];
	[tilespmem:s21+$0x10] =	vst v4  }
0x127: {  	v1 =	vand.u32 $0x7FFFFFFF, v1;
	v4 =	vld [tilespmem:s24+$0xFFFFFFD0];
	s24 =	smov.u32 s28  }
0x128: {  	v3 =	vsub.f32 v3, v6;
	[tilespmem:s14+$0x20] =	vst v1;
	v6 =	vld [tilespmem:s14+$0x30]  }
0x129: {  	v10 =	vld [tilespmem:s28+$0x30]  }
.Ltmp1:
0x12a: {  	v1 =	vld [tilespmem:s14+$0xFFFFFFD0];
	v3 =	vand.u32 $0x7FFFFFFF, v3;
	v5 =	vsub.f32 v5, v2;
	(pc) =	sbr.rel @p2 .LBB2_5-.Ltmp1, $4  }
0x12b: {  	v8 =	vsub.f32 v8, v9;
	[tilespmem:s14+$0xFFFFFFE0] =	vst v3;
	v2 =	vld [tilespmem:s14+$0xFFFFFFF0]  }
0x12c: {  	v3 =	vld [tilespmem:s28+$0xFFFFFFF0];
	v5 =	vand.u32 $0x7FFFFFFF, v5;
	v7 =	vsub.f32 v7, v4  }
0x12d: {  	v8 =	vand.u32 $0x7FFFFFFF, v8;
	[tilespmem:s14+$0x0] =	vst v5;
	v4 =	vld [tilespmem:s14+$0x10]  }
0x12e: {  	s14 =	sadd.s32 $0x80, s14;
	[tilespmem:s23+$0xFFFFFFC0] =	vst v8;
	v5 =	vld [tilespmem:s28+$0x10];
	v6 =	vsub.f32 v6, v10;
	v7 =	vand.u32 $0x7FFFFFFF, v7  }
0x12f: {  	v8 =	vld [tilespmem:s24+$0xFFFFFFD0];
	_ =	sdelay $0x2  }
0x130: {  	v2 =	vsub.f32 v2, v3  }
0x131: {  	[tilespmem:s21+$0xFFFFFFD0] =	vst v7;
	v3 =	vand.u32 $0x7FFFFFFF, v6;
	v4 =	vsub.f32 v4, v5  }
0x132: {  	[tilespmem:s23+$0x30] =	vst v3;
	v2 =	vand.u32 $0x7FFFFFFF, v2;
	v1 =	vsub.f32 v1, v8  }
0x133: {  	[tilespmem:s23+$0xFFFFFFF0] =	vst v2;
	v2 =	vand.u32 $0x7FFFFFFF, v4  }
0x134: {  	s10 =	sadd.s32 @!p1 s22, s17;
	[tilespmem:s23+$0x10] =	vst v2;
	v1 =	vand.u32 $0x7FFFFFFF, v1  }
0x135: {  	s10 =	sshrl.u32 @!p1 s10, $0x3;
	[tilespmem:s23+$0xFFFFFFD0] =	vst v1  }
0x136: {  	[spmem:s2] =	stream.indirect.scatter.add.f32 [tilespmem:s9], [sflag:$0x6], $0x20, s8, s31, $0xb8;
	[tilespmem:$0x1EC10] =	vst v63  }
0x137: {  	s21 =	simm.s32 @!p1 $0x0;
	s22 =	simm.s32 @!p1 $0x2180;
	s14 =	sadd.s32 @!p1 s5, s10  }
0x138: {  	[tilespmem:s22], [sflag:$0x4] =	stream.linear.gather @!p1 [hbm4b:s14+s21], $0x80, $0x38;
	[tilespmem:$0x1EC10] =	vst v63  }
0x139: {  	s10 =	sadd.s32 @!p1 s6, s10;
	s14 =	simm.s32 @!p1 $0x2280  }
0x13a: {  	[tilespmem:s14], [sflag:$0x4] =	stream.linear.gather @!p1 [hbm4b:s10+s21], $0x80, $0x38;
	[tilespmem:$0x1EC10] =	vst v63  }
0x13b: {  	_ =	swait.ge [sflag:s20], $0x1000  }
0x13c: {  	[sflag:s20] =	ssyncset.done $0x0  }
0x13d: {  	[sflag:s20] =	ssyncadd.s32 $0xFFFFF000  }
0x13e: {  	_ =	swait.ge [sflag:s20], $0x1000  }
0x13f: {  	[sflag:s20] =	ssyncset.done $0x0  }
0x140: {  	[sflag:s20] =	ssyncadd.s32 $0xFFFFF000  }
0x141: {  	v1 =	vld [tilespmem:$0x4300]  }
0x142: {  	v2 =	vld [tilespmem:$0x4310]  }
0x143: {  	v3 =	vld [tilespmem:$0x4320]  }
0x144: {  	v4 =	vld [tilespmem:$0x4330]  }
0x145: {  	v5 =	vld [tilespmem:$0x4340]  }
0x146: {  	[tilespmem:$0x4380] =	vst v1;
	v1 =	vld [tilespmem:$0x4350]  }
0x147: {  	[tilespmem:$0x4390] =	vst v2;
	v2 =	vld [tilespmem:$0x4360]  }
0x148: {  	[tilespmem:$0x43A0] =	vst v3;
	v3 =	vld [tilespmem:$0x4370]  }
0x149: {  	[tilespmem:$0x43B0] =	vst v4  }
0x14a: {  	[tilespmem:$0x43C0] =	vst v5  }
0x14b: {  	[tilespmem:$0x43D0] =	vst v1  }
0x14c: {  	[tilespmem:$0x43E0] =	vst v2  }
0x14d: {  	s21 =	simm.s32 $0x44C0;
	[tilespmem:$0x43F0] =	vst v3  }
0x14e: {  	s28 =	simm.s32 $0x54C0;
	v1 =	vld [tilespmem:s21+$0x20]  }
0x14f: {  	v2 =	vld [tilespmem:s28+$0x20]  }
0x150: {  	v3 =	vld [tilespmem:s21+$0xFFFFFFE0]  }
0x151: {  	v4 =	vld [tilespmem:s28+$0xFFFFFFE0]  }
0x152: {  	v5 =	vld [tilespmem:s21+$0x0]  }
0x153: {  	v6 =	vld [tilespmem:s28+$0x0]  }
0x154: {  	s22 =	simm.s32 $0x4540;
	v7 =	vld [tilespmem:s21+$0xFFFFFFC0]  }
0x155: {  	s23 =	simm.s32 $0x5540;
	v9 =	vld [tilespmem:s22+$0x20]  }
0x156: {  	v10 =	vld [tilespmem:s23+$0x20]  }
0x157: {  	v12 =	vld [tilespmem:s22+$0xFFFFFFE0]  }
0x158: {  	v13 =	vld [tilespmem:s23+$0xFFFFFFE0]  }
0x159: {  	v14 =	vld [tilespmem:s23+$0x0]  }
0x15a: {  	v59 =	vld [tilespmem:s23+$0xFFFFFFC0];
	v1 =	vsub.f32 v1, v2  }
0x15b: {  	v2 =	vld [tilespmem:s28+$0xFFFFFFC0];
	v3 =	vsub.f32 v3, v4  }
0x15c: {  	v5 =	vsub.f32 v5, v6;
	v6 =	vld [tilespmem:s21+$0xFFFFFFD0];
	v1 =	vand.u32 $0x7FFFFFFF, v1  }
0x15d: {  	v3 =	vand.u32 $0x7FFFFFFF, v3;
	[tilespmem:s21+$0x20] =	vst v1;
	v1 =	vld [tilespmem:s21+$0x30]  }
0x15e: {  	[tilespmem:s21+$0xFFFFFFE0] =	vst v3;
	v3 =	vld [tilespmem:s21+$0xFFFFFFF0]  }
0x15f: {  	v5 =	vand.u32 $0x7FFFFFFF, v5;
	v4 =	vld [tilespmem:s28+$0x30]  }
0x160: {  	[tilespmem:s21+$0x0] =	vst v5;
	v5 =	vld [tilespmem:s21+$0x10]  }
0x161: {  	v8 =	vld [tilespmem:s28+$0xFFFFFFF0];
	v2 =	vsub.f32 v7, v2  }
0x162: {  	v9 =	vsub.f32 v9, v10;
	v11 =	vld [tilespmem:s28+$0x10]  }
0x163: {  	v7 =	vld [tilespmem:s22+$0x0];
	v2 =	vand.u32 $0x7FFFFFFF, v2  }
0x164: {  	[tilespmem:s21+$0xFFFFFFC0] =	vst v2;
	v2 =	vld [tilespmem:s22+$0xFFFFFFC0];
	v1 =	vsub.f32 v1, v4;
	v4 =	vand.u32 $0x7FFFFFFF, v9  }
0x165: {  	v60 =	vsub.f32 v12, v13;
	[tilespmem:s22+$0x20] =	vst v4;
	v4 =	vld [tilespmem:s28+$0xFFFFFFD0]  }
0x166: {  	v3 =	vsub.f32 v3, v8;
	v8 =	vld [tilespmem:s22+$0x30];
	v1 =	vand.u32 $0x7FFFFFFF, v1  }
0x167: {  	v5 =	vsub.f32 v5, v11;
	v61 =	vld [tilespmem:s23+$0x30];
	[tilespmem:s21+$0x30] =	vst v1;
	v1 =	vand.u32 $0x7FFFFFFF, v60  }
0x168: {  	v7 =	vsub.f32 v7, v14;
	v3 =	vand.u32 $0x7FFFFFFF, v3;
	[tilespmem:s22+$0xFFFFFFE0] =	vst v1;
	v1 =	vld [tilespmem:s22+$0xFFFFFFD0]  }
0x169: {  	v5 =	vand.u32 $0x7FFFFFFF, v5;
	[tilespmem:s21+$0xFFFFFFF0] =	vst v3;
	v62 =	vsub.f32 v2, v59;
	v2 =	vld [tilespmem:s22+$0xFFFFFFF0]  }
0x16a: {  	v7 =	vand.u32 $0x7FFFFFFF, v7;
	[tilespmem:s21+$0x10] =	vst v5;
	v3 =	vld [tilespmem:s23+$0xFFFFFFF0];
	v63 =	vsub.f32 v6, v4  }
0x16b: {  	[tilespmem:s22+$0x0] =	vst v7;
	v5 =	vand.u32 $0x7FFFFFFF, v62;
	v4 =	vld [tilespmem:s22+$0x10]  }
0x16c: {  	s24 =	simm.s32 $0x5540;
	s10 =	simm.s32 $0x4;
	s14 =	simm.s32 $0x45C0;
	[tilespmem:s22+$0xFFFFFFC0] =	vst v5;
	v5 =	vld [tilespmem:s23+$0x10];
	v6 =	vsub.f32 v8, v61;
	v7 =	vand.u32 $0x7FFFFFFF, v63  }
.LBB2_7:
0x16d: {  	v8 =	vld [tilespmem:s14+$0x20];
	s23 =	sadd.s32 $0x80, s23;
	[tilespmem:s21+$0xFFFFFFD0] =	vst v7;
	v7 =	vmov v1;
	s21 =	smov.u32 s22;
	s22 =	smov.u32 s14  }
0x16e: {  	s10 =	sadd.s32 $0x4, s10;
	v1 =	vld [tilespmem:s23+$0x20];
	v6 =	vand.u32 $0x7FFFFFFF, v6  }
0x16f: {  	p2 =	slt.u32 s10, $0x7C;
	v9 =	vld [tilespmem:s23+$0xFFFFFFC0];
	v2 =	vsub.f32 v2, v3;
	[tilespmem:s21+$0x30] =	vst v6  }
0x170: {  	v3 =	vld [tilespmem:s14+$0xFFFFFFE0]  }
0x171: {  	v6 =	vld [tilespmem:s23+$0xFFFFFFE0];
	v2 =	vand.u32 $0x7FFFFFFF, v2;
	v4 =	vsub.f32 v4, v5  }
0x172: {  	v5 =	vld [tilespmem:s14+$0x0];
	[tilespmem:s21+$0xFFFFFFF0] =	vst v2  }
0x173: {  	v2 =	vld [tilespmem:s23+$0x0];
	v1 =	vsub.f32 v8, v1;
	v4 =	vand.u32 $0x7FFFFFFF, v4  }
0x174: {  	v8 =	vld [tilespmem:s14+$0xFFFFFFC0];
	[tilespmem:s21+$0x10] =	vst v4  }
0x175: {  	v1 =	vand.u32 $0x7FFFFFFF, v1;
	v4 =	vld [tilespmem:s24+$0xFFFFFFD0];
	s24 =	smov.u32 s23  }
0x176: {  	v3 =	vsub.f32 v3, v6;
	[tilespmem:s14+$0x20] =	vst v1;
	v6 =	vld [tilespmem:s14+$0x30]  }
0x177: {  	v10 =	vld [tilespmem:s23+$0x30]  }
.Ltmp2:
0x178: {  	v1 =	vld [tilespmem:s14+$0xFFFFFFD0];
	v3 =	vand.u32 $0x7FFFFFFF, v3;
	v5 =	vsub.f32 v5, v2;
	(pc) =	sbr.rel @p2 .LBB2_7-.Ltmp2, $4  }
0x179: {  	v8 =	vsub.f32 v8, v9;
	[tilespmem:s14+$0xFFFFFFE0] =	vst v3;
	v2 =	vld [tilespmem:s14+$0xFFFFFFF0]  }
0x17a: {  	v3 =	vld [tilespmem:s23+$0xFFFFFFF0];
	v5 =	vand.u32 $0x7FFFFFFF, v5;
	v7 =	vsub.f32 v7, v4  }
0x17b: {  	v8 =	vand.u32 $0x7FFFFFFF, v8;
	[tilespmem:s14+$0x0] =	vst v5;
	v4 =	vld [tilespmem:s14+$0x10]  }
0x17c: {  	s14 =	sadd.s32 $0x80, s14;
	[tilespmem:s22+$0xFFFFFFC0] =	vst v8;
	v5 =	vld [tilespmem:s23+$0x10];
	v6 =	vsub.f32 v6, v10;
	v7 =	vand.u32 $0x7FFFFFFF, v7  }
0x17d: {  	v8 =	vld [tilespmem:s24+$0xFFFFFFD0];
	_ =	sdelay $0x2  }
0x17e: {  	v2 =	vsub.f32 v2, v3  }
0x17f: {  	[tilespmem:s21+$0xFFFFFFD0] =	vst v7;
	v3 =	vand.u32 $0x7FFFFFFF, v6;
	v4 =	vsub.f32 v4, v5  }
.Ltmp3:
0x180: {  	[tilespmem:s22+$0x30] =	vst v3;
	v2 =	vand.u32 $0x7FFFFFFF, v2;
	v1 =	vsub.f32 v1, v8;
	(pc) =	sbr.rel @p1 .LBB2_10-.Ltmp3, $4  }
0x181: {  	[tilespmem:s22+$0xFFFFFFF0] =	vst v2;
	v2 =	vand.u32 $0x7FFFFFFF, v4  }
0x182: {  	[tilespmem:s22+$0x10] =	vst v2;
	v1 =	vand.u32 $0x7FFFFFFF, v1  }
0x183: {  	[tilespmem:s22+$0xFFFFFFD0] =	vst v1  }
0x184: {  	[spmem:s2] =	stream.indirect.scatter.add.f32 [tilespmem:s13], [sflag:$0x9], $0x20, s12, s31, $0xb8;
	[tilespmem:$0x1EC10] =	vst v63  }
0x185: {  	s10 =	smul.u32 $0x180, s7;
	_ =	sdelay $0x1  }
0x186: {  	s10 =	sadd.s32 s10, s18  }
.Ltmp4:
0x187: {  	s10 =	sshrl.u32 s10, $0x3;
	(pc) =	sbr.rel .LBB2_2-.Ltmp4, $4  }
0x188: {  	s21 =	simm.s32 $0x4300;
	s14 =	sadd.s32 s5, s10  }
0x189: {  	[tilespmem:s21], [sflag:$0x7] =	stream.linear.gather [hbm4b:s14+s3], $0x80, $0x38;
	[tilespmem:$0x1EC10] =	vst v63  }
0x18a: {  	s7 =	sadd.s32 $0x1, s7;
	s10 =	sadd.s32 s6, s10  }
0x18b: {  	[tilespmem:s29], [sflag:$0x7] =	stream.linear.gather [hbm4b:s10+s3], $0x80, $0x38;
	[tilespmem:$0x1EC10] =	vst v63  }
.LBB2_10:
0x18c: {  	s7 =	simm.s32 $0x3  }
0x18d: {  	_ =	swait.ge [sflag:s7], $0x1000  }
0x18e: {  	[sflag:s7] =	ssyncset.done $0x0  }
0x18f: {  	s28 =	simm.s32 $0x6;
	[sflag:s7] =	ssyncadd.s32 $0xFFFFF000  }
0x190: {  	_ =	swait.ge [sflag:s28], $0x1000  }
0x191: {  	[sflag:s28] =	ssyncset.done $0x0  }
0x192: {  	s10 =	simm.s32 $0x9;
	[sflag:s28] =	ssyncadd.s32 $0xFFFFF000  }
0x193: {  	_ =	swait.ge [sflag:s10], $0x1000  }
0x194: {  	s21 =	simm.s32 $0xA;
	[sflag:s10] =	ssyncset.done $0x0  }
0x195: {  	s14 =	rddreg [dreg:$0xd];
	[sflag:s10] =	ssyncadd.s32 $0xFFFFF000;
	s10 =	simm.s32 $0x6480  }
0x196: {  	[tilespmem:s10], [sflag:$0xA] =	stream.linear.gather [hbm4b:s14+s3], $0x50, $0x38;
	[tilespmem:$0x1EC10] =	vst v63  }
0x197: {  	_ =	swait.ge [sflag:s21], $0x50  }
0x198: {  	[sflag:s21] =	ssyncset.done $0x0  }
0x199: {  	s14 =	simm.s32 $0x6520;
	s22 =	rddreg [dreg:$0xe];
	[sflag:s21] =	ssyncadd.s32 $0xFFFFFFB0  }
0x19a: {  	[tilespmem:s14], [sflag:$0xA] =	stream.linear.gather [hbm4b:s22+s3], $0x50, $0x38;
	[tilespmem:$0x1EC10] =	vst v63  }
0x19b: {  	_ =	swait.ge [sflag:s21], $0x50  }
0x19c: {  	[sflag:s21] =	ssyncset.done $0x0  }
0x19d: {  	[sflag:s21] =	ssyncadd.s32 $0xFFFFFFB0  }
0x19e: {  	v1 =	vld [tilespmem:$0x6480]  }
0x19f: {  	v2 =	vld [tilespmem:$0x6520]  }
0x1a0: {  	v3 =	vld [tilespmem:$0x6490]  }
0x1a1: {  	v4 =	vld [tilespmem:$0x6530]  }
0x1a2: {  	v5 =	vld [tilespmem:$0x64A0]  }
0x1a3: {  	v6 =	vld [tilespmem:$0x6540];
	v1 =	vadd.s32 v0, v1  }
0x1a4: {  	[tilespmem:$0x64D0] =	vst v1;
	v1 =	vadd.s32 v0, v2;
	v2 =	vld [tilespmem:$0x64B0]  }
0x1a5: {  	[tilespmem:$0x6520] =	vst v1;
	v1 =	vadd.s32 v0, v3;
	v3 =	vld [tilespmem:$0x6550]  }
0x1a6: {  	[tilespmem:$0x64E0] =	vst v1;
	v1 =	vadd.s32 v0, v4;
	v4 =	vld [tilespmem:$0x64C0]  }
0x1a7: {  	[tilespmem:$0x6530] =	vst v1;
	v1 =	vadd.s32 v0, v5;
	v5 =	vld [tilespmem:$0x6560]  }
0x1a8: {  	[tilespmem:$0x64F0] =	vst v1;
	v1 =	vadd.s32 v0, v6  }
0x1a9: {  	[tilespmem:$0x6540] =	vst v1;
	v1 =	vadd.s32 v0, v2  }
0x1aa: {  	[tilespmem:$0x6500] =	vst v1;
	v1 =	vadd.s32 v0, v3  }
0x1ab: {  	[tilespmem:$0x6550] =	vst v1;
	v1 =	vadd.s32 v0, v4  }
0x1ac: {  	[tilespmem:$0x6510] =	vst v1;
	v1 =	vadd.s32 v0, v5  }
0x1ad: {  	s23 =	simm.s32 $0x50;
	s24 =	simm.s32 $0x64D0;
	[tilespmem:$0x6560] =	vst v1  }
0x1ae: {  	[tilespmem:s0], [sflag:$0x2] =	stream.indirect.gather [hbm4b:s1+s23], $0x20, s24, s23, $0xb8;
	[tilespmem:$0x1EC10] =	vst v63  }
0x1af: {  	_ = 	snop  }
0x1b0: {  	[tilespmem:s25], [sflag:$0x2] =	stream.indirect.gather [hbm4b:s1+s23], $0x20, s14, s23, $0xb8;
	[tilespmem:$0x1EC10] =	vst v63  }
0x1b1: {  	_ =	swait.ge [sflag:s15], $0xA00  }
0x1b2: {  	[sflag:s15] =	ssyncset.done $0x0  }
0x1b3: {  	[sflag:s15] =	ssyncadd.s32 $0xFFFFF600  }
0x1b4: {  	_ =	swait.ge [sflag:s15], $0xA00  }
0x1b5: {  	[sflag:s15] =	ssyncset.done $0x0  }
0x1b6: {  	s7 =	simm.s32 $0x1C0;
	[sflag:s15] =	ssyncadd.s32 $0xFFFFF600  }
0x1b7: {  	s28 =	simm.s32 $0x11C0;
	v1 =	vld [tilespmem:s7+$0x20]  }
0x1b8: {  	v2 =	vld [tilespmem:s28+$0x20]  }
0x1b9: {  	v3 =	vld [tilespmem:s7+$0xFFFFFFE0]  }
0x1ba: {  	v4 =	vld [tilespmem:s28+$0xFFFFFFE0]  }
0x1bb: {  	v5 =	vld [tilespmem:s7+$0x0]  }
0x1bc: {  	v6 =	vld [tilespmem:s28+$0x0]  }
0x1bd: {  	s21 =	simm.s32 $0x240;
	v7 =	vld [tilespmem:s7+$0xFFFFFFC0]  }
0x1be: {  	s22 =	simm.s32 $0x1240;
	v9 =	vld [tilespmem:s21+$0x20]  }
0x1bf: {  	v10 =	vld [tilespmem:s22+$0x20]  }
0x1c0: {  	v12 =	vld [tilespmem:s21+$0xFFFFFFE0]  }
0x1c1: {  	v13 =	vld [tilespmem:s22+$0xFFFFFFE0]  }
0x1c2: {  	v14 =	vld [tilespmem:s22+$0x0]  }
0x1c3: {  	v59 =	vld [tilespmem:s22+$0xFFFFFFC0];
	v1 =	vsub.f32 v1, v2  }
0x1c4: {  	v2 =	vld [tilespmem:s28+$0xFFFFFFC0];
	v3 =	vsub.f32 v3, v4  }
0x1c5: {  	v5 =	vsub.f32 v5, v6;
	v6 =	vld [tilespmem:s7+$0xFFFFFFD0];
	v1 =	vand.u32 $0x7FFFFFFF, v1  }
0x1c6: {  	v3 =	vand.u32 $0x7FFFFFFF, v3;
	[tilespmem:s7+$0x20] =	vst v1;
	v1 =	vld [tilespmem:s7+$0x30]  }
0x1c7: {  	[tilespmem:s7+$0xFFFFFFE0] =	vst v3;
	v3 =	vld [tilespmem:s7+$0xFFFFFFF0]  }
0x1c8: {  	v5 =	vand.u32 $0x7FFFFFFF, v5;
	v4 =	vld [tilespmem:s28+$0x30]  }
0x1c9: {  	[tilespmem:s7+$0x0] =	vst v5;
	v5 =	vld [tilespmem:s7+$0x10]  }
0x1ca: {  	v8 =	vld [tilespmem:s28+$0xFFFFFFF0];
	v2 =	vsub.f32 v7, v2  }
0x1cb: {  	v9 =	vsub.f32 v9, v10;
	v11 =	vld [tilespmem:s28+$0x10]  }
0x1cc: {  	v7 =	vld [tilespmem:s21+$0x0];
	v2 =	vand.u32 $0x7FFFFFFF, v2  }
0x1cd: {  	[tilespmem:s7+$0xFFFFFFC0] =	vst v2;
	v2 =	vld [tilespmem:s21+$0xFFFFFFC0];
	v1 =	vsub.f32 v1, v4;
	v4 =	vand.u32 $0x7FFFFFFF, v9  }
0x1ce: {  	v60 =	vsub.f32 v12, v13;
	[tilespmem:s21+$0x20] =	vst v4;
	v4 =	vld [tilespmem:s28+$0xFFFFFFD0]  }
0x1cf: {  	v3 =	vsub.f32 v3, v8;
	v8 =	vld [tilespmem:s21+$0x30];
	v1 =	vand.u32 $0x7FFFFFFF, v1  }
0x1d0: {  	v5 =	vsub.f32 v5, v11;
	v61 =	vld [tilespmem:s22+$0x30];
	[tilespmem:s7+$0x30] =	vst v1;
	v1 =	vand.u32 $0x7FFFFFFF, v60  }
0x1d1: {  	v7 =	vsub.f32 v7, v14;
	v3 =	vand.u32 $0x7FFFFFFF, v3;
	[tilespmem:s21+$0xFFFFFFE0] =	vst v1;
	v1 =	vld [tilespmem:s21+$0xFFFFFFD0]  }
0x1d2: {  	v5 =	vand.u32 $0x7FFFFFFF, v5;
	[tilespmem:s7+$0xFFFFFFF0] =	vst v3;
	v62 =	vsub.f32 v2, v59;
	v2 =	vld [tilespmem:s21+$0xFFFFFFF0]  }
0x1d3: {  	v7 =	vand.u32 $0x7FFFFFFF, v7;
	[tilespmem:s7+$0x10] =	vst v5;
	v3 =	vld [tilespmem:s22+$0xFFFFFFF0];
	v63 =	vsub.f32 v6, v4  }
0x1d4: {  	s24 =	simm.s32 $0x50;
	[tilespmem:s21+$0x0] =	vst v7;
	v5 =	vand.u32 $0x7FFFFFFF, v62;
	v4 =	vld [tilespmem:s21+$0x10]  }
0x1d5: {  	s10 =	simm.s32 $0x4;
	s14 =	simm.s32 $0x2C0;
	s23 =	simm.s32 $0x1240;
	[tilespmem:s21+$0xFFFFFFC0] =	vst v5;
	v5 =	vld [tilespmem:s22+$0x10];
	v6 =	vsub.f32 v8, v61;
	v7 =	vand.u32 $0x7FFFFFFF, v63  }
.LBB2_11:
0x1d6: {  	v8 =	vld [tilespmem:s14+$0x20];
	s22 =	sadd.s32 $0x80, s22;
	[tilespmem:s7+$0xFFFFFFD0] =	vst v7;
	v7 =	vmov v1;
	s7 =	smov.u32 s21;
	s21 =	smov.u32 s14  }
0x1d7: {  	s10 =	sadd.s32 $0x4, s10;
	v1 =	vld [tilespmem:s22+$0x20];
	v6 =	vand.u32 $0x7FFFFFFF, v6  }
0x1d8: {  	p1 =	slt.u32 s10, $0x4C;
	v9 =	vld [tilespmem:s22+$0xFFFFFFC0];
	v2 =	vsub.f32 v2, v3;
	[tilespmem:s7+$0x30] =	vst v6  }
0x1d9: {  	v3 =	vld [tilespmem:s14+$0xFFFFFFE0]  }
0x1da: {  	v6 =	vld [tilespmem:s22+$0xFFFFFFE0];
	v2 =	vand.u32 $0x7FFFFFFF, v2;
	v4 =	vsub.f32 v4, v5  }
0x1db: {  	v5 =	vld [tilespmem:s14+$0x0];
	[tilespmem:s7+$0xFFFFFFF0] =	vst v2  }
0x1dc: {  	v2 =	vld [tilespmem:s22+$0x0];
	v1 =	vsub.f32 v8, v1;
	v4 =	vand.u32 $0x7FFFFFFF, v4  }
0x1dd: {  	v8 =	vld [tilespmem:s14+$0xFFFFFFC0];
	[tilespmem:s7+$0x10] =	vst v4  }
0x1de: {  	v1 =	vand.u32 $0x7FFFFFFF, v1;
	v4 =	vld [tilespmem:s23+$0xFFFFFFD0];
	s23 =	smov.u32 s22  }
0x1df: {  	v3 =	vsub.f32 v3, v6;
	[tilespmem:s14+$0x20] =	vst v1;
	v6 =	vld [tilespmem:s14+$0x30]  }
0x1e0: {  	v10 =	vld [tilespmem:s22+$0x30]  }
.Ltmp5:
0x1e1: {  	v1 =	vld [tilespmem:s14+$0xFFFFFFD0];
	v3 =	vand.u32 $0x7FFFFFFF, v3;
	v5 =	vsub.f32 v5, v2;
	(pc) =	sbr.rel @p1 .LBB2_11-.Ltmp5, $4  }
0x1e2: {  	v8 =	vsub.f32 v8, v9;
	[tilespmem:s14+$0xFFFFFFE0] =	vst v3;
	v2 =	vld [tilespmem:s14+$0xFFFFFFF0]  }
0x1e3: {  	v3 =	vld [tilespmem:s22+$0xFFFFFFF0];
	v5 =	vand.u32 $0x7FFFFFFF, v5;
	v7 =	vsub.f32 v7, v4  }
0x1e4: {  	v8 =	vand.u32 $0x7FFFFFFF, v8;
	[tilespmem:s14+$0x0] =	vst v5;
	v4 =	vld [tilespmem:s14+$0x10]  }
0x1e5: {  	s14 =	sadd.s32 $0x80, s14;
	[tilespmem:s21+$0xFFFFFFC0] =	vst v8;
	v5 =	vld [tilespmem:s22+$0x10];
	v6 =	vsub.f32 v6, v10;
	v7 =	vand.u32 $0x7FFFFFFF, v7  }
0x1e6: {  	v8 =	vld [tilespmem:s23+$0xFFFFFFD0];
	_ =	sdelay $0x2  }
0x1e7: {  	v2 =	vsub.f32 v2, v3  }
0x1e8: {  	[tilespmem:s7+$0xFFFFFFD0] =	vst v7;
	v3 =	vand.u32 $0x7FFFFFFF, v6;
	v4 =	vsub.f32 v4, v5  }
0x1e9: {  	[tilespmem:s21+$0x30] =	vst v3;
	v2 =	vand.u32 $0x7FFFFFFF, v2;
	v1 =	vsub.f32 v1, v8  }
0x1ea: {  	[tilespmem:s21+$0xFFFFFFF0] =	vst v2;
	v2 =	vand.u32 $0x7FFFFFFF, v4  }
0x1eb: {  	[tilespmem:s21+$0x10] =	vst v2;
	v1 =	vand.u32 $0x7FFFFFFF, v1  }
0x1ec: {  	[tilespmem:s21+$0xFFFFFFD0] =	vst v1  }
0x1ed: {  	v1 =	vld [tilespmem:$0x6480]  }
0x1ee: {  	v2 =	vld [tilespmem:$0x6490]  }
0x1ef: {  	v3 =	vld [tilespmem:$0x64A0]  }
0x1f0: {  	v62 =	vld [tilespmem:$0x64B0]  }
0x1f1: {  	v63 =	vld [tilespmem:$0x64C0]  }
0x1f2: {  	[tilespmem:$0x64D0] =	vst v1  }
0x1f3: {  	[tilespmem:$0x64E0] =	vst v2  }
0x1f4: {  	[tilespmem:$0x64F0] =	vst v3  }
0x1f5: {  	[tilespmem:$0x6500] =	vst v62  }
0x1f6: {  	s22 =	simm.s32 $0x64D0;
	s23 =	simm.s32 $0xA;
	[tilespmem:$0x6510] =	vst v63  }
0x1f7: {  	[spmem:s2] =	stream.indirect.scatter.add.f32 [tilespmem:s0], [sflag:$0xA], $0x20, s22, s24, $0xb8;
	[tilespmem:$0x1EC10] =	vst v63  }
0x1f8: {  	_ =	swait.ge [sflag:s23], $0xA00  }
0x1f9: {  	[sflag:s23] =	ssyncset.done $0x0  }
0x1fa: {  	[sflag:s23] =	ssyncadd.s32 $0xFFFFF600  }
0x1fb: {  	[bflag:$0x0] =	sbarrier.arrive $0xFFFF  }
0x1fc: {  	s10 =	rddreg [dreg:$0x10]  }
0x1fd: {  	s7 =	simm.s32 @p0 $0x1FCA;
	s14 =	rddreg [dreg:$0x13]  }
0x1fe: {  	[hbm:s10], [sflag:s7] =	dma.local @p0 [spmem:s14], $0x3020  }
0x1ff: {  	s7 =	simm.s32 @p0 $0xA  }
0x200: {  	_ =	swait.ge @p0 [sflag:s7], $0x3020  }
0x201: {  	s10 =	rddreg [dreg:$0x14]  }
0x202: {  	[sflag:s7] =	ssyncset.done @p0 $0x0;
	s14 =	rddreg [dreg:$0x15]  }
0x203: {  	[sflag:s7] =	ssyncadd.s32 @p0 $0xFFFFCFE0;
	s7 =	rddreg [dreg:$0xf]  }
0x204: {  	[hbm:s7], [sflag:s10] =	dma.local @!p0 [spmem:s14], $0x30E0  }
0x205: {  	s7 =	simm.s32 @!p0 $0xA  }
0x206: {  	_ =	swait.ge @!p0 [sflag:s7], $0x30E0  }
0x207: {  	s24 =	rddreg [dreg:$0x12]  }
0x208: {  	s28 =	rddreg [dreg:$0x11];
	s14 =	sadd.s32 $0x1, s24  }
0x209: {  	p1 =	sne.s32 s14, s28  }
.Ltmp6:
0x20a: {  	_ = 	snop;
	(pc) =	sbr.rel @p1 .LBB2_1-.Ltmp6, $3  }
0x20b: {  	_ =	sdelay $0x1  }
0x20c: {  	[sflag:s7] =	ssyncset.done @!p0 $0x0  }
0x20d: {  	[sflag:s7] =	ssyncadd.s32 @!p0 $0xFFFFCF20  }
0x20e: {  	_ =	sfence.sel $0x180000  }
0x20f: {  	[bflag:$0x0] =	sbarrier.arrive $0xFFFF  }
0x210: {  	_ =	strace $0x9000004A  }
0x211: {  	s0 =	stileid.u32;
	[bflag:$0x2] =	sbarrier.arrive $0xFFFF  }
0x212: {  	p0 =	sne.s32 s0, $0x0;
	s0 =	rddreg [dreg:$0x3]  }
0x213: {  	s0 =	sadd.s32 @!p0 $0x100000, s0  }
0x214: {  	[sflag:s0] =	ssyncadd.tile.s32 @!p0 $0x1;
	_ =	shalt  }
.Lfunc_end2:
_tile_overlayer_lowered:
.L_overlay_start_2:
0x215: {  	(tag) =	ssettag $0x2  }
0x216: {  	s0 =	rddreg [dreg:$0x0];
	s2 =	stileid.u32  }
0x217: {  	s1 =	rddreg [dreg:$0x1];
	p0 =	sne.s32 s2, $0x0  }
0x218: {  	s3 =	rddreg [dreg:$0x2];
	[bflag:$0x3] =	sbarrier.arrive $0xFFFF;
	s2 =	simm.s32 @!p0 $0x1C0A  }
0x219: {  	[timem:s3], [sflag:s2] =	dma.local @!p0 [hbm:s0], s1  }
0x21a: {  	s0 =	simm.s32 @!p0 $0xA  }
0x21b: {  	_ =	swait.ge @!p0 [sflag:s0], s1  }
0x21c: {  	s1 =	ssub.s32 @!p0 $0x0, s1;
	[sflag:s0] =	ssyncset.done @!p0 $0x0  }
0x21d: {  	[sflag:s0] =	ssyncadd.s32 @!p0 s1  }
0x21e: {  	[bflag:$0x3] =	sbarrier.arrive $0xFFFF  }
0x21f: {  	_ =	shalt  }

// kernel: kernel.7.cloned.1.call-start
scs
__scs_entry_jumppad:
0x0: {  	(pc) =	sbr.rel $0x88, $3  }
0x1: {  	(tag) =	ssettag $0x0;
	lr =	simm.s32 $0x1  }
0x2: {  	[smem:$0x3F91] =	sst lr;
	_ =	strace $0xD0000000  }
0x3: {  	_ = 	snop  }
0x4: {  	_ = 	snop  }
0x5: {  	_ = 	snop  }
0x6: {  	_ = 	snop  }
0x7: {  	_ = 	snop  }
__scs_overlays_trampoline_lowered:
0x8: {  	[smem:$0x3FA0] =	sst s0  }
0x9: {  	[smem:$0x3FA1] =	sst s1  }
0xa: {  	[smem:$0x3FA2] =	sst s2  }
0xb: {  	[smem:$0x3FA3] =	sst s3  }
0xc: {  	[smem:$0x3FA4] =	sst s4  }
0xd: {  	[smem:$0x3FA5] =	sst s5  }
0xe: {  	[smem:$0x3FA6] =	sst s6  }
0xf: {  	[smem:$0x3FA7] =	sst s7  }
0x10: {  	[smem:$0x3FA8] =	sst s8  }
0x11: {  	[smem:$0x3FA9] =	sst s9;
	s0 =	simm.s32 @!p0 $0x0  }
0x12: {  	s1 =	sld [smem:$0x3F8F];
	s0 =	simm.s32 @p0 $0x1  }
0x13: {  	[smem:$0x3FAA] =	sst s0;
	s0 =	simm.s32 @!p1 $0x0  }
0x14: {  	s2 =	sld [smem:$0x3F8E];
	s0 =	simm.s32 @p1 $0x1  }
0x15: {  	[smem:$0x3FAB] =	sst s0;
	s0 =	simm.s32 @!p2 $0x0  }
0x16: {  	s3 =	sld [smem:$0x3FDB];
	s0 =	simm.s32 @p2 $0x1  }
0x17: {  	s4 =	simm.s32 $0x1BF5;
	[smem:$0x3FAD] =	sst s0  }
0x18: {  	s0 =	sld [smem:$0x3F90];
	_ =	swait.ge [sflag:s4], $0x0  }
0x19: {  	s7 =	sld [smem:$0x3F91]  }
0x1a: {  	s8 =	sadd.s32 $0xFFFFE003, lr  }
0x1b: {  	s9 =	sadd.s32 $0xFFFFFEF7, lr;
	s5 =	simm.s32 $0xFFFFFFFF;
	p2 =	slt.u32 s8, $0xFFFFF086  }
0x1c: {  	p1 =	slt.u32 s9, $0xF7A;
	s5 =	simm.s32 @!p2 $0x0  }
0x1d: {  	s5 =	simm.s32 @p1 $0x1;
	p0 =	seq.s32 s7, s2  }
0x1e: {  	s7 =	smul.u32 @!p0 $0xF7A, s2;
	p2 =	seq.s32 @!p0 s5, $0x0  }
0x1f: {  	s9 =	smul.u32 $0xF7A, s1;
	s8 =	simm.s32 @!p0 $0x1BF5;
	p2 =	por !p2, p0  }
0x20: {  	[sflag:s8] =	ssyncset.s32 @!p0 $0xFFFFF086;
	s6 =	sadd.s32 @!p0 s3, s7;
	s7 =	simm.s32 @!p0 $0x108  }
0x21: {  	s3 =	sadd.s32 s3, s9;
	s6 =	sadd.s32 @!p0 $0x88, s6;
	s7 =	simm.s32 @p2 $0x1082  }
0x22: {  	[simem:s7], [sflag:s8] =	dma.local @!p0 [hbm:s6], $0xF7A  }
0x23: {  	s9 =	sor.u32 $0xD0000000, s2;
	s6 =	simm.s32 $0x108;
	_ =	swait.ge @!p0 [sflag:s8], $0x0  }
0x24: {  	s3 =	sadd.s32 $0x88, s3;
	s6 =	simm.s32 @!p1 $0x1082;
	[sflag:s4] =	ssyncset.s32 $0xFFFFF086  }
0x25: {  	[simem:s6], [sflag:s4] =	dma.local [hbm:s3], $0xF7A  }
0x26: {  	[smem:$0x3F91] =	sst s1;
	(tag) =	ssettag s2;
	_ =	strace s9  }
0x27: {  	s1 =	sld [smem:$0x3FA1]  }
0x28: {  	s2 =	sld [smem:$0x3FA2]  }
0x29: {  	s4 =	sld [smem:$0x3FA4]  }
0x2a: {  	p0 =	seq.s32 s5, $0x0;
	s5 =	sld [smem:$0x3FA5]  }
0x2b: {  	s6 =	sld [smem:$0x3FA6]  }
0x2c: {  	s7 =	sld [smem:$0x3FA7]  }
0x2d: {  	s3 =	simm.s32 $0x108;
	s8 =	sld [smem:$0x3FA8]  }
0x2e: {  	s3 =	simm.s32 @!p0 $0x1082;
	s9 =	sld [smem:$0x3FA9]  }
0x2f: {  	lr =	sadd.s32 s0, s3;
	s0 =	sld [smem:$0x3FA0]  }
0x30: {  	s3 =	sld [smem:$0x3FA3]  }
0x31: {  	[smem:$0x3FAC] =	sst s10  }
0x32: {  	s10 =	sld [smem:$0x3FAA];
	_ =	sdelay $0x3  }
0x33: {  	p0 =	seq.s32 s10, $0x1;
	s10 =	sld [smem:$0x3FAC];
	_ =	sdelay $0x3  }
0x34: {  	[smem:$0x3FAC] =	sst s10  }
0x35: {  	s10 =	sld [smem:$0x3FAB];
	_ =	sdelay $0x3  }
0x36: {  	p1 =	seq.s32 s10, $0x1;
	s10 =	sld [smem:$0x3FAC];
	_ =	sdelay $0x3  }
0x37: {  	[smem:$0x3FAC] =	sst s10  }
0x38: {  	s10 =	sld [smem:$0x3FAD]  }
0x39: {  	_ = 	snop;
	(pc) =	sbr.ind lr, $3  }
0x3a: {  	_ = 	snop  }
0x3b: {  	_ = 	snop  }
0x3c: {  	p2 =	seq.s32 s10, $0x1;
	s10 =	sld [smem:$0x3FAC]  }
0x3d: {  	_ =	shalt  }
0x3e: {  	_ =	shalt  }
0x3f: {  	_ =	shalt  }
0x40: {  	_ =	shalt  }
0x41: {  	_ =	shalt  }
0x42: {  	_ =	shalt  }
0x43: {  	_ =	shalt  }
0x44: {  	_ =	shalt  }
0x45: {  	_ =	shalt  }
0x46: {  	_ =	shalt  }
0x47: {  	_ =	shalt  }
0x48: {  	_ =	shalt  }
0x49: {  	_ =	shalt  }
0x4a: {  	_ =	shalt  }
0x4b: {  	_ =	shalt  }
0x4c: {  	_ =	shalt  }
0x4d: {  	_ =	shalt  }
0x4e: {  	_ =	shalt  }
0x4f: {  	_ =	shalt  }
0x50: {  	_ =	shalt  }
0x51: {  	_ =	shalt  }
0x52: {  	_ =	shalt  }
0x53: {  	_ =	shalt  }
0x54: {  	_ =	shalt  }
0x55: {  	_ =	shalt  }
0x56: {  	_ =	shalt  }
0x57: {  	_ =	shalt  }
0x58: {  	_ =	shalt  }
0x59: {  	_ =	shalt  }
0x5a: {  	_ =	shalt  }
0x5b: {  	_ =	shalt  }
0x5c: {  	_ =	shalt  }
0x5d: {  	_ =	shalt  }
0x5e: {  	_ =	shalt  }
0x5f: {  	_ =	shalt  }
0x60: {  	_ =	shalt  }
0x61: {  	_ =	shalt  }
0x62: {  	_ =	shalt  }
0x63: {  	_ =	shalt  }
0x64: {  	_ =	shalt  }
0x65: {  	_ =	shalt  }
0x66: {  	_ =	shalt  }
0x67: {  	_ =	shalt  }
0x68: {  	_ =	shalt  }
0x69: {  	_ =	shalt  }
0x6a: {  	_ =	shalt  }
0x6b: {  	_ =	shalt  }
0x6c: {  	_ =	shalt  }
0x6d: {  	_ =	shalt  }
0x6e: {  	_ =	shalt  }
0x6f: {  	_ =	shalt  }
0x70: {  	_ =	shalt  }
0x71: {  	_ =	shalt  }
0x72: {  	_ =	shalt  }
0x73: {  	_ =	shalt  }
0x74: {  	_ =	shalt  }
0x75: {  	_ =	shalt  }
0x76: {  	_ =	shalt  }
0x77: {  	_ =	shalt  }
0x78: {  	_ =	shalt  }
0x79: {  	_ =	shalt  }
0x7a: {  	_ =	shalt  }
0x7b: {  	_ =	shalt  }
0x7c: {  	_ =	shalt  }
0x7d: {  	_ =	shalt  }
0x7e: {  	_ =	shalt  }
0x7f: {  	_ =	shalt  }
0x80: {  	_ =	shalt  }
0x81: {  	_ =	shalt  }
0x82: {  	_ =	shalt  }
0x83: {  	_ =	shalt  }
0x84: {  	_ =	shalt  }
0x85: {  	_ =	shalt  }
0x86: {  	_ =	shalt  }
0x87: {  	_ =	shalt  }
.Lfunc_end0:
.L_simem_size_0:
called_computation_lowered:
.L_overlay_start_0:
0x88: {  	s2 =	sld [smem:$0x3FD9]  }
0x89: {  	s3 =	sld [smem:$0x3FFE];
	_ =	sdelay $0x1  }
0x8a: {  	s1 =	srdreg.scid  }
0x8b: {  	s0 =	sand.u32 $0x1, s1  }
0x8c: {  	s14 =	sshll.u32 s0, $0xA;
	s2 =	sadd.s32 s3, s2  }
0x8d: {  	s2 =	sadd.s32 s2, s14  }
0x8e: {  	[smem:$0x3FB8] =	sst s2  }
0x8f: {  	_ = 	snop  }
0x90: {  	s2 =	sld [smem:$0x3FD0];
	_ =	sdelay $0x2  }
0x91: {  	s15 =	simm.s32 $0xA;
	s4 =	simm.s32 $0x10  }
0x92: {  	[smem:s4], [sflag:s15] =	dma.local [hbm:s2], $0x1  }
0x93: {  	_ =	swait.eq [sflag:s15], $0x1  }
0x94: {  	[sflag:s15] =	ssyncset.done $0x0  }
0x95: {  	[sflag:s15] =	ssyncadd.s32 $0xFFFFFFFF  }
0x96: {  	s16 =	sld [smem:$0x10];
	(tm) =	ssettm $0x1  }
0x97: {  	s17 =	sld [smem:$0x3FFB];
	_ =	sdelay $0x3  }
0x98: {  	_ =	strace s17  }
0x99: {  	s3 =	sld [smem:$0x3FFC];
	_ =	sdelay $0x3  }
0x9a: {  	_ =	strace s3  }
0x9b: {  	s3 =	sld [smem:$0x3FFD];
	_ =	sdelay $0x3  }
0x9c: {  	_ =	strace s3  }
0x9d: {  	_ =	strace $0x8FFFFFFF  }
0x9e: {  	s18 =	sld [smem:$0x3FDB];
	_ =	sdelay $0x1  }
0x9f: {  	s19 =	simm.s32 $_scs_section_size  }
0xa0: {  	s5 =	simm.s32 $_size__tile_overlayer_lowered;
	s6 =	simm.s32 $_tile_overlayer_lowered  }
0xa1: {  	s22 =	simm.s32 $0x1BFF;
	s21 =	sshll.u32 s6, $0x1;
	s3 =	sadd.s32 s19, s18  }
0xa2: {  	s7 =	simm.s32 $0x0;
	s20 =	sshll.u32 s5, $0x1;
	s5 =	sadd.s32 s21, s3  }
0xa3: {  	[timem:s7], [sflag:s22] =	dma.local [hbm:s5], s20  }
0xa4: {  	_ =	swait.ge [sflag:s22], s20  }
0xa5: {  	s4 =	ssub.s32 $0x0, s20;
	[sflag:s22] =	ssyncset.done $0x0  }
0xa6: {  	[sflag:s22] =	ssyncadd.s32 s4;
	_ =	sdelay $0x1  }
0xa7: {  	s23 =	simm.s32 $0x1B8B  }
0xa8: {  	_ =	swait.ge [sflag:s23], $0x1  }
0xa9: {  	[sflag:s23] =	ssyncset.done $0x0  }
0xaa: {  	s25 =	simm.s32 $0x1B8E;
	s24 =	sld [smem:$0x3FFE];
	[sflag:s23] =	ssyncadd.s32 $0xFFFFFFFF  }
0xab: {  	s26 =	simm.s32 $execute0_lowered;
	[smem:$0x3FD2] =	sst s25  }
0xac: {  	s5 =	sshll.u32 s26, $0x1;
	_ =	strace $0x80000046;
	[dreg:$0x1] =	wrdreg $0xFFFFFFFF  }
0xad: {  	s28 =	simm.s32 $_size_execute0_lowered;
	s3 =	sadd.s32 s3, s5;
	[dreg:$0x0] =	wrdreg $0x0  }
0xae: {  	s5 =	sshll.u32 s28, $0x1;
	[dreg:$0x2] =	wrdreg s3  }
0xaf: {  	[dreg:$0x3] =	wrdreg s5  }
0xb0: {  	[dreg:$0x4] =	wrdreg $0xC0  }
0xb1: {  	_ =	task [dreg:s7], $0x5FFFF  }
0xb2: {  	[dreg:$0x1] =	wrdreg $0xFFFFFFFF  }
0xb3: {  	[dreg:$0x0] =	wrdreg $0x60  }
0xb4: {  	[dreg:$0x2] =	wrdreg s16  }
0xb5: {  	[dreg:$0x3] =	wrdreg s24  }
0xb6: {  	[dreg:$0x4] =	wrdreg $0x65700  }
0xb7: {  	[dreg:$0x5] =	wrdreg $0x9  }
0xb8: {  	_ =	task.clear_ibuf [dreg:s7], $0x6FFFF;
	_ =	strace $0x90000046  }
0xb9: {  	s29 =	simm.s32 $0x9;
	_ =	strace $0x80000048  }
0xba: {  	_ =	swait.ge [sflag:s29], $0x1  }
0xbb: {  	[sflag:s29] =	ssyncadd.s32 $0xFFFFFFFF  }
0xbc: {  	_ =	strace $0x90000048  }
0xbd: {  	_ =	sfence  }
0xbe: {  	s30 =	sld [smem:$0x0];
	_ =	sdelay $0x2  }
0xbf: {  	s31 =	sshll.u32 s1, $0xD;
	s1 =	sshrl.u32 s1, $0x2  }
0xc0: {  	s3 =	sand.u32 $0x4000, s31;
	s1 =	sadd.s32 s1, s30  }
0xc1: {  	s0 =	sor.u32 s3, s0;
	s1 =	sshll.u32 s1, $0x11  }
0xc2: {  	s0 =	sor.u32 s1, s0  }
0xc3: {  	s0 =	sadd.s32 $0x8F2B, s0  }
0xc4: {  	[sflag:s0] =	ssyncadd.remote.s32 $0x1  }
0xc5: {  	_ =	sfence.sel $0xFFFF  }
0xc6: {  	[dreg:$0x0] =	wrdreg $0xFFFFFFFF;
	(pc) =	sbr.abs _section_cstart, $3  }
0xc7: {  	[dreg:$0x1] =	wrdreg $0xFFFFFFFF  }
0xc8: {  	_ =	task.clear_ibuf [dreg:s7], $0x2FFFF;
	_ =	strace $0x9FFFFFFF  }
0xc9: {  	(tm) =	ssettm $0x7FFFFFFF  }
tec
execute0_lowered:
.L_overlay_start_1:
0x0: {  	(tag) =	ssettag $0x1  }
0x1: {  	s1 =	rddreg [dreg:$0x0]  }
0x2: {  	s0 =	rddreg [dreg:$0x1]  }
0x3: {  	s2 =	rddreg [dreg:$0x2];
	s3 =	simm.s32 $0x0;
	s4 =	srdreg.scid  }
0x4: {  	s15 =	stileid.u32;
	s29 =	simm.s32 $0x4400;
	s30 =	simm.s32 $0x1  }
0x5: {  	s31 =	simm.s32 $0x80;
	[smem:$0x7FF] =	sst s3;
	s5 =	sadd.s32 $0x1A400, s0  }
0x6: {  	s4 =	sand.u32 $0x1, s4;
	s6 =	sadd.s32 $0x1C00, s0;
	s8 =	smul.u32 $0xC350, s15  }
0x7: {  	s9 =	sadd.s32 $0x32C00, s0;
	s0 =	sadd.s32 $0x35E00, s0;
	s11 =	smul.u32 $0xC38, s15  }
0x8: {  	s14 =	smul.u32 $0x61C00, s15;
	s22 =	sadd.s32 $0x16E900, s2;
	p0 =	seq.s32 s15, $0xF  }
0x9: {  	s15 =	simm.s32 $0x2;
	_ =	strace $0x80000047;
	[dreg:$0x4] =	wrdreg s9  }
0xa: {  	s7 =	ssub.s32 $0x2, s4;
	s10 =	smul.u32 $0xC350, s4;
	[dreg:$0xb] =	wrdreg s22  }
0xb: {  	s4 =	smul.u32 $0x186A00, s4;
	s26 =	sshrl.u32 s7, $0x1;
	s28 =	sshrl.u32 s8, $0x3  }
0xc: {  	s21 =	sshrl.u32 s14, $0x2;
	s14 =	simm.s32 $0x0;
	s7 =	ssub.s32 s7, s26  }
0xd: {  	s12 =	sadd.s32 s5, s28;
	s17 =	sadd.s32 s6, s28;
	s18 =	sadd.s32 $0x10, s28  }
0xe: {  	s13 =	sadd.s32 $0x20, s28;
	s23 =	sadd.s32 $0x1860, s28;
	s24 =	sadd.s32 s11, s10  }
0xf: {  	s4 =	sshrl.u32 s4, $0x3;
	s11 =	simm.s32 $0x7;
	[dreg:$0x5] =	wrdreg s12  }
0x10: {  	[dreg:$0x6] =	wrdreg s17;
	s16 =	sadd.s32 s5, s18;
	s12 =	sadd.s32 s6, s18  }
0x11: {  	s19 =	sadd.s32 s5, s13;
	s20 =	sadd.s32 s6, s13;
	[dreg:$0x7] =	wrdreg s16  }
0x12: {  	s17 =	sadd.s32 $0x200, s8;
	s18 =	sadd.s32 $0x280, s8;
	[dreg:$0x8] =	wrdreg s12  }
0x13: {  	s9 =	sadd.s32 s5, s23;
	s25 =	sshll.u32 s24, $0x2;
	[dreg:$0x9] =	wrdreg s19  }
0x14: {  	s4 =	sadd.s32 s0, s4;
	s28 =	smax.u32 s7, $0x1;
	[dreg:$0xa] =	wrdreg s20  }
0x15: {  	s13 =	simm.s32 $0x4480;
	s12 =	sadd.s32 s21, s2;
	[dreg:$0xd] =	wrdreg s9  }
0x16: {  	s16 =	sadd.s32 $0x180, s8;
	s8 =	sadd.s32 s6, s23;
	[dreg:$0x11] =	wrdreg s28  }
0x17: {  	s0 =	sadd.s32 s0, s25;
	s26 =	sadd.s32 $0x2DD20, s4;
	[dreg:$0xc] =	wrdreg s12  }
0x18: {  	s25 =	simm.s32 $0x1180;
	s4 =	simm.s32 $0x4;
	[dreg:$0xe] =	wrdreg s8  }
0x19: {  	s9 =	simm.s32 $0x2300;
	s19 =	simm.s32 $0x5;
	[dreg:$0xf] =	wrdreg s0  }
0x1a: {  	s20 =	simm.s32 $0x8;
	[dreg:$0x10] =	wrdreg s26;
	s26 =	simm.s32 $0x2280  }
0x1b: {  	v0 =	vmov s10;
	s0 =	simm.s32 $0x180;
	s8 =	simm.s32 $0x2200;
	s12 =	simm.s32 $0x4380  }
.LBB2_1:
0x1c: {  	[dreg:$0x12] =	wrdreg s14  }
0x1d: {  	s7 =	rddreg [dreg:$0x5]  }
0x1e: {  	s28 =	rddreg [dreg:$0x6]  }
0x1f: {  	s14 =	rddreg [dreg:$0x7]  }
0x20: {  	s22 =	rddreg [dreg:$0x8]  }
0x21: {  	[tilespmem:s3], [sflag:$0x1] =	stream.linear.gather [hbm4b:s7+s3], $0x80, $0x38;
	[tilespmem:$0x1EC10] =	vst v63  }
0x22: {  	s10 =	simm.s32 $0x100;
	s23 =	rddreg [dreg:$0x9]  }
0x23: {  	[tilespmem:s10], [sflag:$0x1] =	stream.linear.gather [hbm4b:s28+s3], $0x80, $0x38;
	[tilespmem:$0x1EC10] =	vst v63  }
0x24: {  	s21 =	simm.s32 $0x2180;
	s7 =	rddreg [dreg:$0xb]  }
0x25: {  	[tilespmem:s21], [sflag:$0x4] =	stream.linear.gather [hbm4b:s14+s3], $0x80, $0x38;
	[tilespmem:$0x1EC10] =	vst v63  }
0x26: {  	s28 =	rddreg [dreg:$0xa];
	s10 =	sshrl.u32 @p0 s7, $0x3  }
0x27: {  	[tilespmem:s26], [sflag:$0x4] =	stream.linear.gather [hbm4b:s22+s3], $0x80, $0x38;
	[tilespmem:$0x1EC10] =	vst v63  }
0x28: {  	s24 =	simm.s32 $0x4300;
	[dreg:$0x13] =	wrdreg s10  }
0x29: {  	[tilespmem:s24], [sflag:$0x7] =	stream.linear.gather [hbm4b:s23+s3], $0x80, $0x38;
	[tilespmem:$0x1EC10] =	vst v63  }
0x2a: {  	s7 =	simm.s32 @p0 $0x1FCA;
	s14 =	rddreg [dreg:$0x4]  }
0x2b: {  	[tilespmem:s29], [sflag:$0x7] =	stream.linear.gather [hbm4b:s28+s3], $0x80, $0x38;
	[tilespmem:$0x1EC10] =	vst v63  }
0x2c: {  	[spmem:s10], [sflag:s7] =	dma.local @p0 [hbm:s14], $0x3020  }
0x2d: {  	s7 =	simm.s32 @p0 $0xA  }
0x2e: {  	s10 =	stileid.u32;
	_ =	swait.ge @p0 [sflag:s7], $0x3020  }
0x2f: {  	s10 =	sshll.u32 @!p0 s10, $0x6;
	[sflag:s7] =	ssyncset.done @p0 $0x0  }
0x30: {  	s10 =	sor.u32 @!p0 $0x1C0A, s10;
	[sflag:s7] =	ssyncadd.s32 @p0 $0xFFFFCFE0;
	s7 =	rddreg [dreg:$0xc]  }
0x31: {  	[dreg:$0x14] =	wrdreg s10;
	s7 =	sshrl.u32 @!p0 s7, $0x3  }
0x32: {  	[dreg:$0x15] =	wrdreg s7  }
0x33: {  	[spmem:s7], [sflag:s10] =	dma.local @!p0 [hbm:s14], $0x30E0  }
0x34: {  	s7 =	simm.s32 @!p0 $0xA  }
0x35: {  	_ =	swait.ge @!p0 [sflag:s7], $0x30E0  }
0x36: {  	[sflag:s7] =	ssyncset.done @!p0 $0x0  }
0x37: {  	[sflag:s7] =	ssyncadd.s32 @!p0 $0xFFFFCF20  }
0x38: {  	s7 =	simm.s32 $0x0;
	[bflag:$0x0] =	sbarrier.arrive $0xFFFF  }
.LBB2_2:
0x39: {  	_ =	swait.ge [sflag:s30], $0x80  }
0x3a: {  	[sflag:s30] =	ssyncset.done $0x0  }
0x3b: {  	[sflag:s30] =	ssyncadd.s32 $0xFFFFFF80  }
0x3c: {  	_ =	swait.ge [sflag:s30], $0x80  }
0x3d: {  	p1 =	seq.s32 s7, $0x0;
	[sflag:s30] =	ssyncset.done $0x0  }
0x3e: {  	s10 =	simm.s32 @!p1 $0x3;
	[sflag:s30] =	ssyncadd.s32 $0xFFFFFF80  }
0x3f: {  	_ =	swait.ge @!p1 [sflag:s10], $0x1000  }
0x40: {  	[sflag:s10] =	ssyncset.done @!p1 $0x0  }
0x41: {  	[sflag:s10] =	ssyncadd.s32 @!p1 $0xFFFFF000  }
0x42: {  	v1 =	vld [tilespmem:$0x0]  }
0x43: {  	v2 =	vld [tilespmem:$0x100]  }
0x44: {  	v3 =	vld [tilespmem:$0x10]  }
0x45: {  	v4 =	vld [tilespmem:$0x110]  }
0x46: {  	v5 =	vld [tilespmem:$0x20]  }
0x47: {  	v6 =	vld [tilespmem:$0x120];
	v1 =	vadd.s32 v0, v1  }
0x48: {  	[tilespmem:$0x80] =	vst v1;
	v1 =	vadd.s32 v0, v2;
	v2 =	vld [tilespmem:$0x30]  }
0x49: {  	[tilespmem:$0x100] =	vst v1;
	v1 =	vadd.s32 v0, v3;
	v3 =	vld [tilespmem:$0x130]  }
0x4a: {  	[tilespmem:$0x90] =	vst v1;
	v1 =	vadd.s32 v0, v4;
	v4 =	vld [tilespmem:$0x40]  }
0x4b: {  	[tilespmem:$0x110] =	vst v1;
	v1 =	vadd.s32 v0, v5;
	v5 =	vld [tilespmem:$0x140]  }
0x4c: {  	[tilespmem:$0xA0] =	vst v1;
	v1 =	vadd.s32 v0, v6;
	v6 =	vld [tilespmem:$0x50]  }
0x4d: {  	[tilespmem:$0x120] =	vst v1;
	v1 =	vadd.s32 v0, v2;
	v2 =	vld [tilespmem:$0x150]  }
0x4e: {  	[tilespmem:$0xB0] =	vst v1;
	v1 =	vadd.s32 v0, v3;
	v3 =	vld [tilespmem:$0x60]  }
0x4f: {  	[tilespmem:$0x130] =	vst v1;
	v1 =	vadd.s32 v0, v4;
	v4 =	vld [tilespmem:$0x160]  }
0x50: {  	[tilespmem:$0xC0] =	vst v1;
	v1 =	vadd.s32 v0, v5;
	v5 =	vld [tilespmem:$0x70]  }
0x51: {  	[tilespmem:$0x140] =	vst v1;
	v1 =	vadd.s32 v0, v6;
	v6 =	vld [tilespmem:$0x170]  }
0x52: {  	[tilespmem:$0xD0] =	vst v1;
	v1 =	vadd.s32 v0, v2  }
0x53: {  	[tilespmem:$0x150] =	vst v1;
	v1 =	vadd.s32 v0, v3  }
0x54: {  	[tilespmem:$0xE0] =	vst v1;
	v1 =	vadd.s32 v0, v4  }
0x55: {  	[tilespmem:$0x160] =	vst v1;
	v1 =	vadd.s32 v0, v5  }
0x56: {  	[tilespmem:$0xF0] =	vst v1;
	v1 =	vadd.s32 v0, v6  }
0x57: {  	[tilespmem:$0x170] =	vst v1  }
0x58: {  	[tilespmem:s0], [sflag:$0x2] =	stream.indirect.gather [hbm4b:s1+s31], $0x20, s31, s31, $0xb8;
	[tilespmem:$0x1EC10] =	vst v63  }
0x59: {  	s21 =	simm.s32 $0x100  }
0x5a: {  	[tilespmem:s25], [sflag:$0x2] =	stream.indirect.gather [hbm4b:s1+s31], $0x20, s21, s31, $0xb8;
	[tilespmem:$0x1EC10] =	vst v63  }
0x5b: {  	_ =	swait.ge [sflag:s4], $0x80  }
0x5c: {  	[sflag:s4] =	ssyncset.done $0x0  }
0x5d: {  	[sflag:s4] =	ssyncadd.s32 $0xFFFFFF80  }
0x5e: {  	_ =	swait.ge [sflag:s4], $0x80  }
0x5f: {  	[sflag:s4] =	ssyncset.done $0x0  }
0x60: {  	s10 =	simm.s32 @!p1 $0x6;
	[sflag:s4] =	ssyncadd.s32 $0xFFFFFF80  }
0x61: {  	_ =	swait.ge @!p1 [sflag:s10], $0x1000  }
0x62: {  	[sflag:s10] =	ssyncset.done @!p1 $0x0  }
0x63: {  	[sflag:s10] =	ssyncadd.s32 @!p1 $0xFFFFF000  }
0x64: {  	v1 =	vld [tilespmem:$0x2180]  }
0x65: {  	v2 =	vld [tilespmem:$0x2280]  }
0x66: {  	v3 =	vld [tilespmem:$0x2190]  }
0x67: {  	v4 =	vld [tilespmem:$0x2290]  }
0x68: {  	v5 =	vld [tilespmem:$0x21A0]  }
0x69: {  	v6 =	vld [tilespmem:$0x22A0];
	v1 =	vadd.s32 v0, v1  }
0x6a: {  	[tilespmem:$0x2200] =	vst v1;
	v1 =	vadd.s32 v0, v2;
	v2 =	vld [tilespmem:$0x21B0]  }
0x6b: {  	[tilespmem:$0x2280] =	vst v1;
	v1 =	vadd.s32 v0, v3;
	v3 =	vld [tilespmem:$0x22B0]  }
0x6c: {  	[tilespmem:$0x2210] =	vst v1;
	v1 =	vadd.s32 v0, v4;
	v4 =	vld [tilespmem:$0x21C0]  }
0x6d: {  	[tilespmem:$0x2290] =	vst v1;
	v1 =	vadd.s32 v0, v5;
	v5 =	vld [tilespmem:$0x22C0]  }
0x6e: {  	[tilespmem:$0x2220] =	vst v1;
	v1 =	vadd.s32 v0, v6;
	v6 =	vld [tilespmem:$0x21D0]  }
0x6f: {  	[tilespmem:$0x22A0] =	vst v1;
	v1 =	vadd.s32 v0, v2;
	v2 =	vld [tilespmem:$0x22D0]  }
0x70: {  	[tilespmem:$0x2230] =	vst v1;
	v1 =	vadd.s32 v0, v3;
	v3 =	vld [tilespmem:$0x21E0]  }
0x71: {  	[tilespmem:$0x22B0] =	vst v1;
	v1 =	vadd.s32 v0, v4;
	v4 =	vld [tilespmem:$0x22E0]  }
0x72: {  	[tilespmem:$0x2240] =	vst v1;
	v1 =	vadd.s32 v0, v5;
	v5 =	vld [tilespmem:$0x21F0]  }
0x73: {  	[tilespmem:$0x22C0] =	vst v1;
	v1 =	vadd.s32 v0, v6;
	v6 =	vld [tilespmem:$0x22F0]  }
0x74: {  	[tilespmem:$0x2250] =	vst v1;
	v1 =	vadd.s32 v0, v2  }
0x75: {  	[tilespmem:$0x22D0] =	vst v1;
	v1 =	vadd.s32 v0, v3  }
0x76: {  	[tilespmem:$0x2260] =	vst v1;
	v1 =	vadd.s32 v0, v4  }
0x77: {  	[tilespmem:$0x22E0] =	vst v1;
	v1 =	vadd.s32 v0, v5  }
0x78: {  	[tilespmem:$0x2270] =	vst v1;
	v1 =	vadd.s32 v0, v6  }
0x79: {  	[tilespmem:$0x22F0] =	vst v1  }
0x7a: {  	[tilespmem:s9], [sflag:$0x5] =	stream.indirect.gather [hbm4b:s1+s31], $0x20, s8, s31, $0xb8;
	[tilespmem:$0x1EC10] =	vst v63  }
0x7b: {  	s22 =	simm.s32 $0x3300  }
0x7c: {  	[tilespmem:s22], [sflag:$0x5] =	stream.indirect.gather [hbm4b:s1+s31], $0x20, s26, s31, $0xb8;
	[tilespmem:$0x1EC10] =	vst v63  }
0x7d: {  	_ =	swait.ge [sflag:s11], $0x80  }
0x7e: {  	[sflag:s11] =	ssyncset.done $0x0  }
0x7f: {  	[sflag:s11] =	ssyncadd.s32 $0xFFFFFF80  }
0x80: {  	_ =	swait.ge [sflag:s11], $0x80  }
0x81: {  	[sflag:s11] =	ssyncset.done $0x0  }
0x82: {  	s10 =	simm.s32 @!p1 $0x9;
	[sflag:s11] =	ssyncadd.s32 $0xFFFFFF80  }
0x83: {  	_ =	swait.ge @!p1 [sflag:s10], $0x1000  }
0x84: {  	[sflag:s10] =	ssyncset.done @!p1 $0x0  }
0x85: {  	[sflag:s10] =	ssyncadd.s32 @!p1 $0xFFFFF000  }
0x86: {  	v1 =	vld [tilespmem:$0x4300]  }
0x87: {  	v2 =	vld [tilespmem:$0x4400]  }
0x88: {  	v3 =	vld [tilespmem:$0x4310]  }
0x89: {  	v4 =	vld [tilespmem:$0x4410]  }
0x8a: {  	v5 =	vld [tilespmem:$0x4320]  }
0x8b: {  	v6 =	vld [tilespmem:$0x4420];
	v1 =	vadd.s32 v0, v1  }
0x8c: {  	[tilespmem:$0x4380] =	vst v1;
	v1 =	vadd.s32 v0, v2;
	v2 =	vld [tilespmem:$0x4330]  }
0x8d: {  	[tilespmem:$0x4400] =	vst v1;
	v1 =	vadd.s32 v0, v3;
	v3 =	vld [tilespmem:$0x4430]  }
0x8e: {  	[tilespmem:$0x4390] =	vst v1;
	v1 =	vadd.s32 v0, v4;
	v4 =	vld [tilespmem:$0x4340]  }
0x8f: {  	[tilespmem:$0x4410] =	vst v1;
	v1 =	vadd.s32 v0, v5;
	v5 =	vld [tilespmem:$0x4440]  }
0x90: {  	[tilespmem:$0x43A0] =	vst v1;
	v1 =	vadd.s32 v0, v6;
	v6 =	vld [tilespmem:$0x4350]  }
0x91: {  	[tilespmem:$0x4420] =	vst v1;
	v1 =	vadd.s32 v0, v2;
	v2 =	vld [tilespmem:$0x4450]  }
0x92: {  	[tilespmem:$0x43B0] =	vst v1;
	v1 =	vadd.s32 v0, v3;
	v3 =	vld [tilespmem:$0x4360]  }
0x93: {  	[tilespmem:$0x4430] =	vst v1;
	v1 =	vadd.s32 v0, v4;
	v4 =	vld [tilespmem:$0x4460]  }
0x94: {  	[tilespmem:$0x43C0] =	vst v1;
	v1 =	vadd.s32 v0, v5;
	v5 =	vld [tilespmem:$0x4370]  }
0x95: {  	[tilespmem:$0x4440] =	vst v1;
	v1 =	vadd.s32 v0, v6;
	v6 =	vld [tilespmem:$0x4470]  }
0x96: {  	[tilespmem:$0x43D0] =	vst v1;
	v1 =	vadd.s32 v0, v2  }
0x97: {  	[tilespmem:$0x4450] =	vst v1;
	v1 =	vadd.s32 v0, v3  }
0x98: {  	[tilespmem:$0x43E0] =	vst v1;
	v1 =	vadd.s32 v0, v4  }
0x99: {  	[tilespmem:$0x4460] =	vst v1;
	v1 =	vadd.s32 v0, v5  }
0x9a: {  	[tilespmem:$0x43F0] =	vst v1;
	v1 =	vadd.s32 v0, v6  }
0x9b: {  	[tilespmem:$0x4470] =	vst v1  }
0x9c: {  	[tilespmem:s13], [sflag:$0x8] =	stream.indirect.gather [hbm4b:s1+s31], $0x20, s12, s31, $0xb8;
	[tilespmem:$0x1EC10] =	vst v63  }
0x9d: {  	s23 =	simm.s32 $0x5480  }
0x9e: {  	[tilespmem:s23], [sflag:$0x8] =	stream.indirect.gather [hbm4b:s1+s31], $0x20, s29, s31, $0xb8;
	[tilespmem:$0x1EC10] =	vst v63  }
0x9f: {  	_ =	swait.ge [sflag:s15], $0x1000  }
0xa0: {  	[sflag:s15] =	ssyncset.done $0x0  }
0xa1: {  	[sflag:s15] =	ssyncadd.s32 $0xFFFFF000  }
0xa2: {  	_ =	swait.ge [sflag:s15], $0x1000  }
0xa3: {  	[sflag:s15] =	ssyncset.done $0x0  }
0xa4: {  	[sflag:s15] =	ssyncadd.s32 $0xFFFFF000  }
0xa5: {  	v1 =	vld [tilespmem:$0x0]  }
0xa6: {  	v2 =	vld [tilespmem:$0x10]  }
0xa7: {  	v3 =	vld [tilespmem:$0x20]  }
0xa8: {  	v4 =	vld [tilespmem:$0x30]  }
0xa9: {  	v5 =	vld [tilespmem:$0x40]  }
0xaa: {  	[tilespmem:$0x80] =	vst v1;
	v1 =	vld [tilespmem:$0x50]  }
0xab: {  	[tilespmem:$0x90] =	vst v2;
	v2 =	vld [tilespmem:$0x60]  }
0xac: {  	[tilespmem:$0xA0] =	vst v3;
	v3 =	vld [tilespmem:$0x70]  }
0xad: {  	[tilespmem:$0xB0] =	vst v4  }
0xae: {  	[tilespmem:$0xC0] =	vst v5  }
0xaf: {  	[tilespmem:$0xD0] =	vst v1  }
0xb0: {  	[tilespmem:$0xE0] =	vst v2  }
0xb1: {  	s22 =	simm.s32 $0x1C0;
	[tilespmem:$0xF0] =	vst v3  }
0xb2: {  	s24 =	simm.s32 $0x11C0;
	v1 =	vld [tilespmem:s22+$0x20]  }
0xb3: {  	v2 =	vld [tilespmem:s24+$0x20]  }
0xb4: {  	v3 =	vld [tilespmem:s22+$0xFFFFFFE0]  }
0xb5: {  	v4 =	vld [tilespmem:s24+$0xFFFFFFE0]  }
0xb6: {  	v5 =	vld [tilespmem:s22+$0x0]  }
0xb7: {  	v6 =	vld [tilespmem:s24+$0x0]  }
0xb8: {  	s21 =	simm.s32 $0x240;
	v7 =	vld [tilespmem:s22+$0xFFFFFFC0]  }
0xb9: {  	s23 =	simm.s32 $0x1240;
	v9 =	vld [tilespmem:s21+$0x20]  }
0xba: {  	v10 =	vld [tilespmem:s23+$0x20]  }
0xbb: {  	v12 =	vld [tilespmem:s21+$0xFFFFFFE0]  }
0xbc: {  	v13 =	vld [tilespmem:s23+$0xFFFFFFE0]  }
0xbd: {  	v14 =	vld [tilespmem:s23+$0x0]  }
0xbe: {  	v59 =	vld [tilespmem:s23+$0xFFFFFFC0];
	v1 =	vsub.f32 v1, v2  }
0xbf: {  	v2 =	vld [tilespmem:s24+$0xFFFFFFC0];
	v3 =	vsub.f32 v3, v4  }
0xc0: {  	v5 =	vsub.f32 v5, v6;
	v6 =	vld [tilespmem:s22+$0xFFFFFFD0];
	v1 =	vand.u32 $0x7FFFFFFF, v1  }
0xc1: {  	v3 =	vand.u32 $0x7FFFFFFF, v3;
	[tilespmem:s22+$0x20] =	vst v1;
	v1 =	vld [tilespmem:s22+$0x30]  }
0xc2: {  	[tilespmem:s22+$0xFFFFFFE0] =	vst v3;
	v3 =	vld [tilespmem:s22+$0xFFFFFFF0]  }
0xc3: {  	v5 =	vand.u32 $0x7FFFFFFF, v5;
	v4 =	vld [tilespmem:s24+$0x30]  }
0xc4: {  	[tilespmem:s22+$0x0] =	vst v5;
	v5 =	vld [tilespmem:s22+$0x10]  }
0xc5: {  	v8 =	vld [tilespmem:s24+$0xFFFFFFF0];
	v2 =	vsub.f32 v7, v2  }
0xc6: {  	v9 =	vsub.f32 v9, v10;
	v11 =	vld [tilespmem:s24+$0x10]  }
0xc7: {  	v7 =	vld [tilespmem:s21+$0x0];
	v2 =	vand.u32 $0x7FFFFFFF, v2  }
0xc8: {  	[tilespmem:s22+$0xFFFFFFC0] =	vst v2;
	v2 =	vld [tilespmem:s21+$0xFFFFFFC0];
	v1 =	vsub.f32 v1, v4;
	v4 =	vand.u32 $0x7FFFFFFF, v9  }
0xc9: {  	v60 =	vsub.f32 v12, v13;
	[tilespmem:s21+$0x20] =	vst v4;
	v4 =	vld [tilespmem:s24+$0xFFFFFFD0]  }
0xca: {  	v3 =	vsub.f32 v3, v8;
	v8 =	vld [tilespmem:s21+$0x30];
	v1 =	vand.u32 $0x7FFFFFFF, v1  }
0xcb: {  	v5 =	vsub.f32 v5, v11;
	v61 =	vld [tilespmem:s23+$0x30];
	[tilespmem:s22+$0x30] =	vst v1;
	v1 =	vand.u32 $0x7FFFFFFF, v60  }
0xcc: {  	v7 =	vsub.f32 v7, v14;
	v3 =	vand.u32 $0x7FFFFFFF, v3;
	[tilespmem:s21+$0xFFFFFFE0] =	vst v1;
	v1 =	vld [tilespmem:s21+$0xFFFFFFD0]  }
0xcd: {  	v5 =	vand.u32 $0x7FFFFFFF, v5;
	[tilespmem:s22+$0xFFFFFFF0] =	vst v3;
	v62 =	vsub.f32 v2, v59;
	v2 =	vld [tilespmem:s21+$0xFFFFFFF0]  }
0xce: {  	v7 =	vand.u32 $0x7FFFFFFF, v7;
	[tilespmem:s22+$0x10] =	vst v5;
	v3 =	vld [tilespmem:s23+$0xFFFFFFF0];
	v63 =	vsub.f32 v6, v4  }
0xcf: {  	[tilespmem:s21+$0x0] =	vst v7;
	v5 =	vand.u32 $0x7FFFFFFF, v62;
	v4 =	vld [tilespmem:s21+$0x10]  }
0xd0: {  	s28 =	simm.s32 $0x4;
	s14 =	simm.s32 $0x1240;
	s10 =	simm.s32 $0x2C0;
	[tilespmem:s21+$0xFFFFFFC0] =	vst v5;
	v5 =	vld [tilespmem:s23+$0x10];
	v6 =	vsub.f32 v8, v61;
	v7 =	vand.u32 $0x7FFFFFFF, v63  }
.LBB2_3:
0xd1: {  	v8 =	vld [tilespmem:s10+$0x20];
	s23 =	sadd.s32 $0x80, s23;
	[tilespmem:s22+$0xFFFFFFD0] =	vst v7;
	v7 =	vmov v1;
	s22 =	smov.u32 s21;
	s21 =	smov.u32 s10  }
0xd2: {  	s28 =	sadd.s32 $0x4, s28;
	v1 =	vld [tilespmem:s23+$0x20];
	v6 =	vand.u32 $0x7FFFFFFF, v6  }
0xd3: {  	p1 =	slt.u32 s28, $0x7C;
	v9 =	vld [tilespmem:s23+$0xFFFFFFC0];
	v2 =	vsub.f32 v2, v3;
	[tilespmem:s22+$0x30] =	vst v6  }
0xd4: {  	v3 =	vld [tilespmem:s10+$0xFFFFFFE0]  }
0xd5: {  	v6 =	vld [tilespmem:s23+$0xFFFFFFE0];
	v2 =	vand.u32 $0x7FFFFFFF, v2;
	v4 =	vsub.f32 v4, v5  }
0xd6: {  	v5 =	vld [tilespmem:s10+$0x0];
	[tilespmem:s22+$0xFFFFFFF0] =	vst v2  }
0xd7: {  	v2 =	vld [tilespmem:s23+$0x0];
	v1 =	vsub.f32 v8, v1;
	v4 =	vand.u32 $0x7FFFFFFF, v4  }
0xd8: {  	v8 =	vld [tilespmem:s10+$0xFFFFFFC0];
	[tilespmem:s22+$0x10] =	vst v4  }
0xd9: {  	v1 =	vand.u32 $0x7FFFFFFF, v1;
	v4 =	vld [tilespmem:s14+$0xFFFFFFD0];
	s14 =	smov.u32 s23  }
0xda: {  	v3 =	vsub.f32 v3, v6;
	[tilespmem:s10+$0x20] =	vst v1;
	v6 =	vld [tilespmem:s10+$0x30]  }
0xdb: {  	v10 =	vld [tilespmem:s23+$0x30]  }
.Ltmp0:
0xdc: {  	v1 =	vld [tilespmem:s10+$0xFFFFFFD0];
	v3 =	vand.u32 $0x7FFFFFFF, v3;
	v5 =	vsub.f32 v5, v2;
	(pc) =	sbr.rel @p1 .LBB2_3-.Ltmp0, $4  }
0xdd: {  	v8 =	vsub.f32 v8, v9;
	[tilespmem:s10+$0xFFFFFFE0] =	vst v3;
	v2 =	vld [tilespmem:s10+$0xFFFFFFF0]  }
0xde: {  	v3 =	vld [tilespmem:s23+$0xFFFFFFF0];
	v5 =	vand.u32 $0x7FFFFFFF, v5;
	v7 =	vsub.f32 v7, v4  }
0xdf: {  	v8 =	vand.u32 $0x7FFFFFFF, v8;
	[tilespmem:s10+$0x0] =	vst v5;
	v4 =	vld [tilespmem:s10+$0x10]  }
0xe0: {  	s10 =	sadd.s32 $0x80, s10;
	[tilespmem:s21+$0xFFFFFFC0] =	vst v8;
	v5 =	vld [tilespmem:s23+$0x10];
	v6 =	vsub.f32 v6, v10;
	v7 =	vand.u32 $0x7FFFFFFF, v7  }
0xe1: {  	v8 =	vld [tilespmem:s14+$0xFFFFFFD0];
	_ =	sdelay $0x2  }
0xe2: {  	v2 =	vsub.f32 v2, v3  }
0xe3: {  	[tilespmem:s22+$0xFFFFFFD0] =	vst v7;
	p1 =	seq.s32 s7, $0x81;
	v3 =	vand.u32 $0x7FFFFFFF, v6;
	v4 =	vsub.f32 v4, v5  }
0xe4: {  	s22 =	smul.u32 @!p1 $0x180, s7;
	[tilespmem:s21+$0x30] =	vst v3;
	v2 =	vand.u32 $0x7FFFFFFF, v2;
	v1 =	vsub.f32 v1, v8  }
0xe5: {  	[tilespmem:s21+$0xFFFFFFF0] =	vst v2;
	v2 =	vand.u32 $0x7FFFFFFF, v4  }
0xe6: {  	s10 =	sadd.s32 @!p1 s22, s16;
	[tilespmem:s21+$0x10] =	vst v2;
	v1 =	vand.u32 $0x7FFFFFFF, v1  }
0xe7: {  	s10 =	sshrl.u32 @!p1 s10, $0x3;
	[tilespmem:s21+$0xFFFFFFD0] =	vst v1  }
0xe8: {  	[spmem:s2] =	stream.indirect.scatter.add.f32 [tilespmem:s0], [sflag:$0x3], $0x20, s31, s31, $0xb8;
	[tilespmem:$0x1EC10] =	vst v63  }
0xe9: {  	s14 =	sadd.s32 @!p1 s5, s10;
	s21 =	simm.s32 @!p1 $0x0  }
0xea: {  	[tilespmem:s21], [sflag:$0x1] =	stream.linear.gather @!p1 [hbm4b:s14+s21], $0x80, $0x38;
	[tilespmem:$0x1EC10] =	vst v63  }
0xeb: {  	s10 =	sadd.s32 @!p1 s6, s10;
	s14 =	simm.s32 @!p1 $0x100  }
0xec: {  	[tilespmem:s14], [sflag:$0x1] =	stream.linear.gather @!p1 [hbm4b:s10+s21], $0x80, $0x38;
	[tilespmem:$0x1EC10] =	vst v63  }
0xed: {  	_ =	swait.ge [sflag:s19], $0x1000  }
0xee: {  	[sflag:s19] =	ssyncset.done $0x0  }
0xef: {  	[sflag:s19] =	ssyncadd.s32 $0xFFFFF000  }
0xf0: {  	_ =	swait.ge [sflag:s19], $0x1000  }
0xf1: {  	[sflag:s19] =	ssyncset.done $0x0  }
0xf2: {  	[sflag:s19] =	ssyncadd.s32 $0xFFFFF000  }
0xf3: {  	v1 =	vld [tilespmem:$0x2180]  }
0xf4: {  	v2 =	vld [tilespmem:$0x2190]  }
0xf5: {  	v3 =	vld [tilespmem:$0x21A0]  }
0xf6: {  	v4 =	vld [tilespmem:$0x21B0]  }
0xf7: {  	v5 =	vld [tilespmem:$0x21C0]  }
0xf8: {  	[tilespmem:$0x2200] =	vst v1;
	v1 =	vld [tilespmem:$0x21D0]  }
0xf9: {  	[tilespmem:$0x2210] =	vst v2;
	v2 =	vld [tilespmem:$0x21E0]  }
0xfa: {  	[tilespmem:$0x2220] =	vst v3;
	v3 =	vld [tilespmem:$0x21F0]  }
0xfb: {  	[tilespmem:$0x2230] =	vst v4  }
0xfc: {  	[tilespmem:$0x2240] =	vst v5  }
0xfd: {  	[tilespmem:$0x2250] =	vst v1  }
0xfe: {  	[tilespmem:$0x2260] =	vst v2  }
0xff: {  	s21 =	simm.s32 $0x2340;
	[tilespmem:$0x2270] =	vst v3  }
0x100: {  	s24 =	simm.s32 $0x3340;
	v1 =	vld [tilespmem:s21+$0x20]  }
0x101: {  	v2 =	vld [tilespmem:s24+$0x20]  }
0x102: {  	v3 =	vld [tilespmem:s21+$0xFFFFFFE0]  }
0x103: {  	v4 =	vld [tilespmem:s24+$0xFFFFFFE0]  }
0x104: {  	v5 =	vld [tilespmem:s21+$0x0]  }
0x105: {  	v6 =	vld [tilespmem:s24+$0x0]  }
0x106: {  	s23 =	simm.s32 $0x23C0;
	v7 =	vld [tilespmem:s21+$0xFFFFFFC0]  }
0x107: {  	s28 =	simm.s32 $0x33C0;
	v9 =	vld [tilespmem:s23+$0x20]  }
0x108: {  	v10 =	vld [tilespmem:s28+$0x20]  }
0x109: {  	v12 =	vld [tilespmem:s23+$0xFFFFFFE0]  }
0x10a: {  	v13 =	vld [tilespmem:s28+$0xFFFFFFE0]  }
0x10b: {  	v14 =	vld [tilespmem:s28+$0x0]  }
0x10c: {  	v59 =	vld [tilespmem:s28+$0xFFFFFFC0];
	v1 =	vsub.f32 v1, v2  }
0x10d: {  	v2 =	vld [tilespmem:s24+$0xFFFFFFC0];
	v3 =	vsub.f32 v3, v4  }
0x10e: {  	v5 =	vsub.f32 v5, v6;
	v6 =	vld [tilespmem:s21+$0xFFFFFFD0];
	v1 =	vand.u32 $0x7FFFFFFF, v1  }
0x10f: {  	v3 =	vand.u32 $0x7FFFFFFF, v3;
	[tilespmem:s21+$0x20] =	vst v1;
	v1 =	vld [tilespmem:s21+$0x30]  }
0x110: {  	[tilespmem:s21+$0xFFFFFFE0] =	vst v3;
	v3 =	vld [tilespmem:s21+$0xFFFFFFF0]  }
0x111: {  	v5 =	vand.u32 $0x7FFFFFFF, v5;
	v4 =	vld [tilespmem:s24+$0x30]  }
0x112: {  	[tilespmem:s21+$0x0] =	vst v5;
	v5 =	vld [tilespmem:s21+$0x10]  }
0x113: {  	v8 =	vld [tilespmem:s24+$0xFFFFFFF0];
	v2 =	vsub.f32 v7, v2  }
0x114: {  	v9 =	vsub.f32 v9, v10;
	v11 =	vld [tilespmem:s24+$0x10]  }
0x115: {  	v7 =	vld [tilespmem:s23+$0x0];
	v2 =	vand.u32 $0x7FFFFFFF, v2  }
0x116: {  	[tilespmem:s21+$0xFFFFFFC0] =	vst v2;
	v2 =	vld [tilespmem:s23+$0xFFFFFFC0];
	v1 =	vsub.f32 v1, v4;
	v4 =	vand.u32 $0x7FFFFFFF, v9  }
0x117: {  	v60 =	vsub.f32 v12, v13;
	[tilespmem:s23+$0x20] =	vst v4;
	v4 =	vld [tilespmem:s24+$0xFFFFFFD0]  }
0x118: {  	v3 =	vsub.f32 v3, v8;
	v8 =	vld [tilespmem:s23+$0x30];
	v1 =	vand.u32 $0x7FFFFFFF, v1  }
0x119: {  	v5 =	vsub.f32 v5, v11;
	v61 =	vld [tilespmem:s28+$0x30];
	[tilespmem:s21+$0x30] =	vst v1;
	v1 =	vand.u32 $0x7FFFFFFF, v60  }
0x11a: {  	v7 =	vsub.f32 v7, v14;
	v3 =	vand.u32 $0x7FFFFFFF, v3;
	[tilespmem:s23+$0xFFFFFFE0] =	vst v1;
	v1 =	vld [tilespmem:s23+$0xFFFFFFD0]  }
0x11b: {  	v5 =	vand.u32 $0x7FFFFFFF, v5;
	[tilespmem:s21+$0xFFFFFFF0] =	vst v3;
	v62 =	vsub.f32 v2, v59;
	v2 =	vld [tilespmem:s23+$0xFFFFFFF0]  }
0x11c: {  	v7 =	vand.u32 $0x7FFFFFFF, v7;
	[tilespmem:s21+$0x10] =	vst v5;
	v3 =	vld [tilespmem:s28+$0xFFFFFFF0];
	v63 =	vsub.f32 v6, v4  }
0x11d: {  	[tilespmem:s23+$0x0] =	vst v7;
	v5 =	vand.u32 $0x7FFFFFFF, v62;
	v4 =	vld [tilespmem:s23+$0x10]  }
0x11e: {  	s10 =	simm.s32 $0x4;
	s14 =	simm.s32 $0x2440;
	s24 =	simm.s32 $0x33C0;
	[tilespmem:s23+$0xFFFFFFC0] =	vst v5;
	v5 =	vld [tilespmem:s28+$0x10];
	v6 =	vsub.f32 v8, v61;
	v7 =	vand.u32 $0x7FFFFFFF, v63  }
.LBB2_5:
0x11f: {  	v8 =	vld [tilespmem:s14+$0x20];
	s28 =	sadd.s32 $0x80, s28;
	[tilespmem:s21+$0xFFFFFFD0] =	vst v7;
	v7 =	vmov v1;
	s21 =	smov.u32 s23;
	s23 =	smov.u32 s14  }
0x120: {  	s10 =	sadd.s32 $0x4, s10;
	v1 =	vld [tilespmem:s28+$0x20];
	v6 =	vand.u32 $0x7FFFFFFF, v6  }
0x121: {  	p2 =	slt.u32 s10, $0x7C;
	v9 =	vld [tilespmem:s28+$0xFFFFFFC0];
	v2 =	vsub.f32 v2, v3;
	[tilespmem:s21+$0x30] =	vst v6  }
0x122: {  	v3 =	vld [tilespmem:s14+$0xFFFFFFE0]  }
0x123: {  	v6 =	vld [tilespmem:s28+$0xFFFFFFE0];
	v2 =	vand.u32 $0x7FFFFFFF, v2;
	v4 =	vsub.f32 v4, v5  }
0x124: {  	v5 =	vld [tilespmem:s14+$0x0];
	[tilespmem:s21+$0xFFFFFFF0] =	vst v2  }
0x125: {  	v2 =	vld [tilespmem:s28+$0x0];
	v1 =	vsub.f32 v8, v1;
	v4 =	vand.u32 $0x7FFFFFFF, v4  }
0x126: {  	v8 =	vld [tilespmem:s14+$0xFFFFFFC0];
	[tilespmem:s21+$0x10] =	vst v4  }
0x127: {  	v1 =	vand.u32 $0x7FFFFFFF, v1;
	v4 =	vld [tilespmem:s24+$0xFFFFFFD0];
	s24 =	smov.u32 s28  }
0x128: {  	v3 =	vsub.f32 v3, v6;
	[tilespmem:s14+$0x20] =	vst v1;
	v6 =	vld [tilespmem:s14+$0x30]  }
0x129: {  	v10 =	vld [tilespmem:s28+$0x30]  }
.Ltmp1:
0x12a: {  	v1 =	vld [tilespmem:s14+$0xFFFFFFD0];
	v3 =	vand.u32 $0x7FFFFFFF, v3;
	v5 =	vsub.f32 v5, v2;
	(pc) =	sbr.rel @p2 .LBB2_5-.Ltmp1, $4  }
0x12b: {  	v8 =	vsub.f32 v8, v9;
	[tilespmem:s14+$0xFFFFFFE0] =	vst v3;
	v2 =	vld [tilespmem:s14+$0xFFFFFFF0]  }
0x12c: {  	v3 =	vld [tilespmem:s28+$0xFFFFFFF0];
	v5 =	vand.u32 $0x7FFFFFFF, v5;
	v7 =	vsub.f32 v7, v4  }
0x12d: {  	v8 =	vand.u32 $0x7FFFFFFF, v8;
	[tilespmem:s14+$0x0] =	vst v5;
	v4 =	vld [tilespmem:s14+$0x10]  }
0x12e: {  	s14 =	sadd.s32 $0x80, s14;
	[tilespmem:s23+$0xFFFFFFC0] =	vst v8;
	v5 =	vld [tilespmem:s28+$0x10];
	v6 =	vsub.f32 v6, v10;
	v7 =	vand.u32 $0x7FFFFFFF, v7  }
0x12f: {  	v8 =	vld [tilespmem:s24+$0xFFFFFFD0];
	_ =	sdelay $0x2  }
0x130: {  	v2 =	vsub.f32 v2, v3  }
0x131: {  	[tilespmem:s21+$0xFFFFFFD0] =	vst v7;
	v3 =	vand.u32 $0x7FFFFFFF, v6;
	v4 =	vsub.f32 v4, v5  }
0x132: {  	[tilespmem:s23+$0x30] =	vst v3;
	v2 =	vand.u32 $0x7FFFFFFF, v2;
	v1 =	vsub.f32 v1, v8  }
0x133: {  	[tilespmem:s23+$0xFFFFFFF0] =	vst v2;
	v2 =	vand.u32 $0x7FFFFFFF, v4  }
0x134: {  	s10 =	sadd.s32 @!p1 s22, s17;
	[tilespmem:s23+$0x10] =	vst v2;
	v1 =	vand.u32 $0x7FFFFFFF, v1  }
0x135: {  	s10 =	sshrl.u32 @!p1 s10, $0x3;
	[tilespmem:s23+$0xFFFFFFD0] =	vst v1  }
0x136: {  	[spmem:s2] =	stream.indirect.scatter.add.f32 [tilespmem:s9], [sflag:$0x6], $0x20, s8, s31, $0xb8;
	[tilespmem:$0x1EC10] =	vst v63  }
0x137: {  	s21 =	simm.s32 @!p1 $0x0;
	s22 =	simm.s32 @!p1 $0x2180;
	s14 =	sadd.s32 @!p1 s5, s10  }
0x138: {  	[tilespmem:s22], [sflag:$0x4] =	stream.linear.gather @!p1 [hbm4b:s14+s21], $0x80, $0x38;
	[tilespmem:$0x1EC10] =	vst v63  }
0x139: {  	s10 =	sadd.s32 @!p1 s6, s10;
	s14 =	simm.s32 @!p1 $0x2280  }
0x13a: {  	[tilespmem:s14], [sflag:$0x4] =	stream.linear.gather @!p1 [hbm4b:s10+s21], $0x80, $0x38;
	[tilespmem:$0x1EC10] =	vst v63  }
0x13b: {  	_ =	swait.ge [sflag:s20], $0x1000  }
0x13c: {  	[sflag:s20] =	ssyncset.done $0x0  }
0x13d: {  	[sflag:s20] =	ssyncadd.s32 $0xFFFFF000  }
0x13e: {  	_ =	swait.ge [sflag:s20], $0x1000  }
0x13f: {  	[sflag:s20] =	ssyncset.done $0x0  }
0x140: {  	[sflag:s20] =	ssyncadd.s32 $0xFFFFF000  }
0x141: {  	v1 =	vld [tilespmem:$0x4300]  }
0x142: {  	v2 =	vld [tilespmem:$0x4310]  }
0x143: {  	v3 =	vld [tilespmem:$0x4320]  }
0x144: {  	v4 =	vld [tilespmem:$0x4330]  }
0x145: {  	v5 =	vld [tilespmem:$0x4340]  }
0x146: {  	[tilespmem:$0x4380] =	vst v1;
	v1 =	vld [tilespmem:$0x4350]  }
0x147: {  	[tilespmem:$0x4390] =	vst v2;
	v2 =	vld [tilespmem:$0x4360]  }
0x148: {  	[tilespmem:$0x43A0] =	vst v3;
	v3 =	vld [tilespmem:$0x4370]  }
0x149: {  	[tilespmem:$0x43B0] =	vst v4  }
0x14a: {  	[tilespmem:$0x43C0] =	vst v5  }
0x14b: {  	[tilespmem:$0x43D0] =	vst v1  }
0x14c: {  	[tilespmem:$0x43E0] =	vst v2  }
0x14d: {  	s21 =	simm.s32 $0x44C0;
	[tilespmem:$0x43F0] =	vst v3  }
0x14e: {  	s28 =	simm.s32 $0x54C0;
	v1 =	vld [tilespmem:s21+$0x20]  }
0x14f: {  	v2 =	vld [tilespmem:s28+$0x20]  }
0x150: {  	v3 =	vld [tilespmem:s21+$0xFFFFFFE0]  }
0x151: {  	v4 =	vld [tilespmem:s28+$0xFFFFFFE0]  }
0x152: {  	v5 =	vld [tilespmem:s21+$0x0]  }
0x153: {  	v6 =	vld [tilespmem:s28+$0x0]  }
0x154: {  	s22 =	simm.s32 $0x4540;
	v7 =	vld [tilespmem:s21+$0xFFFFFFC0]  }
0x155: {  	s23 =	simm.s32 $0x5540;
	v9 =	vld [tilespmem:s22+$0x20]  }
0x156: {  	v10 =	vld [tilespmem:s23+$0x20]  }
0x157: {  	v12 =	vld [tilespmem:s22+$0xFFFFFFE0]  }
0x158: {  	v13 =	vld [tilespmem:s23+$0xFFFFFFE0]  }
0x159: {  	v14 =	vld [tilespmem:s23+$0x0]  }
0x15a: {  	v59 =	vld [tilespmem:s23+$0xFFFFFFC0];
	v1 =	vsub.f32 v1, v2  }
0x15b: {  	v2 =	vld [tilespmem:s28+$0xFFFFFFC0];
	v3 =	vsub.f32 v3, v4  }
0x15c: {  	v5 =	vsub.f32 v5, v6;
	v6 =	vld [tilespmem:s21+$0xFFFFFFD0];
	v1 =	vand.u32 $0x7FFFFFFF, v1  }
0x15d: {  	v3 =	vand.u32 $0x7FFFFFFF, v3;
	[tilespmem:s21+$0x20] =	vst v1;
	v1 =	vld [tilespmem:s21+$0x30]  }
0x15e: {  	[tilespmem:s21+$0xFFFFFFE0] =	vst v3;
	v3 =	vld [tilespmem:s21+$0xFFFFFFF0]  }
0x15f: {  	v5 =	vand.u32 $0x7FFFFFFF, v5;
	v4 =	vld [tilespmem:s28+$0x30]  }
0x160: {  	[tilespmem:s21+$0x0] =	vst v5;
	v5 =	vld [tilespmem:s21+$0x10]  }
0x161: {  	v8 =	vld [tilespmem:s28+$0xFFFFFFF0];
	v2 =	vsub.f32 v7, v2  }
0x162: {  	v9 =	vsub.f32 v9, v10;
	v11 =	vld [tilespmem:s28+$0x10]  }
0x163: {  	v7 =	vld [tilespmem:s22+$0x0];
	v2 =	vand.u32 $0x7FFFFFFF, v2  }
0x164: {  	[tilespmem:s21+$0xFFFFFFC0] =	vst v2;
	v2 =	vld [tilespmem:s22+$0xFFFFFFC0];
	v1 =	vsub.f32 v1, v4;
	v4 =	vand.u32 $0x7FFFFFFF, v9  }
0x165: {  	v60 =	vsub.f32 v12, v13;
	[tilespmem:s22+$0x20] =	vst v4;
	v4 =	vld [tilespmem:s28+$0xFFFFFFD0]  }
0x166: {  	v3 =	vsub.f32 v3, v8;
	v8 =	vld [tilespmem:s22+$0x30];
	v1 =	vand.u32 $0x7FFFFFFF, v1  }
0x167: {  	v5 =	vsub.f32 v5, v11;
	v61 =	vld [tilespmem:s23+$0x30];
	[tilespmem:s21+$0x30] =	vst v1;
	v1 =	vand.u32 $0x7FFFFFFF, v60  }
0x168: {  	v7 =	vsub.f32 v7, v14;
	v3 =	vand.u32 $0x7FFFFFFF, v3;
	[tilespmem:s22+$0xFFFFFFE0] =	vst v1;
	v1 =	vld [tilespmem:s22+$0xFFFFFFD0]  }
0x169: {  	v5 =	vand.u32 $0x7FFFFFFF, v5;
	[tilespmem:s21+$0xFFFFFFF0] =	vst v3;
	v62 =	vsub.f32 v2, v59;
	v2 =	vld [tilespmem:s22+$0xFFFFFFF0]  }
0x16a: {  	v7 =	vand.u32 $0x7FFFFFFF, v7;
	[tilespmem:s21+$0x10] =	vst v5;
	v3 =	vld [tilespmem:s23+$0xFFFFFFF0];
	v63 =	vsub.f32 v6, v4  }
0x16b: {  	[tilespmem:s22+$0x0] =	vst v7;
	v5 =	vand.u32 $0x7FFFFFFF, v62;
	v4 =	vld [tilespmem:s22+$0x10]  }
0x16c: {  	s24 =	simm.s32 $0x5540;
	s10 =	simm.s32 $0x4;
	s14 =	simm.s32 $0x45C0;
	[tilespmem:s22+$0xFFFFFFC0] =	vst v5;
	v5 =	vld [tilespmem:s23+$0x10];
	v6 =	vsub.f32 v8, v61;
	v7 =	vand.u32 $0x7FFFFFFF, v63  }
.LBB2_7:
0x16d: {  	v8 =	vld [tilespmem:s14+$0x20];
	s23 =	sadd.s32 $0x80, s23;
	[tilespmem:s21+$0xFFFFFFD0] =	vst v7;
	v7 =	vmov v1;
	s21 =	smov.u32 s22;
	s22 =	smov.u32 s14  }
0x16e: {  	s10 =	sadd.s32 $0x4, s10;
	v1 =	vld [tilespmem:s23+$0x20];
	v6 =	vand.u32 $0x7FFFFFFF, v6  }
0x16f: {  	p2 =	slt.u32 s10, $0x7C;
	v9 =	vld [tilespmem:s23+$0xFFFFFFC0];
	v2 =	vsub.f32 v2, v3;
	[tilespmem:s21+$0x30] =	vst v6  }
0x170: {  	v3 =	vld [tilespmem:s14+$0xFFFFFFE0]  }
0x171: {  	v6 =	vld [tilespmem:s23+$0xFFFFFFE0];
	v2 =	vand.u32 $0x7FFFFFFF, v2;
	v4 =	vsub.f32 v4, v5  }
0x172: {  	v5 =	vld [tilespmem:s14+$0x0];
	[tilespmem:s21+$0xFFFFFFF0] =	vst v2  }
0x173: {  	v2 =	vld [tilespmem:s23+$0x0];
	v1 =	vsub.f32 v8, v1;
	v4 =	vand.u32 $0x7FFFFFFF, v4  }
0x174: {  	v8 =	vld [tilespmem:s14+$0xFFFFFFC0];
	[tilespmem:s21+$0x10] =	vst v4  }
0x175: {  	v1 =	vand.u32 $0x7FFFFFFF, v1;
	v4 =	vld [tilespmem:s24+$0xFFFFFFD0];
	s24 =	smov.u32 s23  }
0x176: {  	v3 =	vsub.f32 v3, v6;
	[tilespmem:s14+$0x20] =	vst v1;
	v6 =	vld [tilespmem:s14+$0x30]  }
0x177: {  	v10 =	vld [tilespmem:s23+$0x30]  }
.Ltmp2:
0x178: {  	v1 =	vld [tilespmem:s14+$0xFFFFFFD0];
	v3 =	vand.u32 $0x7FFFFFFF, v3;
	v5 =	vsub.f32 v5, v2;
	(pc) =	sbr.rel @p2 .LBB2_7-.Ltmp2, $4  }
0x179: {  	v8 =	vsub.f32 v8, v9;
	[tilespmem:s14+$0xFFFFFFE0] =	vst v3;
	v2 =	vld [tilespmem:s14+$0xFFFFFFF0]  }
0x17a: {  	v3 =	vld [tilespmem:s23+$0xFFFFFFF0];
	v5 =	vand.u32 $0x7FFFFFFF, v5;
	v7 =	vsub.f32 v7, v4  }
0x17b: {  	v8 =	vand.u32 $0x7FFFFFFF, v8;
	[tilespmem:s14+$0x0] =	vst v5;
	v4 =	vld [tilespmem:s14+$0x10]  }
0x17c: {  	s14 =	sadd.s32 $0x80, s14;
	[tilespmem:s22+$0xFFFFFFC0] =	vst v8;
	v5 =	vld [tilespmem:s23+$0x10];
	v6 =	vsub.f32 v6, v10;
	v7 =	vand.u32 $0x7FFFFFFF, v7  }
0x17d: {  	v8 =	vld [tilespmem:s24+$0xFFFFFFD0];
	_ =	sdelay $0x2  }
0x17e: {  	v2 =	vsub.f32 v2, v3  }
0x17f: {  	[tilespmem:s21+$0xFFFFFFD0] =	vst v7;
	v3 =	vand.u32 $0x7FFFFFFF, v6;
	v4 =	vsub.f32 v4, v5  }
.Ltmp3:
0x180: {  	[tilespmem:s22+$0x30] =	vst v3;
	v2 =	vand.u32 $0x7FFFFFFF, v2;
	v1 =	vsub.f32 v1, v8;
	(pc) =	sbr.rel @p1 .LBB2_10-.Ltmp3, $4  }
0x181: {  	[tilespmem:s22+$0xFFFFFFF0] =	vst v2;
	v2 =	vand.u32 $0x7FFFFFFF, v4  }
0x182: {  	[tilespmem:s22+$0x10] =	vst v2;
	v1 =	vand.u32 $0x7FFFFFFF, v1  }
0x183: {  	[tilespmem:s22+$0xFFFFFFD0] =	vst v1  }
0x184: {  	[spmem:s2] =	stream.indirect.scatter.add.f32 [tilespmem:s13], [sflag:$0x9], $0x20, s12, s31, $0xb8;
	[tilespmem:$0x1EC10] =	vst v63  }
0x185: {  	s10 =	smul.u32 $0x180, s7;
	_ =	sdelay $0x1  }
0x186: {  	s10 =	sadd.s32 s10, s18  }
.Ltmp4:
0x187: {  	s10 =	sshrl.u32 s10, $0x3;
	(pc) =	sbr.rel .LBB2_2-.Ltmp4, $4  }
0x188: {  	s21 =	simm.s32 $0x4300;
	s14 =	sadd.s32 s5, s10  }
0x189: {  	[tilespmem:s21], [sflag:$0x7] =	stream.linear.gather [hbm4b:s14+s3], $0x80, $0x38;
	[tilespmem:$0x1EC10] =	vst v63  }
0x18a: {  	s7 =	sadd.s32 $0x1, s7;
	s10 =	sadd.s32 s6, s10  }
0x18b: {  	[tilespmem:s29], [sflag:$0x7] =	stream.linear.gather [hbm4b:s10+s3], $0x80, $0x38;
	[tilespmem:$0x1EC10] =	vst v63  }
.LBB2_10:
0x18c: {  	s7 =	simm.s32 $0x3  }
0x18d: {  	_ =	swait.ge [sflag:s7], $0x1000  }
0x18e: {  	[sflag:s7] =	ssyncset.done $0x0  }
0x18f: {  	s28 =	simm.s32 $0x6;
	[sflag:s7] =	ssyncadd.s32 $0xFFFFF000  }
0x190: {  	_ =	swait.ge [sflag:s28], $0x1000  }
0x191: {  	[sflag:s28] =	ssyncset.done $0x0  }
0x192: {  	s10 =	simm.s32 $0x9;
	[sflag:s28] =	ssyncadd.s32 $0xFFFFF000  }
0x193: {  	_ =	swait.ge [sflag:s10], $0x1000  }
0x194: {  	s21 =	simm.s32 $0xA;
	[sflag:s10] =	ssyncset.done $0x0  }
0x195: {  	s14 =	rddreg [dreg:$0xd];
	[sflag:s10] =	ssyncadd.s32 $0xFFFFF000;
	s10 =	simm.s32 $0x6480  }
0x196: {  	[tilespmem:s10], [sflag:$0xA] =	stream.linear.gather [hbm4b:s14+s3], $0x50, $0x38;
	[tilespmem:$0x1EC10] =	vst v63  }
0x197: {  	_ =	swait.ge [sflag:s21], $0x50  }
0x198: {  	[sflag:s21] =	ssyncset.done $0x0  }
0x199: {  	s14 =	simm.s32 $0x6520;
	s22 =	rddreg [dreg:$0xe];
	[sflag:s21] =	ssyncadd.s32 $0xFFFFFFB0  }
0x19a: {  	[tilespmem:s14], [sflag:$0xA] =	stream.linear.gather [hbm4b:s22+s3], $0x50, $0x38;
	[tilespmem:$0x1EC10] =	vst v63  }
0x19b: {  	_ =	swait.ge [sflag:s21], $0x50  }
0x19c: {  	[sflag:s21] =	ssyncset.done $0x0  }
0x19d: {  	[sflag:s21] =	ssyncadd.s32 $0xFFFFFFB0  }
0x19e: {  	v1 =	vld [tilespmem:$0x6480]  }
0x19f: {  	v2 =	vld [tilespmem:$0x6520]  }
0x1a0: {  	v3 =	vld [tilespmem:$0x6490]  }
0x1a1: {  	v4 =	vld [tilespmem:$0x6530]  }
0x1a2: {  	v5 =	vld [tilespmem:$0x64A0]  }
0x1a3: {  	v6 =	vld [tilespmem:$0x6540];
	v1 =	vadd.s32 v0, v1  }
0x1a4: {  	[tilespmem:$0x64D0] =	vst v1;
	v1 =	vadd.s32 v0, v2;
	v2 =	vld [tilespmem:$0x64B0]  }
0x1a5: {  	[tilespmem:$0x6520] =	vst v1;
	v1 =	vadd.s32 v0, v3;
	v3 =	vld [tilespmem:$0x6550]  }
0x1a6: {  	[tilespmem:$0x64E0] =	vst v1;
	v1 =	vadd.s32 v0, v4;
	v4 =	vld [tilespmem:$0x64C0]  }
0x1a7: {  	[tilespmem:$0x6530] =	vst v1;
	v1 =	vadd.s32 v0, v5;
	v5 =	vld [tilespmem:$0x6560]  }
0x1a8: {  	[tilespmem:$0x64F0] =	vst v1;
	v1 =	vadd.s32 v0, v6  }
0x1a9: {  	[tilespmem:$0x6540] =	vst v1;
	v1 =	vadd.s32 v0, v2  }
0x1aa: {  	[tilespmem:$0x6500] =	vst v1;
	v1 =	vadd.s32 v0, v3  }
0x1ab: {  	[tilespmem:$0x6550] =	vst v1;
	v1 =	vadd.s32 v0, v4  }
0x1ac: {  	[tilespmem:$0x6510] =	vst v1;
	v1 =	vadd.s32 v0, v5  }
0x1ad: {  	s23 =	simm.s32 $0x50;
	s24 =	simm.s32 $0x64D0;
	[tilespmem:$0x6560] =	vst v1  }
0x1ae: {  	[tilespmem:s0], [sflag:$0x2] =	stream.indirect.gather [hbm4b:s1+s23], $0x20, s24, s23, $0xb8;
	[tilespmem:$0x1EC10] =	vst v63  }
0x1af: {  	_ = 	snop  }
0x1b0: {  	[tilespmem:s25], [sflag:$0x2] =	stream.indirect.gather [hbm4b:s1+s23], $0x20, s14, s23, $0xb8;
	[tilespmem:$0x1EC10] =	vst v63  }
0x1b1: {  	_ =	swait.ge [sflag:s15], $0xA00  }
0x1b2: {  	[sflag:s15] =	ssyncset.done $0x0  }
0x1b3: {  	[sflag:s15] =	ssyncadd.s32 $0xFFFFF600  }
0x1b4: {  	_ =	swait.ge [sflag:s15], $0xA00  }
0x1b5: {  	[sflag:s15] =	ssyncset.done $0x0  }
0x1b6: {  	s7 =	simm.s32 $0x1C0;
	[sflag:s15] =	ssyncadd.s32 $0xFFFFF600  }
0x1b7: {  	s28 =	simm.s32 $0x11C0;
	v1 =	vld [tilespmem:s7+$0x20]  }
0x1b8: {  	v2 =	vld [tilespmem:s28+$0x20]  }
0x1b9: {  	v3 =	vld [tilespmem:s7+$0xFFFFFFE0]  }
0x1ba: {  	v4 =	vld [tilespmem:s28+$0xFFFFFFE0]  }
0x1bb: {  	v5 =	vld [tilespmem:s7+$0x0]  }
0x1bc: {  	v6 =	vld [tilespmem:s28+$0x0]  }
0x1bd: {  	s21 =	simm.s32 $0x240;
	v7 =	vld [tilespmem:s7+$0xFFFFFFC0]  }
0x1be: {  	s22 =	simm.s32 $0x1240;
	v9 =	vld [tilespmem:s21+$0x20]  }
0x1bf: {  	v10 =	vld [tilespmem:s22+$0x20]  }
0x1c0: {  	v12 =	vld [tilespmem:s21+$0xFFFFFFE0]  }
0x1c1: {  	v13 =	vld [tilespmem:s22+$0xFFFFFFE0]  }
0x1c2: {  	v14 =	vld [tilespmem:s22+$0x0]  }
0x1c3: {  	v59 =	vld [tilespmem:s22+$0xFFFFFFC0];
	v1 =	vsub.f32 v1, v2  }
0x1c4: {  	v2 =	vld [tilespmem:s28+$0xFFFFFFC0];
	v3 =	vsub.f32 v3, v4  }
0x1c5: {  	v5 =	vsub.f32 v5, v6;
	v6 =	vld [tilespmem:s7+$0xFFFFFFD0];
	v1 =	vand.u32 $0x7FFFFFFF, v1  }
0x1c6: {  	v3 =	vand.u32 $0x7FFFFFFF, v3;
	[tilespmem:s7+$0x20] =	vst v1;
	v1 =	vld [tilespmem:s7+$0x30]  }
0x1c7: {  	[tilespmem:s7+$0xFFFFFFE0] =	vst v3;
	v3 =	vld [tilespmem:s7+$0xFFFFFFF0]  }
0x1c8: {  	v5 =	vand.u32 $0x7FFFFFFF, v5;
	v4 =	vld [tilespmem:s28+$0x30]  }
0x1c9: {  	[tilespmem:s7+$0x0] =	vst v5;
	v5 =	vld [tilespmem:s7+$0x10]  }
0x1ca: {  	v8 =	vld [tilespmem:s28+$0xFFFFFFF0];
	v2 =	vsub.f32 v7, v2  }
0x1cb: {  	v9 =	vsub.f32 v9, v10;
	v11 =	vld [tilespmem:s28+$0x10]  }
0x1cc: {  	v7 =	vld [tilespmem:s21+$0x0];
	v2 =	vand.u32 $0x7FFFFFFF, v2  }
0x1cd: {  	[tilespmem:s7+$0xFFFFFFC0] =	vst v2;
	v2 =	vld [tilespmem:s21+$0xFFFFFFC0];
	v1 =	vsub.f32 v1, v4;
	v4 =	vand.u32 $0x7FFFFFFF, v9  }
0x1ce: {  	v60 =	vsub.f32 v12, v13;
	[tilespmem:s21+$0x20] =	vst v4;
	v4 =	vld [tilespmem:s28+$0xFFFFFFD0]  }
0x1cf: {  	v3 =	vsub.f32 v3, v8;
	v8 =	vld [tilespmem:s21+$0x30];
	v1 =	vand.u32 $0x7FFFFFFF, v1  }
0x1d0: {  	v5 =	vsub.f32 v5, v11;
	v61 =	vld [tilespmem:s22+$0x30];
	[tilespmem:s7+$0x30] =	vst v1;
	v1 =	vand.u32 $0x7FFFFFFF, v60  }
0x1d1: {  	v7 =	vsub.f32 v7, v14;
	v3 =	vand.u32 $0x7FFFFFFF, v3;
	[tilespmem:s21+$0xFFFFFFE0] =	vst v1;
	v1 =	vld [tilespmem:s21+$0xFFFFFFD0]  }
0x1d2: {  	v5 =	vand.u32 $0x7FFFFFFF, v5;
	[tilespmem:s7+$0xFFFFFFF0] =	vst v3;
	v62 =	vsub.f32 v2, v59;
	v2 =	vld [tilespmem:s21+$0xFFFFFFF0]  }
0x1d3: {  	v7 =	vand.u32 $0x7FFFFFFF, v7;
	[tilespmem:s7+$0x10] =	vst v5;
	v3 =	vld [tilespmem:s22+$0xFFFFFFF0];
	v63 =	vsub.f32 v6, v4  }
0x1d4: {  	s24 =	simm.s32 $0x50;
	[tilespmem:s21+$0x0] =	vst v7;
	v5 =	vand.u32 $0x7FFFFFFF, v62;
	v4 =	vld [tilespmem:s21+$0x10]  }
0x1d5: {  	s10 =	simm.s32 $0x4;
	s14 =	simm.s32 $0x2C0;
	s23 =	simm.s32 $0x1240;
	[tilespmem:s21+$0xFFFFFFC0] =	vst v5;
	v5 =	vld [tilespmem:s22+$0x10];
	v6 =	vsub.f32 v8, v61;
	v7 =	vand.u32 $0x7FFFFFFF, v63  }
.LBB2_11:
0x1d6: {  	v8 =	vld [tilespmem:s14+$0x20];
	s22 =	sadd.s32 $0x80, s22;
	[tilespmem:s7+$0xFFFFFFD0] =	vst v7;
	v7 =	vmov v1;
	s7 =	smov.u32 s21;
	s21 =	smov.u32 s14  }
0x1d7: {  	s10 =	sadd.s32 $0x4, s10;
	v1 =	vld [tilespmem:s22+$0x20];
	v6 =	vand.u32 $0x7FFFFFFF, v6  }
0x1d8: {  	p1 =	slt.u32 s10, $0x4C;
	v9 =	vld [tilespmem:s22+$0xFFFFFFC0];
	v2 =	vsub.f32 v2, v3;
	[tilespmem:s7+$0x30] =	vst v6  }
0x1d9: {  	v3 =	vld [tilespmem:s14+$0xFFFFFFE0]  }
0x1da: {  	v6 =	vld [tilespmem:s22+$0xFFFFFFE0];
	v2 =	vand.u32 $0x7FFFFFFF, v2;
	v4 =	vsub.f32 v4, v5  }
0x1db: {  	v5 =	vld [tilespmem:s14+$0x0];
	[tilespmem:s7+$0xFFFFFFF0] =	vst v2  }
0x1dc: {  	v2 =	vld [tilespmem:s22+$0x0];
	v1 =	vsub.f32 v8, v1;
	v4 =	vand.u32 $0x7FFFFFFF, v4  }
0x1dd: {  	v8 =	vld [tilespmem:s14+$0xFFFFFFC0];
	[tilespmem:s7+$0x10] =	vst v4  }
0x1de: {  	v1 =	vand.u32 $0x7FFFFFFF, v1;
	v4 =	vld [tilespmem:s23+$0xFFFFFFD0];
	s23 =	smov.u32 s22  }
0x1df: {  	v3 =	vsub.f32 v3, v6;
	[tilespmem:s14+$0x20] =	vst v1;
	v6 =	vld [tilespmem:s14+$0x30]  }
0x1e0: {  	v10 =	vld [tilespmem:s22+$0x30]  }
.Ltmp5:
0x1e1: {  	v1 =	vld [tilespmem:s14+$0xFFFFFFD0];
	v3 =	vand.u32 $0x7FFFFFFF, v3;
	v5 =	vsub.f32 v5, v2;
	(pc) =	sbr.rel @p1 .LBB2_11-.Ltmp5, $4  }
0x1e2: {  	v8 =	vsub.f32 v8, v9;
	[tilespmem:s14+$0xFFFFFFE0] =	vst v3;
	v2 =	vld [tilespmem:s14+$0xFFFFFFF0]  }
0x1e3: {  	v3 =	vld [tilespmem:s22+$0xFFFFFFF0];
	v5 =	vand.u32 $0x7FFFFFFF, v5;
	v7 =	vsub.f32 v7, v4  }
0x1e4: {  	v8 =	vand.u32 $0x7FFFFFFF, v8;
	[tilespmem:s14+$0x0] =	vst v5;
	v4 =	vld [tilespmem:s14+$0x10]  }
0x1e5: {  	s14 =	sadd.s32 $0x80, s14;
	[tilespmem:s21+$0xFFFFFFC0] =	vst v8;
	v5 =	vld [tilespmem:s22+$0x10];
	v6 =	vsub.f32 v6, v10;
	v7 =	vand.u32 $0x7FFFFFFF, v7  }
0x1e6: {  	v8 =	vld [tilespmem:s23+$0xFFFFFFD0];
	_ =	sdelay $0x2  }
0x1e7: {  	v2 =	vsub.f32 v2, v3  }
0x1e8: {  	[tilespmem:s7+$0xFFFFFFD0] =	vst v7;
	v3 =	vand.u32 $0x7FFFFFFF, v6;
	v4 =	vsub.f32 v4, v5  }
0x1e9: {  	[tilespmem:s21+$0x30] =	vst v3;
	v2 =	vand.u32 $0x7FFFFFFF, v2;
	v1 =	vsub.f32 v1, v8  }
0x1ea: {  	[tilespmem:s21+$0xFFFFFFF0] =	vst v2;
	v2 =	vand.u32 $0x7FFFFFFF, v4  }
0x1eb: {  	[tilespmem:s21+$0x10] =	vst v2;
	v1 =	vand.u32 $0x7FFFFFFF, v1  }
0x1ec: {  	[tilespmem:s21+$0xFFFFFFD0] =	vst v1  }
0x1ed: {  	v1 =	vld [tilespmem:$0x6480]  }
0x1ee: {  	v2 =	vld [tilespmem:$0x6490]  }
0x1ef: {  	v3 =	vld [tilespmem:$0x64A0]  }
0x1f0: {  	v62 =	vld [tilespmem:$0x64B0]  }
0x1f1: {  	v63 =	vld [tilespmem:$0x64C0]  }
0x1f2: {  	[tilespmem:$0x64D0] =	vst v1  }
0x1f3: {  	[tilespmem:$0x64E0] =	vst v2  }
0x1f4: {  	[tilespmem:$0x64F0] =	vst v3  }
0x1f5: {  	[tilespmem:$0x6500] =	vst v62  }
0x1f6: {  	s22 =	simm.s32 $0x64D0;
	s23 =	simm.s32 $0xA;
	[tilespmem:$0x6510] =	vst v63  }
0x1f7: {  	[spmem:s2] =	stream.indirect.scatter.add.f32 [tilespmem:s0], [sflag:$0xA], $0x20, s22, s24, $0xb8;
	[tilespmem:$0x1EC10] =	vst v63  }
0x1f8: {  	_ =	swait.ge [sflag:s23], $0xA00  }
0x1f9: {  	[sflag:s23] =	ssyncset.done $0x0  }
0x1fa: {  	[sflag:s23] =	ssyncadd.s32 $0xFFFFF600  }
0x1fb: {  	[bflag:$0x0] =	sbarrier.arrive $0xFFFF  }
0x1fc: {  	s10 =	rddreg [dreg:$0x10]  }
0x1fd: {  	s7 =	simm.s32 @p0 $0x1FCA;
	s14 =	rddreg [dreg:$0x13]  }
0x1fe: {  	[hbm:s10], [sflag:s7] =	dma.local @p0 [spmem:s14], $0x3020  }
0x1ff: {  	s7 =	simm.s32 @p0 $0xA  }
0x200: {  	_ =	swait.ge @p0 [sflag:s7], $0x3020  }
0x201: {  	s10 =	rddreg [dreg:$0x14]  }
0x202: {  	[sflag:s7] =	ssyncset.done @p0 $0x0;
	s14 =	rddreg [dreg:$0x15]  }
0x203: {  	[sflag:s7] =	ssyncadd.s32 @p0 $0xFFFFCFE0;
	s7 =	rddreg [dreg:$0xf]  }
0x204: {  	[hbm:s7], [sflag:s10] =	dma.local @!p0 [spmem:s14], $0x30E0  }
0x205: {  	s7 =	simm.s32 @!p0 $0xA  }
0x206: {  	_ =	swait.ge @!p0 [sflag:s7], $0x30E0  }
0x207: {  	s24 =	rddreg [dreg:$0x12]  }
0x208: {  	s28 =	rddreg [dreg:$0x11];
	s14 =	sadd.s32 $0x1, s24  }
0x209: {  	p1 =	sne.s32 s14, s28  }
.Ltmp6:
0x20a: {  	_ = 	snop;
	(pc) =	sbr.rel @p1 .LBB2_1-.Ltmp6, $3  }
0x20b: {  	_ =	sdelay $0x1  }
0x20c: {  	[sflag:s7] =	ssyncset.done @!p0 $0x0  }
0x20d: {  	[sflag:s7] =	ssyncadd.s32 @!p0 $0xFFFFCF20  }
0x20e: {  	_ =	sfence.sel $0x180000  }
0x20f: {  	[bflag:$0x0] =	sbarrier.arrive $0xFFFF  }
0x210: {  	_ =	strace $0x90000047  }
0x211: {  	s0 =	stileid.u32;
	[bflag:$0x2] =	sbarrier.arrive $0xFFFF  }
0x212: {  	p0 =	sne.s32 s0, $0x0;
	s0 =	rddreg [dreg:$0x3]  }
0x213: {  	s0 =	sadd.s32 @!p0 $0x100000, s0  }
0x214: {  	[sflag:s0] =	ssyncadd.tile.s32 @!p0 $0x1;
	_ =	shalt  }
.Lfunc_end2:
_tile_overlayer_lowered:
.L_overlay_start_2:
0x215: {  	(tag) =	ssettag $0x2  }
0x216: {  	s0 =	rddreg [dreg:$0x0];
	s2 =	stileid.u32  }
0x217: {  	s1 =	rddreg [dreg:$0x1];
	p0 =	sne.s32 s2, $0x0  }
0x218: {  	s3 =	rddreg [dreg:$0x2];
	[bflag:$0x3] =	sbarrier.arrive $0xFFFF;
	s2 =	simm.s32 @!p0 $0x1C0A  }
0x219: {  	[timem:s3], [sflag:s2] =	dma.local @!p0 [hbm:s0], s1  }
0x21a: {  	s0 =	simm.s32 @!p0 $0xA  }
0x21b: {  	_ =	swait.ge @!p0 [sflag:s0], s1  }
0x21c: {  	s1 =	ssub.s32 @!p0 $0x0, s1;
	[sflag:s0] =	ssyncset.done @!p0 $0x0  }
0x21d: {  	[sflag:s0] =	ssyncadd.s32 @!p0 s1  }
0x21e: {  	[bflag:$0x3] =	sbarrier.arrive $0xFFFF  }
0x21f: {  	_ =	shalt  }

</sc_bundles>
